<compile_context>
chip_gen: v7x
topology: tpu7x:2x2x1
jax: 0.10.2.dev20260603
libtpu: 0.0.44.dev20260713+nightly
codegen_flags: <defaults>
</compile_context>

<pallas_src>
import functools

import jax
import jax.numpy as jnp
from jax import lax
from jax.experimental import pallas as pl
from jax.experimental.pallas import tpu as pltpu
from jax.experimental.pallas import tpu_sc as plsc

N = 10000
E = 320000
IN_F = 128
HID = 16
HEADS = 8
OUT_F = 64

NC = 2
NS = 16
NW = NC * NS
ROWS_PER_TILE = N // NS
MINI = 16

ACC1_W = 144
ACC2_W = 80


def _bcast_lane(v, k):
    idx = jnp.full((16, 1), k, jnp.int32)
    dnums = lax.GatherDimensionNumbers(
        offset_dims=(), collapsed_slice_dims=(0,), start_index_map=(0,))
    return lax.gather(v, idx, dnums, (1,),
                      mode=lax.GatherScatterMode.PROMISE_IN_BOUNDS)


def _make_sc_edge(F, ACCW, heads, B, unroll):
    mesh = plsc.VectorSubcoreMesh(core_axis_name="c", subcore_axis_name="s",
                                  num_cores=NC, num_subcores=NS)
    nvec = F // 16
    FULLW = (E // B) // NW
    assert FULLW % 2 == 0 and (E - FULLW * NW * B) == MINI * NW
    npairs = FULLW // 2
    mini_base0 = FULLW * NW * B

    @functools.partial(
        pl.kernel,
        out_type=jax.ShapeDtypeStruct((NC, N, ACCW), jnp.float32),
        mesh=mesh,
        scratch_types=[
            pltpu.VMEM((2, B), jnp.int32), pltpu.VMEM((2, B), jnp.int32),
            pltpu.VMEM((B,), jnp.int32), pltpu.VMEM((B,), jnp.int32),
            pltpu.VMEM((B,), jnp.int32), pltpu.VMEM((B,), jnp.int32),
            pltpu.VMEM((B,), jnp.int32), pltpu.VMEM((B,), jnp.int32),
            pltpu.VMEM((MINI,), jnp.int32),
            pltpu.VMEM((B, 16), jnp.float32), pltpu.VMEM((B, 16), jnp.float32),
            pltpu.VMEM((B, F + 16), jnp.float32),
            pltpu.VMEM((B, F + 16), jnp.float32),
            pltpu.VMEM((B, ACCW), jnp.float32),
            pltpu.VMEM((B, ACCW), jnp.float32),
            pltpu.VMEM_SHARED((N, ACCW), jnp.float32),
            pltpu.SemaphoreType.DMA, pltpu.SemaphoreType.DMA,
            pltpu.SemaphoreType.DMA, pltpu.SemaphoreType.DMA,
            pltpu.SemaphoreType.DMA, pltpu.SemaphoreType.DMA,
            pltpu.SemaphoreType.DMA, pltpu.SemaphoreType.DMA,
        ],
        compiler_params=pltpu.CompilerParams(use_tc_tiling_on_sc=False),
    )
    def body(ei_hbm, ad_hbm, h_hbm, z_hbm, out_hbm,
             ei0, ei1, srcv0, srcv1, dstv0, dstv1, dsc0, dsc1, dscm,
             adv0, adv1, hg0, hg1, wv0, wv1, acc,
             ie0, ie1, gb0, gb1, gc0, gc1, ss0, ss1):
        eiv = (ei0, ei1)
        srcv = (srcv0, srcv1)
        dstv = (dstv0, dstv1)
        dsc = (dsc0, dsc1)
        adv = (adv0, adv1)
        hg = (hg0, hg1)
        wv = (wv0, wv1)
        ie = (ie0, ie1)
        gb = (gb0, gb1)
        gc = (gc0, gc1)
        ss = (ss0, ss1)
        cid = lax.axis_index("c")
        sid = lax.axis_index("s")
        wid = cid * NS + sid
        r0 = sid * ROWS_PER_TILE
        pltpu.sync_copy(z_hbm, acc.at[pl.ds(r0, ROWS_PER_TILE)])
        plsc.subcore_barrier()

        def base_of(k):
            return wid * B + k * (NW * B)

        def idx_start(k, b):
            pltpu.async_copy(ei_hbm.at[:, pl.ds(base_of(k), B)], eiv[b],
                             ie[b])

        def idx_wait(k, b):
            pltpu.make_async_copy(ei_hbm.at[:, pl.ds(base_of(k), B)],
                                  eiv[b], ie[b]).wait()

        def gathers_start(b):
            for i in range(B // 16):
                srcv[b][pl.ds(16 * i, 16)] = eiv[b][0, pl.ds(16 * i, 16)]
                dstv[b][pl.ds(16 * i, 16)] = eiv[b][1, pl.ds(16 * i, 16)]
            pltpu.async_copy(ad_hbm.at[dstv[b]], adv[b], gb[b])
            pltpu.async_copy(h_hbm.at[srcv[b]], hg[b], gc[b])

        def wait_gathers(b):
            pltpu.make_async_copy(ad_hbm.at[dstv[b]], adv[b], gb[b]).wait()
            pltpu.make_async_copy(h_hbm.at[srcv[b]], hg[b], gc[b]).wait()

        def wait_scatter(b):
            pltpu.make_async_copy(wv[b], acc.at[dsc[b]], ss[b]).wait()

        def compute(b, nb):
            @plsc.parallel_loop(0, nb, unroll=unroll)
            def _(e):
                ev = hg[b][e, pl.ds(F, 16)] + adv[b][e, :]
                ev = jnp.maximum(ev, 0.2 * ev)
                p16 = jnp.exp(ev)
                wv[b][e, pl.ds(F, 16)] = p16
                for k in range(nvec):
                    pk = _bcast_lane(p16, k if heads > 1 else 0)
                    wv[b][e, pl.ds(16 * k, 16)] = (
                        hg[b][e, pl.ds(16 * k, 16)] * pk)

        def process(b, gp):
            wait_gathers(b)

            @pl.when(gp > 0)
            def _():
                wait_scatter(b)

            compute(b, B)
            for i in range(B // 16):
                dsc[b][pl.ds(16 * i, 16)] = dstv[b][pl.ds(16 * i, 16)]
            pltpu.async_copy(wv[b], acc.at[dsc[b]], ss[b], add=True)

        idx_start(0, 0)
        idx_wait(0, 0)
        gathers_start(0)
        idx_start(1, 1)

        def pair_body(gp, carry):
            idx_wait(2 * gp + 1, 1)
            gathers_start(1)

            @pl.when(gp < npairs - 1)
            def _():
                idx_start(2 * gp + 2, 0)

            process(0, gp)

            @pl.when(gp < npairs - 1)
            def _():
                idx_wait(2 * gp + 2, 0)
                gathers_start(0)
                idx_start(2 * gp + 3, 1)

            process(1, gp)
            return carry

        lax.fori_loop(0, npairs, pair_body, 0)
        wait_scatter(0)
        wait_scatter(1)

        mb = mini_base0 + wid * MINI
        pltpu.sync_copy(ei_hbm.at[0, pl.ds(mb, MINI)],
                        srcv0.at[pl.ds(0, MINI)])
        pltpu.sync_copy(ei_hbm.at[1, pl.ds(mb, MINI)], dscm)
        pltpu.sync_copy(ad_hbm.at[dscm], adv0.at[pl.ds(0, MINI)])
        pltpu.sync_copy(h_hbm.at[srcv0.at[pl.ds(0, MINI)]],
                        hg0.at[pl.ds(0, MINI)])
        compute(0, MINI)
        pltpu.sync_copy(wv0.at[pl.ds(0, MINI)], acc.at[dscm], add=True)

        plsc.subcore_barrier()
        pltpu.sync_copy(acc.at[pl.ds(r0, ROWS_PER_TILE)],
                        out_hbm.at[cid, pl.ds(r0, ROWS_PER_TILE)])

    return body


_sc_edge_1 = _make_sc_edge(128, ACC1_W, HEADS, B=64, unroll=8)
_sc_edge_2 = _make_sc_edge(64, ACC2_W, 1, B=128, unroll=8)


def _tca_body(x_ref, w1_ref, ms_ref, md_ref, ht_ref, ad_ref):
    h = jnp.dot(x_ref[...], w1_ref[...], preferred_element_type=jnp.float32)
    ht_ref[:, :128] = h
    ht_ref[:, 128:144] = jnp.dot(h, ms_ref[...],
                                 preferred_element_type=jnp.float32)
    ad_ref[...] = jnp.dot(h, md_ref[...], preferred_element_type=jnp.float32)


def _tcb_body(acc_ref, ht_ref, ad_ref, b1_ref, w2p_ref, ms2_ref,
              md2_ref, p1_ref, p2_ref, esel_ref, s1_ref, ht2_ref, ad2_ref):
    a = acc_ref[0] + acc_ref[1]
    num = jnp.dot(a, p1_ref[...], preferred_element_type=jnp.float32)
    denx = jnp.dot(a, p2_ref[...], preferred_element_type=jnp.float32)
    ht = ht_ref[...]
    hb = jnp.dot(ht, p1_ref[...], preferred_element_type=jnp.float32)
    as16 = jnp.dot(ht, s1_ref[...], preferred_element_type=jnp.float32)
    evs = as16 + ad_ref[...]
    evs = jnp.maximum(evs, 0.2 * evs)
    ps = jnp.exp(evs)
    psx = jnp.dot(ps, esel_ref[...], preferred_element_type=jnp.float32)
    o = (num + hb * psx) / (denx + psx) + b1_ref[...]
    o = jnp.where(o > 0, o, jnp.exp(jnp.minimum(o, 0.0)) - 1.0)
    h2 = jnp.dot(o, w2p_ref[...], preferred_element_type=jnp.float32)
    ht2_ref[:, :64] = h2
    ht2_ref[:, 64:80] = jnp.dot(h2, ms2_ref[...],
                                preferred_element_type=jnp.float32)
    ad2_ref[...] = jnp.dot(h2, md2_ref[...], preferred_element_type=jnp.float32)


def _tcc_body(acc_ref, ht_ref, ad_ref, b2_ref, q1_ref, q2_ref,
              e1_ref, s2_ref, out_ref):
    a = acc_ref[0] + acc_ref[1]
    num = jnp.dot(a, q1_ref[...], preferred_element_type=jnp.float32)
    denx = jnp.dot(a, q2_ref[...], preferred_element_type=jnp.float32)
    ht = ht_ref[...]
    hb = jnp.dot(ht, q1_ref[...], preferred_element_type=jnp.float32)
    as16 = jnp.dot(ht, s2_ref[...], preferred_element_type=jnp.float32)
    evs = as16 + ad_ref[...]
    evs = jnp.maximum(evs, 0.2 * evs)
    ps = jnp.exp(evs)
    psx = jnp.dot(ps, e1_ref[...], preferred_element_type=jnp.float32)
    o = (num + hb * psx) / (denx + psx) + b2_ref[...]
    m = jnp.max(o, axis=1, keepdims=True)
    lse = jnp.log(jnp.sum(jnp.exp(o - m), axis=1, keepdims=True)) + m
    out_ref[...] = o - lse


def _mk_M(a, heads, C):
    M = jnp.zeros((heads * C, heads), jnp.float32)
    M = M.at[jnp.arange(heads * C), jnp.arange(heads * C) // C].set(
        a.reshape(-1))
    return jnp.pad(M, ((0, 0), (0, 16 - heads)))


def kernel(x, edge_index, W1, a_src1, a_dst1, b1, W2, a_src2, a_dst2, b2):
    Ms1 = _mk_M(a_src1, HEADS, HID)
    Md1 = _mk_M(a_dst1, HEADS, HID)
    dcols = jnp.arange(128)
    W2p = W2[16 * (dcols % 8) + dcols // 8, :]
    Ms2 = _mk_M(a_src2, 1, OUT_F)
    Md2 = _mk_M(a_dst2, 1, OUT_F)
    b1r = b1.reshape(1, 128)
    b2r = b2.reshape(1, 64)
    fcols = jnp.arange(128)
    P1 = jnp.eye(144, 128, dtype=jnp.float32)
    P2 = jnp.zeros((144, 128), jnp.float32).at[128 + fcols // 16, fcols].set(1.0)
    Esel = jnp.zeros((16, 128), jnp.float32).at[fcols // 16, fcols].set(1.0)
    Q1 = jnp.eye(80, 64, dtype=jnp.float32)
    Q2 = jnp.zeros((80, 64), jnp.float32).at[64].set(1.0)
    E1 = jnp.zeros((16, 64), jnp.float32).at[0].set(1.0)
    scols = jnp.arange(16)
    S1 = jnp.zeros((144, 16), jnp.float32).at[128 + scols, scols].set(1.0)
    S2 = jnp.zeros((80, 16), jnp.float32).at[64 + scols, scols].set(1.0)
    z1 = jnp.zeros((ROWS_PER_TILE, ACC1_W), jnp.float32)
    z2 = jnp.zeros((ROWS_PER_TILE, ACC2_W), jnp.float32)

    R = 400
    G = N // R
    ht1, ad1 = pl.pallas_call(
        _tca_body,
        grid=(G,),
        in_specs=[
            pl.BlockSpec((R, 128), lambda i: (i, 0)),
            pl.BlockSpec((128, 128), lambda i: (0, 0)),
            pl.BlockSpec((128, 16), lambda i: (0, 0)),
            pl.BlockSpec((128, 16), lambda i: (0, 0)),
        ],
        out_specs=[
            pl.BlockSpec((R, 144), lambda i: (i, 0)),
            pl.BlockSpec((R, 16), lambda i: (i, 0)),
        ],
        out_shape=[
            jax.ShapeDtypeStruct((N, 144), jnp.float32),
            jax.ShapeDtypeStruct((N, 16), jnp.float32),
        ],
    )(x, W1, Ms1, Md1)

    acc1 = _sc_edge_1(edge_index, ad1, ht1, z1)

    ht2, ad2 = pl.pallas_call(
        _tcb_body,
        grid=(G,),
        in_specs=[
            pl.BlockSpec((NC, R, ACC1_W), lambda i: (0, i, 0)),
            pl.BlockSpec((R, 144), lambda i: (i, 0)),
            pl.BlockSpec((R, 16), lambda i: (i, 0)),
            pl.BlockSpec((1, 128), lambda i: (0, 0)),
            pl.BlockSpec((128, 64), lambda i: (0, 0)),
            pl.BlockSpec((64, 16), lambda i: (0, 0)),
            pl.BlockSpec((64, 16), lambda i: (0, 0)),
            pl.BlockSpec((144, 128), lambda i: (0, 0)),
            pl.BlockSpec((144, 128), lambda i: (0, 0)),
            pl.BlockSpec((16, 128), lambda i: (0, 0)),
            pl.BlockSpec((144, 16), lambda i: (0, 0)),
        ],
        out_specs=[
            pl.BlockSpec((R, 80), lambda i: (i, 0)),
            pl.BlockSpec((R, 16), lambda i: (i, 0)),
        ],
        out_shape=[
            jax.ShapeDtypeStruct((N, 80), jnp.float32),
            jax.ShapeDtypeStruct((N, 16), jnp.float32),
        ],
    )(acc1, ht1, ad1, b1r, W2p, Ms2, Md2, P1, P2, Esel, S1)

    acc2 = _sc_edge_2(edge_index, ad2, ht2, z2)

    out = pl.pallas_call(
        _tcc_body,
        grid=(G,),
        in_specs=[
            pl.BlockSpec((NC, R, ACC2_W), lambda i: (0, i, 0)),
            pl.BlockSpec((R, 80), lambda i: (i, 0)),
            pl.BlockSpec((R, 16), lambda i: (i, 0)),
            pl.BlockSpec((1, 64), lambda i: (0, 0)),
            pl.BlockSpec((80, 64), lambda i: (0, 0)),
            pl.BlockSpec((80, 64), lambda i: (0, 0)),
            pl.BlockSpec((16, 64), lambda i: (0, 0)),
            pl.BlockSpec((80, 16), lambda i: (0, 0)),
        ],
        out_specs=pl.BlockSpec((R, 64), lambda i: (i, 0)),
        out_shape=jax.ShapeDtypeStruct((N, 64), jnp.float32),
    )(acc2, ht2, ad2, b2r, Q1, Q2, E1, S2)
    return out

# --- scband reference (transcript-rebuilt; emitter-appended) ---
"""Pipeline reference for scband-gatnet-73469710565760 (READ-ONLY COPY).

The authoritative reference and input builder live on the scoring server;
editing this copy changes nothing except your own understanding.
"""

import jax, jax.numpy as jnp
import numpy as np

N_NODES = 10000
N_EDGES = 320000
IN_F = 128
HID = 16
HEADS = 8
OUT_F = 64


def gat_conv(x, src, dst, W, a_src, a_dst, bias, heads, C, num_nodes, negative_slope=0.2):
    # PyG GATConv (v1) semantics with add_self_loops=True, concat heads.
    src = jnp.concatenate([src, jnp.arange(num_nodes, dtype=src.dtype)])
    dst = jnp.concatenate([dst, jnp.arange(num_nodes, dtype=dst.dtype)])
    h = (x @ W).reshape(num_nodes, heads, C)
    alpha_src = (h * a_src[None, :, :]).sum(-1)  # [N, H]
    alpha_dst = (h * a_dst[None, :, :]).sum(-1)  # [N, H]
    e = alpha_src[src] + alpha_dst[dst]          # [E, H]
    e = jnp.where(e >= 0, e, negative_slope * e)
    e_max = jax.ops.segment_max(e, dst, num_segments=num_nodes)
    e_max = jnp.where(jnp.isfinite(e_max), e_max, 0.0)
    e_max = jax.lax.stop_gradient(e_max)
    e_exp = jnp.exp(e - e_max[dst])
    denom = jax.ops.segment_sum(e_exp, dst, num_segments=num_nodes)
    alpha = e_exp / (denom[dst] + 1e-16)         # [E, H]
    msg = h[src] * alpha[:, :, None]             # [E, H, C]
    out = jax.ops.segment_sum(msg, dst, num_segments=num_nodes)  # [N, H, C]
    return out.reshape(num_nodes, heads * C) + bias


def setup_inputs(seed: int = 0) -> dict:
    key = jax.random.key(seed)
    ks = jax.random.split(key, 10)
    x = jax.random.normal(ks[0], (N_NODES, IN_F), dtype=jnp.float32)
    edge_index = jax.random.randint(ks[1], (2, N_EDGES), 0, N_NODES, dtype=jnp.int64 if jax.config.jax_enable_x64 else jnp.int32).astype(jnp.int32)
    s1 = 1.0 / np.sqrt(IN_F)
    W1 = jax.random.uniform(ks[2], (IN_F, HEADS * HID), jnp.float32, -s1, s1)
    a_src1 = jax.random.uniform(ks[3], (HEADS, HID), jnp.float32, -s1, s1)
    a_dst1 = jax.random.uniform(ks[4], (HEADS, HID), jnp.float32, -s1, s1)
    b1 = jnp.zeros((HEADS * HID,), jnp.float32)
    s2 = 1.0 / np.sqrt(HEADS * HID)
    W2 = jax.random.uniform(ks[5], (HEADS * HID, OUT_F), jnp.float32, -s2, s2)
    a_src2 = jax.random.uniform(ks[6], (1, OUT_F), jnp.float32, -s2, s2)
    a_dst2 = jax.random.uniform(ks[7], (1, OUT_F), jnp.float32, -s2, s2)
    b2 = jnp.zeros((OUT_F,), jnp.float32)
    return {"x": x, "edge_index": edge_index, "W1": W1, "a_src1": a_src1,
            "a_dst1": a_dst1, "b1": b1, "W2": W2, "a_src2": a_src2,
            "a_dst2": a_dst2, "b2": b2}


def reference(x, edge_index, W1, a_src1, a_dst1, b1, W2, a_src2, a_dst2, b2):
    src = edge_index[0]
    dst = edge_index[1]
    # dropout p=0.6 is identity in eval mode
    h = gat_conv(x, src, dst, W1, a_src1, a_dst1, b1, HEADS, HID, N_NODES)
    h = jax.nn.elu(h)
    # torch.cat([x[:, i::heads] for i in range(heads)], dim=1)
    h = jnp.concatenate([h[:, i::HEADS] for i in range(HEADS)], axis=1)
    out = gat_conv(h, src, dst, W2, a_src2, a_dst2, b2, 1, OUT_F, N_NODES)
    return jax.nn.log_softmax(out, axis=1)

if __name__ == "__main__":
    import jax
    _d = setup_inputs()
    print(jax.jit(kernel)(*tuple(_d.values())))

</pallas_src>

<mosaic_0001>
#map = affine_map<(d0, d1) -> (0, 0)>
#map1 = affine_map<(d0, d1) -> (0, 0, 0)>
module attributes {stable_mosaic.version = 14 : i64} {
  func.func @body(%arg0: i32, %arg1: i32, %arg2: memref<2x320000xi32, #tpu.memory_space<hbm>>, %arg3: memref<10000x16xf32, #tpu.memory_space<hbm>>, %arg4: memref<10000x144xf32, #tpu.memory_space<hbm>>, %arg5: memref<625x144xf32, #tpu.memory_space<hbm>>, %arg6: memref<2x10000x144xf32, #tpu.memory_space<hbm>>, %arg7: memref<2x64xi32, #tpu.memory_space<vmem>>, %arg8: memref<2x64xi32, #tpu.memory_space<vmem>>, %arg9: memref<64xi32, #tpu.memory_space<vmem>>, %arg10: memref<64xi32, #tpu.memory_space<vmem>>, %arg11: memref<64xi32, #tpu.memory_space<vmem>>, %arg12: memref<64xi32, #tpu.memory_space<vmem>>, %arg13: memref<64xi32, #tpu.memory_space<vmem>>, %arg14: memref<64xi32, #tpu.memory_space<vmem>>, %arg15: memref<16xi32, #tpu.memory_space<vmem>>, %arg16: memref<64x16xf32, #tpu.memory_space<vmem>>, %arg17: memref<64x16xf32, #tpu.memory_space<vmem>>, %arg18: memref<64x144xf32, #tpu.memory_space<vmem>>, %arg19: memref<64x144xf32, #tpu.memory_space<vmem>>, %arg20: memref<64x144xf32, #tpu.memory_space<vmem>>, %arg21: memref<64x144xf32, #tpu.memory_space<vmem>>, %arg22: memref<10000x144xf32, #tpu.memory_space<vmem_shared>>, %arg23: memref<!tpu.dma_semaphore, #tpu.memory_space<semaphore_mem>>, %arg24: memref<!tpu.dma_semaphore, #tpu.memory_space<semaphore_mem>>, %arg25: memref<!tpu.dma_semaphore, #tpu.memory_space<semaphore_mem>>, %arg26: memref<!tpu.dma_semaphore, #tpu.memory_space<semaphore_mem>>, %arg27: memref<!tpu.dma_semaphore, #tpu.memory_space<semaphore_mem>>, %arg28: memref<!tpu.dma_semaphore, #tpu.memory_space<semaphore_mem>>, %arg29: memref<!tpu.dma_semaphore, #tpu.memory_space<semaphore_mem>>, %arg30: memref<!tpu.dma_semaphore, #tpu.memory_space<semaphore_mem>>) attributes {dimension_semantics = [#tpu.dimension_semantics<core_parallel>, #tpu.dimension_semantics<subcore_parallel>], iteration_bounds = array<i64: 2, 16>, scalar_prefetch = 0 : i64, scratch_operands = 24 : i64, tpu.core_type = #tpu.core_type<sc_vector_subcore>, window_params = [{transform_indices = #map}, {transform_indices = #map}, {transform_indices = #map}, {transform_indices = #map}, {transform_indices = #map1}]} {
    %mul3A = arith.constant 16 : i32
    %mul3A_0 = arith.muli %arg0, %mul3A : i32
    %add3A = arith.addi %mul3A_0, %arg1 : i32
    %mul3A_1 = arith.constant 625 : i32
    %mul3A_2 = arith.muli %arg1, %mul3A_1 : i32
    "tpu.region"() ({
      %run_scoped3A_120 = tpu.sem_alloc : memref<!tpu.dma_semaphore, #tpu.memory_space<semaphore_mem>>
      %dma_start3A_121 = arith.constant 0 : i32
      %dma_start3A_122 = tpu.memref_slice %arg22[%mul3A_2, %dma_start3A_121] : memref<10000x144xf32, #tpu.memory_space<vmem_shared>> -> memref<625x144xf32, #tpu.memory_space<vmem_shared>>
      tpu.enqueue_dma source(%arg5 : memref<625x144xf32, #tpu.memory_space<hbm>>) target(%dma_start3A_122 : memref<625x144xf32, #tpu.memory_space<vmem_shared>>) target_semaphore(%run_scoped3A_120 : memref<!tpu.dma_semaphore, #tpu.memory_space<semaphore_mem>>)
      %dma_wait3A_123 = arith.constant 0 : i32
      %dma_wait3A_124 = tpu.memref_slice %arg22[%mul3A_2, %dma_wait3A_123] : memref<10000x144xf32, #tpu.memory_space<vmem_shared>> -> memref<625x144xf32, #tpu.memory_space<vmem_shared>>
      tpu.wait_dma2 semaphore(%run_scoped3A_120 : memref<!tpu.dma_semaphore, #tpu.memory_space<semaphore_mem>>) src(%arg5 : memref<625x144xf32, #tpu.memory_space<hbm>>) dst(%dma_wait3A_124 : memref<625x144xf32, #tpu.memory_space<vmem_shared>>)
      tpu.yield
    }) : () -> ()
    %barrier3A = arith.constant 0 : index
    tpu.barrier barrier_id(%barrier3A)
    %mul3A_3 = arith.constant 64 : i32
    %mul3A_4 = arith.muli %add3A, %mul3A_3 : i32
    %add3A_5 = arith.constant 0 : i32
    %add3A_6 = arith.addi %mul3A_4, %add3A_5 : i32
    %dma_start3A = arith.constant 0 : i32
    %dma_start3A_7 = tpu.memref_slice %arg2[%dma_start3A, %add3A_6] : memref<2x320000xi32, #tpu.memory_space<hbm>> -> memref<2x64xi32, #tpu.memory_space<hbm>>
    %dma_start3A_8 = arith.constant 0 : i32
    %dma_start3A_9 = tpu.memref_slice %arg2[%dma_start3A_8, %add3A_6] : memref<2x320000xi32, #tpu.memory_space<hbm>> -> memref<2x64xi32, #tpu.memory_space<hbm>>
    tpu.enqueue_dma source(%dma_start3A_9 : memref<2x64xi32, #tpu.memory_space<hbm>>) target(%arg7 : memref<2x64xi32, #tpu.memory_space<vmem>>) target_semaphore(%arg23 : memref<!tpu.dma_semaphore, #tpu.memory_space<semaphore_mem>>)
    %mul3A_10 = arith.constant 64 : i32
    %mul3A_11 = arith.muli %add3A, %mul3A_10 : i32
    %add3A_12 = arith.constant 0 : i32
    %add3A_13 = arith.addi %mul3A_11, %add3A_12 : i32
    %dma_wait3A = arith.constant 0 : i32
    %dma_wait3A_14 = tpu.memref_slice %arg2[%dma_wait3A, %add3A_13] : memref<2x320000xi32, #tpu.memory_space<hbm>> -> memref<2x64xi32, #tpu.memory_space<hbm>>
    %dma_wait3A_15 = arith.constant 0 : i32
    %dma_wait3A_16 = tpu.memref_slice %arg2[%dma_wait3A_15, %add3A_13] : memref<2x320000xi32, #tpu.memory_space<hbm>> -> memref<2x64xi32, #tpu.memory_space<hbm>>
    tpu.wait_dma2 semaphore(%arg23 : memref<!tpu.dma_semaphore, #tpu.memory_space<semaphore_mem>>) src(%dma_wait3A_16 : memref<2x64xi32, #tpu.memory_space<hbm>>) dst(%arg7 : memref<2x64xi32, #tpu.memory_space<vmem>>)
    %get3A = arith.constant 0 : i32
    %get3A_17 = arith.index_cast %get3A : i32 to index
    %get3A_18 = arith.constant 0 : index
    %get3A_19 = tpu.vector_load %arg7[%get3A_17, %get3A_18] {strides = array<i32>} : memref<2x64xi32, #tpu.memory_space<vmem>>, vector<1x16xi32>,
    %get3A_20 = vector.shape_cast %get3A_19 : vector<1x16xi32> to vector<16xi32>
    %swap3A = arith.constant 0 : index
    %swap3A_21 = tpu.vector_load %arg9[%swap3A] {strides = array<i32>} : memref<64xi32, #tpu.memory_space<vmem>>, vector<16xi32>,
    %swap3A_22 = vector.shape_cast %swap3A_21 : vector<16xi32> to vector<16xi32>
    %swap3A_23 = vector.shape_cast %get3A_20 : vector<16xi32> to vector<16xi32>
    tpu.vector_store %arg9[%swap3A], %swap3A_23 {strides = array<i32>} : memref<64xi32, #tpu.memory_space<vmem>>, vector<16xi32>,
    %get3A_24 = arith.constant 1 : i32
    %get3A_25 = arith.index_cast %get3A_24 : i32 to index
    %get3A_26 = arith.constant 0 : index
    %get3A_27 = tpu.vector_load %arg7[%get3A_25, %get3A_26] {strides = array<i32>} : memref<2x64xi32, #tpu.memory_space<vmem>>, vector<1x16xi32>,
    %get3A_28 = vector.shape_cast %get3A_27 : vector<1x16xi32> to vector<16xi32>
    %swap3A_29 = arith.constant 0 : index
    %swap3A_30 = tpu.vector_load %arg11[%swap3A_29] {strides = array<i32>} : memref<64xi32, #tpu.memory_space<vmem>>, vector<16xi32>,
    %swap3A_31 = vector.shape_cast %swap3A_30 : vector<16xi32> to vector<16xi32>
    %swap3A_32 = vector.shape_cast %get3A_28 : vector<16xi32> to vector<16xi32>
    tpu.vector_store %arg11[%swap3A_29], %swap3A_32 {strides = array<i32>} : memref<64xi32, #tpu.memory_space<vmem>>, vector<16xi32>,
    %get3A_33 = arith.constant 0 : i32
    %get3A_34 = arith.index_cast %get3A_33 : i32 to index
    %get3A_35 = arith.constant 16 : index
    %get3A_36 = tpu.vector_load %arg7[%get3A_34, %get3A_35] {strides = array<i32>} : memref<2x64xi32, #tpu.memory_space<vmem>>, vector<1x16xi32>,
    %get3A_37 = vector.shape_cast %get3A_36 : vector<1x16xi32> to vector<16xi32>
    %swap3A_38 = arith.constant 16 : index
    %swap3A_39 = tpu.vector_load %arg9[%swap3A_38] {strides = array<i32>} : memref<64xi32, #tpu.memory_space<vmem>>, vector<16xi32>,
    %swap3A_40 = vector.shape_cast %swap3A_39 : vector<16xi32> to vector<16xi32>
    %swap3A_41 = vector.shape_cast %get3A_37 : vector<16xi32> to vector<16xi32>
    tpu.vector_store %arg9[%swap3A_38], %swap3A_41 {strides = array<i32>} : memref<64xi32, #tpu.memory_space<vmem>>, vector<16xi32>,
    %get3A_42 = arith.constant 1 : i32
    %get3A_43 = arith.index_cast %get3A_42 : i32 to index
    %get3A_44 = arith.constant 16 : index
    %get3A_45 = tpu.vector_load %arg7[%get3A_43, %get3A_44] {strides = array<i32>} : memref<2x64xi32, #tpu.memory_space<vmem>>, vector<1x16xi32>,
    %get3A_46 = vector.shape_cast %get3A_45 : vector<1x16xi32> to vector<16xi32>
    %swap3A_47 = arith.constant 16 : index
    %swap3A_48 = tpu.vector_load %arg11[%swap3A_47] {strides = array<i32>} : memref<64xi32, #tpu.memory_space<vmem>>, vector<16xi32>,
    %swap3A_49 = vector.shape_cast %swap3A_48 : vector<16xi32> to vector<16xi32>
    %swap3A_50 = vector.shape_cast %get3A_46 : vector<16xi32> to vector<16xi32>
    tpu.vector_store %arg11[%swap3A_47], %swap3A_50 {strides = array<i32>} : memref<64xi32, #tpu.memory_space<vmem>>, vector<16xi32>,
    %get3A_51 = arith.constant 0 : i32
    %get3A_52 = arith.index_cast %get3A_51 : i32 to index
    %get3A_53 = arith.constant 32 : index
    %get3A_54 = tpu.vector_load %arg7[%get3A_52, %get3A_53] {strides = array<i32>} : memref<2x64xi32, #tpu.memory_space<vmem>>, vector<1x16xi32>,
    %get3A_55 = vector.shape_cast %get3A_54 : vector<1x16xi32> to vector<16xi32>
    %swap3A_56 = arith.constant 32 : index
    %swap3A_57 = tpu.vector_load %arg9[%swap3A_56] {strides = array<i32>} : memref<64xi32, #tpu.memory_space<vmem>>, vector<16xi32>,
    %swap3A_58 = vector.shape_cast %swap3A_57 : vector<16xi32> to vector<16xi32>
    %swap3A_59 = vector.shape_cast %get3A_55 : vector<16xi32> to vector<16xi32>
    tpu.vector_store %arg9[%swap3A_56], %swap3A_59 {strides = array<i32>} : memref<64xi32, #tpu.memory_space<vmem>>, vector<16xi32>,
    %get3A_60 = arith.constant 1 : i32
    %get3A_61 = arith.index_cast %get3A_60 : i32 to index
    %get3A_62 = arith.constant 32 : index
    %get3A_63 = tpu.vector_load %arg7[%get3A_61, %get3A_62] {strides = array<i32>} : memref<2x64xi32, #tpu.memory_space<vmem>>, vector<1x16xi32>,
    %get3A_64 = vector.shape_cast %get3A_63 : vector<1x16xi32> to vector<16xi32>
    %swap3A_65 = arith.constant 32 : index
    %swap3A_66 = tpu.vector_load %arg11[%swap3A_65] {strides = array<i32>} : memref<64xi32, #tpu.memory_space<vmem>>, vector<16xi32>,
    %swap3A_67 = vector.shape_cast %swap3A_66 : vector<16xi32> to vector<16xi32>
    %swap3A_68 = vector.shape_cast %get3A_64 : vector<16xi32> to vector<16xi32>
    tpu.vector_store %arg11[%swap3A_65], %swap3A_68 {strides = array<i32>} : memref<64xi32, #tpu.memory_space<vmem>>, vector<16xi32>,
    %get3A_69 = arith.constant 0 : i32
    %get3A_70 = arith.index_cast %get3A_69 : i32 to index
    %get3A_71 = arith.constant 48 : index
    %get3A_72 = tpu.vector_load %arg7[%get3A_70, %get3A_71] {strides = array<i32>} : memref<2x64xi32, #tpu.memory_space<vmem>>, vector<1x16xi32>,
    %get3A_73 = vector.shape_cast %get3A_72 : vector<1x16xi32> to vector<16xi32>
    %swap3A_74 = arith.constant 48 : index
    %swap3A_75 = tpu.vector_load %arg9[%swap3A_74] {strides = array<i32>} : memref<64xi32, #tpu.memory_space<vmem>>, vector<16xi32>,
    %swap3A_76 = vector.shape_cast %swap3A_75 : vector<16xi32> to vector<16xi32>
    %swap3A_77 = vector.shape_cast %get3A_73 : vector<16xi32> to vector<16xi32>
    tpu.vector_store %arg9[%swap3A_74], %swap3A_77 {strides = array<i32>} : memref<64xi32, #tpu.memory_space<vmem>>, vector<16xi32>,
    %get3A_78 = arith.constant 1 : i32
    %get3A_79 = arith.index_cast %get3A_78 : i32 to index
    %get3A_80 = arith.constant 48 : index
    %get3A_81 = tpu.vector_load %arg7[%get3A_79, %get3A_80] {strides = array<i32>} : memref<2x64xi32, #tpu.memory_space<vmem>>, vector<1x16xi32>,
    %get3A_82 = vector.shape_cast %get3A_81 : vector<1x16xi32> to vector<16xi32>
    %swap3A_83 = arith.constant 48 : index
    %swap3A_84 = tpu.vector_load %arg11[%swap3A_83] {strides = array<i32>} : memref<64xi32, #tpu.memory_space<vmem>>, vector<16xi32>,
    %swap3A_85 = vector.shape_cast %swap3A_84 : vector<16xi32> to vector<16xi32>
    %swap3A_86 = vector.shape_cast %get3A_82 : vector<16xi32> to vector<16xi32>
    tpu.vector_store %arg11[%swap3A_83], %swap3A_86 {strides = array<i32>} : memref<64xi32, #tpu.memory_space<vmem>>, vector<16xi32>,
    %dma_start3A_87 = arith.constant 0 : i32
    %dma_start3A_88 = arith.constant 0 : i32
    %dma_start3A_89 = tpu.memref_slice %arg3[%dma_start3A_87, %dma_start3A_88] : memref<10000x16xf32, #tpu.memory_space<hbm>> -> memref<10000x16xf32, #tpu.memory_space<hbm>>
    tpu.enqueue_indirect_dma source(%dma_start3A_89 : memref<10000x16xf32, #tpu.memory_space<hbm>>) target(%arg16 : memref<64x16xf32, #tpu.memory_space<vmem>>) offsets(%arg11 : memref<64xi32, #tpu.memory_space<vmem>>) semaphore(%arg25 : memref<!tpu.dma_semaphore, #tpu.memory_space<semaphore_mem>>)
    %dma_start3A_90 = arith.constant 0 : i32
    %dma_start3A_91 = arith.constant 0 : i32
    %dma_start3A_92 = tpu.memref_slice %arg4[%dma_start3A_90, %dma_start3A_91] : memref<10000x144xf32, #tpu.memory_space<hbm>> -> memref<10000x144xf32, #tpu.memory_space<hbm>>
    tpu.enqueue_indirect_dma source(%dma_start3A_92 : memref<10000x144xf32, #tpu.memory_space<hbm>>) target(%arg18 : memref<64x144xf32, #tpu.memory_space<vmem>>) offsets(%arg9 : memref<64xi32, #tpu.memory_space<vmem>>) semaphore(%arg27 : memref<!tpu.dma_semaphore, #tpu.memory_space<semaphore_mem>>)
    %mul3A_93 = arith.constant 64 : i32
    %mul3A_94 = arith.muli %add3A, %mul3A_93 : i32
    %add3A_95 = arith.constant 2048 : i32
    %add3A_96 = arith.addi %mul3A_94, %add3A_95 : i32
    %dma_start3A_97 = arith.constant 0 : i32
    %dma_start3A_98 = tpu.memref_slice %arg2[%dma_start3A_97, %add3A_96] : memref<2x320000xi32, #tpu.memory_space<hbm>> -> memref<2x64xi32, #tpu.memory_space<hbm>>
    %dma_start3A_99 = arith.constant 0 : i32
    %dma_start3A_100 = tpu.memref_slice %arg2[%dma_start3A_99, %add3A_96] : memref<2x320000xi32, #tpu.memory_space<hbm>> -> memref<2x64xi32, #tpu.memory_space<hbm>>
    tpu.enqueue_dma source(%dma_start3A_100 : memref<2x64xi32, #tpu.memory_space<hbm>>) target(%arg8 : memref<2x64xi32, #tpu.memory_space<vmem>>) target_semaphore(%arg24 : memref<!tpu.dma_semaphore, #tpu.memory_space<semaphore_mem>>)
    %scan3A = arith.constant 0 : i32
    %scan3A_101 = arith.constant 0 : i32
    %scan3A_102 = arith.constant 78 : i32
    %scan3A_103 = arith.addi %scan3A_101, %scan3A_102 : i32
    %scan3A_104 = arith.constant 1 : i32
    scf.for %scan3A_120 = %scan3A_101 to %scan3A_103 step %scan3A_104  : i32 {
      %mul3A_121 = arith.constant 2 : i32
      %mul3A_122 = arith.muli %mul3A_121, %scan3A_120 : i32
      %add3A_123 = arith.constant 1 : i32
      %add3A_124 = arith.addi %mul3A_122, %add3A_123 : i32
      %mul3A_125 = arith.constant 64 : i32
      %mul3A_126 = arith.muli %add3A, %mul3A_125 : i32
      %mul3A_127 = arith.constant 2048 : i32
      %mul3A_128 = arith.muli %add3A_124, %mul3A_127 : i32
      %add3A_129 = arith.addi %mul3A_126, %mul3A_128 : i32
      %dma_wait3A_130 = arith.constant 0 : i32
      %dma_wait3A_131 = tpu.memref_slice %arg2[%dma_wait3A_130, %add3A_129] : memref<2x320000xi32, #tpu.memory_space<hbm>> -> memref<2x64xi32, #tpu.memory_space<hbm>>
      %dma_wait3A_132 = arith.constant 0 : i32
      %dma_wait3A_133 = tpu.memref_slice %arg2[%dma_wait3A_132, %add3A_129] : memref<2x320000xi32, #tpu.memory_space<hbm>> -> memref<2x64xi32, #tpu.memory_space<hbm>>
      tpu.wait_dma2 semaphore(%arg24 : memref<!tpu.dma_semaphore, #tpu.memory_space<semaphore_mem>>) src(%dma_wait3A_133 : memref<2x64xi32, #tpu.memory_space<hbm>>) dst(%arg8 : memref<2x64xi32, #tpu.memory_space<vmem>>)
      %get3A_134 = arith.constant 0 : i32
      %get3A_135 = arith.index_cast %get3A_134 : i32 to index
      %get3A_136 = arith.constant 0 : index
      %get3A_137 = tpu.vector_load %arg8[%get3A_135, %get3A_136] {strides = array<i32>} : memref<2x64xi32, #tpu.memory_space<vmem>>, vector<1x16xi32>,
      %get3A_138 = vector.shape_cast %get3A_137 : vector<1x16xi32> to vector<16xi32>
      %swap3A_139 = arith.constant 0 : index
      %swap3A_140 = tpu.vector_load %arg10[%swap3A_139] {strides = array<i32>} : memref<64xi32, #tpu.memory_space<vmem>>, vector<16xi32>,
      %swap3A_141 = vector.shape_cast %swap3A_140 : vector<16xi32> to vector<16xi32>
      %swap3A_142 = vector.shape_cast %get3A_138 : vector<16xi32> to vector<16xi32>
      tpu.vector_store %arg10[%swap3A_139], %swap3A_142 {strides = array<i32>} : memref<64xi32, #tpu.memory_space<vmem>>, vector<16xi32>,
      %get3A_143 = arith.constant 1 : i32
      %get3A_144 = arith.index_cast %get3A_143 : i32 to index
      %get3A_145 = arith.constant 0 : index
      %get3A_146 = tpu.vector_load %arg8[%get3A_144, %get3A_145] {strides = array<i32>} : memref<2x64xi32, #tpu.memory_space<vmem>>, vector<1x16xi32>,
      %get3A_147 = vector.shape_cast %get3A_146 : vector<1x16xi32> to vector<16xi32>
      %swap3A_148 = arith.constant 0 : index
      %swap3A_149 = tpu.vector_load %arg12[%swap3A_148] {strides = array<i32>} : memref<64xi32, #tpu.memory_space<vmem>>, vector<16xi32>,
      %swap3A_150 = vector.shape_cast %swap3A_149 : vector<16xi32> to vector<16xi32>
      %swap3A_151 = vector.shape_cast %get3A_147 : vector<16xi32> to vector<16xi32>
      tpu.vector_store %arg12[%swap3A_148], %swap3A_151 {strides = array<i32>} : memref<64xi32, #tpu.memory_space<vmem>>, vector<16xi32>,
      %get3A_152 = arith.constant 0 : i32
      %get3A_153 = arith.index_cast %get3A_152 : i32 to index
      %get3A_154 = arith.constant 16 : index
      %get3A_155 = tpu.vector_load %arg8[%get3A_153, %get3A_154] {strides = array<i32>} : memref<2x64xi32, #tpu.memory_space<vmem>>, vector<1x16xi32>,
      %get3A_156 = vector.shape_cast %get3A_155 : vector<1x16xi32> to vector<16xi32>
      %swap3A_157 = arith.constant 16 : index
      %swap3A_158 = tpu.vector_load %arg10[%swap3A_157] {strides = array<i32>} : memref<64xi32, #tpu.memory_space<vmem>>, vector<16xi32>,
      %swap3A_159 = vector.shape_cast %swap3A_158 : vector<16xi32> to vector<16xi32>
      %swap3A_160 = vector.shape_cast %get3A_156 : vector<16xi32> to vector<16xi32>
      tpu.vector_store %arg10[%swap3A_157], %swap3A_160 {strides = array<i32>} : memref<64xi32, #tpu.memory_space<vmem>>, vector<16xi32>,
      %get3A_161 = arith.constant 1 : i32
      %get3A_162 = arith.index_cast %get3A_161 : i32 to index
      %get3A_163 = arith.constant 16 : index
      %get3A_164 = tpu.vector_load %arg8[%get3A_162, %get3A_163] {strides = array<i32>} : memref<2x64xi32, #tpu.memory_space<vmem>>, vector<1x16xi32>,
      %get3A_165 = vector.shape_cast %get3A_164 : vector<1x16xi32> to vector<16xi32>
      %swap3A_166 = arith.constant 16 : index
      %swap3A_167 = tpu.vector_load %arg12[%swap3A_166] {strides = array<i32>} : memref<64xi32, #tpu.memory_space<vmem>>, vector<16xi32>,
      %swap3A_168 = vector.shape_cast %swap3A_167 : vector<16xi32> to vector<16xi32>
      %swap3A_169 = vector.shape_cast %get3A_165 : vector<16xi32> to vector<16xi32>
      tpu.vector_store %arg12[%swap3A_166], %swap3A_169 {strides = array<i32>} : memref<64xi32, #tpu.memory_space<vmem>>, vector<16xi32>,
      %get3A_170 = arith.constant 0 : i32
      %get3A_171 = arith.index_cast %get3A_170 : i32 to index
      %get3A_172 = arith.constant 32 : index
      %get3A_173 = tpu.vector_load %arg8[%get3A_171, %get3A_172] {strides = array<i32>} : memref<2x64xi32, #tpu.memory_space<vmem>>, vector<1x16xi32>,
      %get3A_174 = vector.shape_cast %get3A_173 : vector<1x16xi32> to vector<16xi32>
      %swap3A_175 = arith.constant 32 : index
      %swap3A_176 = tpu.vector_load %arg10[%swap3A_175] {strides = array<i32>} : memref<64xi32, #tpu.memory_space<vmem>>, vector<16xi32>,
      %swap3A_177 = vector.shape_cast %swap3A_176 : vector<16xi32> to vector<16xi32>
      %swap3A_178 = vector.shape_cast %get3A_174 : vector<16xi32> to vector<16xi32>
      tpu.vector_store %arg10[%swap3A_175], %swap3A_178 {strides = array<i32>} : memref<64xi32, #tpu.memory_space<vmem>>, vector<16xi32>,
      %get3A_179 = arith.constant 1 : i32
      %get3A_180 = arith.index_cast %get3A_179 : i32 to index
      %get3A_181 = arith.constant 32 : index
      %get3A_182 = tpu.vector_load %arg8[%get3A_180, %get3A_181] {strides = array<i32>} : memref<2x64xi32, #tpu.memory_space<vmem>>, vector<1x16xi32>,
      %get3A_183 = vector.shape_cast %get3A_182 : vector<1x16xi32> to vector<16xi32>
      %swap3A_184 = arith.constant 32 : index
      %swap3A_185 = tpu.vector_load %arg12[%swap3A_184] {strides = array<i32>} : memref<64xi32, #tpu.memory_space<vmem>>, vector<16xi32>,
      %swap3A_186 = vector.shape_cast %swap3A_185 : vector<16xi32> to vector<16xi32>
      %swap3A_187 = vector.shape_cast %get3A_183 : vector<16xi32> to vector<16xi32>
      tpu.vector_store %arg12[%swap3A_184], %swap3A_187 {strides = array<i32>} : memref<64xi32, #tpu.memory_space<vmem>>, vector<16xi32>,
      %get3A_188 = arith.constant 0 : i32
      %get3A_189 = arith.index_cast %get3A_188 : i32 to index
      %get3A_190 = arith.constant 48 : index
      %get3A_191 = tpu.vector_load %arg8[%get3A_189, %get3A_190] {strides = array<i32>} : memref<2x64xi32, #tpu.memory_space<vmem>>, vector<1x16xi32>,
      %get3A_192 = vector.shape_cast %get3A_191 : vector<1x16xi32> to vector<16xi32>
      %swap3A_193 = arith.constant 48 : index
      %swap3A_194 = tpu.vector_load %arg10[%swap3A_193] {strides = array<i32>} : memref<64xi32, #tpu.memory_space<vmem>>, vector<16xi32>,
      %swap3A_195 = vector.shape_cast %swap3A_194 : vector<16xi32> to vector<16xi32>
      %swap3A_196 = vector.shape_cast %get3A_192 : vector<16xi32> to vector<16xi32>
      tpu.vector_store %arg10[%swap3A_193], %swap3A_196 {strides = array<i32>} : memref<64xi32, #tpu.memory_space<vmem>>, vector<16xi32>,
      %get3A_197 = arith.constant 1 : i32
      %get3A_198 = arith.index_cast %get3A_197 : i32 to index
      %get3A_199 = arith.constant 48 : index
      %get3A_200 = tpu.vector_load %arg8[%get3A_198, %get3A_199] {strides = array<i32>} : memref<2x64xi32, #tpu.memory_space<vmem>>, vector<1x16xi32>,
      %get3A_201 = vector.shape_cast %get3A_200 : vector<1x16xi32> to vector<16xi32>
      %swap3A_202 = arith.constant 48 : index
      %swap3A_203 = tpu.vector_load %arg12[%swap3A_202] {strides = array<i32>} : memref<64xi32, #tpu.memory_space<vmem>>, vector<16xi32>,
      %swap3A_204 = vector.shape_cast %swap3A_203 : vector<16xi32> to vector<16xi32>
      %swap3A_205 = vector.shape_cast %get3A_201 : vector<16xi32> to vector<16xi32>
      tpu.vector_store %arg12[%swap3A_202], %swap3A_205 {strides = array<i32>} : memref<64xi32, #tpu.memory_space<vmem>>, vector<16xi32>,
      %dma_start3A_206 = arith.constant 0 : i32
      %dma_start3A_207 = arith.constant 0 : i32
      %dma_start3A_208 = tpu.memref_slice %arg3[%dma_start3A_206, %dma_start3A_207] : memref<10000x16xf32, #tpu.memory_space<hbm>> -> memref<10000x16xf32, #tpu.memory_space<hbm>>
      tpu.enqueue_indirect_dma source(%dma_start3A_208 : memref<10000x16xf32, #tpu.memory_space<hbm>>) target(%arg17 : memref<64x16xf32, #tpu.memory_space<vmem>>) offsets(%arg12 : memref<64xi32, #tpu.memory_space<vmem>>) semaphore(%arg26 : memref<!tpu.dma_semaphore, #tpu.memory_space<semaphore_mem>>)
      %dma_start3A_209 = arith.constant 0 : i32
      %dma_start3A_210 = arith.constant 0 : i32
      %dma_start3A_211 = tpu.memref_slice %arg4[%dma_start3A_209, %dma_start3A_210] : memref<10000x144xf32, #tpu.memory_space<hbm>> -> memref<10000x144xf32, #tpu.memory_space<hbm>>
      tpu.enqueue_indirect_dma source(%dma_start3A_211 : memref<10000x144xf32, #tpu.memory_space<hbm>>) target(%arg19 : memref<64x144xf32, #tpu.memory_space<vmem>>) offsets(%arg10 : memref<64xi32, #tpu.memory_space<vmem>>) semaphore(%arg28 : memref<!tpu.dma_semaphore, #tpu.memory_space<semaphore_mem>>)
      %lt3A = arith.constant 77 : i32
      %lt3A_212 = arith.cmpi slt, %scan3A_120, %lt3A : i32
      %convert_element_type3A = arith.extui %lt3A_212 : i1 to i32
      %cond3A = arith.constant 0 : i32
      %cond3A_213 = arith.cmpi ne, %convert_element_type3A, %cond3A : i32
      scf.if %cond3A_213 {
        %mul3A_308 = arith.constant 2 : i32
        %mul3A_309 = arith.muli %mul3A_308, %scan3A_120 : i32
        %add3A_310 = arith.constant 2 : i32
        %add3A_311 = arith.addi %mul3A_309, %add3A_310 : i32
        %mul3A_312 = arith.constant 64 : i32
        %mul3A_313 = arith.muli %add3A, %mul3A_312 : i32
        %mul3A_314 = arith.constant 2048 : i32
        %mul3A_315 = arith.muli %add3A_311, %mul3A_314 : i32
        %add3A_316 = arith.addi %mul3A_313, %mul3A_315 : i32
        %dma_start3A_317 = arith.constant 0 : i32
        %dma_start3A_318 = tpu.memref_slice %arg2[%dma_start3A_317, %add3A_316] : memref<2x320000xi32, #tpu.memory_space<hbm>> -> memref<2x64xi32, #tpu.memory_space<hbm>>
        %dma_start3A_319 = arith.constant 0 : i32
        %dma_start3A_320 = tpu.memref_slice %arg2[%dma_start3A_319, %add3A_316] : memref<2x320000xi32, #tpu.memory_space<hbm>> -> memref<2x64xi32, #tpu.memory_space<hbm>>
        tpu.enqueue_dma source(%dma_start3A_320 : memref<2x64xi32, #tpu.memory_space<hbm>>) target(%arg7 : memref<2x64xi32, #tpu.memory_space<vmem>>) target_semaphore(%arg23 : memref<!tpu.dma_semaphore, #tpu.memory_space<semaphore_mem>>)
      } else {
      }
      %dma_wait3A_214 = arith.constant 0 : i32
      %dma_wait3A_215 = arith.constant 0 : i32
      %dma_wait3A_216 = tpu.memref_slice %arg3[%dma_wait3A_214, %dma_wait3A_215] : memref<10000x16xf32, #tpu.memory_space<hbm>> -> memref<10000x16xf32, #tpu.memory_space<hbm>>
      tpu.wait_indirect_dma semaphore(%arg25 : memref<!tpu.dma_semaphore, #tpu.memory_space<semaphore_mem>>) src(%dma_wait3A_216 : memref<10000x16xf32, #tpu.memory_space<hbm>>) dst(%arg16 : memref<64x16xf32, #tpu.memory_space<vmem>>)
      %dma_wait3A_217 = arith.constant 0 : i32
      %dma_wait3A_218 = arith.constant 0 : i32
      %dma_wait3A_219 = tpu.memref_slice %arg4[%dma_wait3A_217, %dma_wait3A_218] : memref<10000x144xf32, #tpu.memory_space<hbm>> -> memref<10000x144xf32, #tpu.memory_space<hbm>>
      tpu.wait_indirect_dma semaphore(%arg27 : memref<!tpu.dma_semaphore, #tpu.memory_space<semaphore_mem>>) src(%dma_wait3A_219 : memref<10000x144xf32, #tpu.memory_space<hbm>>) dst(%arg18 : memref<64x144xf32, #tpu.memory_space<vmem>>)
      %gt3A = arith.constant 0 : i32
      %gt3A_220 = arith.cmpi sgt, %scan3A_120, %gt3A : i32
      %convert_element_type3A_221 = arith.extui %gt3A_220 : i1 to i32
      %cond3A_222 = arith.constant 0 : i32
      %cond3A_223 = arith.cmpi ne, %convert_element_type3A_221, %cond3A_222 : i32
      scf.if %cond3A_223 {
        %dma_wait3A_308 = arith.constant 0 : i32
        %dma_wait3A_309 = arith.constant 0 : i32
        %dma_wait3A_310 = tpu.memref_slice %arg22[%dma_wait3A_308, %dma_wait3A_309] : memref<10000x144xf32, #tpu.memory_space<vmem_shared>> -> memref<10000x144xf32, #tpu.memory_space<vmem_shared>>
        tpu.wait_indirect_dma semaphore(%arg29 : memref<!tpu.dma_semaphore, #tpu.memory_space<semaphore_mem>>) src(%arg20 : memref<64x144xf32, #tpu.memory_space<vmem>>) dst(%dma_wait3A_310 : memref<10000x144xf32, #tpu.memory_space<vmem_shared>>)
      } else {
      }
      %parallel_loop3A_224 = arith.constant 0 : i32
      %parallel_loop3A_225 = arith.constant 64 : i32
      %parallel_loop3A_226 = arith.constant 1 : i32
      scf.for %parallel_loop3A_308 = %parallel_loop3A_224 to %parallel_loop3A_225 step %parallel_loop3A_226  : i32 {
        %parallel_loop3A_309 = arith.index_cast %parallel_loop3A_308 : i32 to index
        %parallel_loop3A_310 = arith.constant 128 : index
        %parallel_loop3A_311 = tpu.vector_load %arg18[%parallel_loop3A_309, %parallel_loop3A_310] {strides = array<i32>} : memref<64x144xf32, #tpu.memory_space<vmem>>, vector<1x16xf32>,
        %parallel_loop3A_312 = vector.shape_cast %parallel_loop3A_311 : vector<1x16xf32> to vector<16xf32>
        %parallel_loop3A_313 = arith.index_cast %parallel_loop3A_308 : i32 to index
        %parallel_loop3A_314 = arith.constant 0 : index
        %parallel_loop3A_315 = tpu.vector_load %arg16[%parallel_loop3A_313, %parallel_loop3A_314] {strides = array<i32>} : memref<64x16xf32, #tpu.memory_space<vmem>>, vector<1x16xf32>,
        %parallel_loop3A_316 = vector.shape_cast %parallel_loop3A_315 : vector<1x16xf32> to vector<16xf32>
        %parallel_loop3A_317 = arith.addf %parallel_loop3A_312, %parallel_loop3A_316 : vector<16xf32>
        %parallel_loop3A_318 = arith.constant 2.000000e-01 : f32
        %parallel_loop3A_319 = vector.broadcast %parallel_loop3A_318 : f32 to vector<16xf32>
        %parallel_loop3A_320 = arith.mulf %parallel_loop3A_319, %parallel_loop3A_317 : vector<16xf32>
        %parallel_loop3A_321 = arith.maximumf %parallel_loop3A_317, %parallel_loop3A_320 : vector<16xf32>
        %parallel_loop3A_322 = math.exp %parallel_loop3A_321 : vector<16xf32>
        %parallel_loop3A_323 = arith.index_cast %parallel_loop3A_308 : i32 to index
        %parallel_loop3A_324 = arith.constant 128 : index
        %parallel_loop3A_325 = tpu.vector_load %arg20[%parallel_loop3A_323, %parallel_loop3A_324] {strides = array<i32>} : memref<64x144xf32, #tpu.memory_space<vmem>>, vector<1x16xf32>,
        %parallel_loop3A_326 = vector.shape_cast %parallel_loop3A_325 : vector<1x16xf32> to vector<16xf32>
        %parallel_loop3A_327 = vector.shape_cast %parallel_loop3A_322 : vector<16xf32> to vector<1x16xf32>
        tpu.vector_store %arg20[%parallel_loop3A_323, %parallel_loop3A_324], %parallel_loop3A_327 {strides = array<i32>} : memref<64x144xf32, #tpu.memory_space<vmem>>, vector<1x16xf32>,
        %parallel_loop3A_328 = arith.constant 0 : i32
        %parallel_loop3A_329 = vector.broadcast %parallel_loop3A_328 : i32 to vector<16x1xi32>
        %parallel_loop3A_330 = vector.shape_cast %parallel_loop3A_329 : vector<16x1xi32> to vector<16xi32>
        %parallel_loop3A_331 = tpu.dynamic_gather %parallel_loop3A_322[%parallel_loop3A_330] in [0] : vector<16xf32>, vector<16xi32> -> vector<16xf32>
        %parallel_loop3A_332 = arith.index_cast %parallel_loop3A_308 : i32 to index
        %parallel_loop3A_333 = arith.constant 0 : index
        %parallel_loop3A_334 = tpu.vector_load %arg18[%parallel_loop3A_332, %parallel_loop3A_333] {strides = array<i32>} : memref<64x144xf32, #tpu.memory_space<vmem>>, vector<1x16xf32>,
        %parallel_loop3A_335 = vector.shape_cast %parallel_loop3A_334 : vector<1x16xf32> to vector<16xf32>
        %parallel_loop3A_336 = arith.mulf %parallel_loop3A_335, %parallel_loop3A_331 : vector<16xf32>
        %parallel_loop3A_337 = arith.index_cast %parallel_loop3A_308 : i32 to index
        %parallel_loop3A_338 = arith.constant 0 : index
        %parallel_loop3A_339 = tpu.vector_load %arg20[%parallel_loop3A_337, %parallel_loop3A_338] {strides = array<i32>} : memref<64x144xf32, #tpu.memory_space<vmem>>, vector<1x16xf32>,
        %parallel_loop3A_340 = vector.shape_cast %parallel_loop3A_339 : vector<1x16xf32> to vector<16xf32>
        %parallel_loop3A_341 = vector.shape_cast %parallel_loop3A_336 : vector<16xf32> to vector<1x16xf32>
        tpu.vector_store %arg20[%parallel_loop3A_337, %parallel_loop3A_338], %parallel_loop3A_341 {strides = array<i32>} : memref<64x144xf32, #tpu.memory_space<vmem>>, vector<1x16xf32>,
        %parallel_loop3A_342 = arith.constant 1 : i32
        %parallel_loop3A_343 = vector.broadcast %parallel_loop3A_342 : i32 to vector<16x1xi32>
        %parallel_loop3A_344 = vector.shape_cast %parallel_loop3A_343 : vector<16x1xi32> to vector<16xi32>
        %parallel_loop3A_345 = tpu.dynamic_gather %parallel_loop3A_322[%parallel_loop3A_344] in [0] : vector<16xf32>, vector<16xi32> -> vector<16xf32>
        %parallel_loop3A_346 = arith.index_cast %parallel_loop3A_308 : i32 to index
        %parallel_loop3A_347 = arith.constant 16 : index
        %parallel_loop3A_348 = tpu.vector_load %arg18[%parallel_loop3A_346, %parallel_loop3A_347] {strides = array<i32>} : memref<64x144xf32, #tpu.memory_space<vmem>>, vector<1x16xf32>,
        %parallel_loop3A_349 = vector.shape_cast %parallel_loop3A_348 : vector<1x16xf32> to vector<16xf32>
        %parallel_loop3A_350 = arith.mulf %parallel_loop3A_349, %parallel_loop3A_345 : vector<16xf32>
        %parallel_loop3A_351 = arith.index_cast %parallel_loop3A_308 : i32 to index
        %parallel_loop3A_352 = arith.constant 16 : index
        %parallel_loop3A_353 = tpu.vector_load %arg20[%parallel_loop3A_351, %parallel_loop3A_352] {strides = array<i32>} : memref<64x144xf32, #tpu.memory_space<vmem>>, vector<1x16xf32>,
        %parallel_loop3A_354 = vector.shape_cast %parallel_loop3A_353 : vector<1x16xf32> to vector<16xf32>
        %parallel_loop3A_355 = vector.shape_cast %parallel_loop3A_350 : vector<16xf32> to vector<1x16xf32>
        tpu.vector_store %arg20[%parallel_loop3A_351, %parallel_loop3A_352], %parallel_loop3A_355 {strides = array<i32>} : memref<64x144xf32, #tpu.memory_space<vmem>>, vector<1x16xf32>,
        %parallel_loop3A_356 = arith.constant 2 : i32
        %parallel_loop3A_357 = vector.broadcast %parallel_loop3A_356 : i32 to vector<16x1xi32>
        %parallel_loop3A_358 = vector.shape_cast %parallel_loop3A_357 : vector<16x1xi32> to vector<16xi32>
        %parallel_loop3A_359 = tpu.dynamic_gather %parallel_loop3A_322[%parallel_loop3A_358] in [0] : vector<16xf32>, vector<16xi32> -> vector<16xf32>
        %parallel_loop3A_360 = arith.index_cast %parallel_loop3A_308 : i32 to index
        %parallel_loop3A_361 = arith.constant 32 : index
        %parallel_loop3A_362 = tpu.vector_load %arg18[%parallel_loop3A_360, %parallel_loop3A_361] {strides = array<i32>} : memref<64x144xf32, #tpu.memory_space<vmem>>, vector<1x16xf32>,
        %parallel_loop3A_363 = vector.shape_cast %parallel_loop3A_362 : vector<1x16xf32> to vector<16xf32>
        %parallel_loop3A_364 = arith.mulf %parallel_loop3A_363, %parallel_loop3A_359 : vector<16xf32>
        %parallel_loop3A_365 = arith.index_cast %parallel_loop3A_308 : i32 to index
        %parallel_loop3A_366 = arith.constant 32 : index
        %parallel_loop3A_367 = tpu.vector_load %arg20[%parallel_loop3A_365, %parallel_loop3A_366] {strides = array<i32>} : memref<64x144xf32, #tpu.memory_space<vmem>>, vector<1x16xf32>,
        %parallel_loop3A_368 = vector.shape_cast %parallel_loop3A_367 : vector<1x16xf32> to vector<16xf32>
        %parallel_loop3A_369 = vector.shape_cast %parallel_loop3A_364 : vector<16xf32> to vector<1x16xf32>
        tpu.vector_store %arg20[%parallel_loop3A_365, %parallel_loop3A_366], %parallel_loop3A_369 {strides = array<i32>} : memref<64x144xf32, #tpu.memory_space<vmem>>, vector<1x16xf32>,
        %parallel_loop3A_370 = arith.constant 3 : i32
        %parallel_loop3A_371 = vector.broadcast %parallel_loop3A_370 : i32 to vector<16x1xi32>
        %parallel_loop3A_372 = vector.shape_cast %parallel_loop3A_371 : vector<16x1xi32> to vector<16xi32>
        %parallel_loop3A_373 = tpu.dynamic_gather %parallel_loop3A_322[%parallel_loop3A_372] in [0] : vector<16xf32>, vector<16xi32> -> vector<16xf32>
        %parallel_loop3A_374 = arith.index_cast %parallel_loop3A_308 : i32 to index
        %parallel_loop3A_375 = arith.constant 48 : index
        %parallel_loop3A_376 = tpu.vector_load %arg18[%parallel_loop3A_374, %parallel_loop3A_375] {strides = array<i32>} : memref<64x144xf32, #tpu.memory_space<vmem>>, vector<1x16xf32>,
        %parallel_loop3A_377 = vector.shape_cast %parallel_loop3A_376 : vector<1x16xf32> to vector<16xf32>
        %parallel_loop3A_378 = arith.mulf %parallel_loop3A_377, %parallel_loop3A_373 : vector<16xf32>
        %parallel_loop3A_379 = arith.index_cast %parallel_loop3A_308 : i32 to index
        %parallel_loop3A_380 = arith.constant 48 : index
        %parallel_loop3A_381 = tpu.vector_load %arg20[%parallel_loop3A_379, %parallel_loop3A_380] {strides = array<i32>} : memref<64x144xf32, #tpu.memory_space<vmem>>, vector<1x16xf32>,
        %parallel_loop3A_382 = vector.shape_cast %parallel_loop3A_381 : vector<1x16xf32> to vector<16xf32>
        %parallel_loop3A_383 = vector.shape_cast %parallel_loop3A_378 : vector<16xf32> to vector<1x16xf32>
        tpu.vector_store %arg20[%parallel_loop3A_379, %parallel_loop3A_380], %parallel_loop3A_383 {strides = array<i32>} : memref<64x144xf32, #tpu.memory_space<vmem>>, vector<1x16xf32>,
        %parallel_loop3A_384 = arith.constant 4 : i32
        %parallel_loop3A_385 = vector.broadcast %parallel_loop3A_384 : i32 to vector<16x1xi32>
        %parallel_loop3A_386 = vector.shape_cast %parallel_loop3A_385 : vector<16x1xi32> to vector<16xi32>
        %parallel_loop3A_387 = tpu.dynamic_gather %parallel_loop3A_322[%parallel_loop3A_386] in [0] : vector<16xf32>, vector<16xi32> -> vector<16xf32>
        %parallel_loop3A_388 = arith.index_cast %parallel_loop3A_308 : i32 to index
        %parallel_loop3A_389 = arith.constant 64 : index
        %parallel_loop3A_390 = tpu.vector_load %arg18[%parallel_loop3A_388, %parallel_loop3A_389] {strides = array<i32>} : memref<64x144xf32, #tpu.memory_space<vmem>>, vector<1x16xf32>,
        %parallel_loop3A_391 = vector.shape_cast %parallel_loop3A_390 : vector<1x16xf32> to vector<16xf32>
        %parallel_loop3A_392 = arith.mulf %parallel_loop3A_391, %parallel_loop3A_387 : vector<16xf32>
        %parallel_loop3A_393 = arith.index_cast %parallel_loop3A_308 : i32 to index
        %parallel_loop3A_394 = arith.constant 64 : index
        %parallel_loop3A_395 = tpu.vector_load %arg20[%parallel_loop3A_393, %parallel_loop3A_394] {strides = array<i32>} : memref<64x144xf32, #tpu.memory_space<vmem>>, vector<1x16xf32>,
        %parallel_loop3A_396 = vector.shape_cast %parallel_loop3A_395 : vector<1x16xf32> to vector<16xf32>
        %parallel_loop3A_397 = vector.shape_cast %parallel_loop3A_392 : vector<16xf32> to vector<1x16xf32>
        tpu.vector_store %arg20[%parallel_loop3A_393, %parallel_loop3A_394], %parallel_loop3A_397 {strides = array<i32>} : memref<64x144xf32, #tpu.memory_space<vmem>>, vector<1x16xf32>,
        %parallel_loop3A_398 = arith.constant 5 : i32
        %parallel_loop3A_399 = vector.broadcast %parallel_loop3A_398 : i32 to vector<16x1xi32>
        %parallel_loop3A_400 = vector.shape_cast %parallel_loop3A_399 : vector<16x1xi32> to vector<16xi32>
        %parallel_loop3A_401 = tpu.dynamic_gather %parallel_loop3A_322[%parallel_loop3A_400] in [0] : vector<16xf32>, vector<16xi32> -> vector<16xf32>
        %parallel_loop3A_402 = arith.index_cast %parallel_loop3A_308 : i32 to index
        %parallel_loop3A_403 = arith.constant 80 : index
        %parallel_loop3A_404 = tpu.vector_load %arg18[%parallel_loop3A_402, %parallel_loop3A_403] {strides = array<i32>} : memref<64x144xf32, #tpu.memory_space<vmem>>, vector<1x16xf32>,
        %parallel_loop3A_405 = vector.shape_cast %parallel_loop3A_404 : vector<1x16xf32> to vector<16xf32>
        %parallel_loop3A_406 = arith.mulf %parallel_loop3A_405, %parallel_loop3A_401 : vector<16xf32>
        %parallel_loop3A_407 = arith.index_cast %parallel_loop3A_308 : i32 to index
        %parallel_loop3A_408 = arith.constant 80 : index
        %parallel_loop3A_409 = tpu.vector_load %arg20[%parallel_loop3A_407, %parallel_loop3A_408] {strides = array<i32>} : memref<64x144xf32, #tpu.memory_space<vmem>>, vector<1x16xf32>,
        %parallel_loop3A_410 = vector.shape_cast %parallel_loop3A_409 : vector<1x16xf32> to vector<16xf32>
        %parallel_loop3A_411 = vector.shape_cast %parallel_loop3A_406 : vector<16xf32> to vector<1x16xf32>
        tpu.vector_store %arg20[%parallel_loop3A_407, %parallel_loop3A_408], %parallel_loop3A_411 {strides = array<i32>} : memref<64x144xf32, #tpu.memory_space<vmem>>, vector<1x16xf32>,
        %parallel_loop3A_412 = arith.constant 6 : i32
        %parallel_loop3A_413 = vector.broadcast %parallel_loop3A_412 : i32 to vector<16x1xi32>
        %parallel_loop3A_414 = vector.shape_cast %parallel_loop3A_413 : vector<16x1xi32> to vector<16xi32>
        %parallel_loop3A_415 = tpu.dynamic_gather %parallel_loop3A_322[%parallel_loop3A_414] in [0] : vector<16xf32>, vector<16xi32> -> vector<16xf32>
        %parallel_loop3A_416 = arith.index_cast %parallel_loop3A_308 : i32 to index
        %parallel_loop3A_417 = arith.constant 96 : index
        %parallel_loop3A_418 = tpu.vector_load %arg18[%parallel_loop3A_416, %parallel_loop3A_417] {strides = array<i32>} : memref<64x144xf32, #tpu.memory_space<vmem>>, vector<1x16xf32>,
        %parallel_loop3A_419 = vector.shape_cast %parallel_loop3A_418 : vector<1x16xf32> to vector<16xf32>
        %parallel_loop3A_420 = arith.mulf %parallel_loop3A_419, %parallel_loop3A_415 : vector<16xf32>
        %parallel_loop3A_421 = arith.index_cast %parallel_loop3A_308 : i32 to index
        %parallel_loop3A_422 = arith.constant 96 : index
        %parallel_loop3A_423 = tpu.vector_load %arg20[%parallel_loop3A_421, %parallel_loop3A_422] {strides = array<i32>} : memref<64x144xf32, #tpu.memory_space<vmem>>, vector<1x16xf32>,
        %parallel_loop3A_424 = vector.shape_cast %parallel_loop3A_423 : vector<1x16xf32> to vector<16xf32>
        %parallel_loop3A_425 = vector.shape_cast %parallel_loop3A_420 : vector<16xf32> to vector<1x16xf32>
        tpu.vector_store %arg20[%parallel_loop3A_421, %parallel_loop3A_422], %parallel_loop3A_425 {strides = array<i32>} : memref<64x144xf32, #tpu.memory_space<vmem>>, vector<1x16xf32>,
        %parallel_loop3A_426 = arith.constant 7 : i32
        %parallel_loop3A_427 = vector.broadcast %parallel_loop3A_426 : i32 to vector<16x1xi32>
        %parallel_loop3A_428 = vector.shape_cast %parallel_loop3A_427 : vector<16x1xi32> to vector<16xi32>
        %parallel_loop3A_429 = tpu.dynamic_gather %parallel_loop3A_322[%parallel_loop3A_428] in [0] : vector<16xf32>, vector<16xi32> -> vector<16xf32>
        %parallel_loop3A_430 = arith.index_cast %parallel_loop3A_308 : i32 to index
        %parallel_loop3A_431 = arith.constant 112 : index
        %parallel_loop3A_432 = tpu.vector_load %arg18[%parallel_loop3A_430, %parallel_loop3A_431] {strides = array<i32>} : memref<64x144xf32, #tpu.memory_space<vmem>>, vector<1x16xf32>,
        %parallel_loop3A_433 = vector.shape_cast %parallel_loop3A_432 : vector<1x16xf32> to vector<16xf32>
        %parallel_loop3A_434 = arith.mulf %parallel_loop3A_433, %parallel_loop3A_429 : vector<16xf32>
        %parallel_loop3A_435 = arith.index_cast %parallel_loop3A_308 : i32 to index
        %parallel_loop3A_436 = arith.constant 112 : index
        %parallel_loop3A_437 = tpu.vector_load %arg20[%parallel_loop3A_435, %parallel_loop3A_436] {strides = array<i32>} : memref<64x144xf32, #tpu.memory_space<vmem>>, vector<1x16xf32>,
        %parallel_loop3A_438 = vector.shape_cast %parallel_loop3A_437 : vector<1x16xf32> to vector<16xf32>
        %parallel_loop3A_439 = vector.shape_cast %parallel_loop3A_434 : vector<16xf32> to vector<1x16xf32>
        tpu.vector_store %arg20[%parallel_loop3A_435, %parallel_loop3A_436], %parallel_loop3A_439 {strides = array<i32>} : memref<64x144xf32, #tpu.memory_space<vmem>>, vector<1x16xf32>,
      } {sc.loop_unroll_factor = 8 : i64, sc.parallel_access}
      %get3A_227 = arith.constant 0 : index
      %get3A_228 = tpu.vector_load %arg11[%get3A_227] {strides = array<i32>} : memref<64xi32, #tpu.memory_space<vmem>>, vector<16xi32>,
      %get3A_229 = vector.shape_cast %get3A_228 : vector<16xi32> to vector<16xi32>
      %swap3A_230 = arith.constant 0 : index
      %swap3A_231 = tpu.vector_load %arg13[%swap3A_230] {strides = array<i32>} : memref<64xi32, #tpu.memory_space<vmem>>, vector<16xi32>,
      %swap3A_232 = vector.shape_cast %swap3A_231 : vector<16xi32> to vector<16xi32>
      %swap3A_233 = vector.shape_cast %get3A_229 : vector<16xi32> to vector<16xi32>
      tpu.vector_store %arg13[%swap3A_230], %swap3A_233 {strides = array<i32>} : memref<64xi32, #tpu.memory_space<vmem>>, vector<16xi32>,
      %get3A_234 = arith.constant 16 : index
      %get3A_235 = tpu.vector_load %arg11[%get3A_234] {strides = array<i32>} : memref<64xi32, #tpu.memory_space<vmem>>, vector<16xi32>,
      %get3A_236 = vector.shape_cast %get3A_235 : vector<16xi32> to vector<16xi32>
      %swap3A_237 = arith.constant 16 : index
      %swap3A_238 = tpu.vector_load %arg13[%swap3A_237] {strides = array<i32>} : memref<64xi32, #tpu.memory_space<vmem>>, vector<16xi32>,
      %swap3A_239 = vector.shape_cast %swap3A_238 : vector<16xi32> to vector<16xi32>
      %swap3A_240 = vector.shape_cast %get3A_236 : vector<16xi32> to vector<16xi32>
      tpu.vector_store %arg13[%swap3A_237], %swap3A_240 {strides = array<i32>} : memref<64xi32, #tpu.memory_space<vmem>>, vector<16xi32>,
      %get3A_241 = arith.constant 32 : index
      %get3A_242 = tpu.vector_load %arg11[%get3A_241] {strides = array<i32>} : memref<64xi32, #tpu.memory_space<vmem>>, vector<16xi32>,
      %get3A_243 = vector.shape_cast %get3A_242 : vector<16xi32> to vector<16xi32>
      %swap3A_244 = arith.constant 32 : index
      %swap3A_245 = tpu.vector_load %arg13[%swap3A_244] {strides = array<i32>} : memref<64xi32, #tpu.memory_space<vmem>>, vector<16xi32>,
      %swap3A_246 = vector.shape_cast %swap3A_245 : vector<16xi32> to vector<16xi32>
      %swap3A_247 = vector.shape_cast %get3A_243 : vector<16xi32> to vector<16xi32>
      tpu.vector_store %arg13[%swap3A_244], %swap3A_247 {strides = array<i32>} : memref<64xi32, #tpu.memory_space<vmem>>, vector<16xi32>,
      %get3A_248 = arith.constant 48 : index
      %get3A_249 = tpu.vector_load %arg11[%get3A_248] {strides = array<i32>} : memref<64xi32, #tpu.memory_space<vmem>>, vector<16xi32>,
      %get3A_250 = vector.shape_cast %get3A_249 : vector<16xi32> to vector<16xi32>
      %swap3A_251 = arith.constant 48 : index
      %swap3A_252 = tpu.vector_load %arg13[%swap3A_251] {strides = array<i32>} : memref<64xi32, #tpu.memory_space<vmem>>, vector<16xi32>,
      %swap3A_253 = vector.shape_cast %swap3A_252 : vector<16xi32> to vector<16xi32>
      %swap3A_254 = vector.shape_cast %get3A_250 : vector<16xi32> to vector<16xi32>
      tpu.vector_store %arg13[%swap3A_251], %swap3A_254 {strides = array<i32>} : memref<64xi32, #tpu.memory_space<vmem>>, vector<16xi32>,
      %dma_start3A_255 = arith.constant 0 : i32
      %dma_start3A_256 = arith.constant 0 : i32
      %dma_start3A_257 = tpu.memref_slice %arg22[%dma_start3A_255, %dma_start3A_256] : memref<10000x144xf32, #tpu.memory_space<vmem_shared>> -> memref<10000x144xf32, #tpu.memory_space<vmem_shared>>
      tpu.enqueue_indirect_dma source(%arg20 : memref<64x144xf32, #tpu.memory_space<vmem>>) target(%dma_start3A_257 : memref<10000x144xf32, #tpu.memory_space<vmem_shared>>) offsets(%arg13 : memref<64xi32, #tpu.memory_space<vmem>>) semaphore(%arg29 : memref<!tpu.dma_semaphore, #tpu.memory_space<semaphore_mem>>) {add = true}
      %lt3A_258 = arith.constant 77 : i32
      %lt3A_259 = arith.cmpi slt, %scan3A_120, %lt3A_258 : i32
      %convert_element_type3A_260 = arith.extui %lt3A_259 : i1 to i32
      %cond3A_261 = arith.constant 0 : i32
      %cond3A_262 = arith.cmpi ne, %convert_element_type3A_260, %cond3A_261 : i32
      scf.if %cond3A_262 {
        %mul3A_308 = arith.constant 2 : i32
        %mul3A_309 = arith.muli %mul3A_308, %scan3A_120 : i32
        %add3A_310 = arith.constant 2 : i32
        %add3A_311 = arith.addi %mul3A_309, %add3A_310 : i32
        %mul3A_312 = arith.constant 64 : i32
        %mul3A_313 = arith.muli %add3A, %mul3A_312 : i32
        %mul3A_314 = arith.constant 2048 : i32
        %mul3A_315 = arith.muli %add3A_311, %mul3A_314 : i32
        %add3A_316 = arith.addi %mul3A_313, %mul3A_315 : i32
        %dma_wait3A_317 = arith.constant 0 : i32
        %dma_wait3A_318 = tpu.memref_slice %arg2[%dma_wait3A_317, %add3A_316] : memref<2x320000xi32, #tpu.memory_space<hbm>> -> memref<2x64xi32, #tpu.memory_space<hbm>>
        %dma_wait3A_319 = arith.constant 0 : i32
        %dma_wait3A_320 = tpu.memref_slice %arg2[%dma_wait3A_319, %add3A_316] : memref<2x320000xi32, #tpu.memory_space<hbm>> -> memref<2x64xi32, #tpu.memory_space<hbm>>
        tpu.wait_dma2 semaphore(%arg23 : memref<!tpu.dma_semaphore, #tpu.memory_space<semaphore_mem>>) src(%dma_wait3A_320 : memref<2x64xi32, #tpu.memory_space<hbm>>) dst(%arg7 : memref<2x64xi32, #tpu.memory_space<vmem>>)
        %get3A_321 = arith.constant 0 : i32
        %get3A_322 = arith.index_cast %get3A_321 : i32 to index
        %get3A_323 = arith.constant 0 : index
        %get3A_324 = tpu.vector_load %arg7[%get3A_322, %get3A_323] {strides = array<i32>} : memref<2x64xi32, #tpu.memory_space<vmem>>, vector<1x16xi32>,
        %get3A_325 = vector.shape_cast %get3A_324 : vector<1x16xi32> to vector<16xi32>
        %swap3A_326 = arith.constant 0 : index
        %swap3A_327 = tpu.vector_load %arg9[%swap3A_326] {strides = array<i32>} : memref<64xi32, #tpu.memory_space<vmem>>, vector<16xi32>,
        %swap3A_328 = vector.shape_cast %swap3A_327 : vector<16xi32> to vector<16xi32>
        %swap3A_329 = vector.shape_cast %get3A_325 : vector<16xi32> to vector<16xi32>
        tpu.vector_store %arg9[%swap3A_326], %swap3A_329 {strides = array<i32>} : memref<64xi32, #tpu.memory_space<vmem>>, vector<16xi32>,
        %get3A_330 = arith.constant 1 : i32
        %get3A_331 = arith.index_cast %get3A_330 : i32 to index
        %get3A_332 = arith.constant 0 : index
        %get3A_333 = tpu.vector_load %arg7[%get3A_331, %get3A_332] {strides = array<i32>} : memref<2x64xi32, #tpu.memory_space<vmem>>, vector<1x16xi32>,
        %get3A_334 = vector.shape_cast %get3A_333 : vector<1x16xi32> to vector<16xi32>
        %swap3A_335 = arith.constant 0 : index
        %swap3A_336 = tpu.vector_load %arg11[%swap3A_335] {strides = array<i32>} : memref<64xi32, #tpu.memory_space<vmem>>, vector<16xi32>,
        %swap3A_337 = vector.shape_cast %swap3A_336 : vector<16xi32> to vector<16xi32>
        %swap3A_338 = vector.shape_cast %get3A_334 : vector<16xi32> to vector<16xi32>
        tpu.vector_store %arg11[%swap3A_335], %swap3A_338 {strides = array<i32>} : memref<64xi32, #tpu.memory_space<vmem>>, vector<16xi32>,
        %get3A_339 = arith.constant 0 : i32
        %get3A_340 = arith.index_cast %get3A_339 : i32 to index
        %get3A_341 = arith.constant 16 : index
        %get3A_342 = tpu.vector_load %arg7[%get3A_340, %get3A_341] {strides = array<i32>} : memref<2x64xi32, #tpu.memory_space<vmem>>, vector<1x16xi32>,
        %get3A_343 = vector.shape_cast %get3A_342 : vector<1x16xi32> to vector<16xi32>
        %swap3A_344 = arith.constant 16 : index
        %swap3A_345 = tpu.vector_load %arg9[%swap3A_344] {strides = array<i32>} : memref<64xi32, #tpu.memory_space<vmem>>, vector<16xi32>,
        %swap3A_346 = vector.shape_cast %swap3A_345 : vector<16xi32> to vector<16xi32>
        %swap3A_347 = vector.shape_cast %get3A_343 : vector<16xi32> to vector<16xi32>
        tpu.vector_store %arg9[%swap3A_344], %swap3A_347 {strides = array<i32>} : memref<64xi32, #tpu.memory_space<vmem>>, vector<16xi32>,
        %get3A_348 = arith.constant 1 : i32
        %get3A_349 = arith.index_cast %get3A_348 : i32 to index
        %get3A_350 = arith.constant 16 : index
        %get3A_351 = tpu.vector_load %arg7[%get3A_349, %get3A_350] {strides = array<i32>} : memref<2x64xi32, #tpu.memory_space<vmem>>, vector<1x16xi32>,
        %get3A_352 = vector.shape_cast %get3A_351 : vector<1x16xi32> to vector<16xi32>
        %swap3A_353 = arith.constant 16 : index
        %swap3A_354 = tpu.vector_load %arg11[%swap3A_353] {strides = array<i32>} : memref<64xi32, #tpu.memory_space<vmem>>, vector<16xi32>,
        %swap3A_355 = vector.shape_cast %swap3A_354 : vector<16xi32> to vector<16xi32>
        %swap3A_356 = vector.shape_cast %get3A_352 : vector<16xi32> to vector<16xi32>
        tpu.vector_store %arg11[%swap3A_353], %swap3A_356 {strides = array<i32>} : memref<64xi32, #tpu.memory_space<vmem>>, vector<16xi32>,
        %get3A_357 = arith.constant 0 : i32
        %get3A_358 = arith.index_cast %get3A_357 : i32 to index
        %get3A_359 = arith.constant 32 : index
        %get3A_360 = tpu.vector_load %arg7[%get3A_358, %get3A_359] {strides = array<i32>} : memref<2x64xi32, #tpu.memory_space<vmem>>, vector<1x16xi32>,
        %get3A_361 = vector.shape_cast %get3A_360 : vector<1x16xi32> to vector<16xi32>
        %swap3A_362 = arith.constant 32 : index
        %swap3A_363 = tpu.vector_load %arg9[%swap3A_362] {strides = array<i32>} : memref<64xi32, #tpu.memory_space<vmem>>, vector<16xi32>,
        %swap3A_364 = vector.shape_cast %swap3A_363 : vector<16xi32> to vector<16xi32>
        %swap3A_365 = vector.shape_cast %get3A_361 : vector<16xi32> to vector<16xi32>
        tpu.vector_store %arg9[%swap3A_362], %swap3A_365 {strides = array<i32>} : memref<64xi32, #tpu.memory_space<vmem>>, vector<16xi32>,
        %get3A_366 = arith.constant 1 : i32
        %get3A_367 = arith.index_cast %get3A_366 : i32 to index
        %get3A_368 = arith.constant 32 : index
        %get3A_369 = tpu.vector_load %arg7[%get3A_367, %get3A_368] {strides = array<i32>} : memref<2x64xi32, #tpu.memory_space<vmem>>, vector<1x16xi32>,
        %get3A_370 = vector.shape_cast %get3A_369 : vector<1x16xi32> to vector<16xi32>
        %swap3A_371 = arith.constant 32 : index
        %swap3A_372 = tpu.vector_load %arg11[%swap3A_371] {strides = array<i32>} : memref<64xi32, #tpu.memory_space<vmem>>, vector<16xi32>,
        %swap3A_373 = vector.shape_cast %swap3A_372 : vector<16xi32> to vector<16xi32>
        %swap3A_374 = vector.shape_cast %get3A_370 : vector<16xi32> to vector<16xi32>
        tpu.vector_store %arg11[%swap3A_371], %swap3A_374 {strides = array<i32>} : memref<64xi32, #tpu.memory_space<vmem>>, vector<16xi32>,
        %get3A_375 = arith.constant 0 : i32
        %get3A_376 = arith.index_cast %get3A_375 : i32 to index
        %get3A_377 = arith.constant 48 : index
        %get3A_378 = tpu.vector_load %arg7[%get3A_376, %get3A_377] {strides = array<i32>} : memref<2x64xi32, #tpu.memory_space<vmem>>, vector<1x16xi32>,
        %get3A_379 = vector.shape_cast %get3A_378 : vector<1x16xi32> to vector<16xi32>
        %swap3A_380 = arith.constant 48 : index
        %swap3A_381 = tpu.vector_load %arg9[%swap3A_380] {strides = array<i32>} : memref<64xi32, #tpu.memory_space<vmem>>, vector<16xi32>,
        %swap3A_382 = vector.shape_cast %swap3A_381 : vector<16xi32> to vector<16xi32>
        %swap3A_383 = vector.shape_cast %get3A_379 : vector<16xi32> to vector<16xi32>
        tpu.vector_store %arg9[%swap3A_380], %swap3A_383 {strides = array<i32>} : memref<64xi32, #tpu.memory_space<vmem>>, vector<16xi32>,
        %get3A_384 = arith.constant 1 : i32
        %get3A_385 = arith.index_cast %get3A_384 : i32 to index
        %get3A_386 = arith.constant 48 : index
        %get3A_387 = tpu.vector_load %arg7[%get3A_385, %get3A_386] {strides = array<i32>} : memref<2x64xi32, #tpu.memory_space<vmem>>, vector<1x16xi32>,
        %get3A_388 = vector.shape_cast %get3A_387 : vector<1x16xi32> to vector<16xi32>
        %swap3A_389 = arith.constant 48 : index
        %swap3A_390 = tpu.vector_load %arg11[%swap3A_389] {strides = array<i32>} : memref<64xi32, #tpu.memory_space<vmem>>, vector<16xi32>,
        %swap3A_391 = vector.shape_cast %swap3A_390 : vector<16xi32> to vector<16xi32>
        %swap3A_392 = vector.shape_cast %get3A_388 : vector<16xi32> to vector<16xi32>
        tpu.vector_store %arg11[%swap3A_389], %swap3A_392 {strides = array<i32>} : memref<64xi32, #tpu.memory_space<vmem>>, vector<16xi32>,
        %dma_start3A_393 = arith.constant 0 : i32
        %dma_start3A_394 = arith.constant 0 : i32
        %dma_start3A_395 = tpu.memref_slice %arg3[%dma_start3A_393, %dma_start3A_394] : memref<10000x16xf32, #tpu.memory_space<hbm>> -> memref<10000x16xf32, #tpu.memory_space<hbm>>
        tpu.enqueue_indirect_dma source(%dma_start3A_395 : memref<10000x16xf32, #tpu.memory_space<hbm>>) target(%arg16 : memref<64x16xf32, #tpu.memory_space<vmem>>) offsets(%arg11 : memref<64xi32, #tpu.memory_space<vmem>>) semaphore(%arg25 : memref<!tpu.dma_semaphore, #tpu.memory_space<semaphore_mem>>)
        %dma_start3A_396 = arith.constant 0 : i32
        %dma_start3A_397 = arith.constant 0 : i32
        %dma_start3A_398 = tpu.memref_slice %arg4[%dma_start3A_396, %dma_start3A_397] : memref<10000x144xf32, #tpu.memory_space<hbm>> -> memref<10000x144xf32, #tpu.memory_space<hbm>>
        tpu.enqueue_indirect_dma source(%dma_start3A_398 : memref<10000x144xf32, #tpu.memory_space<hbm>>) target(%arg18 : memref<64x144xf32, #tpu.memory_space<vmem>>) offsets(%arg9 : memref<64xi32, #tpu.memory_space<vmem>>) semaphore(%arg27 : memref<!tpu.dma_semaphore, #tpu.memory_space<semaphore_mem>>)
        %mul3A_399 = arith.constant 2 : i32
        %mul3A_400 = arith.muli %mul3A_399, %scan3A_120 : i32
        %add3A_401 = arith.constant 3 : i32
        %add3A_402 = arith.addi %mul3A_400, %add3A_401 : i32
        %mul3A_403 = arith.constant 64 : i32
        %mul3A_404 = arith.muli %add3A, %mul3A_403 : i32
        %mul3A_405 = arith.constant 2048 : i32
        %mul3A_406 = arith.muli %add3A_402, %mul3A_405 : i32
        %add3A_407 = arith.addi %mul3A_404, %mul3A_406 : i32
        %dma_start3A_408 = arith.constant 0 : i32
        %dma_start3A_409 = tpu.memref_slice %arg2[%dma_start3A_408, %add3A_407] : memref<2x320000xi32, #tpu.memory_space<hbm>> -> memref<2x64xi32, #tpu.memory_space<hbm>>
        %dma_start3A_410 = arith.constant 0 : i32
        %dma_start3A_411 = tpu.memref_slice %arg2[%dma_start3A_410, %add3A_407] : memref<2x320000xi32, #tpu.memory_space<hbm>> -> memref<2x64xi32, #tpu.memory_space<hbm>>
        tpu.enqueue_dma source(%dma_start3A_411 : memref<2x64xi32, #tpu.memory_space<hbm>>) target(%arg8 : memref<2x64xi32, #tpu.memory_space<vmem>>) target_semaphore(%arg24 : memref<!tpu.dma_semaphore, #tpu.memory_space<semaphore_mem>>)
      } else {
      }
      %dma_wait3A_263 = arith.constant 0 : i32
      %dma_wait3A_264 = arith.constant 0 : i32
      %dma_wait3A_265 = tpu.memref_slice %arg3[%dma_wait3A_263, %dma_wait3A_264] : memref<10000x16xf32, #tpu.memory_space<hbm>> -> memref<10000x16xf32, #tpu.memory_space<hbm>>
      tpu.wait_indirect_dma semaphore(%arg26 : memref<!tpu.dma_semaphore, #tpu.memory_space<semaphore_mem>>) src(%dma_wait3A_265 : memref<10000x16xf32, #tpu.memory_space<hbm>>) dst(%arg17 : memref<64x16xf32, #tpu.memory_space<vmem>>)
      %dma_wait3A_266 = arith.constant 0 : i32
      %dma_wait3A_267 = arith.constant 0 : i32
      %dma_wait3A_268 = tpu.memref_slice %arg4[%dma_wait3A_266, %dma_wait3A_267] : memref<10000x144xf32, #tpu.memory_space<hbm>> -> memref<10000x144xf32, #tpu.memory_space<hbm>>
      tpu.wait_indirect_dma semaphore(%arg28 : memref<!tpu.dma_semaphore, #tpu.memory_space<semaphore_mem>>) src(%dma_wait3A_268 : memref<10000x144xf32, #tpu.memory_space<hbm>>) dst(%arg19 : memref<64x144xf32, #tpu.memory_space<vmem>>)
      %gt3A_269 = arith.constant 0 : i32
      %gt3A_270 = arith.cmpi sgt, %scan3A_120, %gt3A_269 : i32
      %convert_element_type3A_271 = arith.extui %gt3A_270 : i1 to i32
      %cond3A_272 = arith.constant 0 : i32
      %cond3A_273 = arith.cmpi ne, %convert_element_type3A_271, %cond3A_272 : i32
      scf.if %cond3A_273 {
        %dma_wait3A_308 = arith.constant 0 : i32
        %dma_wait3A_309 = arith.constant 0 : i32
        %dma_wait3A_310 = tpu.memref_slice %arg22[%dma_wait3A_308, %dma_wait3A_309] : memref<10000x144xf32, #tpu.memory_space<vmem_shared>> -> memref<10000x144xf32, #tpu.memory_space<vmem_shared>>
        tpu.wait_indirect_dma semaphore(%arg30 : memref<!tpu.dma_semaphore, #tpu.memory_space<semaphore_mem>>) src(%arg21 : memref<64x144xf32, #tpu.memory_space<vmem>>) dst(%dma_wait3A_310 : memref<10000x144xf32, #tpu.memory_space<vmem_shared>>)
      } else {
      }
      %parallel_loop3A_274 = arith.constant 0 : i32
      %parallel_loop3A_275 = arith.constant 64 : i32
      %parallel_loop3A_276 = arith.constant 1 : i32
      scf.for %parallel_loop3A_308 = %parallel_loop3A_274 to %parallel_loop3A_275 step %parallel_loop3A_276  : i32 {
        %parallel_loop3A_309 = arith.index_cast %parallel_loop3A_308 : i32 to index
        %parallel_loop3A_310 = arith.constant 128 : index
        %parallel_loop3A_311 = tpu.vector_load %arg19[%parallel_loop3A_309, %parallel_loop3A_310] {strides = array<i32>} : memref<64x144xf32, #tpu.memory_space<vmem>>, vector<1x16xf32>,
        %parallel_loop3A_312 = vector.shape_cast %parallel_loop3A_311 : vector<1x16xf32> to vector<16xf32>
        %parallel_loop3A_313 = arith.index_cast %parallel_loop3A_308 : i32 to index
        %parallel_loop3A_314 = arith.constant 0 : index
        %parallel_loop3A_315 = tpu.vector_load %arg17[%parallel_loop3A_313, %parallel_loop3A_314] {strides = array<i32>} : memref<64x16xf32, #tpu.memory_space<vmem>>, vector<1x16xf32>,
        %parallel_loop3A_316 = vector.shape_cast %parallel_loop3A_315 : vector<1x16xf32> to vector<16xf32>
        %parallel_loop3A_317 = arith.addf %parallel_loop3A_312, %parallel_loop3A_316 : vector<16xf32>
        %parallel_loop3A_318 = arith.constant 2.000000e-01 : f32
        %parallel_loop3A_319 = vector.broadcast %parallel_loop3A_318 : f32 to vector<16xf32>
        %parallel_loop3A_320 = arith.mulf %parallel_loop3A_319, %parallel_loop3A_317 : vector<16xf32>
        %parallel_loop3A_321 = arith.maximumf %parallel_loop3A_317, %parallel_loop3A_320 : vector<16xf32>
        %parallel_loop3A_322 = math.exp %parallel_loop3A_321 : vector<16xf32>
        %parallel_loop3A_323 = arith.index_cast %parallel_loop3A_308 : i32 to index
        %parallel_loop3A_324 = arith.constant 128 : index
        %parallel_loop3A_325 = tpu.vector_load %arg21[%parallel_loop3A_323, %parallel_loop3A_324] {strides = array<i32>} : memref<64x144xf32, #tpu.memory_space<vmem>>, vector<1x16xf32>,
        %parallel_loop3A_326 = vector.shape_cast %parallel_loop3A_325 : vector<1x16xf32> to vector<16xf32>
        %parallel_loop3A_327 = vector.shape_cast %parallel_loop3A_322 : vector<16xf32> to vector<1x16xf32>
        tpu.vector_store %arg21[%parallel_loop3A_323, %parallel_loop3A_324], %parallel_loop3A_327 {strides = array<i32>} : memref<64x144xf32, #tpu.memory_space<vmem>>, vector<1x16xf32>,
        %parallel_loop3A_328 = arith.constant 0 : i32
        %parallel_loop3A_329 = vector.broadcast %parallel_loop3A_328 : i32 to vector<16x1xi32>
        %parallel_loop3A_330 = vector.shape_cast %parallel_loop3A_329 : vector<16x1xi32> to vector<16xi32>
        %parallel_loop3A_331 = tpu.dynamic_gather %parallel_loop3A_322[%parallel_loop3A_330] in [0] : vector<16xf32>, vector<16xi32> -> vector<16xf32>
        %parallel_loop3A_332 = arith.index_cast %parallel_loop3A_308 : i32 to index
        %parallel_loop3A_333 = arith.constant 0 : index
        %parallel_loop3A_334 = tpu.vector_load %arg19[%parallel_loop3A_332, %parallel_loop3A_333] {strides = array<i32>} : memref<64x144xf32, #tpu.memory_space<vmem>>, vector<1x16xf32>,
        %parallel_loop3A_335 = vector.shape_cast %parallel_loop3A_334 : vector<1x16xf32> to vector<16xf32>
        %parallel_loop3A_336 = arith.mulf %parallel_loop3A_335, %parallel_loop3A_331 : vector<16xf32>
        %parallel_loop3A_337 = arith.index_cast %parallel_loop3A_308 : i32 to index
        %parallel_loop3A_338 = arith.constant 0 : index
        %parallel_loop3A_339 = tpu.vector_load %arg21[%parallel_loop3A_337, %parallel_loop3A_338] {strides = array<i32>} : memref<64x144xf32, #tpu.memory_space<vmem>>, vector<1x16xf32>,
        %parallel_loop3A_340 = vector.shape_cast %parallel_loop3A_339 : vector<1x16xf32> to vector<16xf32>
        %parallel_loop3A_341 = vector.shape_cast %parallel_loop3A_336 : vector<16xf32> to vector<1x16xf32>
        tpu.vector_store %arg21[%parallel_loop3A_337, %parallel_loop3A_338], %parallel_loop3A_341 {strides = array<i32>} : memref<64x144xf32, #tpu.memory_space<vmem>>, vector<1x16xf32>,
        %parallel_loop3A_342 = arith.constant 1 : i32
        %parallel_loop3A_343 = vector.broadcast %parallel_loop3A_342 : i32 to vector<16x1xi32>
        %parallel_loop3A_344 = vector.shape_cast %parallel_loop3A_343 : vector<16x1xi32> to vector<16xi32>
        %parallel_loop3A_345 = tpu.dynamic_gather %parallel_loop3A_322[%parallel_loop3A_344] in [0] : vector<16xf32>, vector<16xi32> -> vector<16xf32>
        %parallel_loop3A_346 = arith.index_cast %parallel_loop3A_308 : i32 to index
        %parallel_loop3A_347 = arith.constant 16 : index
        %parallel_loop3A_348 = tpu.vector_load %arg19[%parallel_loop3A_346, %parallel_loop3A_347] {strides = array<i32>} : memref<64x144xf32, #tpu.memory_space<vmem>>, vector<1x16xf32>,
        %parallel_loop3A_349 = vector.shape_cast %parallel_loop3A_348 : vector<1x16xf32> to vector<16xf32>
        %parallel_loop3A_350 = arith.mulf %parallel_loop3A_349, %parallel_loop3A_345 : vector<16xf32>
        %parallel_loop3A_351 = arith.index_cast %parallel_loop3A_308 : i32 to index
        %parallel_loop3A_352 = arith.constant 16 : index
        %parallel_loop3A_353 = tpu.vector_load %arg21[%parallel_loop3A_351, %parallel_loop3A_352] {strides = array<i32>} : memref<64x144xf32, #tpu.memory_space<vmem>>, vector<1x16xf32>,
        %parallel_loop3A_354 = vector.shape_cast %parallel_loop3A_353 : vector<1x16xf32> to vector<16xf32>
        %parallel_loop3A_355 = vector.shape_cast %parallel_loop3A_350 : vector<16xf32> to vector<1x16xf32>
        tpu.vector_store %arg21[%parallel_loop3A_351, %parallel_loop3A_352], %parallel_loop3A_355 {strides = array<i32>} : memref<64x144xf32, #tpu.memory_space<vmem>>, vector<1x16xf32>,
        %parallel_loop3A_356 = arith.constant 2 : i32
        %parallel_loop3A_357 = vector.broadcast %parallel_loop3A_356 : i32 to vector<16x1xi32>
        %parallel_loop3A_358 = vector.shape_cast %parallel_loop3A_357 : vector<16x1xi32> to vector<16xi32>
        %parallel_loop3A_359 = tpu.dynamic_gather %parallel_loop3A_322[%parallel_loop3A_358] in [0] : vector<16xf32>, vector<16xi32> -> vector<16xf32>
        %parallel_loop3A_360 = arith.index_cast %parallel_loop3A_308 : i32 to index
        %parallel_loop3A_361 = arith.constant 32 : index
        %parallel_loop3A_362 = tpu.vector_load %arg19[%parallel_loop3A_360, %parallel_loop3A_361] {strides = array<i32>} : memref<64x144xf32, #tpu.memory_space<vmem>>, vector<1x16xf32>,
        %parallel_loop3A_363 = vector.shape_cast %parallel_loop3A_362 : vector<1x16xf32> to vector<16xf32>
        %parallel_loop3A_364 = arith.mulf %parallel_loop3A_363, %parallel_loop3A_359 : vector<16xf32>
        %parallel_loop3A_365 = arith.index_cast %parallel_loop3A_308 : i32 to index
        %parallel_loop3A_366 = arith.constant 32 : index
        %parallel_loop3A_367 = tpu.vector_load %arg21[%parallel_loop3A_365, %parallel_loop3A_366] {strides = array<i32>} : memref<64x144xf32, #tpu.memory_space<vmem>>, vector<1x16xf32>,
        %parallel_loop3A_368 = vector.shape_cast %parallel_loop3A_367 : vector<1x16xf32> to vector<16xf32>
        %parallel_loop3A_369 = vector.shape_cast %parallel_loop3A_364 : vector<16xf32> to vector<1x16xf32>
        tpu.vector_store %arg21[%parallel_loop3A_365, %parallel_loop3A_366], %parallel_loop3A_369 {strides = array<i32>} : memref<64x144xf32, #tpu.memory_space<vmem>>, vector<1x16xf32>,
        %parallel_loop3A_370 = arith.constant 3 : i32
        %parallel_loop3A_371 = vector.broadcast %parallel_loop3A_370 : i32 to vector<16x1xi32>
        %parallel_loop3A_372 = vector.shape_cast %parallel_loop3A_371 : vector<16x1xi32> to vector<16xi32>
        %parallel_loop3A_373 = tpu.dynamic_gather %parallel_loop3A_322[%parallel_loop3A_372] in [0] : vector<16xf32>, vector<16xi32> -> vector<16xf32>
        %parallel_loop3A_374 = arith.index_cast %parallel_loop3A_308 : i32 to index
        %parallel_loop3A_375 = arith.constant 48 : index
        %parallel_loop3A_376 = tpu.vector_load %arg19[%parallel_loop3A_374, %parallel_loop3A_375] {strides = array<i32>} : memref<64x144xf32, #tpu.memory_space<vmem>>, vector<1x16xf32>,
        %parallel_loop3A_377 = vector.shape_cast %parallel_loop3A_376 : vector<1x16xf32> to vector<16xf32>
        %parallel_loop3A_378 = arith.mulf %parallel_loop3A_377, %parallel_loop3A_373 : vector<16xf32>
        %parallel_loop3A_379 = arith.index_cast %parallel_loop3A_308 : i32 to index
        %parallel_loop3A_380 = arith.constant 48 : index
        %parallel_loop3A_381 = tpu.vector_load %arg21[%parallel_loop3A_379, %parallel_loop3A_380] {strides = array<i32>} : memref<64x144xf32, #tpu.memory_space<vmem>>, vector<1x16xf32>,
        %parallel_loop3A_382 = vector.shape_cast %parallel_loop3A_381 : vector<1x16xf32> to vector<16xf32>
        %parallel_loop3A_383 = vector.shape_cast %parallel_loop3A_378 : vector<16xf32> to vector<1x16xf32>
        tpu.vector_store %arg21[%parallel_loop3A_379, %parallel_loop3A_380], %parallel_loop3A_383 {strides = array<i32>} : memref<64x144xf32, #tpu.memory_space<vmem>>, vector<1x16xf32>,
        %parallel_loop3A_384 = arith.constant 4 : i32
        %parallel_loop3A_385 = vector.broadcast %parallel_loop3A_384 : i32 to vector<16x1xi32>
        %parallel_loop3A_386 = vector.shape_cast %parallel_loop3A_385 : vector<16x1xi32> to vector<16xi32>
        %parallel_loop3A_387 = tpu.dynamic_gather %parallel_loop3A_322[%parallel_loop3A_386] in [0] : vector<16xf32>, vector<16xi32> -> vector<16xf32>
        %parallel_loop3A_388 = arith.index_cast %parallel_loop3A_308 : i32 to index
        %parallel_loop3A_389 = arith.constant 64 : index
        %parallel_loop3A_390 = tpu.vector_load %arg19[%parallel_loop3A_388, %parallel_loop3A_389] {strides = array<i32>} : memref<64x144xf32, #tpu.memory_space<vmem>>, vector<1x16xf32>,
        %parallel_loop3A_391 = vector.shape_cast %parallel_loop3A_390 : vector<1x16xf32> to vector<16xf32>
        %parallel_loop3A_392 = arith.mulf %parallel_loop3A_391, %parallel_loop3A_387 : vector<16xf32>
        %parallel_loop3A_393 = arith.index_cast %parallel_loop3A_308 : i32 to index
        %parallel_loop3A_394 = arith.constant 64 : index
        %parallel_loop3A_395 = tpu.vector_load %arg21[%parallel_loop3A_393, %parallel_loop3A_394] {strides = array<i32>} : memref<64x144xf32, #tpu.memory_space<vmem>>, vector<1x16xf32>,
        %parallel_loop3A_396 = vector.shape_cast %parallel_loop3A_395 : vector<1x16xf32> to vector<16xf32>
        %parallel_loop3A_397 = vector.shape_cast %parallel_loop3A_392 : vector<16xf32> to vector<1x16xf32>
        tpu.vector_store %arg21[%parallel_loop3A_393, %parallel_loop3A_394], %parallel_loop3A_397 {strides = array<i32>} : memref<64x144xf32, #tpu.memory_space<vmem>>, vector<1x16xf32>,
        %parallel_loop3A_398 = arith.constant 5 : i32
        %parallel_loop3A_399 = vector.broadcast %parallel_loop3A_398 : i32 to vector<16x1xi32>
        %parallel_loop3A_400 = vector.shape_cast %parallel_loop3A_399 : vector<16x1xi32> to vector<16xi32>
        %parallel_loop3A_401 = tpu.dynamic_gather %parallel_loop3A_322[%parallel_loop3A_400] in [0] : vector<16xf32>, vector<16xi32> -> vector<16xf32>
        %parallel_loop3A_402 = arith.index_cast %parallel_loop3A_308 : i32 to index
        %parallel_loop3A_403 = arith.constant 80 : index
        %parallel_loop3A_404 = tpu.vector_load %arg19[%parallel_loop3A_402, %parallel_loop3A_403] {strides = array<i32>} : memref<64x144xf32, #tpu.memory_space<vmem>>, vector<1x16xf32>,
        %parallel_loop3A_405 = vector.shape_cast %parallel_loop3A_404 : vector<1x16xf32> to vector<16xf32>
        %parallel_loop3A_406 = arith.mulf %parallel_loop3A_405, %parallel_loop3A_401 : vector<16xf32>
        %parallel_loop3A_407 = arith.index_cast %parallel_loop3A_308 : i32 to index
        %parallel_loop3A_408 = arith.constant 80 : index
        %parallel_loop3A_409 = tpu.vector_load %arg21[%parallel_loop3A_407, %parallel_loop3A_408] {strides = array<i32>} : memref<64x144xf32, #tpu.memory_space<vmem>>, vector<1x16xf32>,
        %parallel_loop3A_410 = vector.shape_cast %parallel_loop3A_409 : vector<1x16xf32> to vector<16xf32>
        %parallel_loop3A_411 = vector.shape_cast %parallel_loop3A_406 : vector<16xf32> to vector<1x16xf32>
        tpu.vector_store %arg21[%parallel_loop3A_407, %parallel_loop3A_408], %parallel_loop3A_411 {strides = array<i32>} : memref<64x144xf32, #tpu.memory_space<vmem>>, vector<1x16xf32>,
        %parallel_loop3A_412 = arith.constant 6 : i32
        %parallel_loop3A_413 = vector.broadcast %parallel_loop3A_412 : i32 to vector<16x1xi32>
        %parallel_loop3A_414 = vector.shape_cast %parallel_loop3A_413 : vector<16x1xi32> to vector<16xi32>
        %parallel_loop3A_415 = tpu.dynamic_gather %parallel_loop3A_322[%parallel_loop3A_414] in [0] : vector<16xf32>, vector<16xi32> -> vector<16xf32>
        %parallel_loop3A_416 = arith.index_cast %parallel_loop3A_308 : i32 to index
        %parallel_loop3A_417 = arith.constant 96 : index
        %parallel_loop3A_418 = tpu.vector_load %arg19[%parallel_loop3A_416, %parallel_loop3A_417] {strides = array<i32>} : memref<64x144xf32, #tpu.memory_space<vmem>>, vector<1x16xf32>,
        %parallel_loop3A_419 = vector.shape_cast %parallel_loop3A_418 : vector<1x16xf32> to vector<16xf32>
        %parallel_loop3A_420 = arith.mulf %parallel_loop3A_419, %parallel_loop3A_415 : vector<16xf32>
        %parallel_loop3A_421 = arith.index_cast %parallel_loop3A_308 : i32 to index
        %parallel_loop3A_422 = arith.constant 96 : index
        %parallel_loop3A_423 = tpu.vector_load %arg21[%parallel_loop3A_421, %parallel_loop3A_422] {strides = array<i32>} : memref<64x144xf32, #tpu.memory_space<vmem>>, vector<1x16xf32>,
        %parallel_loop3A_424 = vector.shape_cast %parallel_loop3A_423 : vector<1x16xf32> to vector<16xf32>
        %parallel_loop3A_425 = vector.shape_cast %parallel_loop3A_420 : vector<16xf32> to vector<1x16xf32>
        tpu.vector_store %arg21[%parallel_loop3A_421, %parallel_loop3A_422], %parallel_loop3A_425 {strides = array<i32>} : memref<64x144xf32, #tpu.memory_space<vmem>>, vector<1x16xf32>,
        %parallel_loop3A_426 = arith.constant 7 : i32
        %parallel_loop3A_427 = vector.broadcast %parallel_loop3A_426 : i32 to vector<16x1xi32>
        %parallel_loop3A_428 = vector.shape_cast %parallel_loop3A_427 : vector<16x1xi32> to vector<16xi32>
        %parallel_loop3A_429 = tpu.dynamic_gather %parallel_loop3A_322[%parallel_loop3A_428] in [0] : vector<16xf32>, vector<16xi32> -> vector<16xf32>
        %parallel_loop3A_430 = arith.index_cast %parallel_loop3A_308 : i32 to index
        %parallel_loop3A_431 = arith.constant 112 : index
        %parallel_loop3A_432 = tpu.vector_load %arg19[%parallel_loop3A_430, %parallel_loop3A_431] {strides = array<i32>} : memref<64x144xf32, #tpu.memory_space<vmem>>, vector<1x16xf32>,
        %parallel_loop3A_433 = vector.shape_cast %parallel_loop3A_432 : vector<1x16xf32> to vector<16xf32>
        %parallel_loop3A_434 = arith.mulf %parallel_loop3A_433, %parallel_loop3A_429 : vector<16xf32>
        %parallel_loop3A_435 = arith.index_cast %parallel_loop3A_308 : i32 to index
        %parallel_loop3A_436 = arith.constant 112 : index
        %parallel_loop3A_437 = tpu.vector_load %arg21[%parallel_loop3A_435, %parallel_loop3A_436] {strides = array<i32>} : memref<64x144xf32, #tpu.memory_space<vmem>>, vector<1x16xf32>,
        %parallel_loop3A_438 = vector.shape_cast %parallel_loop3A_437 : vector<1x16xf32> to vector<16xf32>
        %parallel_loop3A_439 = vector.shape_cast %parallel_loop3A_434 : vector<16xf32> to vector<1x16xf32>
        tpu.vector_store %arg21[%parallel_loop3A_435, %parallel_loop3A_436], %parallel_loop3A_439 {strides = array<i32>} : memref<64x144xf32, #tpu.memory_space<vmem>>, vector<1x16xf32>,
      } {sc.loop_unroll_factor = 8 : i64, sc.parallel_access}
      %get3A_277 = arith.constant 0 : index
      %get3A_278 = tpu.vector_load %arg12[%get3A_277] {strides = array<i32>} : memref<64xi32, #tpu.memory_space<vmem>>, vector<16xi32>,
      %get3A_279 = vector.shape_cast %get3A_278 : vector<16xi32> to vector<16xi32>
      %swap3A_280 = arith.constant 0 : index
      %swap3A_281 = tpu.vector_load %arg14[%swap3A_280] {strides = array<i32>} : memref<64xi32, #tpu.memory_space<vmem>>, vector<16xi32>,
      %swap3A_282 = vector.shape_cast %swap3A_281 : vector<16xi32> to vector<16xi32>
      %swap3A_283 = vector.shape_cast %get3A_279 : vector<16xi32> to vector<16xi32>
      tpu.vector_store %arg14[%swap3A_280], %swap3A_283 {strides = array<i32>} : memref<64xi32, #tpu.memory_space<vmem>>, vector<16xi32>,
      %get3A_284 = arith.constant 16 : index
      %get3A_285 = tpu.vector_load %arg12[%get3A_284] {strides = array<i32>} : memref<64xi32, #tpu.memory_space<vmem>>, vector<16xi32>,
      %get3A_286 = vector.shape_cast %get3A_285 : vector<16xi32> to vector<16xi32>
      %swap3A_287 = arith.constant 16 : index
      %swap3A_288 = tpu.vector_load %arg14[%swap3A_287] {strides = array<i32>} : memref<64xi32, #tpu.memory_space<vmem>>, vector<16xi32>,
      %swap3A_289 = vector.shape_cast %swap3A_288 : vector<16xi32> to vector<16xi32>
      %swap3A_290 = vector.shape_cast %get3A_286 : vector<16xi32> to vector<16xi32>
      tpu.vector_store %arg14[%swap3A_287], %swap3A_290 {strides = array<i32>} : memref<64xi32, #tpu.memory_space<vmem>>, vector<16xi32>,
      %get3A_291 = arith.constant 32 : index
      %get3A_292 = tpu.vector_load %arg12[%get3A_291] {strides = array<i32>} : memref<64xi32, #tpu.memory_space<vmem>>, vector<16xi32>,
      %get3A_293 = vector.shape_cast %get3A_292 : vector<16xi32> to vector<16xi32>
      %swap3A_294 = arith.constant 32 : index
      %swap3A_295 = tpu.vector_load %arg14[%swap3A_294] {strides = array<i32>} : memref<64xi32, #tpu.memory_space<vmem>>, vector<16xi32>,
      %swap3A_296 = vector.shape_cast %swap3A_295 : vector<16xi32> to vector<16xi32>
      %swap3A_297 = vector.shape_cast %get3A_293 : vector<16xi32> to vector<16xi32>
      tpu.vector_store %arg14[%swap3A_294], %swap3A_297 {strides = array<i32>} : memref<64xi32, #tpu.memory_space<vmem>>, vector<16xi32>,
      %get3A_298 = arith.constant 48 : index
      %get3A_299 = tpu.vector_load %arg12[%get3A_298] {strides = array<i32>} : memref<64xi32, #tpu.memory_space<vmem>>, vector<16xi32>,
      %get3A_300 = vector.shape_cast %get3A_299 : vector<16xi32> to vector<16xi32>
      %swap3A_301 = arith.constant 48 : index
      %swap3A_302 = tpu.vector_load %arg14[%swap3A_301] {strides = array<i32>} : memref<64xi32, #tpu.memory_space<vmem>>, vector<16xi32>,
      %swap3A_303 = vector.shape_cast %swap3A_302 : vector<16xi32> to vector<16xi32>
      %swap3A_304 = vector.shape_cast %get3A_300 : vector<16xi32> to vector<16xi32>
      tpu.vector_store %arg14[%swap3A_301], %swap3A_304 {strides = array<i32>} : memref<64xi32, #tpu.memory_space<vmem>>, vector<16xi32>,
      %dma_start3A_305 = arith.constant 0 : i32
      %dma_start3A_306 = arith.constant 0 : i32
      %dma_start3A_307 = tpu.memref_slice %arg22[%dma_start3A_305, %dma_start3A_306] : memref<10000x144xf32, #tpu.memory_space<vmem_shared>> -> memref<10000x144xf32, #tpu.memory_space<vmem_shared>>
      tpu.enqueue_indirect_dma source(%arg21 : memref<64x144xf32, #tpu.memory_space<vmem>>) target(%dma_start3A_307 : memref<10000x144xf32, #tpu.memory_space<vmem_shared>>) offsets(%arg14 : memref<64xi32, #tpu.memory_space<vmem>>) semaphore(%arg30 : memref<!tpu.dma_semaphore, #tpu.memory_space<semaphore_mem>>) {add = true}
    }
    %scan3A_105 = arith.constant 78 : i32
    %dma_wait3A_106 = arith.constant 0 : i32
    %dma_wait3A_107 = arith.constant 0 : i32
    %dma_wait3A_108 = tpu.memref_slice %arg22[%dma_wait3A_106, %dma_wait3A_107] : memref<10000x144xf32, #tpu.memory_space<vmem_shared>> -> memref<10000x144xf32, #tpu.memory_space<vmem_shared>>
    tpu.wait_indirect_dma semaphore(%arg29 : memref<!tpu.dma_semaphore, #tpu.memory_space<semaphore_mem>>) src(%arg20 : memref<64x144xf32, #tpu.memory_space<vmem>>) dst(%dma_wait3A_108 : memref<10000x144xf32, #tpu.memory_space<vmem_shared>>)
    %dma_wait3A_109 = arith.constant 0 : i32
    %dma_wait3A_110 = arith.constant 0 : i32
    %dma_wait3A_111 = tpu.memref_slice %arg22[%dma_wait3A_109, %dma_wait3A_110] : memref<10000x144xf32, #tpu.memory_space<vmem_shared>> -> memref<10000x144xf32, #tpu.memory_space<vmem_shared>>
    tpu.wait_indirect_dma semaphore(%arg30 : memref<!tpu.dma_semaphore, #tpu.memory_space<semaphore_mem>>) src(%arg21 : memref<64x144xf32, #tpu.memory_space<vmem>>) dst(%dma_wait3A_111 : memref<10000x144xf32, #tpu.memory_space<vmem_shared>>)
    %mul3A_112 = arith.constant 16 : i32
    %mul3A_113 = arith.muli %add3A, %mul3A_112 : i32
    %add3A_114 = arith.constant 319488 : i32
    %add3A_115 = arith.addi %add3A_114, %mul3A_113 : i32
    %run_scoped3A = arith.constant 0 : i32
    "tpu.region"() ({
      %run_scoped3A_120 = tpu.sem_alloc : memref<!tpu.dma_semaphore, #tpu.memory_space<semaphore_mem>>
      %dma_start3A_121 = arith.constant 0 : i32
      %dma_start3A_122 = tpu.memref_slice %arg9[%dma_start3A_121] : memref<64xi32, #tpu.memory_space<vmem>> -> memref<16xi32, #tpu.memory_space<vmem>>
      %dma_start3A_123 = tpu.memref_slice %arg2[%run_scoped3A, %add3A_115] : memref<2x320000xi32, #tpu.memory_space<hbm>> -> memref<1x16xi32, #tpu.memory_space<hbm>>
      %dma_start3A_124 = tpu.memref_squeeze %dma_start3A_123 : memref<1x16xi32, #tpu.memory_space<hbm>> -> memref<16xi32, #tpu.memory_space<hbm>>
      %dma_start3A_125 = arith.constant 0 : i32
      %dma_start3A_126 = tpu.memref_slice %arg9[%dma_start3A_125] : memref<64xi32, #tpu.memory_space<vmem>> -> memref<16xi32, #tpu.memory_space<vmem>>
      %dma_start3A_127 = tpu.memref_slice %arg2[%run_scoped3A, %add3A_115] : memref<2x320000xi32, #tpu.memory_space<hbm>> -> memref<1x16xi32, #tpu.memory_space<hbm>>
      %dma_start3A_128 = tpu.memref_squeeze %dma_start3A_127 : memref<1x16xi32, #tpu.memory_space<hbm>> -> memref<16xi32, #tpu.memory_space<hbm>>
      tpu.enqueue_dma source(%dma_start3A_128 : memref<16xi32, #tpu.memory_space<hbm>>) target(%dma_start3A_126 : memref<16xi32, #tpu.memory_space<vmem>>) target_semaphore(%run_scoped3A_120 : memref<!tpu.dma_semaphore, #tpu.memory_space<semaphore_mem>>)
      %dma_wait3A_129 = arith.constant 0 : i32
      %dma_wait3A_130 = tpu.memref_slice %arg9[%dma_wait3A_129] : memref<64xi32, #tpu.memory_space<vmem>> -> memref<16xi32, #tpu.memory_space<vmem>>
      %dma_wait3A_131 = tpu.memref_slice %arg2[%run_scoped3A, %add3A_115] : memref<2x320000xi32, #tpu.memory_space<hbm>> -> memref<1x16xi32, #tpu.memory_space<hbm>>
      %dma_wait3A_132 = tpu.memref_squeeze %dma_wait3A_131 : memref<1x16xi32, #tpu.memory_space<hbm>> -> memref<16xi32, #tpu.memory_space<hbm>>
      %dma_wait3A_133 = arith.constant 0 : i32
      %dma_wait3A_134 = tpu.memref_slice %arg9[%dma_wait3A_133] : memref<64xi32, #tpu.memory_space<vmem>> -> memref<16xi32, #tpu.memory_space<vmem>>
      %dma_wait3A_135 = tpu.memref_slice %arg2[%run_scoped3A, %add3A_115] : memref<2x320000xi32, #tpu.memory_space<hbm>> -> memref<1x16xi32, #tpu.memory_space<hbm>>
      %dma_wait3A_136 = tpu.memref_squeeze %dma_wait3A_135 : memref<1x16xi32, #tpu.memory_space<hbm>> -> memref<16xi32, #tpu.memory_space<hbm>>
      tpu.wait_dma2 semaphore(%run_scoped3A_120 : memref<!tpu.dma_semaphore, #tpu.memory_space<semaphore_mem>>) src(%dma_wait3A_136 : memref<16xi32, #tpu.memory_space<hbm>>) dst(%dma_wait3A_134 : memref<16xi32, #tpu.memory_space<vmem>>)
      tpu.yield
    }) : () -> ()
    %run_scoped3A_116 = arith.constant 1 : i32
    "tpu.region"() ({
      %run_scoped3A_120 = tpu.sem_alloc : memref<!tpu.dma_semaphore, #tpu.memory_space<semaphore_mem>>
      %dma_start3A_121 = tpu.memref_slice %arg2[%run_scoped3A_116, %add3A_115] : memref<2x320000xi32, #tpu.memory_space<hbm>> -> memref<1x16xi32, #tpu.memory_space<hbm>>
      %dma_start3A_122 = tpu.memref_squeeze %dma_start3A_121 : memref<1x16xi32, #tpu.memory_space<hbm>> -> memref<16xi32, #tpu.memory_space<hbm>>
      %dma_start3A_123 = tpu.memref_slice %arg2[%run_scoped3A_116, %add3A_115] : memref<2x320000xi32, #tpu.memory_space<hbm>> -> memref<1x16xi32, #tpu.memory_space<hbm>>
      %dma_start3A_124 = tpu.memref_squeeze %dma_start3A_123 : memref<1x16xi32, #tpu.memory_space<hbm>> -> memref<16xi32, #tpu.memory_space<hbm>>
      tpu.enqueue_dma source(%dma_start3A_124 : memref<16xi32, #tpu.memory_space<hbm>>) target(%arg15 : memref<16xi32, #tpu.memory_space<vmem>>) target_semaphore(%run_scoped3A_120 : memref<!tpu.dma_semaphore, #tpu.memory_space<semaphore_mem>>)
      %dma_wait3A_125 = tpu.memref_slice %arg2[%run_scoped3A_116, %add3A_115] : memref<2x320000xi32, #tpu.memory_space<hbm>> -> memref<1x16xi32, #tpu.memory_space<hbm>>
      %dma_wait3A_126 = tpu.memref_squeeze %dma_wait3A_125 : memref<1x16xi32, #tpu.memory_space<hbm>> -> memref<16xi32, #tpu.memory_space<hbm>>
      %dma_wait3A_127 = tpu.memref_slice %arg2[%run_scoped3A_116, %add3A_115] : memref<2x320000xi32, #tpu.memory_space<hbm>> -> memref<1x16xi32, #tpu.memory_space<hbm>>
      %dma_wait3A_128 = tpu.memref_squeeze %dma_wait3A_127 : memref<1x16xi32, #tpu.memory_space<hbm>> -> memref<16xi32, #tpu.memory_space<hbm>>
      tpu.wait_dma2 semaphore(%run_scoped3A_120 : memref<!tpu.dma_semaphore, #tpu.memory_space<semaphore_mem>>) src(%dma_wait3A_128 : memref<16xi32, #tpu.memory_space<hbm>>) dst(%arg15 : memref<16xi32, #tpu.memory_space<vmem>>)
      tpu.yield
    }) : () -> ()
    "tpu.region"() ({
      %run_scoped3A_120 = tpu.sem_alloc : memref<!tpu.dma_semaphore, #tpu.memory_space<semaphore_mem>>
      %dma_start3A_121 = arith.constant 0 : i32
      %dma_start3A_122 = arith.constant 0 : i32
      %dma_start3A_123 = tpu.memref_slice %arg16[%dma_start3A_121, %dma_start3A_122] : memref<64x16xf32, #tpu.memory_space<vmem>> -> memref<16x16xf32, #tpu.memory_space<vmem>>
      %dma_start3A_124 = arith.constant 0 : i32
      %dma_start3A_125 = arith.constant 0 : i32
      %dma_start3A_126 = tpu.memref_slice %arg3[%dma_start3A_124, %dma_start3A_125] : memref<10000x16xf32, #tpu.memory_space<hbm>> -> memref<10000x16xf32, #tpu.memory_space<hbm>>
      tpu.enqueue_indirect_dma source(%dma_start3A_126 : memref<10000x16xf32, #tpu.memory_space<hbm>>) target(%dma_start3A_123 : memref<16x16xf32, #tpu.memory_space<vmem>>) offsets(%arg15 : memref<16xi32, #tpu.memory_space<vmem>>) semaphore(%run_scoped3A_120 : memref<!tpu.dma_semaphore, #tpu.memory_space<semaphore_mem>>)
      %dma_wait3A_127 = arith.constant 0 : i32
      %dma_wait3A_128 = arith.constant 0 : i32
      %dma_wait3A_129 = tpu.memref_slice %arg16[%dma_wait3A_127, %dma_wait3A_128] : memref<64x16xf32, #tpu.memory_space<vmem>> -> memref<16x16xf32, #tpu.memory_space<vmem>>
      %dma_wait3A_130 = arith.constant 0 : i32
      %dma_wait3A_131 = arith.constant 0 : i32
      %dma_wait3A_132 = tpu.memref_slice %arg3[%dma_wait3A_130, %dma_wait3A_131] : memref<10000x16xf32, #tpu.memory_space<hbm>> -> memref<10000x16xf32, #tpu.memory_space<hbm>>
      tpu.wait_indirect_dma semaphore(%run_scoped3A_120 : memref<!tpu.dma_semaphore, #tpu.memory_space<semaphore_mem>>) src(%dma_wait3A_132 : memref<10000x16xf32, #tpu.memory_space<hbm>>) dst(%dma_wait3A_129 : memref<16x16xf32, #tpu.memory_space<vmem>>)
      tpu.yield
    }) : () -> ()
    "tpu.region"() ({
      %run_scoped3A_120 = tpu.sem_alloc : memref<!tpu.dma_semaphore, #tpu.memory_space<semaphore_mem>>
      %dma_start3A_121 = arith.constant 0 : i32
      %dma_start3A_122 = arith.constant 0 : i32
      %dma_start3A_123 = tpu.memref_slice %arg18[%dma_start3A_121, %dma_start3A_122] : memref<64x144xf32, #tpu.memory_space<vmem>> -> memref<16x144xf32, #tpu.memory_space<vmem>>
      %dma_start3A_124 = arith.constant 0 : i32
      %dma_start3A_125 = tpu.memref_slice %arg9[%dma_start3A_124] : memref<64xi32, #tpu.memory_space<vmem>> -> memref<16xi32, #tpu.memory_space<vmem>>
      %dma_start3A_126 = arith.constant 0 : i32
      %dma_start3A_127 = arith.constant 0 : i32
      %dma_start3A_128 = tpu.memref_slice %arg4[%dma_start3A_126, %dma_start3A_127] : memref<10000x144xf32, #tpu.memory_space<hbm>> -> memref<10000x144xf32, #tpu.memory_space<hbm>>
      tpu.enqueue_indirect_dma source(%dma_start3A_128 : memref<10000x144xf32, #tpu.memory_space<hbm>>) target(%dma_start3A_123 : memref<16x144xf32, #tpu.memory_space<vmem>>) offsets(%dma_start3A_125 : memref<16xi32, #tpu.memory_space<vmem>>) semaphore(%run_scoped3A_120 : memref<!tpu.dma_semaphore, #tpu.memory_space<semaphore_mem>>)
      %dma_wait3A_129 = arith.constant 0 : i32
      %dma_wait3A_130 = arith.constant 0 : i32
      %dma_wait3A_131 = tpu.memref_slice %arg18[%dma_wait3A_129, %dma_wait3A_130] : memref<64x144xf32, #tpu.memory_space<vmem>> -> memref<16x144xf32, #tpu.memory_space<vmem>>
      %dma_wait3A_132 = arith.constant 0 : i32
      %dma_wait3A_133 = tpu.memref_slice %arg9[%dma_wait3A_132] : memref<64xi32, #tpu.memory_space<vmem>> -> memref<16xi32, #tpu.memory_space<vmem>>
      %dma_wait3A_134 = arith.constant 0 : i32
      %dma_wait3A_135 = arith.constant 0 : i32
      %dma_wait3A_136 = tpu.memref_slice %arg4[%dma_wait3A_134, %dma_wait3A_135] : memref<10000x144xf32, #tpu.memory_space<hbm>> -> memref<10000x144xf32, #tpu.memory_space<hbm>>
      tpu.wait_indirect_dma semaphore(%run_scoped3A_120 : memref<!tpu.dma_semaphore, #tpu.memory_space<semaphore_mem>>) src(%dma_wait3A_136 : memref<10000x144xf32, #tpu.memory_space<hbm>>) dst(%dma_wait3A_131 : memref<16x144xf32, #tpu.memory_space<vmem>>)
      tpu.yield
    }) : () -> ()
    %parallel_loop3A = arith.constant 0 : i32
    %parallel_loop3A_117 = arith.constant 16 : i32
    %parallel_loop3A_118 = arith.constant 1 : i32
    scf.for %parallel_loop3A_120 = %parallel_loop3A to %parallel_loop3A_117 step %parallel_loop3A_118  : i32 {
      %parallel_loop3A_121 = arith.index_cast %parallel_loop3A_120 : i32 to index
      %parallel_loop3A_122 = arith.constant 128 : index
      %parallel_loop3A_123 = tpu.vector_load %arg18[%parallel_loop3A_121, %parallel_loop3A_122] {strides = array<i32>} : memref<64x144xf32, #tpu.memory_space<vmem>>, vector<1x16xf32>,
      %parallel_loop3A_124 = vector.shape_cast %parallel_loop3A_123 : vector<1x16xf32> to vector<16xf32>
      %parallel_loop3A_125 = arith.index_cast %parallel_loop3A_120 : i32 to index
      %parallel_loop3A_126 = arith.constant 0 : index
      %parallel_loop3A_127 = tpu.vector_load %arg16[%parallel_loop3A_125, %parallel_loop3A_126] {strides = array<i32>} : memref<64x16xf32, #tpu.memory_space<vmem>>, vector<1x16xf32>,
      %parallel_loop3A_128 = vector.shape_cast %parallel_loop3A_127 : vector<1x16xf32> to vector<16xf32>
      %parallel_loop3A_129 = arith.addf %parallel_loop3A_124, %parallel_loop3A_128 : vector<16xf32>
      %parallel_loop3A_130 = arith.constant 2.000000e-01 : f32
      %parallel_loop3A_131 = vector.broadcast %parallel_loop3A_130 : f32 to vector<16xf32>
      %parallel_loop3A_132 = arith.mulf %parallel_loop3A_131, %parallel_loop3A_129 : vector<16xf32>
      %parallel_loop3A_133 = arith.maximumf %parallel_loop3A_129, %parallel_loop3A_132 : vector<16xf32>
      %parallel_loop3A_134 = math.exp %parallel_loop3A_133 : vector<16xf32>
      %parallel_loop3A_135 = arith.index_cast %parallel_loop3A_120 : i32 to index
      %parallel_loop3A_136 = arith.constant 128 : index
      %parallel_loop3A_137 = tpu.vector_load %arg20[%parallel_loop3A_135, %parallel_loop3A_136] {strides = array<i32>} : memref<64x144xf32, #tpu.memory_space<vmem>>, vector<1x16xf32>,
      %parallel_loop3A_138 = vector.shape_cast %parallel_loop3A_137 : vector<1x16xf32> to vector<16xf32>
      %parallel_loop3A_139 = vector.shape_cast %parallel_loop3A_134 : vector<16xf32> to vector<1x16xf32>
      tpu.vector_store %arg20[%parallel_loop3A_135, %parallel_loop3A_136], %parallel_loop3A_139 {strides = array<i32>} : memref<64x144xf32, #tpu.memory_space<vmem>>, vector<1x16xf32>,
      %parallel_loop3A_140 = arith.constant 0 : i32
      %parallel_loop3A_141 = vector.broadcast %parallel_loop3A_140 : i32 to vector<16x1xi32>
      %parallel_loop3A_142 = vector.shape_cast %parallel_loop3A_141 : vector<16x1xi32> to vector<16xi32>
      %parallel_loop3A_143 = tpu.dynamic_gather %parallel_loop3A_134[%parallel_loop3A_142] in [0] : vector<16xf32>, vector<16xi32> -> vector<16xf32>
      %parallel_loop3A_144 = arith.index_cast %parallel_loop3A_120 : i32 to index
      %parallel_loop3A_145 = arith.constant 0 : index
      %parallel_loop3A_146 = tpu.vector_load %arg18[%parallel_loop3A_144, %parallel_loop3A_145] {strides = array<i32>} : memref<64x144xf32, #tpu.memory_space<vmem>>, vector<1x16xf32>,
      %parallel_loop3A_147 = vector.shape_cast %parallel_loop3A_146 : vector<1x16xf32> to vector<16xf32>
      %parallel_loop3A_148 = arith.mulf %parallel_loop3A_147, %parallel_loop3A_143 : vector<16xf32>
      %parallel_loop3A_149 = arith.index_cast %parallel_loop3A_120 : i32 to index
      %parallel_loop3A_150 = arith.constant 0 : index
      %parallel_loop3A_151 = tpu.vector_load %arg20[%parallel_loop3A_149, %parallel_loop3A_150] {strides = array<i32>} : memref<64x144xf32, #tpu.memory_space<vmem>>, vector<1x16xf32>,
      %parallel_loop3A_152 = vector.shape_cast %parallel_loop3A_151 : vector<1x16xf32> to vector<16xf32>
      %parallel_loop3A_153 = vector.shape_cast %parallel_loop3A_148 : vector<16xf32> to vector<1x16xf32>
      tpu.vector_store %arg20[%parallel_loop3A_149, %parallel_loop3A_150], %parallel_loop3A_153 {strides = array<i32>} : memref<64x144xf32, #tpu.memory_space<vmem>>, vector<1x16xf32>,
      %parallel_loop3A_154 = arith.constant 1 : i32
      %parallel_loop3A_155 = vector.broadcast %parallel_loop3A_154 : i32 to vector<16x1xi32>
      %parallel_loop3A_156 = vector.shape_cast %parallel_loop3A_155 : vector<16x1xi32> to vector<16xi32>
      %parallel_loop3A_157 = tpu.dynamic_gather %parallel_loop3A_134[%parallel_loop3A_156] in [0] : vector<16xf32>, vector<16xi32> -> vector<16xf32>
      %parallel_loop3A_158 = arith.index_cast %parallel_loop3A_120 : i32 to index
      %parallel_loop3A_159 = arith.constant 16 : index
      %parallel_loop3A_160 = tpu.vector_load %arg18[%parallel_loop3A_158, %parallel_loop3A_159] {strides = array<i32>} : memref<64x144xf32, #tpu.memory_space<vmem>>, vector<1x16xf32>,
      %parallel_loop3A_161 = vector.shape_cast %parallel_loop3A_160 : vector<1x16xf32> to vector<16xf32>
      %parallel_loop3A_162 = arith.mulf %parallel_loop3A_161, %parallel_loop3A_157 : vector<16xf32>
      %parallel_loop3A_163 = arith.index_cast %parallel_loop3A_120 : i32 to index
      %parallel_loop3A_164 = arith.constant 16 : index
      %parallel_loop3A_165 = tpu.vector_load %arg20[%parallel_loop3A_163, %parallel_loop3A_164] {strides = array<i32>} : memref<64x144xf32, #tpu.memory_space<vmem>>, vector<1x16xf32>,
      %parallel_loop3A_166 = vector.shape_cast %parallel_loop3A_165 : vector<1x16xf32> to vector<16xf32>
      %parallel_loop3A_167 = vector.shape_cast %parallel_loop3A_162 : vector<16xf32> to vector<1x16xf32>
      tpu.vector_store %arg20[%parallel_loop3A_163, %parallel_loop3A_164], %parallel_loop3A_167 {strides = array<i32>} : memref<64x144xf32, #tpu.memory_space<vmem>>, vector<1x16xf32>,
      %parallel_loop3A_168 = arith.constant 2 : i32
      %parallel_loop3A_169 = vector.broadcast %parallel_loop3A_168 : i32 to vector<16x1xi32>
      %parallel_loop3A_170 = vector.shape_cast %parallel_loop3A_169 : vector<16x1xi32> to vector<16xi32>
      %parallel_loop3A_171 = tpu.dynamic_gather %parallel_loop3A_134[%parallel_loop3A_170] in [0] : vector<16xf32>, vector<16xi32> -> vector<16xf32>
      %parallel_loop3A_172 = arith.index_cast %parallel_loop3A_120 : i32 to index
      %parallel_loop3A_173 = arith.constant 32 : index
      %parallel_loop3A_174 = tpu.vector_load %arg18[%parallel_loop3A_172, %parallel_loop3A_173] {strides = array<i32>} : memref<64x144xf32, #tpu.memory_space<vmem>>, vector<1x16xf32>,
      %parallel_loop3A_175 = vector.shape_cast %parallel_loop3A_174 : vector<1x16xf32> to vector<16xf32>
      %parallel_loop3A_176 = arith.mulf %parallel_loop3A_175, %parallel_loop3A_171 : vector<16xf32>
      %parallel_loop3A_177 = arith.index_cast %parallel_loop3A_120 : i32 to index
      %parallel_loop3A_178 = arith.constant 32 : index
      %parallel_loop3A_179 = tpu.vector_load %arg20[%parallel_loop3A_177, %parallel_loop3A_178] {strides = array<i32>} : memref<64x144xf32, #tpu.memory_space<vmem>>, vector<1x16xf32>,
      %parallel_loop3A_180 = vector.shape_cast %parallel_loop3A_179 : vector<1x16xf32> to vector<16xf32>
      %parallel_loop3A_181 = vector.shape_cast %parallel_loop3A_176 : vector<16xf32> to vector<1x16xf32>
      tpu.vector_store %arg20[%parallel_loop3A_177, %parallel_loop3A_178], %parallel_loop3A_181 {strides = array<i32>} : memref<64x144xf32, #tpu.memory_space<vmem>>, vector<1x16xf32>,
      %parallel_loop3A_182 = arith.constant 3 : i32
      %parallel_loop3A_183 = vector.broadcast %parallel_loop3A_182 : i32 to vector<16x1xi32>
      %parallel_loop3A_184 = vector.shape_cast %parallel_loop3A_183 : vector<16x1xi32> to vector<16xi32>
      %parallel_loop3A_185 = tpu.dynamic_gather %parallel_loop3A_134[%parallel_loop3A_184] in [0] : vector<16xf32>, vector<16xi32> -> vector<16xf32>
      %parallel_loop3A_186 = arith.index_cast %parallel_loop3A_120 : i32 to index
      %parallel_loop3A_187 = arith.constant 48 : index
      %parallel_loop3A_188 = tpu.vector_load %arg18[%parallel_loop3A_186, %parallel_loop3A_187] {strides = array<i32>} : memref<64x144xf32, #tpu.memory_space<vmem>>, vector<1x16xf32>,
      %parallel_loop3A_189 = vector.shape_cast %parallel_loop3A_188 : vector<1x16xf32> to vector<16xf32>
      %parallel_loop3A_190 = arith.mulf %parallel_loop3A_189, %parallel_loop3A_185 : vector<16xf32>
      %parallel_loop3A_191 = arith.index_cast %parallel_loop3A_120 : i32 to index
      %parallel_loop3A_192 = arith.constant 48 : index
      %parallel_loop3A_193 = tpu.vector_load %arg20[%parallel_loop3A_191, %parallel_loop3A_192] {strides = array<i32>} : memref<64x144xf32, #tpu.memory_space<vmem>>, vector<1x16xf32>,
      %parallel_loop3A_194 = vector.shape_cast %parallel_loop3A_193 : vector<1x16xf32> to vector<16xf32>
      %parallel_loop3A_195 = vector.shape_cast %parallel_loop3A_190 : vector<16xf32> to vector<1x16xf32>
      tpu.vector_store %arg20[%parallel_loop3A_191, %parallel_loop3A_192], %parallel_loop3A_195 {strides = array<i32>} : memref<64x144xf32, #tpu.memory_space<vmem>>, vector<1x16xf32>,
      %parallel_loop3A_196 = arith.constant 4 : i32
      %parallel_loop3A_197 = vector.broadcast %parallel_loop3A_196 : i32 to vector<16x1xi32>
      %parallel_loop3A_198 = vector.shape_cast %parallel_loop3A_197 : vector<16x1xi32> to vector<16xi32>
      %parallel_loop3A_199 = tpu.dynamic_gather %parallel_loop3A_134[%parallel_loop3A_198] in [0] : vector<16xf32>, vector<16xi32> -> vector<16xf32>
      %parallel_loop3A_200 = arith.index_cast %parallel_loop3A_120 : i32 to index
      %parallel_loop3A_201 = arith.constant 64 : index
      %parallel_loop3A_202 = tpu.vector_load %arg18[%parallel_loop3A_200, %parallel_loop3A_201] {strides = array<i32>} : memref<64x144xf32, #tpu.memory_space<vmem>>, vector<1x16xf32>,
      %parallel_loop3A_203 = vector.shape_cast %parallel_loop3A_202 : vector<1x16xf32> to vector<16xf32>
      %parallel_loop3A_204 = arith.mulf %parallel_loop3A_203, %parallel_loop3A_199 : vector<16xf32>
      %parallel_loop3A_205 = arith.index_cast %parallel_loop3A_120 : i32 to index
      %parallel_loop3A_206 = arith.constant 64 : index
      %parallel_loop3A_207 = tpu.vector_load %arg20[%parallel_loop3A_205, %parallel_loop3A_206] {strides = array<i32>} : memref<64x144xf32, #tpu.memory_space<vmem>>, vector<1x16xf32>,
      %parallel_loop3A_208 = vector.shape_cast %parallel_loop3A_207 : vector<1x16xf32> to vector<16xf32>
      %parallel_loop3A_209 = vector.shape_cast %parallel_loop3A_204 : vector<16xf32> to vector<1x16xf32>
      tpu.vector_store %arg20[%parallel_loop3A_205, %parallel_loop3A_206], %parallel_loop3A_209 {strides = array<i32>} : memref<64x144xf32, #tpu.memory_space<vmem>>, vector<1x16xf32>,
      %parallel_loop3A_210 = arith.constant 5 : i32
      %parallel_loop3A_211 = vector.broadcast %parallel_loop3A_210 : i32 to vector<16x1xi32>
      %parallel_loop3A_212 = vector.shape_cast %parallel_loop3A_211 : vector<16x1xi32> to vector<16xi32>
      %parallel_loop3A_213 = tpu.dynamic_gather %parallel_loop3A_134[%parallel_loop3A_212] in [0] : vector<16xf32>, vector<16xi32> -> vector<16xf32>
      %parallel_loop3A_214 = arith.index_cast %parallel_loop3A_120 : i32 to index
      %parallel_loop3A_215 = arith.constant 80 : index
      %parallel_loop3A_216 = tpu.vector_load %arg18[%parallel_loop3A_214, %parallel_loop3A_215] {strides = array<i32>} : memref<64x144xf32, #tpu.memory_space<vmem>>, vector<1x16xf32>,
      %parallel_loop3A_217 = vector.shape_cast %parallel_loop3A_216 : vector<1x16xf32> to vector<16xf32>
      %parallel_loop3A_218 = arith.mulf %parallel_loop3A_217, %parallel_loop3A_213 : vector<16xf32>
      %parallel_loop3A_219 = arith.index_cast %parallel_loop3A_120 : i32 to index
      %parallel_loop3A_220 = arith.constant 80 : index
      %parallel_loop3A_221 = tpu.vector_load %arg20[%parallel_loop3A_219, %parallel_loop3A_220] {strides = array<i32>} : memref<64x144xf32, #tpu.memory_space<vmem>>, vector<1x16xf32>,
      %parallel_loop3A_222 = vector.shape_cast %parallel_loop3A_221 : vector<1x16xf32> to vector<16xf32>
      %parallel_loop3A_223 = vector.shape_cast %parallel_loop3A_218 : vector<16xf32> to vector<1x16xf32>
      tpu.vector_store %arg20[%parallel_loop3A_219, %parallel_loop3A_220], %parallel_loop3A_223 {strides = array<i32>} : memref<64x144xf32, #tpu.memory_space<vmem>>, vector<1x16xf32>,
      %parallel_loop3A_224 = arith.constant 6 : i32
      %parallel_loop3A_225 = vector.broadcast %parallel_loop3A_224 : i32 to vector<16x1xi32>
      %parallel_loop3A_226 = vector.shape_cast %parallel_loop3A_225 : vector<16x1xi32> to vector<16xi32>
      %parallel_loop3A_227 = tpu.dynamic_gather %parallel_loop3A_134[%parallel_loop3A_226] in [0] : vector<16xf32>, vector<16xi32> -> vector<16xf32>
      %parallel_loop3A_228 = arith.index_cast %parallel_loop3A_120 : i32 to index
      %parallel_loop3A_229 = arith.constant 96 : index
      %parallel_loop3A_230 = tpu.vector_load %arg18[%parallel_loop3A_228, %parallel_loop3A_229] {strides = array<i32>} : memref<64x144xf32, #tpu.memory_space<vmem>>, vector<1x16xf32>,
      %parallel_loop3A_231 = vector.shape_cast %parallel_loop3A_230 : vector<1x16xf32> to vector<16xf32>
      %parallel_loop3A_232 = arith.mulf %parallel_loop3A_231, %parallel_loop3A_227 : vector<16xf32>
      %parallel_loop3A_233 = arith.index_cast %parallel_loop3A_120 : i32 to index
      %parallel_loop3A_234 = arith.constant 96 : index
      %parallel_loop3A_235 = tpu.vector_load %arg20[%parallel_loop3A_233, %parallel_loop3A_234] {strides = array<i32>} : memref<64x144xf32, #tpu.memory_space<vmem>>, vector<1x16xf32>,
      %parallel_loop3A_236 = vector.shape_cast %parallel_loop3A_235 : vector<1x16xf32> to vector<16xf32>
      %parallel_loop3A_237 = vector.shape_cast %parallel_loop3A_232 : vector<16xf32> to vector<1x16xf32>
      tpu.vector_store %arg20[%parallel_loop3A_233, %parallel_loop3A_234], %parallel_loop3A_237 {strides = array<i32>} : memref<64x144xf32, #tpu.memory_space<vmem>>, vector<1x16xf32>,
      %parallel_loop3A_238 = arith.constant 7 : i32
      %parallel_loop3A_239 = vector.broadcast %parallel_loop3A_238 : i32 to vector<16x1xi32>
      %parallel_loop3A_240 = vector.shape_cast %parallel_loop3A_239 : vector<16x1xi32> to vector<16xi32>
      %parallel_loop3A_241 = tpu.dynamic_gather %parallel_loop3A_134[%parallel_loop3A_240] in [0] : vector<16xf32>, vector<16xi32> -> vector<16xf32>
      %parallel_loop3A_242 = arith.index_cast %parallel_loop3A_120 : i32 to index
      %parallel_loop3A_243 = arith.constant 112 : index
      %parallel_loop3A_244 = tpu.vector_load %arg18[%parallel_loop3A_242, %parallel_loop3A_243] {strides = array<i32>} : memref<64x144xf32, #tpu.memory_space<vmem>>, vector<1x16xf32>,
      %parallel_loop3A_245 = vector.shape_cast %parallel_loop3A_244 : vector<1x16xf32> to vector<16xf32>
      %parallel_loop3A_246 = arith.mulf %parallel_loop3A_245, %parallel_loop3A_241 : vector<16xf32>
      %parallel_loop3A_247 = arith.index_cast %parallel_loop3A_120 : i32 to index
      %parallel_loop3A_248 = arith.constant 112 : index
      %parallel_loop3A_249 = tpu.vector_load %arg20[%parallel_loop3A_247, %parallel_loop3A_248] {strides = array<i32>} : memref<64x144xf32, #tpu.memory_space<vmem>>, vector<1x16xf32>,
      %parallel_loop3A_250 = vector.shape_cast %parallel_loop3A_249 : vector<1x16xf32> to vector<16xf32>
      %parallel_loop3A_251 = vector.shape_cast %parallel_loop3A_246 : vector<16xf32> to vector<1x16xf32>
      tpu.vector_store %arg20[%parallel_loop3A_247, %parallel_loop3A_248], %parallel_loop3A_251 {strides = array<i32>} : memref<64x144xf32, #tpu.memory_space<vmem>>, vector<1x16xf32>,
    } {sc.loop_unroll_factor = 8 : i64, sc.parallel_access}
    "tpu.region"() ({
      %run_scoped3A_120 = tpu.sem_alloc : memref<!tpu.dma_semaphore, #tpu.memory_space<semaphore_mem>>
      %dma_start3A_121 = arith.constant 0 : i32
      %dma_start3A_122 = arith.constant 0 : i32
      %dma_start3A_123 = tpu.memref_slice %arg20[%dma_start3A_121, %dma_start3A_122] : memref<64x144xf32, #tpu.memory_space<vmem>> -> memref<16x144xf32, #tpu.memory_space<vmem>>
      %dma_start3A_124 = arith.constant 0 : i32
      %dma_start3A_125 = arith.constant 0 : i32
      %dma_start3A_126 = tpu.memref_slice %arg22[%dma_start3A_124, %dma_start3A_125] : memref<10000x144xf32, #tpu.memory_space<vmem_shared>> -> memref<10000x144xf32, #tpu.memory_space<vmem_shared>>
      tpu.enqueue_indirect_dma source(%dma_start3A_123 : memref<16x144xf32, #tpu.memory_space<vmem>>) target(%dma_start3A_126 : memref<10000x144xf32, #tpu.memory_space<vmem_shared>>) offsets(%arg15 : memref<16xi32, #tpu.memory_space<vmem>>) semaphore(%run_scoped3A_120 : memref<!tpu.dma_semaphore, #tpu.memory_space<semaphore_mem>>) {add = true}
      %dma_wait3A_127 = arith.constant 0 : i32
      %dma_wait3A_128 = arith.constant 0 : i32
      %dma_wait3A_129 = tpu.memref_slice %arg20[%dma_wait3A_127, %dma_wait3A_128] : memref<64x144xf32, #tpu.memory_space<vmem>> -> memref<16x144xf32, #tpu.memory_space<vmem>>
      %dma_wait3A_130 = arith.constant 0 : i32
      %dma_wait3A_131 = arith.constant 0 : i32
      %dma_wait3A_132 = tpu.memref_slice %arg22[%dma_wait3A_130, %dma_wait3A_131] : memref<10000x144xf32, #tpu.memory_space<vmem_shared>> -> memref<10000x144xf32, #tpu.memory_space<vmem_shared>>
      tpu.wait_indirect_dma semaphore(%run_scoped3A_120 : memref<!tpu.dma_semaphore, #tpu.memory_space<semaphore_mem>>) src(%dma_wait3A_129 : memref<16x144xf32, #tpu.memory_space<vmem>>) dst(%dma_wait3A_132 : memref<10000x144xf32, #tpu.memory_space<vmem_shared>>)
      tpu.yield
    }) : () -> ()
    %barrier3A_119 = arith.constant 0 : index
    tpu.barrier barrier_id(%barrier3A_119)
    "tpu.region"() ({
      %run_scoped3A_120 = tpu.sem_alloc : memref<!tpu.dma_semaphore, #tpu.memory_space<semaphore_mem>>
      %dma_start3A_121 = arith.constant 0 : i32
      %dma_start3A_122 = tpu.memref_slice %arg6[%arg0, %mul3A_2, %dma_start3A_121] : memref<2x10000x144xf32, #tpu.memory_space<hbm>> -> memref<1x625x144xf32, #tpu.memory_space<hbm>>
      %dma_start3A_123 = tpu.memref_squeeze %dma_start3A_122 : memref<1x625x144xf32, #tpu.memory_space<hbm>> -> memref<625x144xf32, #tpu.memory_space<hbm>>
      %dma_start3A_124 = arith.constant 0 : i32
      %dma_start3A_125 = tpu.memref_slice %arg22[%mul3A_2, %dma_start3A_124] : memref<10000x144xf32, #tpu.memory_space<vmem_shared>> -> memref<625x144xf32, #tpu.memory_space<vmem_shared>>
      tpu.enqueue_dma source(%dma_start3A_125 : memref<625x144xf32, #tpu.memory_space<vmem_shared>>) target(%dma_start3A_123 : memref<625x144xf32, #tpu.memory_space<hbm>>) target_semaphore(%run_scoped3A_120 : memref<!tpu.dma_semaphore, #tpu.memory_space<semaphore_mem>>)
      %dma_wait3A_126 = arith.constant 0 : i32
      %dma_wait3A_127 = tpu.memref_slice %arg6[%arg0, %mul3A_2, %dma_wait3A_126] : memref<2x10000x144xf32, #tpu.memory_space<hbm>> -> memref<1x625x144xf32, #tpu.memory_space<hbm>>
      %dma_wait3A_128 = tpu.memref_squeeze %dma_wait3A_127 : memref<1x625x144xf32, #tpu.memory_space<hbm>> -> memref<625x144xf32, #tpu.memory_space<hbm>>
      %dma_wait3A_129 = arith.constant 0 : i32
      %dma_wait3A_130 = tpu.memref_slice %arg22[%mul3A_2, %dma_wait3A_129] : memref<10000x144xf32, #tpu.memory_space<vmem_shared>> -> memref<625x144xf32, #tpu.memory_space<vmem_shared>>
      tpu.wait_dma2 semaphore(%run_scoped3A_120 : memref<!tpu.dma_semaphore, #tpu.memory_space<semaphore_mem>>) src(%dma_wait3A_130 : memref<625x144xf32, #tpu.memory_space<vmem_shared>>) dst(%dma_wait3A_128 : memref<625x144xf32, #tpu.memory_space<hbm>>)
      tpu.yield
    }) : () -> ()
    return
  }
}

#map = affine_map<(d0, d1) -> (0, 0)>
#map1 = affine_map<(d0, d1) -> (0, 0, 0)>
module attributes {stable_mosaic.version = 14 : i64} {
  func.func @body(%arg0: i32, %arg1: i32, %arg2: memref<2x320000xi32, #tpu.memory_space<hbm>>, %arg3: memref<10000x16xf32, #tpu.memory_space<hbm>>, %arg4: memref<10000x80xf32, #tpu.memory_space<hbm>>, %arg5: memref<625x80xf32, #tpu.memory_space<hbm>>, %arg6: memref<2x10000x80xf32, #tpu.memory_space<hbm>>, %arg7: memref<2x128xi32, #tpu.memory_space<vmem>>, %arg8: memref<2x128xi32, #tpu.memory_space<vmem>>, %arg9: memref<128xi32, #tpu.memory_space<vmem>>, %arg10: memref<128xi32, #tpu.memory_space<vmem>>, %arg11: memref<128xi32, #tpu.memory_space<vmem>>, %arg12: memref<128xi32, #tpu.memory_space<vmem>>, %arg13: memref<128xi32, #tpu.memory_space<vmem>>, %arg14: memref<128xi32, #tpu.memory_space<vmem>>, %arg15: memref<16xi32, #tpu.memory_space<vmem>>, %arg16: memref<128x16xf32, #tpu.memory_space<vmem>>, %arg17: memref<128x16xf32, #tpu.memory_space<vmem>>, %arg18: memref<128x80xf32, #tpu.memory_space<vmem>>, %arg19: memref<128x80xf32, #tpu.memory_space<vmem>>, %arg20: memref<128x80xf32, #tpu.memory_space<vmem>>, %arg21: memref<128x80xf32, #tpu.memory_space<vmem>>, %arg22: memref<10000x80xf32, #tpu.memory_space<vmem_shared>>, %arg23: memref<!tpu.dma_semaphore, #tpu.memory_space<semaphore_mem>>, %arg24: memref<!tpu.dma_semaphore, #tpu.memory_space<semaphore_mem>>, %arg25: memref<!tpu.dma_semaphore, #tpu.memory_space<semaphore_mem>>, %arg26: memref<!tpu.dma_semaphore, #tpu.memory_space<semaphore_mem>>, %arg27: memref<!tpu.dma_semaphore, #tpu.memory_space<semaphore_mem>>, %arg28: memref<!tpu.dma_semaphore, #tpu.memory_space<semaphore_mem>>, %arg29: memref<!tpu.dma_semaphore, #tpu.memory_space<semaphore_mem>>, %arg30: memref<!tpu.dma_semaphore, #tpu.memory_space<semaphore_mem>>) attributes {dimension_semantics = [#tpu.dimension_semantics<core_parallel>, #tpu.dimension_semantics<subcore_parallel>], iteration_bounds = array<i64: 2, 16>, scalar_prefetch = 0 : i64, scratch_operands = 24 : i64, tpu.core_type = #tpu.core_type<sc_vector_subcore>, window_params = [{transform_indices = #map}, {transform_indices = #map}, {transform_indices = #map}, {transform_indices = #map}, {transform_indices = #map1}]} {
    %mul3A = arith.constant 16 : i32
    %mul3A_0 = arith.muli %arg0, %mul3A : i32
    %add3A = arith.addi %mul3A_0, %arg1 : i32
    %mul3A_1 = arith.constant 625 : i32
    %mul3A_2 = arith.muli %arg1, %mul3A_1 : i32
    "tpu.region"() ({
      %run_scoped3A_192 = tpu.sem_alloc : memref<!tpu.dma_semaphore, #tpu.memory_space<semaphore_mem>>
      %dma_start3A_193 = arith.constant 0 : i32
      %dma_start3A_194 = tpu.memref_slice %arg22[%mul3A_2, %dma_start3A_193] : memref<10000x80xf32, #tpu.memory_space<vmem_shared>> -> memref<625x80xf32, #tpu.memory_space<vmem_shared>>
      tpu.enqueue_dma source(%arg5 : memref<625x80xf32, #tpu.memory_space<hbm>>) target(%dma_start3A_194 : memref<625x80xf32, #tpu.memory_space<vmem_shared>>) target_semaphore(%run_scoped3A_192 : memref<!tpu.dma_semaphore, #tpu.memory_space<semaphore_mem>>)
      %dma_wait3A_195 = arith.constant 0 : i32
      %dma_wait3A_196 = tpu.memref_slice %arg22[%mul3A_2, %dma_wait3A_195] : memref<10000x80xf32, #tpu.memory_space<vmem_shared>> -> memref<625x80xf32, #tpu.memory_space<vmem_shared>>
      tpu.wait_dma2 semaphore(%run_scoped3A_192 : memref<!tpu.dma_semaphore, #tpu.memory_space<semaphore_mem>>) src(%arg5 : memref<625x80xf32, #tpu.memory_space<hbm>>) dst(%dma_wait3A_196 : memref<625x80xf32, #tpu.memory_space<vmem_shared>>)
      tpu.yield
    }) : () -> ()
    %barrier3A = arith.constant 0 : index
    tpu.barrier barrier_id(%barrier3A)
    %mul3A_3 = arith.constant 128 : i32
    %mul3A_4 = arith.muli %add3A, %mul3A_3 : i32
    %add3A_5 = arith.constant 0 : i32
    %add3A_6 = arith.addi %mul3A_4, %add3A_5 : i32
    %dma_start3A = arith.constant 0 : i32
    %dma_start3A_7 = tpu.memref_slice %arg2[%dma_start3A, %add3A_6] : memref<2x320000xi32, #tpu.memory_space<hbm>> -> memref<2x128xi32, #tpu.memory_space<hbm>>
    %dma_start3A_8 = arith.constant 0 : i32
    %dma_start3A_9 = tpu.memref_slice %arg2[%dma_start3A_8, %add3A_6] : memref<2x320000xi32, #tpu.memory_space<hbm>> -> memref<2x128xi32, #tpu.memory_space<hbm>>
    tpu.enqueue_dma source(%dma_start3A_9 : memref<2x128xi32, #tpu.memory_space<hbm>>) target(%arg7 : memref<2x128xi32, #tpu.memory_space<vmem>>) target_semaphore(%arg23 : memref<!tpu.dma_semaphore, #tpu.memory_space<semaphore_mem>>)
    %mul3A_10 = arith.constant 128 : i32
    %mul3A_11 = arith.muli %add3A, %mul3A_10 : i32
    %add3A_12 = arith.constant 0 : i32
    %add3A_13 = arith.addi %mul3A_11, %add3A_12 : i32
    %dma_wait3A = arith.constant 0 : i32
    %dma_wait3A_14 = tpu.memref_slice %arg2[%dma_wait3A, %add3A_13] : memref<2x320000xi32, #tpu.memory_space<hbm>> -> memref<2x128xi32, #tpu.memory_space<hbm>>
    %dma_wait3A_15 = arith.constant 0 : i32
    %dma_wait3A_16 = tpu.memref_slice %arg2[%dma_wait3A_15, %add3A_13] : memref<2x320000xi32, #tpu.memory_space<hbm>> -> memref<2x128xi32, #tpu.memory_space<hbm>>
    tpu.wait_dma2 semaphore(%arg23 : memref<!tpu.dma_semaphore, #tpu.memory_space<semaphore_mem>>) src(%dma_wait3A_16 : memref<2x128xi32, #tpu.memory_space<hbm>>) dst(%arg7 : memref<2x128xi32, #tpu.memory_space<vmem>>)
    %get3A = arith.constant 0 : i32
    %get3A_17 = arith.index_cast %get3A : i32 to index
    %get3A_18 = arith.constant 0 : index
    %get3A_19 = tpu.vector_load %arg7[%get3A_17, %get3A_18] {strides = array<i32>} : memref<2x128xi32, #tpu.memory_space<vmem>>, vector<1x16xi32>,
    %get3A_20 = vector.shape_cast %get3A_19 : vector<1x16xi32> to vector<16xi32>
    %swap3A = arith.constant 0 : index
    %swap3A_21 = tpu.vector_load %arg9[%swap3A] {strides = array<i32>} : memref<128xi32, #tpu.memory_space<vmem>>, vector<16xi32>,
    %swap3A_22 = vector.shape_cast %swap3A_21 : vector<16xi32> to vector<16xi32>
    %swap3A_23 = vector.shape_cast %get3A_20 : vector<16xi32> to vector<16xi32>
    tpu.vector_store %arg9[%swap3A], %swap3A_23 {strides = array<i32>} : memref<128xi32, #tpu.memory_space<vmem>>, vector<16xi32>,
    %get3A_24 = arith.constant 1 : i32
    %get3A_25 = arith.index_cast %get3A_24 : i32 to index
    %get3A_26 = arith.constant 0 : index
    %get3A_27 = tpu.vector_load %arg7[%get3A_25, %get3A_26] {strides = array<i32>} : memref<2x128xi32, #tpu.memory_space<vmem>>, vector<1x16xi32>,
    %get3A_28 = vector.shape_cast %get3A_27 : vector<1x16xi32> to vector<16xi32>
    %swap3A_29 = arith.constant 0 : index
    %swap3A_30 = tpu.vector_load %arg11[%swap3A_29] {strides = array<i32>} : memref<128xi32, #tpu.memory_space<vmem>>, vector<16xi32>,
    %swap3A_31 = vector.shape_cast %swap3A_30 : vector<16xi32> to vector<16xi32>
    %swap3A_32 = vector.shape_cast %get3A_28 : vector<16xi32> to vector<16xi32>
    tpu.vector_store %arg11[%swap3A_29], %swap3A_32 {strides = array<i32>} : memref<128xi32, #tpu.memory_space<vmem>>, vector<16xi32>,
    %get3A_33 = arith.constant 0 : i32
    %get3A_34 = arith.index_cast %get3A_33 : i32 to index
    %get3A_35 = arith.constant 16 : index
    %get3A_36 = tpu.vector_load %arg7[%get3A_34, %get3A_35] {strides = array<i32>} : memref<2x128xi32, #tpu.memory_space<vmem>>, vector<1x16xi32>,
    %get3A_37 = vector.shape_cast %get3A_36 : vector<1x16xi32> to vector<16xi32>
    %swap3A_38 = arith.constant 16 : index
    %swap3A_39 = tpu.vector_load %arg9[%swap3A_38] {strides = array<i32>} : memref<128xi32, #tpu.memory_space<vmem>>, vector<16xi32>,
    %swap3A_40 = vector.shape_cast %swap3A_39 : vector<16xi32> to vector<16xi32>
    %swap3A_41 = vector.shape_cast %get3A_37 : vector<16xi32> to vector<16xi32>
    tpu.vector_store %arg9[%swap3A_38], %swap3A_41 {strides = array<i32>} : memref<128xi32, #tpu.memory_space<vmem>>, vector<16xi32>,
    %get3A_42 = arith.constant 1 : i32
    %get3A_43 = arith.index_cast %get3A_42 : i32 to index
    %get3A_44 = arith.constant 16 : index
    %get3A_45 = tpu.vector_load %arg7[%get3A_43, %get3A_44] {strides = array<i32>} : memref<2x128xi32, #tpu.memory_space<vmem>>, vector<1x16xi32>,
    %get3A_46 = vector.shape_cast %get3A_45 : vector<1x16xi32> to vector<16xi32>
    %swap3A_47 = arith.constant 16 : index
    %swap3A_48 = tpu.vector_load %arg11[%swap3A_47] {strides = array<i32>} : memref<128xi32, #tpu.memory_space<vmem>>, vector<16xi32>,
    %swap3A_49 = vector.shape_cast %swap3A_48 : vector<16xi32> to vector<16xi32>
    %swap3A_50 = vector.shape_cast %get3A_46 : vector<16xi32> to vector<16xi32>
    tpu.vector_store %arg11[%swap3A_47], %swap3A_50 {strides = array<i32>} : memref<128xi32, #tpu.memory_space<vmem>>, vector<16xi32>,
    %get3A_51 = arith.constant 0 : i32
    %get3A_52 = arith.index_cast %get3A_51 : i32 to index
    %get3A_53 = arith.constant 32 : index
    %get3A_54 = tpu.vector_load %arg7[%get3A_52, %get3A_53] {strides = array<i32>} : memref<2x128xi32, #tpu.memory_space<vmem>>, vector<1x16xi32>,
    %get3A_55 = vector.shape_cast %get3A_54 : vector<1x16xi32> to vector<16xi32>
    %swap3A_56 = arith.constant 32 : index
    %swap3A_57 = tpu.vector_load %arg9[%swap3A_56] {strides = array<i32>} : memref<128xi32, #tpu.memory_space<vmem>>, vector<16xi32>,
    %swap3A_58 = vector.shape_cast %swap3A_57 : vector<16xi32> to vector<16xi32>
    %swap3A_59 = vector.shape_cast %get3A_55 : vector<16xi32> to vector<16xi32>
    tpu.vector_store %arg9[%swap3A_56], %swap3A_59 {strides = array<i32>} : memref<128xi32, #tpu.memory_space<vmem>>, vector<16xi32>,
    %get3A_60 = arith.constant 1 : i32
    %get3A_61 = arith.index_cast %get3A_60 : i32 to index
    %get3A_62 = arith.constant 32 : index
    %get3A_63 = tpu.vector_load %arg7[%get3A_61, %get3A_62] {strides = array<i32>} : memref<2x128xi32, #tpu.memory_space<vmem>>, vector<1x16xi32>,
    %get3A_64 = vector.shape_cast %get3A_63 : vector<1x16xi32> to vector<16xi32>
    %swap3A_65 = arith.constant 32 : index
    %swap3A_66 = tpu.vector_load %arg11[%swap3A_65] {strides = array<i32>} : memref<128xi32, #tpu.memory_space<vmem>>, vector<16xi32>,
    %swap3A_67 = vector.shape_cast %swap3A_66 : vector<16xi32> to vector<16xi32>
    %swap3A_68 = vector.shape_cast %get3A_64 : vector<16xi32> to vector<16xi32>
    tpu.vector_store %arg11[%swap3A_65], %swap3A_68 {strides = array<i32>} : memref<128xi32, #tpu.memory_space<vmem>>, vector<16xi32>,
    %get3A_69 = arith.constant 0 : i32
    %get3A_70 = arith.index_cast %get3A_69 : i32 to index
    %get3A_71 = arith.constant 48 : index
    %get3A_72 = tpu.vector_load %arg7[%get3A_70, %get3A_71] {strides = array<i32>} : memref<2x128xi32, #tpu.memory_space<vmem>>, vector<1x16xi32>,
    %get3A_73 = vector.shape_cast %get3A_72 : vector<1x16xi32> to vector<16xi32>
    %swap3A_74 = arith.constant 48 : index
    %swap3A_75 = tpu.vector_load %arg9[%swap3A_74] {strides = array<i32>} : memref<128xi32, #tpu.memory_space<vmem>>, vector<16xi32>,
    %swap3A_76 = vector.shape_cast %swap3A_75 : vector<16xi32> to vector<16xi32>
    %swap3A_77 = vector.shape_cast %get3A_73 : vector<16xi32> to vector<16xi32>
    tpu.vector_store %arg9[%swap3A_74], %swap3A_77 {strides = array<i32>} : memref<128xi32, #tpu.memory_space<vmem>>, vector<16xi32>,
    %get3A_78 = arith.constant 1 : i32
    %get3A_79 = arith.index_cast %get3A_78 : i32 to index
    %get3A_80 = arith.constant 48 : index
    %get3A_81 = tpu.vector_load %arg7[%get3A_79, %get3A_80] {strides = array<i32>} : memref<2x128xi32, #tpu.memory_space<vmem>>, vector<1x16xi32>,
    %get3A_82 = vector.shape_cast %get3A_81 : vector<1x16xi32> to vector<16xi32>
    %swap3A_83 = arith.constant 48 : index
    %swap3A_84 = tpu.vector_load %arg11[%swap3A_83] {strides = array<i32>} : memref<128xi32, #tpu.memory_space<vmem>>, vector<16xi32>,
    %swap3A_85 = vector.shape_cast %swap3A_84 : vector<16xi32> to vector<16xi32>
    %swap3A_86 = vector.shape_cast %get3A_82 : vector<16xi32> to vector<16xi32>
    tpu.vector_store %arg11[%swap3A_83], %swap3A_86 {strides = array<i32>} : memref<128xi32, #tpu.memory_space<vmem>>, vector<16xi32>,
    %get3A_87 = arith.constant 0 : i32
    %get3A_88 = arith.index_cast %get3A_87 : i32 to index
    %get3A_89 = arith.constant 64 : index
    %get3A_90 = tpu.vector_load %arg7[%get3A_88, %get3A_89] {strides = array<i32>} : memref<2x128xi32, #tpu.memory_space<vmem>>, vector<1x16xi32>,
    %get3A_91 = vector.shape_cast %get3A_90 : vector<1x16xi32> to vector<16xi32>
    %swap3A_92 = arith.constant 64 : index
    %swap3A_93 = tpu.vector_load %arg9[%swap3A_92] {strides = array<i32>} : memref<128xi32, #tpu.memory_space<vmem>>, vector<16xi32>,
    %swap3A_94 = vector.shape_cast %swap3A_93 : vector<16xi32> to vector<16xi32>
    %swap3A_95 = vector.shape_cast %get3A_91 : vector<16xi32> to vector<16xi32>
    tpu.vector_store %arg9[%swap3A_92], %swap3A_95 {strides = array<i32>} : memref<128xi32, #tpu.memory_space<vmem>>, vector<16xi32>,
    %get3A_96 = arith.constant 1 : i32
    %get3A_97 = arith.index_cast %get3A_96 : i32 to index
    %get3A_98 = arith.constant 64 : index
    %get3A_99 = tpu.vector_load %arg7[%get3A_97, %get3A_98] {strides = array<i32>} : memref<2x128xi32, #tpu.memory_space<vmem>>, vector<1x16xi32>,
    %get3A_100 = vector.shape_cast %get3A_99 : vector<1x16xi32> to vector<16xi32>
    %swap3A_101 = arith.constant 64 : index
    %swap3A_102 = tpu.vector_load %arg11[%swap3A_101] {strides = array<i32>} : memref<128xi32, #tpu.memory_space<vmem>>, vector<16xi32>,
    %swap3A_103 = vector.shape_cast %swap3A_102 : vector<16xi32> to vector<16xi32>
    %swap3A_104 = vector.shape_cast %get3A_100 : vector<16xi32> to vector<16xi32>
    tpu.vector_store %arg11[%swap3A_101], %swap3A_104 {strides = array<i32>} : memref<128xi32, #tpu.memory_space<vmem>>, vector<16xi32>,
    %get3A_105 = arith.constant 0 : i32
    %get3A_106 = arith.index_cast %get3A_105 : i32 to index
    %get3A_107 = arith.constant 80 : index
    %get3A_108 = tpu.vector_load %arg7[%get3A_106, %get3A_107] {strides = array<i32>} : memref<2x128xi32, #tpu.memory_space<vmem>>, vector<1x16xi32>,
    %get3A_109 = vector.shape_cast %get3A_108 : vector<1x16xi32> to vector<16xi32>
    %swap3A_110 = arith.constant 80 : index
    %swap3A_111 = tpu.vector_load %arg9[%swap3A_110] {strides = array<i32>} : memref<128xi32, #tpu.memory_space<vmem>>, vector<16xi32>,
    %swap3A_112 = vector.shape_cast %swap3A_111 : vector<16xi32> to vector<16xi32>
    %swap3A_113 = vector.shape_cast %get3A_109 : vector<16xi32> to vector<16xi32>
    tpu.vector_store %arg9[%swap3A_110], %swap3A_113 {strides = array<i32>} : memref<128xi32, #tpu.memory_space<vmem>>, vector<16xi32>,
    %get3A_114 = arith.constant 1 : i32
    %get3A_115 = arith.index_cast %get3A_114 : i32 to index
    %get3A_116 = arith.constant 80 : index
    %get3A_117 = tpu.vector_load %arg7[%get3A_115, %get3A_116] {strides = array<i32>} : memref<2x128xi32, #tpu.memory_space<vmem>>, vector<1x16xi32>,
    %get3A_118 = vector.shape_cast %get3A_117 : vector<1x16xi32> to vector<16xi32>
    %swap3A_119 = arith.constant 80 : index
    %swap3A_120 = tpu.vector_load %arg11[%swap3A_119] {strides = array<i32>} : memref<128xi32, #tpu.memory_space<vmem>>, vector<16xi32>,
    %swap3A_121 = vector.shape_cast %swap3A_120 : vector<16xi32> to vector<16xi32>
    %swap3A_122 = vector.shape_cast %get3A_118 : vector<16xi32> to vector<16xi32>
    tpu.vector_store %arg11[%swap3A_119], %swap3A_122 {strides = array<i32>} : memref<128xi32, #tpu.memory_space<vmem>>, vector<16xi32>,
    %get3A_123 = arith.constant 0 : i32
    %get3A_124 = arith.index_cast %get3A_123 : i32 to index
    %get3A_125 = arith.constant 96 : index
    %get3A_126 = tpu.vector_load %arg7[%get3A_124, %get3A_125] {strides = array<i32>} : memref<2x128xi32, #tpu.memory_space<vmem>>, vector<1x16xi32>,
    %get3A_127 = vector.shape_cast %get3A_126 : vector<1x16xi32> to vector<16xi32>
    %swap3A_128 = arith.constant 96 : index
    %swap3A_129 = tpu.vector_load %arg9[%swap3A_128] {strides = array<i32>} : memref<128xi32, #tpu.memory_space<vmem>>, vector<16xi32>,
    %swap3A_130 = vector.shape_cast %swap3A_129 : vector<16xi32> to vector<16xi32>
    %swap3A_131 = vector.shape_cast %get3A_127 : vector<16xi32> to vector<16xi32>
    tpu.vector_store %arg9[%swap3A_128], %swap3A_131 {strides = array<i32>} : memref<128xi32, #tpu.memory_space<vmem>>, vector<16xi32>,
    %get3A_132 = arith.constant 1 : i32
    %get3A_133 = arith.index_cast %get3A_132 : i32 to index
    %get3A_134 = arith.constant 96 : index
    %get3A_135 = tpu.vector_load %arg7[%get3A_133, %get3A_134] {strides = array<i32>} : memref<2x128xi32, #tpu.memory_space<vmem>>, vector<1x16xi32>,
    %get3A_136 = vector.shape_cast %get3A_135 : vector<1x16xi32> to vector<16xi32>
    %swap3A_137 = arith.constant 96 : index
    %swap3A_138 = tpu.vector_load %arg11[%swap3A_137] {strides = array<i32>} : memref<128xi32, #tpu.memory_space<vmem>>, vector<16xi32>,
    %swap3A_139 = vector.shape_cast %swap3A_138 : vector<16xi32> to vector<16xi32>
    %swap3A_140 = vector.shape_cast %get3A_136 : vector<16xi32> to vector<16xi32>
    tpu.vector_store %arg11[%swap3A_137], %swap3A_140 {strides = array<i32>} : memref<128xi32, #tpu.memory_space<vmem>>, vector<16xi32>,
    %get3A_141 = arith.constant 0 : i32
    %get3A_142 = arith.index_cast %get3A_141 : i32 to index
    %get3A_143 = arith.constant 112 : index
    %get3A_144 = tpu.vector_load %arg7[%get3A_142, %get3A_143] {strides = array<i32>} : memref<2x128xi32, #tpu.memory_space<vmem>>, vector<1x16xi32>,
    %get3A_145 = vector.shape_cast %get3A_144 : vector<1x16xi32> to vector<16xi32>
    %swap3A_146 = arith.constant 112 : index
    %swap3A_147 = tpu.vector_load %arg9[%swap3A_146] {strides = array<i32>} : memref<128xi32, #tpu.memory_space<vmem>>, vector<16xi32>,
    %swap3A_148 = vector.shape_cast %swap3A_147 : vector<16xi32> to vector<16xi32>
    %swap3A_149 = vector.shape_cast %get3A_145 : vector<16xi32> to vector<16xi32>
    tpu.vector_store %arg9[%swap3A_146], %swap3A_149 {strides = array<i32>} : memref<128xi32, #tpu.memory_space<vmem>>, vector<16xi32>,
    %get3A_150 = arith.constant 1 : i32
    %get3A_151 = arith.index_cast %get3A_150 : i32 to index
    %get3A_152 = arith.constant 112 : index
    %get3A_153 = tpu.vector_load %arg7[%get3A_151, %get3A_152] {strides = array<i32>} : memref<2x128xi32, #tpu.memory_space<vmem>>, vector<1x16xi32>,
    %get3A_154 = vector.shape_cast %get3A_153 : vector<1x16xi32> to vector<16xi32>
    %swap3A_155 = arith.constant 112 : index
    %swap3A_156 = tpu.vector_load %arg11[%swap3A_155] {strides = array<i32>} : memref<128xi32, #tpu.memory_space<vmem>>, vector<16xi32>,
    %swap3A_157 = vector.shape_cast %swap3A_156 : vector<16xi32> to vector<16xi32>
    %swap3A_158 = vector.shape_cast %get3A_154 : vector<16xi32> to vector<16xi32>
    tpu.vector_store %arg11[%swap3A_155], %swap3A_158 {strides = array<i32>} : memref<128xi32, #tpu.memory_space<vmem>>, vector<16xi32>,
    %dma_start3A_159 = arith.constant 0 : i32
    %dma_start3A_160 = arith.constant 0 : i32
    %dma_start3A_161 = tpu.memref_slice %arg3[%dma_start3A_159, %dma_start3A_160] : memref<10000x16xf32, #tpu.memory_space<hbm>> -> memref<10000x16xf32, #tpu.memory_space<hbm>>
    tpu.enqueue_indirect_dma source(%dma_start3A_161 : memref<10000x16xf32, #tpu.memory_space<hbm>>) target(%arg16 : memref<128x16xf32, #tpu.memory_space<vmem>>) offsets(%arg11 : memref<128xi32, #tpu.memory_space<vmem>>) semaphore(%arg25 : memref<!tpu.dma_semaphore, #tpu.memory_space<semaphore_mem>>)
    %dma_start3A_162 = arith.constant 0 : i32
    %dma_start3A_163 = arith.constant 0 : i32
    %dma_start3A_164 = tpu.memref_slice %arg4[%dma_start3A_162, %dma_start3A_163] : memref<10000x80xf32, #tpu.memory_space<hbm>> -> memref<10000x80xf32, #tpu.memory_space<hbm>>
    tpu.enqueue_indirect_dma source(%dma_start3A_164 : memref<10000x80xf32, #tpu.memory_space<hbm>>) target(%arg18 : memref<128x80xf32, #tpu.memory_space<vmem>>) offsets(%arg9 : memref<128xi32, #tpu.memory_space<vmem>>) semaphore(%arg27 : memref<!tpu.dma_semaphore, #tpu.memory_space<semaphore_mem>>)
    %mul3A_165 = arith.constant 128 : i32
    %mul3A_166 = arith.muli %add3A, %mul3A_165 : i32
    %add3A_167 = arith.constant 4096 : i32
    %add3A_168 = arith.addi %mul3A_166, %add3A_167 : i32
    %dma_start3A_169 = arith.constant 0 : i32
    %dma_start3A_170 = tpu.memref_slice %arg2[%dma_start3A_169, %add3A_168] : memref<2x320000xi32, #tpu.memory_space<hbm>> -> memref<2x128xi32, #tpu.memory_space<hbm>>
    %dma_start3A_171 = arith.constant 0 : i32
    %dma_start3A_172 = tpu.memref_slice %arg2[%dma_start3A_171, %add3A_168] : memref<2x320000xi32, #tpu.memory_space<hbm>> -> memref<2x128xi32, #tpu.memory_space<hbm>>
    tpu.enqueue_dma source(%dma_start3A_172 : memref<2x128xi32, #tpu.memory_space<hbm>>) target(%arg8 : memref<2x128xi32, #tpu.memory_space<vmem>>) target_semaphore(%arg24 : memref<!tpu.dma_semaphore, #tpu.memory_space<semaphore_mem>>)
    %scan3A = arith.constant 0 : i32
    %scan3A_173 = arith.constant 0 : i32
    %scan3A_174 = arith.constant 39 : i32
    %scan3A_175 = arith.addi %scan3A_173, %scan3A_174 : i32
    %scan3A_176 = arith.constant 1 : i32
    scf.for %scan3A_192 = %scan3A_173 to %scan3A_175 step %scan3A_176  : i32 {
      %mul3A_193 = arith.constant 2 : i32
      %mul3A_194 = arith.muli %mul3A_193, %scan3A_192 : i32
      %add3A_195 = arith.constant 1 : i32
      %add3A_196 = arith.addi %mul3A_194, %add3A_195 : i32
      %mul3A_197 = arith.constant 128 : i32
      %mul3A_198 = arith.muli %add3A, %mul3A_197 : i32
      %mul3A_199 = arith.constant 4096 : i32
      %mul3A_200 = arith.muli %add3A_196, %mul3A_199 : i32
      %add3A_201 = arith.addi %mul3A_198, %mul3A_200 : i32
      %dma_wait3A_202 = arith.constant 0 : i32
      %dma_wait3A_203 = tpu.memref_slice %arg2[%dma_wait3A_202, %add3A_201] : memref<2x320000xi32, #tpu.memory_space<hbm>> -> memref<2x128xi32, #tpu.memory_space<hbm>>
      %dma_wait3A_204 = arith.constant 0 : i32
      %dma_wait3A_205 = tpu.memref_slice %arg2[%dma_wait3A_204, %add3A_201] : memref<2x320000xi32, #tpu.memory_space<hbm>> -> memref<2x128xi32, #tpu.memory_space<hbm>>
      tpu.wait_dma2 semaphore(%arg24 : memref<!tpu.dma_semaphore, #tpu.memory_space<semaphore_mem>>) src(%dma_wait3A_205 : memref<2x128xi32, #tpu.memory_space<hbm>>) dst(%arg8 : memref<2x128xi32, #tpu.memory_space<vmem>>)
      %get3A_206 = arith.constant 0 : i32
      %get3A_207 = arith.index_cast %get3A_206 : i32 to index
      %get3A_208 = arith.constant 0 : index
      %get3A_209 = tpu.vector_load %arg8[%get3A_207, %get3A_208] {strides = array<i32>} : memref<2x128xi32, #tpu.memory_space<vmem>>, vector<1x16xi32>,
      %get3A_210 = vector.shape_cast %get3A_209 : vector<1x16xi32> to vector<16xi32>
      %swap3A_211 = arith.constant 0 : index
      %swap3A_212 = tpu.vector_load %arg10[%swap3A_211] {strides = array<i32>} : memref<128xi32, #tpu.memory_space<vmem>>, vector<16xi32>,
      %swap3A_213 = vector.shape_cast %swap3A_212 : vector<16xi32> to vector<16xi32>
      %swap3A_214 = vector.shape_cast %get3A_210 : vector<16xi32> to vector<16xi32>
      tpu.vector_store %arg10[%swap3A_211], %swap3A_214 {strides = array<i32>} : memref<128xi32, #tpu.memory_space<vmem>>, vector<16xi32>,
      %get3A_215 = arith.constant 1 : i32
      %get3A_216 = arith.index_cast %get3A_215 : i32 to index
      %get3A_217 = arith.constant 0 : index
      %get3A_218 = tpu.vector_load %arg8[%get3A_216, %get3A_217] {strides = array<i32>} : memref<2x128xi32, #tpu.memory_space<vmem>>, vector<1x16xi32>,
      %get3A_219 = vector.shape_cast %get3A_218 : vector<1x16xi32> to vector<16xi32>
      %swap3A_220 = arith.constant 0 : index
      %swap3A_221 = tpu.vector_load %arg12[%swap3A_220] {strides = array<i32>} : memref<128xi32, #tpu.memory_space<vmem>>, vector<16xi32>,
      %swap3A_222 = vector.shape_cast %swap3A_221 : vector<16xi32> to vector<16xi32>
      %swap3A_223 = vector.shape_cast %get3A_219 : vector<16xi32> to vector<16xi32>
      tpu.vector_store %arg12[%swap3A_220], %swap3A_223 {strides = array<i32>} : memref<128xi32, #tpu.memory_space<vmem>>, vector<16xi32>,
      %get3A_224 = arith.constant 0 : i32
      %get3A_225 = arith.index_cast %get3A_224 : i32 to index
      %get3A_226 = arith.constant 16 : index
      %get3A_227 = tpu.vector_load %arg8[%get3A_225, %get3A_226] {strides = array<i32>} : memref<2x128xi32, #tpu.memory_space<vmem>>, vector<1x16xi32>,
      %get3A_228 = vector.shape_cast %get3A_227 : vector<1x16xi32> to vector<16xi32>
      %swap3A_229 = arith.constant 16 : index
      %swap3A_230 = tpu.vector_load %arg10[%swap3A_229] {strides = array<i32>} : memref<128xi32, #tpu.memory_space<vmem>>, vector<16xi32>,
      %swap3A_231 = vector.shape_cast %swap3A_230 : vector<16xi32> to vector<16xi32>
      %swap3A_232 = vector.shape_cast %get3A_228 : vector<16xi32> to vector<16xi32>
      tpu.vector_store %arg10[%swap3A_229], %swap3A_232 {strides = array<i32>} : memref<128xi32, #tpu.memory_space<vmem>>, vector<16xi32>,
      %get3A_233 = arith.constant 1 : i32
      %get3A_234 = arith.index_cast %get3A_233 : i32 to index
      %get3A_235 = arith.constant 16 : index
      %get3A_236 = tpu.vector_load %arg8[%get3A_234, %get3A_235] {strides = array<i32>} : memref<2x128xi32, #tpu.memory_space<vmem>>, vector<1x16xi32>,
      %get3A_237 = vector.shape_cast %get3A_236 : vector<1x16xi32> to vector<16xi32>
      %swap3A_238 = arith.constant 16 : index
      %swap3A_239 = tpu.vector_load %arg12[%swap3A_238] {strides = array<i32>} : memref<128xi32, #tpu.memory_space<vmem>>, vector<16xi32>,
      %swap3A_240 = vector.shape_cast %swap3A_239 : vector<16xi32> to vector<16xi32>
      %swap3A_241 = vector.shape_cast %get3A_237 : vector<16xi32> to vector<16xi32>
      tpu.vector_store %arg12[%swap3A_238], %swap3A_241 {strides = array<i32>} : memref<128xi32, #tpu.memory_space<vmem>>, vector<16xi32>,
      %get3A_242 = arith.constant 0 : i32
      %get3A_243 = arith.index_cast %get3A_242 : i32 to index
      %get3A_244 = arith.constant 32 : index
      %get3A_245 = tpu.vector_load %arg8[%get3A_243, %get3A_244] {strides = array<i32>} : memref<2x128xi32, #tpu.memory_space<vmem>>, vector<1x16xi32>,
      %get3A_246 = vector.shape_cast %get3A_245 : vector<1x16xi32> to vector<16xi32>
      %swap3A_247 = arith.constant 32 : index
      %swap3A_248 = tpu.vector_load %arg10[%swap3A_247] {strides = array<i32>} : memref<128xi32, #tpu.memory_space<vmem>>, vector<16xi32>,
      %swap3A_249 = vector.shape_cast %swap3A_248 : vector<16xi32> to vector<16xi32>
      %swap3A_250 = vector.shape_cast %get3A_246 : vector<16xi32> to vector<16xi32>
      tpu.vector_store %arg10[%swap3A_247], %swap3A_250 {strides = array<i32>} : memref<128xi32, #tpu.memory_space<vmem>>, vector<16xi32>,
      %get3A_251 = arith.constant 1 : i32
      %get3A_252 = arith.index_cast %get3A_251 : i32 to index
      %get3A_253 = arith.constant 32 : index
      %get3A_254 = tpu.vector_load %arg8[%get3A_252, %get3A_253] {strides = array<i32>} : memref<2x128xi32, #tpu.memory_space<vmem>>, vector<1x16xi32>,
      %get3A_255 = vector.shape_cast %get3A_254 : vector<1x16xi32> to vector<16xi32>
      %swap3A_256 = arith.constant 32 : index
      %swap3A_257 = tpu.vector_load %arg12[%swap3A_256] {strides = array<i32>} : memref<128xi32, #tpu.memory_space<vmem>>, vector<16xi32>,
      %swap3A_258 = vector.shape_cast %swap3A_257 : vector<16xi32> to vector<16xi32>
      %swap3A_259 = vector.shape_cast %get3A_255 : vector<16xi32> to vector<16xi32>
      tpu.vector_store %arg12[%swap3A_256], %swap3A_259 {strides = array<i32>} : memref<128xi32, #tpu.memory_space<vmem>>, vector<16xi32>,
      %get3A_260 = arith.constant 0 : i32
      %get3A_261 = arith.index_cast %get3A_260 : i32 to index
      %get3A_262 = arith.constant 48 : index
      %get3A_263 = tpu.vector_load %arg8[%get3A_261, %get3A_262] {strides = array<i32>} : memref<2x128xi32, #tpu.memory_space<vmem>>, vector<1x16xi32>,
      %get3A_264 = vector.shape_cast %get3A_263 : vector<1x16xi32> to vector<16xi32>
      %swap3A_265 = arith.constant 48 : index
      %swap3A_266 = tpu.vector_load %arg10[%swap3A_265] {strides = array<i32>} : memref<128xi32, #tpu.memory_space<vmem>>, vector<16xi32>,
      %swap3A_267 = vector.shape_cast %swap3A_266 : vector<16xi32> to vector<16xi32>
      %swap3A_268 = vector.shape_cast %get3A_264 : vector<16xi32> to vector<16xi32>
      tpu.vector_store %arg10[%swap3A_265], %swap3A_268 {strides = array<i32>} : memref<128xi32, #tpu.memory_space<vmem>>, vector<16xi32>,
      %get3A_269 = arith.constant 1 : i32
      %get3A_270 = arith.index_cast %get3A_269 : i32 to index
      %get3A_271 = arith.constant 48 : index
      %get3A_272 = tpu.vector_load %arg8[%get3A_270, %get3A_271] {strides = array<i32>} : memref<2x128xi32, #tpu.memory_space<vmem>>, vector<1x16xi32>,
      %get3A_273 = vector.shape_cast %get3A_272 : vector<1x16xi32> to vector<16xi32>
      %swap3A_274 = arith.constant 48 : index
      %swap3A_275 = tpu.vector_load %arg12[%swap3A_274] {strides = array<i32>} : memref<128xi32, #tpu.memory_space<vmem>>, vector<16xi32>,
      %swap3A_276 = vector.shape_cast %swap3A_275 : vector<16xi32> to vector<16xi32>
      %swap3A_277 = vector.shape_cast %get3A_273 : vector<16xi32> to vector<16xi32>
      tpu.vector_store %arg12[%swap3A_274], %swap3A_277 {strides = array<i32>} : memref<128xi32, #tpu.memory_space<vmem>>, vector<16xi32>,
      %get3A_278 = arith.constant 0 : i32
      %get3A_279 = arith.index_cast %get3A_278 : i32 to index
      %get3A_280 = arith.constant 64 : index
      %get3A_281 = tpu.vector_load %arg8[%get3A_279, %get3A_280] {strides = array<i32>} : memref<2x128xi32, #tpu.memory_space<vmem>>, vector<1x16xi32>,
      %get3A_282 = vector.shape_cast %get3A_281 : vector<1x16xi32> to vector<16xi32>
      %swap3A_283 = arith.constant 64 : index
      %swap3A_284 = tpu.vector_load %arg10[%swap3A_283] {strides = array<i32>} : memref<128xi32, #tpu.memory_space<vmem>>, vector<16xi32>,
      %swap3A_285 = vector.shape_cast %swap3A_284 : vector<16xi32> to vector<16xi32>
      %swap3A_286 = vector.shape_cast %get3A_282 : vector<16xi32> to vector<16xi32>
      tpu.vector_store %arg10[%swap3A_283], %swap3A_286 {strides = array<i32>} : memref<128xi32, #tpu.memory_space<vmem>>, vector<16xi32>,
      %get3A_287 = arith.constant 1 : i32
      %get3A_288 = arith.index_cast %get3A_287 : i32 to index
      %get3A_289 = arith.constant 64 : index
      %get3A_290 = tpu.vector_load %arg8[%get3A_288, %get3A_289] {strides = array<i32>} : memref<2x128xi32, #tpu.memory_space<vmem>>, vector<1x16xi32>,
      %get3A_291 = vector.shape_cast %get3A_290 : vector<1x16xi32> to vector<16xi32>
      %swap3A_292 = arith.constant 64 : index
      %swap3A_293 = tpu.vector_load %arg12[%swap3A_292] {strides = array<i32>} : memref<128xi32, #tpu.memory_space<vmem>>, vector<16xi32>,
      %swap3A_294 = vector.shape_cast %swap3A_293 : vector<16xi32> to vector<16xi32>
      %swap3A_295 = vector.shape_cast %get3A_291 : vector<16xi32> to vector<16xi32>
      tpu.vector_store %arg12[%swap3A_292], %swap3A_295 {strides = array<i32>} : memref<128xi32, #tpu.memory_space<vmem>>, vector<16xi32>,
      %get3A_296 = arith.constant 0 : i32
      %get3A_297 = arith.index_cast %get3A_296 : i32 to index
      %get3A_298 = arith.constant 80 : index
      %get3A_299 = tpu.vector_load %arg8[%get3A_297, %get3A_298] {strides = array<i32>} : memref<2x128xi32, #tpu.memory_space<vmem>>, vector<1x16xi32>,
      %get3A_300 = vector.shape_cast %get3A_299 : vector<1x16xi32> to vector<16xi32>
      %swap3A_301 = arith.constant 80 : index
      %swap3A_302 = tpu.vector_load %arg10[%swap3A_301] {strides = array<i32>} : memref<128xi32, #tpu.memory_space<vmem>>, vector<16xi32>,
      %swap3A_303 = vector.shape_cast %swap3A_302 : vector<16xi32> to vector<16xi32>
      %swap3A_304 = vector.shape_cast %get3A_300 : vector<16xi32> to vector<16xi32>
      tpu.vector_store %arg10[%swap3A_301], %swap3A_304 {strides = array<i32>} : memref<128xi32, #tpu.memory_space<vmem>>, vector<16xi32>,
      %get3A_305 = arith.constant 1 : i32
      %get3A_306 = arith.index_cast %get3A_305 : i32 to index
      %get3A_307 = arith.constant 80 : index
      %get3A_308 = tpu.vector_load %arg8[%get3A_306, %get3A_307] {strides = array<i32>} : memref<2x128xi32, #tpu.memory_space<vmem>>, vector<1x16xi32>,
      %get3A_309 = vector.shape_cast %get3A_308 : vector<1x16xi32> to vector<16xi32>
      %swap3A_310 = arith.constant 80 : index
      %swap3A_311 = tpu.vector_load %arg12[%swap3A_310] {strides = array<i32>} : memref<128xi32, #tpu.memory_space<vmem>>, vector<16xi32>,
      %swap3A_312 = vector.shape_cast %swap3A_311 : vector<16xi32> to vector<16xi32>
      %swap3A_313 = vector.shape_cast %get3A_309 : vector<16xi32> to vector<16xi32>
      tpu.vector_store %arg12[%swap3A_310], %swap3A_313 {strides = array<i32>} : memref<128xi32, #tpu.memory_space<vmem>>, vector<16xi32>,
      %get3A_314 = arith.constant 0 : i32
      %get3A_315 = arith.index_cast %get3A_314 : i32 to index
      %get3A_316 = arith.constant 96 : index
      %get3A_317 = tpu.vector_load %arg8[%get3A_315, %get3A_316] {strides = array<i32>} : memref<2x128xi32, #tpu.memory_space<vmem>>, vector<1x16xi32>,
      %get3A_318 = vector.shape_cast %get3A_317 : vector<1x16xi32> to vector<16xi32>
      %swap3A_319 = arith.constant 96 : index
      %swap3A_320 = tpu.vector_load %arg10[%swap3A_319] {strides = array<i32>} : memref<128xi32, #tpu.memory_space<vmem>>, vector<16xi32>,
      %swap3A_321 = vector.shape_cast %swap3A_320 : vector<16xi32> to vector<16xi32>
      %swap3A_322 = vector.shape_cast %get3A_318 : vector<16xi32> to vector<16xi32>
      tpu.vector_store %arg10[%swap3A_319], %swap3A_322 {strides = array<i32>} : memref<128xi32, #tpu.memory_space<vmem>>, vector<16xi32>,
      %get3A_323 = arith.constant 1 : i32
      %get3A_324 = arith.index_cast %get3A_323 : i32 to index
      %get3A_325 = arith.constant 96 : index
      %get3A_326 = tpu.vector_load %arg8[%get3A_324, %get3A_325] {strides = array<i32>} : memref<2x128xi32, #tpu.memory_space<vmem>>, vector<1x16xi32>,
      %get3A_327 = vector.shape_cast %get3A_326 : vector<1x16xi32> to vector<16xi32>
      %swap3A_328 = arith.constant 96 : index
      %swap3A_329 = tpu.vector_load %arg12[%swap3A_328] {strides = array<i32>} : memref<128xi32, #tpu.memory_space<vmem>>, vector<16xi32>,
      %swap3A_330 = vector.shape_cast %swap3A_329 : vector<16xi32> to vector<16xi32>
      %swap3A_331 = vector.shape_cast %get3A_327 : vector<16xi32> to vector<16xi32>
      tpu.vector_store %arg12[%swap3A_328], %swap3A_331 {strides = array<i32>} : memref<128xi32, #tpu.memory_space<vmem>>, vector<16xi32>,
      %get3A_332 = arith.constant 0 : i32
      %get3A_333 = arith.index_cast %get3A_332 : i32 to index
      %get3A_334 = arith.constant 112 : index
      %get3A_335 = tpu.vector_load %arg8[%get3A_333, %get3A_334] {strides = array<i32>} : memref<2x128xi32, #tpu.memory_space<vmem>>, vector<1x16xi32>,
      %get3A_336 = vector.shape_cast %get3A_335 : vector<1x16xi32> to vector<16xi32>
      %swap3A_337 = arith.constant 112 : index
      %swap3A_338 = tpu.vector_load %arg10[%swap3A_337] {strides = array<i32>} : memref<128xi32, #tpu.memory_space<vmem>>, vector<16xi32>,
      %swap3A_339 = vector.shape_cast %swap3A_338 : vector<16xi32> to vector<16xi32>
      %swap3A_340 = vector.shape_cast %get3A_336 : vector<16xi32> to vector<16xi32>
      tpu.vector_store %arg10[%swap3A_337], %swap3A_340 {strides = array<i32>} : memref<128xi32, #tpu.memory_space<vmem>>, vector<16xi32>,
      %get3A_341 = arith.constant 1 : i32
      %get3A_342 = arith.index_cast %get3A_341 : i32 to index
      %get3A_343 = arith.constant 112 : index
      %get3A_344 = tpu.vector_load %arg8[%get3A_342, %get3A_343] {strides = array<i32>} : memref<2x128xi32, #tpu.memory_space<vmem>>, vector<1x16xi32>,
      %get3A_345 = vector.shape_cast %get3A_344 : vector<1x16xi32> to vector<16xi32>
      %swap3A_346 = arith.constant 112 : index
      %swap3A_347 = tpu.vector_load %arg12[%swap3A_346] {strides = array<i32>} : memref<128xi32, #tpu.memory_space<vmem>>, vector<16xi32>,
      %swap3A_348 = vector.shape_cast %swap3A_347 : vector<16xi32> to vector<16xi32>
      %swap3A_349 = vector.shape_cast %get3A_345 : vector<16xi32> to vector<16xi32>
      tpu.vector_store %arg12[%swap3A_346], %swap3A_349 {strides = array<i32>} : memref<128xi32, #tpu.memory_space<vmem>>, vector<16xi32>,
      %dma_start3A_350 = arith.constant 0 : i32
      %dma_start3A_351 = arith.constant 0 : i32
      %dma_start3A_352 = tpu.memref_slice %arg3[%dma_start3A_350, %dma_start3A_351] : memref<10000x16xf32, #tpu.memory_space<hbm>> -> memref<10000x16xf32, #tpu.memory_space<hbm>>
      tpu.enqueue_indirect_dma source(%dma_start3A_352 : memref<10000x16xf32, #tpu.memory_space<hbm>>) target(%arg17 : memref<128x16xf32, #tpu.memory_space<vmem>>) offsets(%arg12 : memref<128xi32, #tpu.memory_space<vmem>>) semaphore(%arg26 : memref<!tpu.dma_semaphore, #tpu.memory_space<semaphore_mem>>)
      %dma_start3A_353 = arith.constant 0 : i32
      %dma_start3A_354 = arith.constant 0 : i32
      %dma_start3A_355 = tpu.memref_slice %arg4[%dma_start3A_353, %dma_start3A_354] : memref<10000x80xf32, #tpu.memory_space<hbm>> -> memref<10000x80xf32, #tpu.memory_space<hbm>>
      tpu.enqueue_indirect_dma source(%dma_start3A_355 : memref<10000x80xf32, #tpu.memory_space<hbm>>) target(%arg19 : memref<128x80xf32, #tpu.memory_space<vmem>>) offsets(%arg10 : memref<128xi32, #tpu.memory_space<vmem>>) semaphore(%arg28 : memref<!tpu.dma_semaphore, #tpu.memory_space<semaphore_mem>>)
      %lt3A = arith.constant 38 : i32
      %lt3A_356 = arith.cmpi slt, %scan3A_192, %lt3A : i32
      %convert_element_type3A = arith.extui %lt3A_356 : i1 to i32
      %cond3A = arith.constant 0 : i32
      %cond3A_357 = arith.cmpi ne, %convert_element_type3A, %cond3A : i32
      scf.if %cond3A_357 {
        %mul3A_508 = arith.constant 2 : i32
        %mul3A_509 = arith.muli %mul3A_508, %scan3A_192 : i32
        %add3A_510 = arith.constant 2 : i32
        %add3A_511 = arith.addi %mul3A_509, %add3A_510 : i32
        %mul3A_512 = arith.constant 128 : i32
        %mul3A_513 = arith.muli %add3A, %mul3A_512 : i32
        %mul3A_514 = arith.constant 4096 : i32
        %mul3A_515 = arith.muli %add3A_511, %mul3A_514 : i32
        %add3A_516 = arith.addi %mul3A_513, %mul3A_515 : i32
        %dma_start3A_517 = arith.constant 0 : i32
        %dma_start3A_518 = tpu.memref_slice %arg2[%dma_start3A_517, %add3A_516] : memref<2x320000xi32, #tpu.memory_space<hbm>> -> memref<2x128xi32, #tpu.memory_space<hbm>>
        %dma_start3A_519 = arith.constant 0 : i32
        %dma_start3A_520 = tpu.memref_slice %arg2[%dma_start3A_519, %add3A_516] : memref<2x320000xi32, #tpu.memory_space<hbm>> -> memref<2x128xi32, #tpu.memory_space<hbm>>
        tpu.enqueue_dma source(%dma_start3A_520 : memref<2x128xi32, #tpu.memory_space<hbm>>) target(%arg7 : memref<2x128xi32, #tpu.memory_space<vmem>>) target_semaphore(%arg23 : memref<!tpu.dma_semaphore, #tpu.memory_space<semaphore_mem>>)
      } else {
      }
      %dma_wait3A_358 = arith.constant 0 : i32
      %dma_wait3A_359 = arith.constant 0 : i32
      %dma_wait3A_360 = tpu.memref_slice %arg3[%dma_wait3A_358, %dma_wait3A_359] : memref<10000x16xf32, #tpu.memory_space<hbm>> -> memref<10000x16xf32, #tpu.memory_space<hbm>>
      tpu.wait_indirect_dma semaphore(%arg25 : memref<!tpu.dma_semaphore, #tpu.memory_space<semaphore_mem>>) src(%dma_wait3A_360 : memref<10000x16xf32, #tpu.memory_space<hbm>>) dst(%arg16 : memref<128x16xf32, #tpu.memory_space<vmem>>)
      %dma_wait3A_361 = arith.constant 0 : i32
      %dma_wait3A_362 = arith.constant 0 : i32
      %dma_wait3A_363 = tpu.memref_slice %arg4[%dma_wait3A_361, %dma_wait3A_362] : memref<10000x80xf32, #tpu.memory_space<hbm>> -> memref<10000x80xf32, #tpu.memory_space<hbm>>
      tpu.wait_indirect_dma semaphore(%arg27 : memref<!tpu.dma_semaphore, #tpu.memory_space<semaphore_mem>>) src(%dma_wait3A_363 : memref<10000x80xf32, #tpu.memory_space<hbm>>) dst(%arg18 : memref<128x80xf32, #tpu.memory_space<vmem>>)
      %gt3A = arith.constant 0 : i32
      %gt3A_364 = arith.cmpi sgt, %scan3A_192, %gt3A : i32
      %convert_element_type3A_365 = arith.extui %gt3A_364 : i1 to i32
      %cond3A_366 = arith.constant 0 : i32
      %cond3A_367 = arith.cmpi ne, %convert_element_type3A_365, %cond3A_366 : i32
      scf.if %cond3A_367 {
        %dma_wait3A_508 = arith.constant 0 : i32
        %dma_wait3A_509 = arith.constant 0 : i32
        %dma_wait3A_510 = tpu.memref_slice %arg22[%dma_wait3A_508, %dma_wait3A_509] : memref<10000x80xf32, #tpu.memory_space<vmem_shared>> -> memref<10000x80xf32, #tpu.memory_space<vmem_shared>>
        tpu.wait_indirect_dma semaphore(%arg29 : memref<!tpu.dma_semaphore, #tpu.memory_space<semaphore_mem>>) src(%arg20 : memref<128x80xf32, #tpu.memory_space<vmem>>) dst(%dma_wait3A_510 : memref<10000x80xf32, #tpu.memory_space<vmem_shared>>)
      } else {
      }
      %parallel_loop3A_368 = arith.constant 0 : i32
      %parallel_loop3A_369 = arith.constant 128 : i32
      %parallel_loop3A_370 = arith.constant 1 : i32
      scf.for %parallel_loop3A_508 = %parallel_loop3A_368 to %parallel_loop3A_369 step %parallel_loop3A_370  : i32 {
        %parallel_loop3A_509 = arith.index_cast %parallel_loop3A_508 : i32 to index
        %parallel_loop3A_510 = arith.constant 64 : index
        %parallel_loop3A_511 = tpu.vector_load %arg18[%parallel_loop3A_509, %parallel_loop3A_510] {strides = array<i32>} : memref<128x80xf32, #tpu.memory_space<vmem>>, vector<1x16xf32>,
        %parallel_loop3A_512 = vector.shape_cast %parallel_loop3A_511 : vector<1x16xf32> to vector<16xf32>
        %parallel_loop3A_513 = arith.index_cast %parallel_loop3A_508 : i32 to index
        %parallel_loop3A_514 = arith.constant 0 : index
        %parallel_loop3A_515 = tpu.vector_load %arg16[%parallel_loop3A_513, %parallel_loop3A_514] {strides = array<i32>} : memref<128x16xf32, #tpu.memory_space<vmem>>, vector<1x16xf32>,
        %parallel_loop3A_516 = vector.shape_cast %parallel_loop3A_515 : vector<1x16xf32> to vector<16xf32>
        %parallel_loop3A_517 = arith.addf %parallel_loop3A_512, %parallel_loop3A_516 : vector<16xf32>
        %parallel_loop3A_518 = arith.constant 2.000000e-01 : f32
        %parallel_loop3A_519 = vector.broadcast %parallel_loop3A_518 : f32 to vector<16xf32>
        %parallel_loop3A_520 = arith.mulf %parallel_loop3A_519, %parallel_loop3A_517 : vector<16xf32>
        %parallel_loop3A_521 = arith.maximumf %parallel_loop3A_517, %parallel_loop3A_520 : vector<16xf32>
        %parallel_loop3A_522 = math.exp %parallel_loop3A_521 : vector<16xf32>
        %parallel_loop3A_523 = arith.index_cast %parallel_loop3A_508 : i32 to index
        %parallel_loop3A_524 = arith.constant 64 : index
        %parallel_loop3A_525 = tpu.vector_load %arg20[%parallel_loop3A_523, %parallel_loop3A_524] {strides = array<i32>} : memref<128x80xf32, #tpu.memory_space<vmem>>, vector<1x16xf32>,
        %parallel_loop3A_526 = vector.shape_cast %parallel_loop3A_525 : vector<1x16xf32> to vector<16xf32>
        %parallel_loop3A_527 = vector.shape_cast %parallel_loop3A_522 : vector<16xf32> to vector<1x16xf32>
        tpu.vector_store %arg20[%parallel_loop3A_523, %parallel_loop3A_524], %parallel_loop3A_527 {strides = array<i32>} : memref<128x80xf32, #tpu.memory_space<vmem>>, vector<1x16xf32>,
        %parallel_loop3A_528 = arith.constant 0 : i32
        %parallel_loop3A_529 = vector.broadcast %parallel_loop3A_528 : i32 to vector<16x1xi32>
        %parallel_loop3A_530 = vector.shape_cast %parallel_loop3A_529 : vector<16x1xi32> to vector<16xi32>
        %parallel_loop3A_531 = tpu.dynamic_gather %parallel_loop3A_522[%parallel_loop3A_530] in [0] : vector<16xf32>, vector<16xi32> -> vector<16xf32>
        %parallel_loop3A_532 = arith.index_cast %parallel_loop3A_508 : i32 to index
        %parallel_loop3A_533 = arith.constant 0 : index
        %parallel_loop3A_534 = tpu.vector_load %arg18[%parallel_loop3A_532, %parallel_loop3A_533] {strides = array<i32>} : memref<128x80xf32, #tpu.memory_space<vmem>>, vector<1x16xf32>,
        %parallel_loop3A_535 = vector.shape_cast %parallel_loop3A_534 : vector<1x16xf32> to vector<16xf32>
        %parallel_loop3A_536 = arith.mulf %parallel_loop3A_535, %parallel_loop3A_531 : vector<16xf32>
        %parallel_loop3A_537 = arith.index_cast %parallel_loop3A_508 : i32 to index
        %parallel_loop3A_538 = arith.constant 0 : index
        %parallel_loop3A_539 = tpu.vector_load %arg20[%parallel_loop3A_537, %parallel_loop3A_538] {strides = array<i32>} : memref<128x80xf32, #tpu.memory_space<vmem>>, vector<1x16xf32>,
        %parallel_loop3A_540 = vector.shape_cast %parallel_loop3A_539 : vector<1x16xf32> to vector<16xf32>
        %parallel_loop3A_541 = vector.shape_cast %parallel_loop3A_536 : vector<16xf32> to vector<1x16xf32>
        tpu.vector_store %arg20[%parallel_loop3A_537, %parallel_loop3A_538], %parallel_loop3A_541 {strides = array<i32>} : memref<128x80xf32, #tpu.memory_space<vmem>>, vector<1x16xf32>,
        %parallel_loop3A_542 = arith.constant 0 : i32
        %parallel_loop3A_543 = vector.broadcast %parallel_loop3A_542 : i32 to vector<16x1xi32>
        %parallel_loop3A_544 = vector.shape_cast %parallel_loop3A_543 : vector<16x1xi32> to vector<16xi32>
        %parallel_loop3A_545 = tpu.dynamic_gather %parallel_loop3A_522[%parallel_loop3A_544] in [0] : vector<16xf32>, vector<16xi32> -> vector<16xf32>
        %parallel_loop3A_546 = arith.index_cast %parallel_loop3A_508 : i32 to index
        %parallel_loop3A_547 = arith.constant 16 : index
        %parallel_loop3A_548 = tpu.vector_load %arg18[%parallel_loop3A_546, %parallel_loop3A_547] {strides = array<i32>} : memref<128x80xf32, #tpu.memory_space<vmem>>, vector<1x16xf32>,
        %parallel_loop3A_549 = vector.shape_cast %parallel_loop3A_548 : vector<1x16xf32> to vector<16xf32>
        %parallel_loop3A_550 = arith.mulf %parallel_loop3A_549, %parallel_loop3A_545 : vector<16xf32>
        %parallel_loop3A_551 = arith.index_cast %parallel_loop3A_508 : i32 to index
        %parallel_loop3A_552 = arith.constant 16 : index
        %parallel_loop3A_553 = tpu.vector_load %arg20[%parallel_loop3A_551, %parallel_loop3A_552] {strides = array<i32>} : memref<128x80xf32, #tpu.memory_space<vmem>>, vector<1x16xf32>,
        %parallel_loop3A_554 = vector.shape_cast %parallel_loop3A_553 : vector<1x16xf32> to vector<16xf32>
        %parallel_loop3A_555 = vector.shape_cast %parallel_loop3A_550 : vector<16xf32> to vector<1x16xf32>
        tpu.vector_store %arg20[%parallel_loop3A_551, %parallel_loop3A_552], %parallel_loop3A_555 {strides = array<i32>} : memref<128x80xf32, #tpu.memory_space<vmem>>, vector<1x16xf32>,
        %parallel_loop3A_556 = arith.constant 0 : i32
        %parallel_loop3A_557 = vector.broadcast %parallel_loop3A_556 : i32 to vector<16x1xi32>
        %parallel_loop3A_558 = vector.shape_cast %parallel_loop3A_557 : vector<16x1xi32> to vector<16xi32>
        %parallel_loop3A_559 = tpu.dynamic_gather %parallel_loop3A_522[%parallel_loop3A_558] in [0] : vector<16xf32>, vector<16xi32> -> vector<16xf32>
        %parallel_loop3A_560 = arith.index_cast %parallel_loop3A_508 : i32 to index
        %parallel_loop3A_561 = arith.constant 32 : index
        %parallel_loop3A_562 = tpu.vector_load %arg18[%parallel_loop3A_560, %parallel_loop3A_561] {strides = array<i32>} : memref<128x80xf32, #tpu.memory_space<vmem>>, vector<1x16xf32>,
        %parallel_loop3A_563 = vector.shape_cast %parallel_loop3A_562 : vector<1x16xf32> to vector<16xf32>
        %parallel_loop3A_564 = arith.mulf %parallel_loop3A_563, %parallel_loop3A_559 : vector<16xf32>
        %parallel_loop3A_565 = arith.index_cast %parallel_loop3A_508 : i32 to index
        %parallel_loop3A_566 = arith.constant 32 : index
        %parallel_loop3A_567 = tpu.vector_load %arg20[%parallel_loop3A_565, %parallel_loop3A_566] {strides = array<i32>} : memref<128x80xf32, #tpu.memory_space<vmem>>, vector<1x16xf32>,
        %parallel_loop3A_568 = vector.shape_cast %parallel_loop3A_567 : vector<1x16xf32> to vector<16xf32>
        %parallel_loop3A_569 = vector.shape_cast %parallel_loop3A_564 : vector<16xf32> to vector<1x16xf32>
        tpu.vector_store %arg20[%parallel_loop3A_565, %parallel_loop3A_566], %parallel_loop3A_569 {strides = array<i32>} : memref<128x80xf32, #tpu.memory_space<vmem>>, vector<1x16xf32>,
        %parallel_loop3A_570 = arith.constant 0 : i32
        %parallel_loop3A_571 = vector.broadcast %parallel_loop3A_570 : i32 to vector<16x1xi32>
        %parallel_loop3A_572 = vector.shape_cast %parallel_loop3A_571 : vector<16x1xi32> to vector<16xi32>
        %parallel_loop3A_573 = tpu.dynamic_gather %parallel_loop3A_522[%parallel_loop3A_572] in [0] : vector<16xf32>, vector<16xi32> -> vector<16xf32>
        %parallel_loop3A_574 = arith.index_cast %parallel_loop3A_508 : i32 to index
        %parallel_loop3A_575 = arith.constant 48 : index
        %parallel_loop3A_576 = tpu.vector_load %arg18[%parallel_loop3A_574, %parallel_loop3A_575] {strides = array<i32>} : memref<128x80xf32, #tpu.memory_space<vmem>>, vector<1x16xf32>,
        %parallel_loop3A_577 = vector.shape_cast %parallel_loop3A_576 : vector<1x16xf32> to vector<16xf32>
        %parallel_loop3A_578 = arith.mulf %parallel_loop3A_577, %parallel_loop3A_573 : vector<16xf32>
        %parallel_loop3A_579 = arith.index_cast %parallel_loop3A_508 : i32 to index
        %parallel_loop3A_580 = arith.constant 48 : index
        %parallel_loop3A_581 = tpu.vector_load %arg20[%parallel_loop3A_579, %parallel_loop3A_580] {strides = array<i32>} : memref<128x80xf32, #tpu.memory_space<vmem>>, vector<1x16xf32>,
        %parallel_loop3A_582 = vector.shape_cast %parallel_loop3A_581 : vector<1x16xf32> to vector<16xf32>
        %parallel_loop3A_583 = vector.shape_cast %parallel_loop3A_578 : vector<16xf32> to vector<1x16xf32>
        tpu.vector_store %arg20[%parallel_loop3A_579, %parallel_loop3A_580], %parallel_loop3A_583 {strides = array<i32>} : memref<128x80xf32, #tpu.memory_space<vmem>>, vector<1x16xf32>,
      } {sc.loop_unroll_factor = 8 : i64, sc.parallel_access}
      %get3A_371 = arith.constant 0 : index
      %get3A_372 = tpu.vector_load %arg11[%get3A_371] {strides = array<i32>} : memref<128xi32, #tpu.memory_space<vmem>>, vector<16xi32>,
      %get3A_373 = vector.shape_cast %get3A_372 : vector<16xi32> to vector<16xi32>
      %swap3A_374 = arith.constant 0 : index
      %swap3A_375 = tpu.vector_load %arg13[%swap3A_374] {strides = array<i32>} : memref<128xi32, #tpu.memory_space<vmem>>, vector<16xi32>,
      %swap3A_376 = vector.shape_cast %swap3A_375 : vector<16xi32> to vector<16xi32>
      %swap3A_377 = vector.shape_cast %get3A_373 : vector<16xi32> to vector<16xi32>
      tpu.vector_store %arg13[%swap3A_374], %swap3A_377 {strides = array<i32>} : memref<128xi32, #tpu.memory_space<vmem>>, vector<16xi32>,
      %get3A_378 = arith.constant 16 : index
      %get3A_379 = tpu.vector_load %arg11[%get3A_378] {strides = array<i32>} : memref<128xi32, #tpu.memory_space<vmem>>, vector<16xi32>,
      %get3A_380 = vector.shape_cast %get3A_379 : vector<16xi32> to vector<16xi32>
      %swap3A_381 = arith.constant 16 : index
      %swap3A_382 = tpu.vector_load %arg13[%swap3A_381] {strides = array<i32>} : memref<128xi32, #tpu.memory_space<vmem>>, vector<16xi32>,
      %swap3A_383 = vector.shape_cast %swap3A_382 : vector<16xi32> to vector<16xi32>
      %swap3A_384 = vector.shape_cast %get3A_380 : vector<16xi32> to vector<16xi32>
      tpu.vector_store %arg13[%swap3A_381], %swap3A_384 {strides = array<i32>} : memref<128xi32, #tpu.memory_space<vmem>>, vector<16xi32>,
      %get3A_385 = arith.constant 32 : index
      %get3A_386 = tpu.vector_load %arg11[%get3A_385] {strides = array<i32>} : memref<128xi32, #tpu.memory_space<vmem>>, vector<16xi32>,
      %get3A_387 = vector.shape_cast %get3A_386 : vector<16xi32> to vector<16xi32>
      %swap3A_388 = arith.constant 32 : index
      %swap3A_389 = tpu.vector_load %arg13[%swap3A_388] {strides = array<i32>} : memref<128xi32, #tpu.memory_space<vmem>>, vector<16xi32>,
      %swap3A_390 = vector.shape_cast %swap3A_389 : vector<16xi32> to vector<16xi32>
      %swap3A_391 = vector.shape_cast %get3A_387 : vector<16xi32> to vector<16xi32>
      tpu.vector_store %arg13[%swap3A_388], %swap3A_391 {strides = array<i32>} : memref<128xi32, #tpu.memory_space<vmem>>, vector<16xi32>,
      %get3A_392 = arith.constant 48 : index
      %get3A_393 = tpu.vector_load %arg11[%get3A_392] {strides = array<i32>} : memref<128xi32, #tpu.memory_space<vmem>>, vector<16xi32>,
      %get3A_394 = vector.shape_cast %get3A_393 : vector<16xi32> to vector<16xi32>
      %swap3A_395 = arith.constant 48 : index
      %swap3A_396 = tpu.vector_load %arg13[%swap3A_395] {strides = array<i32>} : memref<128xi32, #tpu.memory_space<vmem>>, vector<16xi32>,
      %swap3A_397 = vector.shape_cast %swap3A_396 : vector<16xi32> to vector<16xi32>
      %swap3A_398 = vector.shape_cast %get3A_394 : vector<16xi32> to vector<16xi32>
      tpu.vector_store %arg13[%swap3A_395], %swap3A_398 {strides = array<i32>} : memref<128xi32, #tpu.memory_space<vmem>>, vector<16xi32>,
      %get3A_399 = arith.constant 64 : index
      %get3A_400 = tpu.vector_load %arg11[%get3A_399] {strides = array<i32>} : memref<128xi32, #tpu.memory_space<vmem>>, vector<16xi32>,
      %get3A_401 = vector.shape_cast %get3A_400 : vector<16xi32> to vector<16xi32>
      %swap3A_402 = arith.constant 64 : index
      %swap3A_403 = tpu.vector_load %arg13[%swap3A_402] {strides = array<i32>} : memref<128xi32, #tpu.memory_space<vmem>>, vector<16xi32>,
      %swap3A_404 = vector.shape_cast %swap3A_403 : vector<16xi32> to vector<16xi32>
      %swap3A_405 = vector.shape_cast %get3A_401 : vector<16xi32> to vector<16xi32>
      tpu.vector_store %arg13[%swap3A_402], %swap3A_405 {strides = array<i32>} : memref<128xi32, #tpu.memory_space<vmem>>, vector<16xi32>,
      %get3A_406 = arith.constant 80 : index
      %get3A_407 = tpu.vector_load %arg11[%get3A_406] {strides = array<i32>} : memref<128xi32, #tpu.memory_space<vmem>>, vector<16xi32>,
      %get3A_408 = vector.shape_cast %get3A_407 : vector<16xi32> to vector<16xi32>
      %swap3A_409 = arith.constant 80 : index
      %swap3A_410 = tpu.vector_load %arg13[%swap3A_409] {strides = array<i32>} : memref<128xi32, #tpu.memory_space<vmem>>, vector<16xi32>,
      %swap3A_411 = vector.shape_cast %swap3A_410 : vector<16xi32> to vector<16xi32>
      %swap3A_412 = vector.shape_cast %get3A_408 : vector<16xi32> to vector<16xi32>
      tpu.vector_store %arg13[%swap3A_409], %swap3A_412 {strides = array<i32>} : memref<128xi32, #tpu.memory_space<vmem>>, vector<16xi32>,
      %get3A_413 = arith.constant 96 : index
      %get3A_414 = tpu.vector_load %arg11[%get3A_413] {strides = array<i32>} : memref<128xi32, #tpu.memory_space<vmem>>, vector<16xi32>,
      %get3A_415 = vector.shape_cast %get3A_414 : vector<16xi32> to vector<16xi32>
      %swap3A_416 = arith.constant 96 : index
      %swap3A_417 = tpu.vector_load %arg13[%swap3A_416] {strides = array<i32>} : memref<128xi32, #tpu.memory_space<vmem>>, vector<16xi32>,
      %swap3A_418 = vector.shape_cast %swap3A_417 : vector<16xi32> to vector<16xi32>
      %swap3A_419 = vector.shape_cast %get3A_415 : vector<16xi32> to vector<16xi32>
      tpu.vector_store %arg13[%swap3A_416], %swap3A_419 {strides = array<i32>} : memref<128xi32, #tpu.memory_space<vmem>>, vector<16xi32>,
      %get3A_420 = arith.constant 112 : index
      %get3A_421 = tpu.vector_load %arg11[%get3A_420] {strides = array<i32>} : memref<128xi32, #tpu.memory_space<vmem>>, vector<16xi32>,
      %get3A_422 = vector.shape_cast %get3A_421 : vector<16xi32> to vector<16xi32>
      %swap3A_423 = arith.constant 112 : index
      %swap3A_424 = tpu.vector_load %arg13[%swap3A_423] {strides = array<i32>} : memref<128xi32, #tpu.memory_space<vmem>>, vector<16xi32>,
      %swap3A_425 = vector.shape_cast %swap3A_424 : vector<16xi32> to vector<16xi32>
      %swap3A_426 = vector.shape_cast %get3A_422 : vector<16xi32> to vector<16xi32>
      tpu.vector_store %arg13[%swap3A_423], %swap3A_426 {strides = array<i32>} : memref<128xi32, #tpu.memory_space<vmem>>, vector<16xi32>,
      %dma_start3A_427 = arith.constant 0 : i32
      %dma_start3A_428 = arith.constant 0 : i32
      %dma_start3A_429 = tpu.memref_slice %arg22[%dma_start3A_427, %dma_start3A_428] : memref<10000x80xf32, #tpu.memory_space<vmem_shared>> -> memref<10000x80xf32, #tpu.memory_space<vmem_shared>>
      tpu.enqueue_indirect_dma source(%arg20 : memref<128x80xf32, #tpu.memory_space<vmem>>) target(%dma_start3A_429 : memref<10000x80xf32, #tpu.memory_space<vmem_shared>>) offsets(%arg13 : memref<128xi32, #tpu.memory_space<vmem>>) semaphore(%arg29 : memref<!tpu.dma_semaphore, #tpu.memory_space<semaphore_mem>>) {add = true}
      %lt3A_430 = arith.constant 38 : i32
      %lt3A_431 = arith.cmpi slt, %scan3A_192, %lt3A_430 : i32
      %convert_element_type3A_432 = arith.extui %lt3A_431 : i1 to i32
      %cond3A_433 = arith.constant 0 : i32
      %cond3A_434 = arith.cmpi ne, %convert_element_type3A_432, %cond3A_433 : i32
      scf.if %cond3A_434 {
        %mul3A_508 = arith.constant 2 : i32
        %mul3A_509 = arith.muli %mul3A_508, %scan3A_192 : i32
        %add3A_510 = arith.constant 2 : i32
        %add3A_511 = arith.addi %mul3A_509, %add3A_510 : i32
        %mul3A_512 = arith.constant 128 : i32
        %mul3A_513 = arith.muli %add3A, %mul3A_512 : i32
        %mul3A_514 = arith.constant 4096 : i32
        %mul3A_515 = arith.muli %add3A_511, %mul3A_514 : i32
        %add3A_516 = arith.addi %mul3A_513, %mul3A_515 : i32
        %dma_wait3A_517 = arith.constant 0 : i32
        %dma_wait3A_518 = tpu.memref_slice %arg2[%dma_wait3A_517, %add3A_516] : memref<2x320000xi32, #tpu.memory_space<hbm>> -> memref<2x128xi32, #tpu.memory_space<hbm>>
        %dma_wait3A_519 = arith.constant 0 : i32
        %dma_wait3A_520 = tpu.memref_slice %arg2[%dma_wait3A_519, %add3A_516] : memref<2x320000xi32, #tpu.memory_space<hbm>> -> memref<2x128xi32, #tpu.memory_space<hbm>>
        tpu.wait_dma2 semaphore(%arg23 : memref<!tpu.dma_semaphore, #tpu.memory_space<semaphore_mem>>) src(%dma_wait3A_520 : memref<2x128xi32, #tpu.memory_space<hbm>>) dst(%arg7 : memref<2x128xi32, #tpu.memory_space<vmem>>)
        %get3A_521 = arith.constant 0 : i32
        %get3A_522 = arith.index_cast %get3A_521 : i32 to index
        %get3A_523 = arith.constant 0 : index
        %get3A_524 = tpu.vector_load %arg7[%get3A_522, %get3A_523] {strides = array<i32>} : memref<2x128xi32, #tpu.memory_space<vmem>>, vector<1x16xi32>,
        %get3A_525 = vector.shape_cast %get3A_524 : vector<1x16xi32> to vector<16xi32>
        %swap3A_526 = arith.constant 0 : index
        %swap3A_527 = tpu.vector_load %arg9[%swap3A_526] {strides = array<i32>} : memref<128xi32, #tpu.memory_space<vmem>>, vector<16xi32>,
        %swap3A_528 = vector.shape_cast %swap3A_527 : vector<16xi32> to vector<16xi32>
        %swap3A_529 = vector.shape_cast %get3A_525 : vector<16xi32> to vector<16xi32>
        tpu.vector_store %arg9[%swap3A_526], %swap3A_529 {strides = array<i32>} : memref<128xi32, #tpu.memory_space<vmem>>, vector<16xi32>,
        %get3A_530 = arith.constant 1 : i32
        %get3A_531 = arith.index_cast %get3A_530 : i32 to index
        %get3A_532 = arith.constant 0 : index
        %get3A_533 = tpu.vector_load %arg7[%get3A_531, %get3A_532] {strides = array<i32>} : memref<2x128xi32, #tpu.memory_space<vmem>>, vector<1x16xi32>,
        %get3A_534 = vector.shape_cast %get3A_533 : vector<1x16xi32> to vector<16xi32>
        %swap3A_535 = arith.constant 0 : index
        %swap3A_536 = tpu.vector_load %arg11[%swap3A_535] {strides = array<i32>} : memref<128xi32, #tpu.memory_space<vmem>>, vector<16xi32>,
        %swap3A_537 = vector.shape_cast %swap3A_536 : vector<16xi32> to vector<16xi32>
        %swap3A_538 = vector.shape_cast %get3A_534 : vector<16xi32> to vector<16xi32>
        tpu.vector_store %arg11[%swap3A_535], %swap3A_538 {strides = array<i32>} : memref<128xi32, #tpu.memory_space<vmem>>, vector<16xi32>,
        %get3A_539 = arith.constant 0 : i32
        %get3A_540 = arith.index_cast %get3A_539 : i32 to index
        %get3A_541 = arith.constant 16 : index
        %get3A_542 = tpu.vector_load %arg7[%get3A_540, %get3A_541] {strides = array<i32>} : memref<2x128xi32, #tpu.memory_space<vmem>>, vector<1x16xi32>,
        %get3A_543 = vector.shape_cast %get3A_542 : vector<1x16xi32> to vector<16xi32>
        %swap3A_544 = arith.constant 16 : index
        %swap3A_545 = tpu.vector_load %arg9[%swap3A_544] {strides = array<i32>} : memref<128xi32, #tpu.memory_space<vmem>>, vector<16xi32>,
        %swap3A_546 = vector.shape_cast %swap3A_545 : vector<16xi32> to vector<16xi32>
        %swap3A_547 = vector.shape_cast %get3A_543 : vector<16xi32> to vector<16xi32>
        tpu.vector_store %arg9[%swap3A_544], %swap3A_547 {strides = array<i32>} : memref<128xi32, #tpu.memory_space<vmem>>, vector<16xi32>,
        %get3A_548 = arith.constant 1 : i32
        %get3A_549 = arith.index_cast %get3A_548 : i32 to index
        %get3A_550 = arith.constant 16 : index
        %get3A_551 = tpu.vector_load %arg7[%get3A_549, %get3A_550] {strides = array<i32>} : memref<2x128xi32, #tpu.memory_space<vmem>>, vector<1x16xi32>,
        %get3A_552 = vector.shape_cast %get3A_551 : vector<1x16xi32> to vector<16xi32>
        %swap3A_553 = arith.constant 16 : index
        %swap3A_554 = tpu.vector_load %arg11[%swap3A_553] {strides = array<i32>} : memref<128xi32, #tpu.memory_space<vmem>>, vector<16xi32>,
        %swap3A_555 = vector.shape_cast %swap3A_554 : vector<16xi32> to vector<16xi32>
        %swap3A_556 = vector.shape_cast %get3A_552 : vector<16xi32> to vector<16xi32>
        tpu.vector_store %arg11[%swap3A_553], %swap3A_556 {strides = array<i32>} : memref<128xi32, #tpu.memory_space<vmem>>, vector<16xi32>,
        %get3A_557 = arith.constant 0 : i32
        %get3A_558 = arith.index_cast %get3A_557 : i32 to index
        %get3A_559 = arith.constant 32 : index
        %get3A_560 = tpu.vector_load %arg7[%get3A_558, %get3A_559] {strides = array<i32>} : memref<2x128xi32, #tpu.memory_space<vmem>>, vector<1x16xi32>,
        %get3A_561 = vector.shape_cast %get3A_560 : vector<1x16xi32> to vector<16xi32>
        %swap3A_562 = arith.constant 32 : index
        %swap3A_563 = tpu.vector_load %arg9[%swap3A_562] {strides = array<i32>} : memref<128xi32, #tpu.memory_space<vmem>>, vector<16xi32>,
        %swap3A_564 = vector.shape_cast %swap3A_563 : vector<16xi32> to vector<16xi32>
        %swap3A_565 = vector.shape_cast %get3A_561 : vector<16xi32> to vector<16xi32>
        tpu.vector_store %arg9[%swap3A_562], %swap3A_565 {strides = array<i32>} : memref<128xi32, #tpu.memory_space<vmem>>, vector<16xi32>,
        %get3A_566 = arith.constant 1 : i32
        %get3A_567 = arith.index_cast %get3A_566 : i32 to index
        %get3A_568 = arith.constant 32 : index
        %get3A_569 = tpu.vector_load %arg7[%get3A_567, %get3A_568] {strides = array<i32>} : memref<2x128xi32, #tpu.memory_space<vmem>>, vector<1x16xi32>,
        %get3A_570 = vector.shape_cast %get3A_569 : vector<1x16xi32> to vector<16xi32>
        %swap3A_571 = arith.constant 32 : index
        %swap3A_572 = tpu.vector_load %arg11[%swap3A_571] {strides = array<i32>} : memref<128xi32, #tpu.memory_space<vmem>>, vector<16xi32>,
        %swap3A_573 = vector.shape_cast %swap3A_572 : vector<16xi32> to vector<16xi32>
        %swap3A_574 = vector.shape_cast %get3A_570 : vector<16xi32> to vector<16xi32>
        tpu.vector_store %arg11[%swap3A_571], %swap3A_574 {strides = array<i32>} : memref<128xi32, #tpu.memory_space<vmem>>, vector<16xi32>,
        %get3A_575 = arith.constant 0 : i32
        %get3A_576 = arith.index_cast %get3A_575 : i32 to index
        %get3A_577 = arith.constant 48 : index
        %get3A_578 = tpu.vector_load %arg7[%get3A_576, %get3A_577] {strides = array<i32>} : memref<2x128xi32, #tpu.memory_space<vmem>>, vector<1x16xi32>,
        %get3A_579 = vector.shape_cast %get3A_578 : vector<1x16xi32> to vector<16xi32>
        %swap3A_580 = arith.constant 48 : index
        %swap3A_581 = tpu.vector_load %arg9[%swap3A_580] {strides = array<i32>} : memref<128xi32, #tpu.memory_space<vmem>>, vector<16xi32>,
        %swap3A_582 = vector.shape_cast %swap3A_581 : vector<16xi32> to vector<16xi32>
        %swap3A_583 = vector.shape_cast %get3A_579 : vector<16xi32> to vector<16xi32>
        tpu.vector_store %arg9[%swap3A_580], %swap3A_583 {strides = array<i32>} : memref<128xi32, #tpu.memory_space<vmem>>, vector<16xi32>,
        %get3A_584 = arith.constant 1 : i32
        %get3A_585 = arith.index_cast %get3A_584 : i32 to index
        %get3A_586 = arith.constant 48 : index
        %get3A_587 = tpu.vector_load %arg7[%get3A_585, %get3A_586] {strides = array<i32>} : memref<2x128xi32, #tpu.memory_space<vmem>>, vector<1x16xi32>,
        %get3A_588 = vector.shape_cast %get3A_587 : vector<1x16xi32> to vector<16xi32>
        %swap3A_589 = arith.constant 48 : index
        %swap3A_590 = tpu.vector_load %arg11[%swap3A_589] {strides = array<i32>} : memref<128xi32, #tpu.memory_space<vmem>>, vector<16xi32>,
        %swap3A_591 = vector.shape_cast %swap3A_590 : vector<16xi32> to vector<16xi32>
        %swap3A_592 = vector.shape_cast %get3A_588 : vector<16xi32> to vector<16xi32>
        tpu.vector_store %arg11[%swap3A_589], %swap3A_592 {strides = array<i32>} : memref<128xi32, #tpu.memory_space<vmem>>, vector<16xi32>,
        %get3A_593 = arith.constant 0 : i32
        %get3A_594 = arith.index_cast %get3A_593 : i32 to index
        %get3A_595 = arith.constant 64 : index
        %get3A_596 = tpu.vector_load %arg7[%get3A_594, %get3A_595] {strides = array<i32>} : memref<2x128xi32, #tpu.memory_space<vmem>>, vector<1x16xi32>,
        %get3A_597 = vector.shape_cast %get3A_596 : vector<1x16xi32> to vector<16xi32>
        %swap3A_598 = arith.constant 64 : index
        %swap3A_599 = tpu.vector_load %arg9[%swap3A_598] {strides = array<i32>} : memref<128xi32, #tpu.memory_space<vmem>>, vector<16xi32>,
        %swap3A_600 = vector.shape_cast %swap3A_599 : vector<16xi32> to vector<16xi32>
        %swap3A_601 = vector.shape_cast %get3A_597 : vector<16xi32> to vector<16xi32>
        tpu.vector_store %arg9[%swap3A_598], %swap3A_601 {strides = array<i32>} : memref<128xi32, #tpu.memory_space<vmem>>, vector<16xi32>,
        %get3A_602 = arith.constant 1 : i32
        %get3A_603 = arith.index_cast %get3A_602 : i32 to index
        %get3A_604 = arith.constant 64 : index
        %get3A_605 = tpu.vector_load %arg7[%get3A_603, %get3A_604] {strides = array<i32>} : memref<2x128xi32, #tpu.memory_space<vmem>>, vector<1x16xi32>,
        %get3A_606 = vector.shape_cast %get3A_605 : vector<1x16xi32> to vector<16xi32>
        %swap3A_607 = arith.constant 64 : index
        %swap3A_608 = tpu.vector_load %arg11[%swap3A_607] {strides = array<i32>} : memref<128xi32, #tpu.memory_space<vmem>>, vector<16xi32>,
        %swap3A_609 = vector.shape_cast %swap3A_608 : vector<16xi32> to vector<16xi32>
        %swap3A_610 = vector.shape_cast %get3A_606 : vector<16xi32> to vector<16xi32>
        tpu.vector_store %arg11[%swap3A_607], %swap3A_610 {strides = array<i32>} : memref<128xi32, #tpu.memory_space<vmem>>, vector<16xi32>,
        %get3A_611 = arith.constant 0 : i32
        %get3A_612 = arith.index_cast %get3A_611 : i32 to index
        %get3A_613 = arith.constant 80 : index
        %get3A_614 = tpu.vector_load %arg7[%get3A_612, %get3A_613] {strides = array<i32>} : memref<2x128xi32, #tpu.memory_space<vmem>>, vector<1x16xi32>,
        %get3A_615 = vector.shape_cast %get3A_614 : vector<1x16xi32> to vector<16xi32>
        %swap3A_616 = arith.constant 80 : index
        %swap3A_617 = tpu.vector_load %arg9[%swap3A_616] {strides = array<i32>} : memref<128xi32, #tpu.memory_space<vmem>>, vector<16xi32>,
        %swap3A_618 = vector.shape_cast %swap3A_617 : vector<16xi32> to vector<16xi32>
        %swap3A_619 = vector.shape_cast %get3A_615 : vector<16xi32> to vector<16xi32>
        tpu.vector_store %arg9[%swap3A_616], %swap3A_619 {strides = array<i32>} : memref<128xi32, #tpu.memory_space<vmem>>, vector<16xi32>,
        %get3A_620 = arith.constant 1 : i32
        %get3A_621 = arith.index_cast %get3A_620 : i32 to index
        %get3A_622 = arith.constant 80 : index
        %get3A_623 = tpu.vector_load %arg7[%get3A_621, %get3A_622] {strides = array<i32>} : memref<2x128xi32, #tpu.memory_space<vmem>>, vector<1x16xi32>,
        %get3A_624 = vector.shape_cast %get3A_623 : vector<1x16xi32> to vector<16xi32>
        %swap3A_625 = arith.constant 80 : index
        %swap3A_626 = tpu.vector_load %arg11[%swap3A_625] {strides = array<i32>} : memref<128xi32, #tpu.memory_space<vmem>>, vector<16xi32>,
        %swap3A_627 = vector.shape_cast %swap3A_626 : vector<16xi32> to vector<16xi32>
        %swap3A_628 = vector.shape_cast %get3A_624 : vector<16xi32> to vector<16xi32>
        tpu.vector_store %arg11[%swap3A_625], %swap3A_628 {strides = array<i32>} : memref<128xi32, #tpu.memory_space<vmem>>, vector<16xi32>,
        %get3A_629 = arith.constant 0 : i32
        %get3A_630 = arith.index_cast %get3A_629 : i32 to index
        %get3A_631 = arith.constant 96 : index
        %get3A_632 = tpu.vector_load %arg7[%get3A_630, %get3A_631] {strides = array<i32>} : memref<2x128xi32, #tpu.memory_space<vmem>>, vector<1x16xi32>,
        %get3A_633 = vector.shape_cast %get3A_632 : vector<1x16xi32> to vector<16xi32>
        %swap3A_634 = arith.constant 96 : index
        %swap3A_635 = tpu.vector_load %arg9[%swap3A_634] {strides = array<i32>} : memref<128xi32, #tpu.memory_space<vmem>>, vector<16xi32>,
        %swap3A_636 = vector.shape_cast %swap3A_635 : vector<16xi32> to vector<16xi32>
        %swap3A_637 = vector.shape_cast %get3A_633 : vector<16xi32> to vector<16xi32>
        tpu.vector_store %arg9[%swap3A_634], %swap3A_637 {strides = array<i32>} : memref<128xi32, #tpu.memory_space<vmem>>, vector<16xi32>,
        %get3A_638 = arith.constant 1 : i32
        %get3A_639 = arith.index_cast %get3A_638 : i32 to index
        %get3A_640 = arith.constant 96 : index
        %get3A_641 = tpu.vector_load %arg7[%get3A_639, %get3A_640] {strides = array<i32>} : memref<2x128xi32, #tpu.memory_space<vmem>>, vector<1x16xi32>,
        %get3A_642 = vector.shape_cast %get3A_641 : vector<1x16xi32> to vector<16xi32>
        %swap3A_643 = arith.constant 96 : index
        %swap3A_644 = tpu.vector_load %arg11[%swap3A_643] {strides = array<i32>} : memref<128xi32, #tpu.memory_space<vmem>>, vector<16xi32>,
        %swap3A_645 = vector.shape_cast %swap3A_644 : vector<16xi32> to vector<16xi32>
        %swap3A_646 = vector.shape_cast %get3A_642 : vector<16xi32> to vector<16xi32>
        tpu.vector_store %arg11[%swap3A_643], %swap3A_646 {strides = array<i32>} : memref<128xi32, #tpu.memory_space<vmem>>, vector<16xi32>,
        %get3A_647 = arith.constant 0 : i32
        %get3A_648 = arith.index_cast %get3A_647 : i32 to index
        %get3A_649 = arith.constant 112 : index
        %get3A_650 = tpu.vector_load %arg7[%get3A_648, %get3A_649] {strides = array<i32>} : memref<2x128xi32, #tpu.memory_space<vmem>>, vector<1x16xi32>,
        %get3A_651 = vector.shape_cast %get3A_650 : vector<1x16xi32> to vector<16xi32>
        %swap3A_652 = arith.constant 112 : index
        %swap3A_653 = tpu.vector_load %arg9[%swap3A_652] {strides = array<i32>} : memref<128xi32, #tpu.memory_space<vmem>>, vector<16xi32>,
        %swap3A_654 = vector.shape_cast %swap3A_653 : vector<16xi32> to vector<16xi32>
        %swap3A_655 = vector.shape_cast %get3A_651 : vector<16xi32> to vector<16xi32>
        tpu.vector_store %arg9[%swap3A_652], %swap3A_655 {strides = array<i32>} : memref<128xi32, #tpu.memory_space<vmem>>, vector<16xi32>,
        %get3A_656 = arith.constant 1 : i32
        %get3A_657 = arith.index_cast %get3A_656 : i32 to index
        %get3A_658 = arith.constant 112 : index
        %get3A_659 = tpu.vector_load %arg7[%get3A_657, %get3A_658] {strides = array<i32>} : memref<2x128xi32, #tpu.memory_space<vmem>>, vector<1x16xi32>,
        %get3A_660 = vector.shape_cast %get3A_659 : vector<1x16xi32> to vector<16xi32>
        %swap3A_661 = arith.constant 112 : index
        %swap3A_662 = tpu.vector_load %arg11[%swap3A_661] {strides = array<i32>} : memref<128xi32, #tpu.memory_space<vmem>>, vector<16xi32>,
        %swap3A_663 = vector.shape_cast %swap3A_662 : vector<16xi32> to vector<16xi32>
        %swap3A_664 = vector.shape_cast %get3A_660 : vector<16xi32> to vector<16xi32>
        tpu.vector_store %arg11[%swap3A_661], %swap3A_664 {strides = array<i32>} : memref<128xi32, #tpu.memory_space<vmem>>, vector<16xi32>,
        %dma_start3A_665 = arith.constant 0 : i32
        %dma_start3A_666 = arith.constant 0 : i32
        %dma_start3A_667 = tpu.memref_slice %arg3[%dma_start3A_665, %dma_start3A_666] : memref<10000x16xf32, #tpu.memory_space<hbm>> -> memref<10000x16xf32, #tpu.memory_space<hbm>>
        tpu.enqueue_indirect_dma source(%dma_start3A_667 : memref<10000x16xf32, #tpu.memory_space<hbm>>) target(%arg16 : memref<128x16xf32, #tpu.memory_space<vmem>>) offsets(%arg11 : memref<128xi32, #tpu.memory_space<vmem>>) semaphore(%arg25 : memref<!tpu.dma_semaphore, #tpu.memory_space<semaphore_mem>>)
        %dma_start3A_668 = arith.constant 0 : i32
        %dma_start3A_669 = arith.constant 0 : i32
        %dma_start3A_670 = tpu.memref_slice %arg4[%dma_start3A_668, %dma_start3A_669] : memref<10000x80xf32, #tpu.memory_space<hbm>> -> memref<10000x80xf32, #tpu.memory_space<hbm>>
        tpu.enqueue_indirect_dma source(%dma_start3A_670 : memref<10000x80xf32, #tpu.memory_space<hbm>>) target(%arg18 : memref<128x80xf32, #tpu.memory_space<vmem>>) offsets(%arg9 : memref<128xi32, #tpu.memory_space<vmem>>) semaphore(%arg27 : memref<!tpu.dma_semaphore, #tpu.memory_space<semaphore_mem>>)
        %mul3A_671 = arith.constant 2 : i32
        %mul3A_672 = arith.muli %mul3A_671, %scan3A_192 : i32
        %add3A_673 = arith.constant 3 : i32
        %add3A_674 = arith.addi %mul3A_672, %add3A_673 : i32
        %mul3A_675 = arith.constant 128 : i32
        %mul3A_676 = arith.muli %add3A, %mul3A_675 : i32
        %mul3A_677 = arith.constant 4096 : i32
        %mul3A_678 = arith.muli %add3A_674, %mul3A_677 : i32
        %add3A_679 = arith.addi %mul3A_676, %mul3A_678 : i32
        %dma_start3A_680 = arith.constant 0 : i32
        %dma_start3A_681 = tpu.memref_slice %arg2[%dma_start3A_680, %add3A_679] : memref<2x320000xi32, #tpu.memory_space<hbm>> -> memref<2x128xi32, #tpu.memory_space<hbm>>
        %dma_start3A_682 = arith.constant 0 : i32
        %dma_start3A_683 = tpu.memref_slice %arg2[%dma_start3A_682, %add3A_679] : memref<2x320000xi32, #tpu.memory_space<hbm>> -> memref<2x128xi32, #tpu.memory_space<hbm>>
        tpu.enqueue_dma source(%dma_start3A_683 : memref<2x128xi32, #tpu.memory_space<hbm>>) target(%arg8 : memref<2x128xi32, #tpu.memory_space<vmem>>) target_semaphore(%arg24 : memref<!tpu.dma_semaphore, #tpu.memory_space<semaphore_mem>>)
      } else {
      }
      %dma_wait3A_435 = arith.constant 0 : i32
      %dma_wait3A_436 = arith.constant 0 : i32
      %dma_wait3A_437 = tpu.memref_slice %arg3[%dma_wait3A_435, %dma_wait3A_436] : memref<10000x16xf32, #tpu.memory_space<hbm>> -> memref<10000x16xf32, #tpu.memory_space<hbm>>
      tpu.wait_indirect_dma semaphore(%arg26 : memref<!tpu.dma_semaphore, #tpu.memory_space<semaphore_mem>>) src(%dma_wait3A_437 : memref<10000x16xf32, #tpu.memory_space<hbm>>) dst(%arg17 : memref<128x16xf32, #tpu.memory_space<vmem>>)
      %dma_wait3A_438 = arith.constant 0 : i32
      %dma_wait3A_439 = arith.constant 0 : i32
      %dma_wait3A_440 = tpu.memref_slice %arg4[%dma_wait3A_438, %dma_wait3A_439] : memref<10000x80xf32, #tpu.memory_space<hbm>> -> memref<10000x80xf32, #tpu.memory_space<hbm>>
      tpu.wait_indirect_dma semaphore(%arg28 : memref<!tpu.dma_semaphore, #tpu.memory_space<semaphore_mem>>) src(%dma_wait3A_440 : memref<10000x80xf32, #tpu.memory_space<hbm>>) dst(%arg19 : memref<128x80xf32, #tpu.memory_space<vmem>>)
      %gt3A_441 = arith.constant 0 : i32
      %gt3A_442 = arith.cmpi sgt, %scan3A_192, %gt3A_441 : i32
      %convert_element_type3A_443 = arith.extui %gt3A_442 : i1 to i32
      %cond3A_444 = arith.constant 0 : i32
      %cond3A_445 = arith.cmpi ne, %convert_element_type3A_443, %cond3A_444 : i32
      scf.if %cond3A_445 {
        %dma_wait3A_508 = arith.constant 0 : i32
        %dma_wait3A_509 = arith.constant 0 : i32
        %dma_wait3A_510 = tpu.memref_slice %arg22[%dma_wait3A_508, %dma_wait3A_509] : memref<10000x80xf32, #tpu.memory_space<vmem_shared>> -> memref<10000x80xf32, #tpu.memory_space<vmem_shared>>
        tpu.wait_indirect_dma semaphore(%arg30 : memref<!tpu.dma_semaphore, #tpu.memory_space<semaphore_mem>>) src(%arg21 : memref<128x80xf32, #tpu.memory_space<vmem>>) dst(%dma_wait3A_510 : memref<10000x80xf32, #tpu.memory_space<vmem_shared>>)
      } else {
      }
      %parallel_loop3A_446 = arith.constant 0 : i32
      %parallel_loop3A_447 = arith.constant 128 : i32
      %parallel_loop3A_448 = arith.constant 1 : i32
      scf.for %parallel_loop3A_508 = %parallel_loop3A_446 to %parallel_loop3A_447 step %parallel_loop3A_448  : i32 {
        %parallel_loop3A_509 = arith.index_cast %parallel_loop3A_508 : i32 to index
        %parallel_loop3A_510 = arith.constant 64 : index
        %parallel_loop3A_511 = tpu.vector_load %arg19[%parallel_loop3A_509, %parallel_loop3A_510] {strides = array<i32>} : memref<128x80xf32, #tpu.memory_space<vmem>>, vector<1x16xf32>,
        %parallel_loop3A_512 = vector.shape_cast %parallel_loop3A_511 : vector<1x16xf32> to vector<16xf32>
        %parallel_loop3A_513 = arith.index_cast %parallel_loop3A_508 : i32 to index
        %parallel_loop3A_514 = arith.constant 0 : index
        %parallel_loop3A_515 = tpu.vector_load %arg17[%parallel_loop3A_513, %parallel_loop3A_514] {strides = array<i32>} : memref<128x16xf32, #tpu.memory_space<vmem>>, vector<1x16xf32>,
        %parallel_loop3A_516 = vector.shape_cast %parallel_loop3A_515 : vector<1x16xf32> to vector<16xf32>
        %parallel_loop3A_517 = arith.addf %parallel_loop3A_512, %parallel_loop3A_516 : vector<16xf32>
        %parallel_loop3A_518 = arith.constant 2.000000e-01 : f32
        %parallel_loop3A_519 = vector.broadcast %parallel_loop3A_518 : f32 to vector<16xf32>
        %parallel_loop3A_520 = arith.mulf %parallel_loop3A_519, %parallel_loop3A_517 : vector<16xf32>
        %parallel_loop3A_521 = arith.maximumf %parallel_loop3A_517, %parallel_loop3A_520 : vector<16xf32>
        %parallel_loop3A_522 = math.exp %parallel_loop3A_521 : vector<16xf32>
        %parallel_loop3A_523 = arith.index_cast %parallel_loop3A_508 : i32 to index
        %parallel_loop3A_524 = arith.constant 64 : index
        %parallel_loop3A_525 = tpu.vector_load %arg21[%parallel_loop3A_523, %parallel_loop3A_524] {strides = array<i32>} : memref<128x80xf32, #tpu.memory_space<vmem>>, vector<1x16xf32>,
        %parallel_loop3A_526 = vector.shape_cast %parallel_loop3A_525 : vector<1x16xf32> to vector<16xf32>
        %parallel_loop3A_527 = vector.shape_cast %parallel_loop3A_522 : vector<16xf32> to vector<1x16xf32>
        tpu.vector_store %arg21[%parallel_loop3A_523, %parallel_loop3A_524], %parallel_loop3A_527 {strides = array<i32>} : memref<128x80xf32, #tpu.memory_space<vmem>>, vector<1x16xf32>,
        %parallel_loop3A_528 = arith.constant 0 : i32
        %parallel_loop3A_529 = vector.broadcast %parallel_loop3A_528 : i32 to vector<16x1xi32>
        %parallel_loop3A_530 = vector.shape_cast %parallel_loop3A_529 : vector<16x1xi32> to vector<16xi32>
        %parallel_loop3A_531 = tpu.dynamic_gather %parallel_loop3A_522[%parallel_loop3A_530] in [0] : vector<16xf32>, vector<16xi32> -> vector<16xf32>
        %parallel_loop3A_532 = arith.index_cast %parallel_loop3A_508 : i32 to index
        %parallel_loop3A_533 = arith.constant 0 : index
        %parallel_loop3A_534 = tpu.vector_load %arg19[%parallel_loop3A_532, %parallel_loop3A_533] {strides = array<i32>} : memref<128x80xf32, #tpu.memory_space<vmem>>, vector<1x16xf32>,
        %parallel_loop3A_535 = vector.shape_cast %parallel_loop3A_534 : vector<1x16xf32> to vector<16xf32>
        %parallel_loop3A_536 = arith.mulf %parallel_loop3A_535, %parallel_loop3A_531 : vector<16xf32>
        %parallel_loop3A_537 = arith.index_cast %parallel_loop3A_508 : i32 to index
        %parallel_loop3A_538 = arith.constant 0 : index
        %parallel_loop3A_539 = tpu.vector_load %arg21[%parallel_loop3A_537, %parallel_loop3A_538] {strides = array<i32>} : memref<128x80xf32, #tpu.memory_space<vmem>>, vector<1x16xf32>,
        %parallel_loop3A_540 = vector.shape_cast %parallel_loop3A_539 : vector<1x16xf32> to vector<16xf32>
        %parallel_loop3A_541 = vector.shape_cast %parallel_loop3A_536 : vector<16xf32> to vector<1x16xf32>
        tpu.vector_store %arg21[%parallel_loop3A_537, %parallel_loop3A_538], %parallel_loop3A_541 {strides = array<i32>} : memref<128x80xf32, #tpu.memory_space<vmem>>, vector<1x16xf32>,
        %parallel_loop3A_542 = arith.constant 0 : i32
        %parallel_loop3A_543 = vector.broadcast %parallel_loop3A_542 : i32 to vector<16x1xi32>
        %parallel_loop3A_544 = vector.shape_cast %parallel_loop3A_543 : vector<16x1xi32> to vector<16xi32>
        %parallel_loop3A_545 = tpu.dynamic_gather %parallel_loop3A_522[%parallel_loop3A_544] in [0] : vector<16xf32>, vector<16xi32> -> vector<16xf32>
        %parallel_loop3A_546 = arith.index_cast %parallel_loop3A_508 : i32 to index
        %parallel_loop3A_547 = arith.constant 16 : index
        %parallel_loop3A_548 = tpu.vector_load %arg19[%parallel_loop3A_546, %parallel_loop3A_547] {strides = array<i32>} : memref<128x80xf32, #tpu.memory_space<vmem>>, vector<1x16xf32>,
        %parallel_loop3A_549 = vector.shape_cast %parallel_loop3A_548 : vector<1x16xf32> to vector<16xf32>
        %parallel_loop3A_550 = arith.mulf %parallel_loop3A_549, %parallel_loop3A_545 : vector<16xf32>
        %parallel_loop3A_551 = arith.index_cast %parallel_loop3A_508 : i32 to index
        %parallel_loop3A_552 = arith.constant 16 : index
        %parallel_loop3A_553 = tpu.vector_load %arg21[%parallel_loop3A_551, %parallel_loop3A_552] {strides = array<i32>} : memref<128x80xf32, #tpu.memory_space<vmem>>, vector<1x16xf32>,
        %parallel_loop3A_554 = vector.shape_cast %parallel_loop3A_553 : vector<1x16xf32> to vector<16xf32>
        %parallel_loop3A_555 = vector.shape_cast %parallel_loop3A_550 : vector<16xf32> to vector<1x16xf32>
        tpu.vector_store %arg21[%parallel_loop3A_551, %parallel_loop3A_552], %parallel_loop3A_555 {strides = array<i32>} : memref<128x80xf32, #tpu.memory_space<vmem>>, vector<1x16xf32>,
        %parallel_loop3A_556 = arith.constant 0 : i32
        %parallel_loop3A_557 = vector.broadcast %parallel_loop3A_556 : i32 to vector<16x1xi32>
        %parallel_loop3A_558 = vector.shape_cast %parallel_loop3A_557 : vector<16x1xi32> to vector<16xi32>
        %parallel_loop3A_559 = tpu.dynamic_gather %parallel_loop3A_522[%parallel_loop3A_558] in [0] : vector<16xf32>, vector<16xi32> -> vector<16xf32>
        %parallel_loop3A_560 = arith.index_cast %parallel_loop3A_508 : i32 to index
        %parallel_loop3A_561 = arith.constant 32 : index
        %parallel_loop3A_562 = tpu.vector_load %arg19[%parallel_loop3A_560, %parallel_loop3A_561] {strides = array<i32>} : memref<128x80xf32, #tpu.memory_space<vmem>>, vector<1x16xf32>,
        %parallel_loop3A_563 = vector.shape_cast %parallel_loop3A_562 : vector<1x16xf32> to vector<16xf32>
        %parallel_loop3A_564 = arith.mulf %parallel_loop3A_563, %parallel_loop3A_559 : vector<16xf32>
        %parallel_loop3A_565 = arith.index_cast %parallel_loop3A_508 : i32 to index
        %parallel_loop3A_566 = arith.constant 32 : index
        %parallel_loop3A_567 = tpu.vector_load %arg21[%parallel_loop3A_565, %parallel_loop3A_566] {strides = array<i32>} : memref<128x80xf32, #tpu.memory_space<vmem>>, vector<1x16xf32>,
        %parallel_loop3A_568 = vector.shape_cast %parallel_loop3A_567 : vector<1x16xf32> to vector<16xf32>
        %parallel_loop3A_569 = vector.shape_cast %parallel_loop3A_564 : vector<16xf32> to vector<1x16xf32>
        tpu.vector_store %arg21[%parallel_loop3A_565, %parallel_loop3A_566], %parallel_loop3A_569 {strides = array<i32>} : memref<128x80xf32, #tpu.memory_space<vmem>>, vector<1x16xf32>,
        %parallel_loop3A_570 = arith.constant 0 : i32
        %parallel_loop3A_571 = vector.broadcast %parallel_loop3A_570 : i32 to vector<16x1xi32>
        %parallel_loop3A_572 = vector.shape_cast %parallel_loop3A_571 : vector<16x1xi32> to vector<16xi32>
        %parallel_loop3A_573 = tpu.dynamic_gather %parallel_loop3A_522[%parallel_loop3A_572] in [0] : vector<16xf32>, vector<16xi32> -> vector<16xf32>
        %parallel_loop3A_574 = arith.index_cast %parallel_loop3A_508 : i32 to index
        %parallel_loop3A_575 = arith.constant 48 : index
        %parallel_loop3A_576 = tpu.vector_load %arg19[%parallel_loop3A_574, %parallel_loop3A_575] {strides = array<i32>} : memref<128x80xf32, #tpu.memory_space<vmem>>, vector<1x16xf32>,
        %parallel_loop3A_577 = vector.shape_cast %parallel_loop3A_576 : vector<1x16xf32> to vector<16xf32>
        %parallel_loop3A_578 = arith.mulf %parallel_loop3A_577, %parallel_loop3A_573 : vector<16xf32>
        %parallel_loop3A_579 = arith.index_cast %parallel_loop3A_508 : i32 to index
        %parallel_loop3A_580 = arith.constant 48 : index
        %parallel_loop3A_581 = tpu.vector_load %arg21[%parallel_loop3A_579, %parallel_loop3A_580] {strides = array<i32>} : memref<128x80xf32, #tpu.memory_space<vmem>>, vector<1x16xf32>,
        %parallel_loop3A_582 = vector.shape_cast %parallel_loop3A_581 : vector<1x16xf32> to vector<16xf32>
        %parallel_loop3A_583 = vector.shape_cast %parallel_loop3A_578 : vector<16xf32> to vector<1x16xf32>
        tpu.vector_store %arg21[%parallel_loop3A_579, %parallel_loop3A_580], %parallel_loop3A_583 {strides = array<i32>} : memref<128x80xf32, #tpu.memory_space<vmem>>, vector<1x16xf32>,
      } {sc.loop_unroll_factor = 8 : i64, sc.parallel_access}
      %get3A_449 = arith.constant 0 : index
      %get3A_450 = tpu.vector_load %arg12[%get3A_449] {strides = array<i32>} : memref<128xi32, #tpu.memory_space<vmem>>, vector<16xi32>,
      %get3A_451 = vector.shape_cast %get3A_450 : vector<16xi32> to vector<16xi32>
      %swap3A_452 = arith.constant 0 : index
      %swap3A_453 = tpu.vector_load %arg14[%swap3A_452] {strides = array<i32>} : memref<128xi32, #tpu.memory_space<vmem>>, vector<16xi32>,
      %swap3A_454 = vector.shape_cast %swap3A_453 : vector<16xi32> to vector<16xi32>
      %swap3A_455 = vector.shape_cast %get3A_451 : vector<16xi32> to vector<16xi32>
      tpu.vector_store %arg14[%swap3A_452], %swap3A_455 {strides = array<i32>} : memref<128xi32, #tpu.memory_space<vmem>>, vector<16xi32>,
      %get3A_456 = arith.constant 16 : index
      %get3A_457 = tpu.vector_load %arg12[%get3A_456] {strides = array<i32>} : memref<128xi32, #tpu.memory_space<vmem>>, vector<16xi32>,
      %get3A_458 = vector.shape_cast %get3A_457 : vector<16xi32> to vector<16xi32>
      %swap3A_459 = arith.constant 16 : index
      %swap3A_460 = tpu.vector_load %arg14[%swap3A_459] {strides = array<i32>} : memref<128xi32, #tpu.memory_space<vmem>>, vector<16xi32>,
      %swap3A_461 = vector.shape_cast %swap3A_460 : vector<16xi32> to vector<16xi32>
      %swap3A_462 = vector.shape_cast %get3A_458 : vector<16xi32> to vector<16xi32>
      tpu.vector_store %arg14[%swap3A_459], %swap3A_462 {strides = array<i32>} : memref<128xi32, #tpu.memory_space<vmem>>, vector<16xi32>,
      %get3A_463 = arith.constant 32 : index
      %get3A_464 = tpu.vector_load %arg12[%get3A_463] {strides = array<i32>} : memref<128xi32, #tpu.memory_space<vmem>>, vector<16xi32>,
      %get3A_465 = vector.shape_cast %get3A_464 : vector<16xi32> to vector<16xi32>
      %swap3A_466 = arith.constant 32 : index
      %swap3A_467 = tpu.vector_load %arg14[%swap3A_466] {strides = array<i32>} : memref<128xi32, #tpu.memory_space<vmem>>, vector<16xi32>,
      %swap3A_468 = vector.shape_cast %swap3A_467 : vector<16xi32> to vector<16xi32>
      %swap3A_469 = vector.shape_cast %get3A_465 : vector<16xi32> to vector<16xi32>
      tpu.vector_store %arg14[%swap3A_466], %swap3A_469 {strides = array<i32>} : memref<128xi32, #tpu.memory_space<vmem>>, vector<16xi32>,
      %get3A_470 = arith.constant 48 : index
      %get3A_471 = tpu.vector_load %arg12[%get3A_470] {strides = array<i32>} : memref<128xi32, #tpu.memory_space<vmem>>, vector<16xi32>,
      %get3A_472 = vector.shape_cast %get3A_471 : vector<16xi32> to vector<16xi32>
      %swap3A_473 = arith.constant 48 : index
      %swap3A_474 = tpu.vector_load %arg14[%swap3A_473] {strides = array<i32>} : memref<128xi32, #tpu.memory_space<vmem>>, vector<16xi32>,
      %swap3A_475 = vector.shape_cast %swap3A_474 : vector<16xi32> to vector<16xi32>
      %swap3A_476 = vector.shape_cast %get3A_472 : vector<16xi32> to vector<16xi32>
      tpu.vector_store %arg14[%swap3A_473], %swap3A_476 {strides = array<i32>} : memref<128xi32, #tpu.memory_space<vmem>>, vector<16xi32>,
      %get3A_477 = arith.constant 64 : index
      %get3A_478 = tpu.vector_load %arg12[%get3A_477] {strides = array<i32>} : memref<128xi32, #tpu.memory_space<vmem>>, vector<16xi32>,
      %get3A_479 = vector.shape_cast %get3A_478 : vector<16xi32> to vector<16xi32>
      %swap3A_480 = arith.constant 64 : index
      %swap3A_481 = tpu.vector_load %arg14[%swap3A_480] {strides = array<i32>} : memref<128xi32, #tpu.memory_space<vmem>>, vector<16xi32>,
      %swap3A_482 = vector.shape_cast %swap3A_481 : vector<16xi32> to vector<16xi32>
      %swap3A_483 = vector.shape_cast %get3A_479 : vector<16xi32> to vector<16xi32>
      tpu.vector_store %arg14[%swap3A_480], %swap3A_483 {strides = array<i32>} : memref<128xi32, #tpu.memory_space<vmem>>, vector<16xi32>,
      %get3A_484 = arith.constant 80 : index
      %get3A_485 = tpu.vector_load %arg12[%get3A_484] {strides = array<i32>} : memref<128xi32, #tpu.memory_space<vmem>>, vector<16xi32>,
      %get3A_486 = vector.shape_cast %get3A_485 : vector<16xi32> to vector<16xi32>
      %swap3A_487 = arith.constant 80 : index
      %swap3A_488 = tpu.vector_load %arg14[%swap3A_487] {strides = array<i32>} : memref<128xi32, #tpu.memory_space<vmem>>, vector<16xi32>,
      %swap3A_489 = vector.shape_cast %swap3A_488 : vector<16xi32> to vector<16xi32>
      %swap3A_490 = vector.shape_cast %get3A_486 : vector<16xi32> to vector<16xi32>
      tpu.vector_store %arg14[%swap3A_487], %swap3A_490 {strides = array<i32>} : memref<128xi32, #tpu.memory_space<vmem>>, vector<16xi32>,
      %get3A_491 = arith.constant 96 : index
      %get3A_492 = tpu.vector_load %arg12[%get3A_491] {strides = array<i32>} : memref<128xi32, #tpu.memory_space<vmem>>, vector<16xi32>,
      %get3A_493 = vector.shape_cast %get3A_492 : vector<16xi32> to vector<16xi32>
      %swap3A_494 = arith.constant 96 : index
      %swap3A_495 = tpu.vector_load %arg14[%swap3A_494] {strides = array<i32>} : memref<128xi32, #tpu.memory_space<vmem>>, vector<16xi32>,
      %swap3A_496 = vector.shape_cast %swap3A_495 : vector<16xi32> to vector<16xi32>
      %swap3A_497 = vector.shape_cast %get3A_493 : vector<16xi32> to vector<16xi32>
      tpu.vector_store %arg14[%swap3A_494], %swap3A_497 {strides = array<i32>} : memref<128xi32, #tpu.memory_space<vmem>>, vector<16xi32>,
      %get3A_498 = arith.constant 112 : index
      %get3A_499 = tpu.vector_load %arg12[%get3A_498] {strides = array<i32>} : memref<128xi32, #tpu.memory_space<vmem>>, vector<16xi32>,
      %get3A_500 = vector.shape_cast %get3A_499 : vector<16xi32> to vector<16xi32>
      %swap3A_501 = arith.constant 112 : index
      %swap3A_502 = tpu.vector_load %arg14[%swap3A_501] {strides = array<i32>} : memref<128xi32, #tpu.memory_space<vmem>>, vector<16xi32>,
      %swap3A_503 = vector.shape_cast %swap3A_502 : vector<16xi32> to vector<16xi32>
      %swap3A_504 = vector.shape_cast %get3A_500 : vector<16xi32> to vector<16xi32>
      tpu.vector_store %arg14[%swap3A_501], %swap3A_504 {strides = array<i32>} : memref<128xi32, #tpu.memory_space<vmem>>, vector<16xi32>,
      %dma_start3A_505 = arith.constant 0 : i32
      %dma_start3A_506 = arith.constant 0 : i32
      %dma_start3A_507 = tpu.memref_slice %arg22[%dma_start3A_505, %dma_start3A_506] : memref<10000x80xf32, #tpu.memory_space<vmem_shared>> -> memref<10000x80xf32, #tpu.memory_space<vmem_shared>>
      tpu.enqueue_indirect_dma source(%arg21 : memref<128x80xf32, #tpu.memory_space<vmem>>) target(%dma_start3A_507 : memref<10000x80xf32, #tpu.memory_space<vmem_shared>>) offsets(%arg14 : memref<128xi32, #tpu.memory_space<vmem>>) semaphore(%arg30 : memref<!tpu.dma_semaphore, #tpu.memory_space<semaphore_mem>>) {add = true}
    }
    %scan3A_177 = arith.constant 39 : i32
    %dma_wait3A_178 = arith.constant 0 : i32
    %dma_wait3A_179 = arith.constant 0 : i32
    %dma_wait3A_180 = tpu.memref_slice %arg22[%dma_wait3A_178, %dma_wait3A_179] : memref<10000x80xf32, #tpu.memory_space<vmem_shared>> -> memref<10000x80xf32, #tpu.memory_space<vmem_shared>>
    tpu.wait_indirect_dma semaphore(%arg29 : memref<!tpu.dma_semaphore, #tpu.memory_space<semaphore_mem>>) src(%arg20 : memref<128x80xf32, #tpu.memory_space<vmem>>) dst(%dma_wait3A_180 : memref<10000x80xf32, #tpu.memory_space<vmem_shared>>)
    %dma_wait3A_181 = arith.constant 0 : i32
    %dma_wait3A_182 = arith.constant 0 : i32
    %dma_wait3A_183 = tpu.memref_slice %arg22[%dma_wait3A_181, %dma_wait3A_182] : memref<10000x80xf32, #tpu.memory_space<vmem_shared>> -> memref<10000x80xf32, #tpu.memory_space<vmem_shared>>
    tpu.wait_indirect_dma semaphore(%arg30 : memref<!tpu.dma_semaphore, #tpu.memory_space<semaphore_mem>>) src(%arg21 : memref<128x80xf32, #tpu.memory_space<vmem>>) dst(%dma_wait3A_183 : memref<10000x80xf32, #tpu.memory_space<vmem_shared>>)
    %mul3A_184 = arith.constant 16 : i32
    %mul3A_185 = arith.muli %add3A, %mul3A_184 : i32
    %add3A_186 = arith.constant 319488 : i32
    %add3A_187 = arith.addi %add3A_186, %mul3A_185 : i32
    %run_scoped3A = arith.constant 0 : i32
    "tpu.region"() ({
      %run_scoped3A_192 = tpu.sem_alloc : memref<!tpu.dma_semaphore, #tpu.memory_space<semaphore_mem>>
      %dma_start3A_193 = arith.constant 0 : i32
      %dma_start3A_194 = tpu.memref_slice %arg9[%dma_start3A_193] : memref<128xi32, #tpu.memory_space<vmem>> -> memref<16xi32, #tpu.memory_space<vmem>>
      %dma_start3A_195 = tpu.memref_slice %arg2[%run_scoped3A, %add3A_187] : memref<2x320000xi32, #tpu.memory_space<hbm>> -> memref<1x16xi32, #tpu.memory_space<hbm>>
      %dma_start3A_196 = tpu.memref_squeeze %dma_start3A_195 : memref<1x16xi32, #tpu.memory_space<hbm>> -> memref<16xi32, #tpu.memory_space<hbm>>
      %dma_start3A_197 = arith.constant 0 : i32
      %dma_start3A_198 = tpu.memref_slice %arg9[%dma_start3A_197] : memref<128xi32, #tpu.memory_space<vmem>> -> memref<16xi32, #tpu.memory_space<vmem>>
      %dma_start3A_199 = tpu.memref_slice %arg2[%run_scoped3A, %add3A_187] : memref<2x320000xi32, #tpu.memory_space<hbm>> -> memref<1x16xi32, #tpu.memory_space<hbm>>
      %dma_start3A_200 = tpu.memref_squeeze %dma_start3A_199 : memref<1x16xi32, #tpu.memory_space<hbm>> -> memref<16xi32, #tpu.memory_space<hbm>>
      tpu.enqueue_dma source(%dma_start3A_200 : memref<16xi32, #tpu.memory_space<hbm>>) target(%dma_start3A_198 : memref<16xi32, #tpu.memory_space<vmem>>) target_semaphore(%run_scoped3A_192 : memref<!tpu.dma_semaphore, #tpu.memory_space<semaphore_mem>>)
      %dma_wait3A_201 = arith.constant 0 : i32
      %dma_wait3A_202 = tpu.memref_slice %arg9[%dma_wait3A_201] : memref<128xi32, #tpu.memory_space<vmem>> -> memref<16xi32, #tpu.memory_space<vmem>>
      %dma_wait3A_203 = tpu.memref_slice %arg2[%run_scoped3A, %add3A_187] : memref<2x320000xi32, #tpu.memory_space<hbm>> -> memref<1x16xi32, #tpu.memory_space<hbm>>
      %dma_wait3A_204 = tpu.memref_squeeze %dma_wait3A_203 : memref<1x16xi32, #tpu.memory_space<hbm>> -> memref<16xi32, #tpu.memory_space<hbm>>
      %dma_wait3A_205 = arith.constant 0 : i32
      %dma_wait3A_206 = tpu.memref_slice %arg9[%dma_wait3A_205] : memref<128xi32, #tpu.memory_space<vmem>> -> memref<16xi32, #tpu.memory_space<vmem>>
      %dma_wait3A_207 = tpu.memref_slice %arg2[%run_scoped3A, %add3A_187] : memref<2x320000xi32, #tpu.memory_space<hbm>> -> memref<1x16xi32, #tpu.memory_space<hbm>>
      %dma_wait3A_208 = tpu.memref_squeeze %dma_wait3A_207 : memref<1x16xi32, #tpu.memory_space<hbm>> -> memref<16xi32, #tpu.memory_space<hbm>>
      tpu.wait_dma2 semaphore(%run_scoped3A_192 : memref<!tpu.dma_semaphore, #tpu.memory_space<semaphore_mem>>) src(%dma_wait3A_208 : memref<16xi32, #tpu.memory_space<hbm>>) dst(%dma_wait3A_206 : memref<16xi32, #tpu.memory_space<vmem>>)
      tpu.yield
    }) : () -> ()
    %run_scoped3A_188 = arith.constant 1 : i32
    "tpu.region"() ({
      %run_scoped3A_192 = tpu.sem_alloc : memref<!tpu.dma_semaphore, #tpu.memory_space<semaphore_mem>>
      %dma_start3A_193 = tpu.memref_slice %arg2[%run_scoped3A_188, %add3A_187] : memref<2x320000xi32, #tpu.memory_space<hbm>> -> memref<1x16xi32, #tpu.memory_space<hbm>>
      %dma_start3A_194 = tpu.memref_squeeze %dma_start3A_193 : memref<1x16xi32, #tpu.memory_space<hbm>> -> memref<16xi32, #tpu.memory_space<hbm>>
      %dma_start3A_195 = tpu.memref_slice %arg2[%run_scoped3A_188, %add3A_187] : memref<2x320000xi32, #tpu.memory_space<hbm>> -> memref<1x16xi32, #tpu.memory_space<hbm>>
      %dma_start3A_196 = tpu.memref_squeeze %dma_start3A_195 : memref<1x16xi32, #tpu.memory_space<hbm>> -> memref<16xi32, #tpu.memory_space<hbm>>
      tpu.enqueue_dma source(%dma_start3A_196 : memref<16xi32, #tpu.memory_space<hbm>>) target(%arg15 : memref<16xi32, #tpu.memory_space<vmem>>) target_semaphore(%run_scoped3A_192 : memref<!tpu.dma_semaphore, #tpu.memory_space<semaphore_mem>>)
      %dma_wait3A_197 = tpu.memref_slice %arg2[%run_scoped3A_188, %add3A_187] : memref<2x320000xi32, #tpu.memory_space<hbm>> -> memref<1x16xi32, #tpu.memory_space<hbm>>
      %dma_wait3A_198 = tpu.memref_squeeze %dma_wait3A_197 : memref<1x16xi32, #tpu.memory_space<hbm>> -> memref<16xi32, #tpu.memory_space<hbm>>
      %dma_wait3A_199 = tpu.memref_slice %arg2[%run_scoped3A_188, %add3A_187] : memref<2x320000xi32, #tpu.memory_space<hbm>> -> memref<1x16xi32, #tpu.memory_space<hbm>>
      %dma_wait3A_200 = tpu.memref_squeeze %dma_wait3A_199 : memref<1x16xi32, #tpu.memory_space<hbm>> -> memref<16xi32, #tpu.memory_space<hbm>>
      tpu.wait_dma2 semaphore(%run_scoped3A_192 : memref<!tpu.dma_semaphore, #tpu.memory_space<semaphore_mem>>) src(%dma_wait3A_200 : memref<16xi32, #tpu.memory_space<hbm>>) dst(%arg15 : memref<16xi32, #tpu.memory_space<vmem>>)
      tpu.yield
    }) : () -> ()
    "tpu.region"() ({
      %run_scoped3A_192 = tpu.sem_alloc : memref<!tpu.dma_semaphore, #tpu.memory_space<semaphore_mem>>
      %dma_start3A_193 = arith.constant 0 : i32
      %dma_start3A_194 = arith.constant 0 : i32
      %dma_start3A_195 = tpu.memref_slice %arg16[%dma_start3A_193, %dma_start3A_194] : memref<128x16xf32, #tpu.memory_space<vmem>> -> memref<16x16xf32, #tpu.memory_space<vmem>>
      %dma_start3A_196 = arith.constant 0 : i32
      %dma_start3A_197 = arith.constant 0 : i32
      %dma_start3A_198 = tpu.memref_slice %arg3[%dma_start3A_196, %dma_start3A_197] : memref<10000x16xf32, #tpu.memory_space<hbm>> -> memref<10000x16xf32, #tpu.memory_space<hbm>>
      tpu.enqueue_indirect_dma source(%dma_start3A_198 : memref<10000x16xf32, #tpu.memory_space<hbm>>) target(%dma_start3A_195 : memref<16x16xf32, #tpu.memory_space<vmem>>) offsets(%arg15 : memref<16xi32, #tpu.memory_space<vmem>>) semaphore(%run_scoped3A_192 : memref<!tpu.dma_semaphore, #tpu.memory_space<semaphore_mem>>)
      %dma_wait3A_199 = arith.constant 0 : i32
      %dma_wait3A_200 = arith.constant 0 : i32
      %dma_wait3A_201 = tpu.memref_slice %arg16[%dma_wait3A_199, %dma_wait3A_200] : memref<128x16xf32, #tpu.memory_space<vmem>> -> memref<16x16xf32, #tpu.memory_space<vmem>>
      %dma_wait3A_202 = arith.constant 0 : i32
      %dma_wait3A_203 = arith.constant 0 : i32
      %dma_wait3A_204 = tpu.memref_slice %arg3[%dma_wait3A_202, %dma_wait3A_203] : memref<10000x16xf32, #tpu.memory_space<hbm>> -> memref<10000x16xf32, #tpu.memory_space<hbm>>
      tpu.wait_indirect_dma semaphore(%run_scoped3A_192 : memref<!tpu.dma_semaphore, #tpu.memory_space<semaphore_mem>>) src(%dma_wait3A_204 : memref<10000x16xf32, #tpu.memory_space<hbm>>) dst(%dma_wait3A_201 : memref<16x16xf32, #tpu.memory_space<vmem>>)
      tpu.yield
    }) : () -> ()
    "tpu.region"() ({
      %run_scoped3A_192 = tpu.sem_alloc : memref<!tpu.dma_semaphore, #tpu.memory_space<semaphore_mem>>
      %dma_start3A_193 = arith.constant 0 : i32
      %dma_start3A_194 = arith.constant 0 : i32
      %dma_start3A_195 = tpu.memref_slice %arg18[%dma_start3A_193, %dma_start3A_194] : memref<128x80xf32, #tpu.memory_space<vmem>> -> memref<16x80xf32, #tpu.memory_space<vmem>>
      %dma_start3A_196 = arith.constant 0 : i32
      %dma_start3A_197 = tpu.memref_slice %arg9[%dma_start3A_196] : memref<128xi32, #tpu.memory_space<vmem>> -> memref<16xi32, #tpu.memory_space<vmem>>
      %dma_start3A_198 = arith.constant 0 : i32
      %dma_start3A_199 = arith.constant 0 : i32
      %dma_start3A_200 = tpu.memref_slice %arg4[%dma_start3A_198, %dma_start3A_199] : memref<10000x80xf32, #tpu.memory_space<hbm>> -> memref<10000x80xf32, #tpu.memory_space<hbm>>
      tpu.enqueue_indirect_dma source(%dma_start3A_200 : memref<10000x80xf32, #tpu.memory_space<hbm>>) target(%dma_start3A_195 : memref<16x80xf32, #tpu.memory_space<vmem>>) offsets(%dma_start3A_197 : memref<16xi32, #tpu.memory_space<vmem>>) semaphore(%run_scoped3A_192 : memref<!tpu.dma_semaphore, #tpu.memory_space<semaphore_mem>>)
      %dma_wait3A_201 = arith.constant 0 : i32
      %dma_wait3A_202 = arith.constant 0 : i32
      %dma_wait3A_203 = tpu.memref_slice %arg18[%dma_wait3A_201, %dma_wait3A_202] : memref<128x80xf32, #tpu.memory_space<vmem>> -> memref<16x80xf32, #tpu.memory_space<vmem>>
      %dma_wait3A_204 = arith.constant 0 : i32
      %dma_wait3A_205 = tpu.memref_slice %arg9[%dma_wait3A_204] : memref<128xi32, #tpu.memory_space<vmem>> -> memref<16xi32, #tpu.memory_space<vmem>>
      %dma_wait3A_206 = arith.constant 0 : i32
      %dma_wait3A_207 = arith.constant 0 : i32
      %dma_wait3A_208 = tpu.memref_slice %arg4[%dma_wait3A_206, %dma_wait3A_207] : memref<10000x80xf32, #tpu.memory_space<hbm>> -> memref<10000x80xf32, #tpu.memory_space<hbm>>
      tpu.wait_indirect_dma semaphore(%run_scoped3A_192 : memref<!tpu.dma_semaphore, #tpu.memory_space<semaphore_mem>>) src(%dma_wait3A_208 : memref<10000x80xf32, #tpu.memory_space<hbm>>) dst(%dma_wait3A_203 : memref<16x80xf32, #tpu.memory_space<vmem>>)
      tpu.yield
    }) : () -> ()
    %parallel_loop3A = arith.constant 0 : i32
    %parallel_loop3A_189 = arith.constant 16 : i32
    %parallel_loop3A_190 = arith.constant 1 : i32
    scf.for %parallel_loop3A_192 = %parallel_loop3A to %parallel_loop3A_189 step %parallel_loop3A_190  : i32 {
      %parallel_loop3A_193 = arith.index_cast %parallel_loop3A_192 : i32 to index
      %parallel_loop3A_194 = arith.constant 64 : index
      %parallel_loop3A_195 = tpu.vector_load %arg18[%parallel_loop3A_193, %parallel_loop3A_194] {strides = array<i32>} : memref<128x80xf32, #tpu.memory_space<vmem>>, vector<1x16xf32>,
      %parallel_loop3A_196 = vector.shape_cast %parallel_loop3A_195 : vector<1x16xf32> to vector<16xf32>
      %parallel_loop3A_197 = arith.index_cast %parallel_loop3A_192 : i32 to index
      %parallel_loop3A_198 = arith.constant 0 : index
      %parallel_loop3A_199 = tpu.vector_load %arg16[%parallel_loop3A_197, %parallel_loop3A_198] {strides = array<i32>} : memref<128x16xf32, #tpu.memory_space<vmem>>, vector<1x16xf32>,
      %parallel_loop3A_200 = vector.shape_cast %parallel_loop3A_199 : vector<1x16xf32> to vector<16xf32>
      %parallel_loop3A_201 = arith.addf %parallel_loop3A_196, %parallel_loop3A_200 : vector<16xf32>
      %parallel_loop3A_202 = arith.constant 2.000000e-01 : f32
      %parallel_loop3A_203 = vector.broadcast %parallel_loop3A_202 : f32 to vector<16xf32>
      %parallel_loop3A_204 = arith.mulf %parallel_loop3A_203, %parallel_loop3A_201 : vector<16xf32>
      %parallel_loop3A_205 = arith.maximumf %parallel_loop3A_201, %parallel_loop3A_204 : vector<16xf32>
      %parallel_loop3A_206 = math.exp %parallel_loop3A_205 : vector<16xf32>
      %parallel_loop3A_207 = arith.index_cast %parallel_loop3A_192 : i32 to index
      %parallel_loop3A_208 = arith.constant 64 : index
      %parallel_loop3A_209 = tpu.vector_load %arg20[%parallel_loop3A_207, %parallel_loop3A_208] {strides = array<i32>} : memref<128x80xf32, #tpu.memory_space<vmem>>, vector<1x16xf32>,
      %parallel_loop3A_210 = vector.shape_cast %parallel_loop3A_209 : vector<1x16xf32> to vector<16xf32>
      %parallel_loop3A_211 = vector.shape_cast %parallel_loop3A_206 : vector<16xf32> to vector<1x16xf32>
      tpu.vector_store %arg20[%parallel_loop3A_207, %parallel_loop3A_208], %parallel_loop3A_211 {strides = array<i32>} : memref<128x80xf32, #tpu.memory_space<vmem>>, vector<1x16xf32>,
      %parallel_loop3A_212 = arith.constant 0 : i32
      %parallel_loop3A_213 = vector.broadcast %parallel_loop3A_212 : i32 to vector<16x1xi32>
      %parallel_loop3A_214 = vector.shape_cast %parallel_loop3A_213 : vector<16x1xi32> to vector<16xi32>
      %parallel_loop3A_215 = tpu.dynamic_gather %parallel_loop3A_206[%parallel_loop3A_214] in [0] : vector<16xf32>, vector<16xi32> -> vector<16xf32>
      %parallel_loop3A_216 = arith.index_cast %parallel_loop3A_192 : i32 to index
      %parallel_loop3A_217 = arith.constant 0 : index
      %parallel_loop3A_218 = tpu.vector_load %arg18[%parallel_loop3A_216, %parallel_loop3A_217] {strides = array<i32>} : memref<128x80xf32, #tpu.memory_space<vmem>>, vector<1x16xf32>,
      %parallel_loop3A_219 = vector.shape_cast %parallel_loop3A_218 : vector<1x16xf32> to vector<16xf32>
      %parallel_loop3A_220 = arith.mulf %parallel_loop3A_219, %parallel_loop3A_215 : vector<16xf32>
      %parallel_loop3A_221 = arith.index_cast %parallel_loop3A_192 : i32 to index
      %parallel_loop3A_222 = arith.constant 0 : index
      %parallel_loop3A_223 = tpu.vector_load %arg20[%parallel_loop3A_221, %parallel_loop3A_222] {strides = array<i32>} : memref<128x80xf32, #tpu.memory_space<vmem>>, vector<1x16xf32>,
      %parallel_loop3A_224 = vector.shape_cast %parallel_loop3A_223 : vector<1x16xf32> to vector<16xf32>
      %parallel_loop3A_225 = vector.shape_cast %parallel_loop3A_220 : vector<16xf32> to vector<1x16xf32>
      tpu.vector_store %arg20[%parallel_loop3A_221, %parallel_loop3A_222], %parallel_loop3A_225 {strides = array<i32>} : memref<128x80xf32, #tpu.memory_space<vmem>>, vector<1x16xf32>,
      %parallel_loop3A_226 = arith.constant 0 : i32
      %parallel_loop3A_227 = vector.broadcast %parallel_loop3A_226 : i32 to vector<16x1xi32>
      %parallel_loop3A_228 = vector.shape_cast %parallel_loop3A_227 : vector<16x1xi32> to vector<16xi32>
      %parallel_loop3A_229 = tpu.dynamic_gather %parallel_loop3A_206[%parallel_loop3A_228] in [0] : vector<16xf32>, vector<16xi32> -> vector<16xf32>
      %parallel_loop3A_230 = arith.index_cast %parallel_loop3A_192 : i32 to index
      %parallel_loop3A_231 = arith.constant 16 : index
      %parallel_loop3A_232 = tpu.vector_load %arg18[%parallel_loop3A_230, %parallel_loop3A_231] {strides = array<i32>} : memref<128x80xf32, #tpu.memory_space<vmem>>, vector<1x16xf32>,
      %parallel_loop3A_233 = vector.shape_cast %parallel_loop3A_232 : vector<1x16xf32> to vector<16xf32>
      %parallel_loop3A_234 = arith.mulf %parallel_loop3A_233, %parallel_loop3A_229 : vector<16xf32>
      %parallel_loop3A_235 = arith.index_cast %parallel_loop3A_192 : i32 to index
      %parallel_loop3A_236 = arith.constant 16 : index
      %parallel_loop3A_237 = tpu.vector_load %arg20[%parallel_loop3A_235, %parallel_loop3A_236] {strides = array<i32>} : memref<128x80xf32, #tpu.memory_space<vmem>>, vector<1x16xf32>,
      %parallel_loop3A_238 = vector.shape_cast %parallel_loop3A_237 : vector<1x16xf32> to vector<16xf32>
      %parallel_loop3A_239 = vector.shape_cast %parallel_loop3A_234 : vector<16xf32> to vector<1x16xf32>
      tpu.vector_store %arg20[%parallel_loop3A_235, %parallel_loop3A_236], %parallel_loop3A_239 {strides = array<i32>} : memref<128x80xf32, #tpu.memory_space<vmem>>, vector<1x16xf32>,
      %parallel_loop3A_240 = arith.constant 0 : i32
      %parallel_loop3A_241 = vector.broadcast %parallel_loop3A_240 : i32 to vector<16x1xi32>
      %parallel_loop3A_242 = vector.shape_cast %parallel_loop3A_241 : vector<16x1xi32> to vector<16xi32>
      %parallel_loop3A_243 = tpu.dynamic_gather %parallel_loop3A_206[%parallel_loop3A_242] in [0] : vector<16xf32>, vector<16xi32> -> vector<16xf32>
      %parallel_loop3A_244 = arith.index_cast %parallel_loop3A_192 : i32 to index
      %parallel_loop3A_245 = arith.constant 32 : index
      %parallel_loop3A_246 = tpu.vector_load %arg18[%parallel_loop3A_244, %parallel_loop3A_245] {strides = array<i32>} : memref<128x80xf32, #tpu.memory_space<vmem>>, vector<1x16xf32>,
      %parallel_loop3A_247 = vector.shape_cast %parallel_loop3A_246 : vector<1x16xf32> to vector<16xf32>
      %parallel_loop3A_248 = arith.mulf %parallel_loop3A_247, %parallel_loop3A_243 : vector<16xf32>
      %parallel_loop3A_249 = arith.index_cast %parallel_loop3A_192 : i32 to index
      %parallel_loop3A_250 = arith.constant 32 : index
      %parallel_loop3A_251 = tpu.vector_load %arg20[%parallel_loop3A_249, %parallel_loop3A_250] {strides = array<i32>} : memref<128x80xf32, #tpu.memory_space<vmem>>, vector<1x16xf32>,
      %parallel_loop3A_252 = vector.shape_cast %parallel_loop3A_251 : vector<1x16xf32> to vector<16xf32>
      %parallel_loop3A_253 = vector.shape_cast %parallel_loop3A_248 : vector<16xf32> to vector<1x16xf32>
      tpu.vector_store %arg20[%parallel_loop3A_249, %parallel_loop3A_250], %parallel_loop3A_253 {strides = array<i32>} : memref<128x80xf32, #tpu.memory_space<vmem>>, vector<1x16xf32>,
      %parallel_loop3A_254 = arith.constant 0 : i32
      %parallel_loop3A_255 = vector.broadcast %parallel_loop3A_254 : i32 to vector<16x1xi32>
      %parallel_loop3A_256 = vector.shape_cast %parallel_loop3A_255 : vector<16x1xi32> to vector<16xi32>
      %parallel_loop3A_257 = tpu.dynamic_gather %parallel_loop3A_206[%parallel_loop3A_256] in [0] : vector<16xf32>, vector<16xi32> -> vector<16xf32>
      %parallel_loop3A_258 = arith.index_cast %parallel_loop3A_192 : i32 to index
      %parallel_loop3A_259 = arith.constant 48 : index
      %parallel_loop3A_260 = tpu.vector_load %arg18[%parallel_loop3A_258, %parallel_loop3A_259] {strides = array<i32>} : memref<128x80xf32, #tpu.memory_space<vmem>>, vector<1x16xf32>,
      %parallel_loop3A_261 = vector.shape_cast %parallel_loop3A_260 : vector<1x16xf32> to vector<16xf32>
      %parallel_loop3A_262 = arith.mulf %parallel_loop3A_261, %parallel_loop3A_257 : vector<16xf32>
      %parallel_loop3A_263 = arith.index_cast %parallel_loop3A_192 : i32 to index
      %parallel_loop3A_264 = arith.constant 48 : index
      %parallel_loop3A_265 = tpu.vector_load %arg20[%parallel_loop3A_263, %parallel_loop3A_264] {strides = array<i32>} : memref<128x80xf32, #tpu.memory_space<vmem>>, vector<1x16xf32>,
      %parallel_loop3A_266 = vector.shape_cast %parallel_loop3A_265 : vector<1x16xf32> to vector<16xf32>
      %parallel_loop3A_267 = vector.shape_cast %parallel_loop3A_262 : vector<16xf32> to vector<1x16xf32>
      tpu.vector_store %arg20[%parallel_loop3A_263, %parallel_loop3A_264], %parallel_loop3A_267 {strides = array<i32>} : memref<128x80xf32, #tpu.memory_space<vmem>>, vector<1x16xf32>,
    } {sc.loop_unroll_factor = 8 : i64, sc.parallel_access}
    "tpu.region"() ({
      %run_scoped3A_192 = tpu.sem_alloc : memref<!tpu.dma_semaphore, #tpu.memory_space<semaphore_mem>>
      %dma_start3A_193 = arith.constant 0 : i32
      %dma_start3A_194 = arith.constant 0 : i32
      %dma_start3A_195 = tpu.memref_slice %arg20[%dma_start3A_193, %dma_start3A_194] : memref<128x80xf32, #tpu.memory_space<vmem>> -> memref<16x80xf32, #tpu.memory_space<vmem>>
      %dma_start3A_196 = arith.constant 0 : i32
      %dma_start3A_197 = arith.constant 0 : i32
      %dma_start3A_198 = tpu.memref_slice %arg22[%dma_start3A_196, %dma_start3A_197] : memref<10000x80xf32, #tpu.memory_space<vmem_shared>> -> memref<10000x80xf32, #tpu.memory_space<vmem_shared>>
      tpu.enqueue_indirect_dma source(%dma_start3A_195 : memref<16x80xf32, #tpu.memory_space<vmem>>) target(%dma_start3A_198 : memref<10000x80xf32, #tpu.memory_space<vmem_shared>>) offsets(%arg15 : memref<16xi32, #tpu.memory_space<vmem>>) semaphore(%run_scoped3A_192 : memref<!tpu.dma_semaphore, #tpu.memory_space<semaphore_mem>>) {add = true}
      %dma_wait3A_199 = arith.constant 0 : i32
      %dma_wait3A_200 = arith.constant 0 : i32
      %dma_wait3A_201 = tpu.memref_slice %arg20[%dma_wait3A_199, %dma_wait3A_200] : memref<128x80xf32, #tpu.memory_space<vmem>> -> memref<16x80xf32, #tpu.memory_space<vmem>>
      %dma_wait3A_202 = arith.constant 0 : i32
      %dma_wait3A_203 = arith.constant 0 : i32
      %dma_wait3A_204 = tpu.memref_slice %arg22[%dma_wait3A_202, %dma_wait3A_203] : memref<10000x80xf32, #tpu.memory_space<vmem_shared>> -> memref<10000x80xf32, #tpu.memory_space<vmem_shared>>
      tpu.wait_indirect_dma semaphore(%run_scoped3A_192 : memref<!tpu.dma_semaphore, #tpu.memory_space<semaphore_mem>>) src(%dma_wait3A_201 : memref<16x80xf32, #tpu.memory_space<vmem>>) dst(%dma_wait3A_204 : memref<10000x80xf32, #tpu.memory_space<vmem_shared>>)
      tpu.yield
    }) : () -> ()
    %barrier3A_191 = arith.constant 0 : index
    tpu.barrier barrier_id(%barrier3A_191)
    "tpu.region"() ({
      %run_scoped3A_192 = tpu.sem_alloc : memref<!tpu.dma_semaphore, #tpu.memory_space<semaphore_mem>>
      %dma_start3A_193 = arith.constant 0 : i32
      %dma_start3A_194 = tpu.memref_slice %arg6[%arg0, %mul3A_2, %dma_start3A_193] : memref<2x10000x80xf32, #tpu.memory_space<hbm>> -> memref<1x625x80xf32, #tpu.memory_space<hbm>>
      %dma_start3A_195 = tpu.memref_squeeze %dma_start3A_194 : memref<1x625x80xf32, #tpu.memory_space<hbm>> -> memref<625x80xf32, #tpu.memory_space<hbm>>
      %dma_start3A_196 = arith.constant 0 : i32
      %dma_start3A_197 = tpu.memref_slice %arg22[%mul3A_2, %dma_start3A_196] : memref<10000x80xf32, #tpu.memory_space<vmem_shared>> -> memref<625x80xf32, #tpu.memory_space<vmem_shared>>
      tpu.enqueue_dma source(%dma_start3A_197 : memref<625x80xf32, #tpu.memory_space<vmem_shared>>) target(%dma_start3A_195 : memref<625x80xf32, #tpu.memory_space<hbm>>) target_semaphore(%run_scoped3A_192 : memref<!tpu.dma_semaphore, #tpu.memory_space<semaphore_mem>>)
      %dma_wait3A_198 = arith.constant 0 : i32
      %dma_wait3A_199 = tpu.memref_slice %arg6[%arg0, %mul3A_2, %dma_wait3A_198] : memref<2x10000x80xf32, #tpu.memory_space<hbm>> -> memref<1x625x80xf32, #tpu.memory_space<hbm>>
      %dma_wait3A_200 = tpu.memref_squeeze %dma_wait3A_199 : memref<1x625x80xf32, #tpu.memory_space<hbm>> -> memref<625x80xf32, #tpu.memory_space<hbm>>
      %dma_wait3A_201 = arith.constant 0 : i32
      %dma_wait3A_202 = tpu.memref_slice %arg22[%mul3A_2, %dma_wait3A_201] : memref<10000x80xf32, #tpu.memory_space<vmem_shared>> -> memref<625x80xf32, #tpu.memory_space<vmem_shared>>
      tpu.wait_dma2 semaphore(%run_scoped3A_192 : memref<!tpu.dma_semaphore, #tpu.memory_space<semaphore_mem>>) src(%dma_wait3A_202 : memref<625x80xf32, #tpu.memory_space<vmem_shared>>) dst(%dma_wait3A_200 : memref<625x80xf32, #tpu.memory_space<hbm>>)
      tpu.yield
    }) : () -> ()
    return
  }
}

module attributes {stable_mosaic.version = 14 : i64} {
  func.func @_tca_body(%arg0: i32, %arg1: memref<400x128xf32, #tpu.memory_space<vmem>>, %arg2: memref<128x128xf32, #tpu.memory_space<vmem>>, %arg3: memref<128x16xf32, #tpu.memory_space<vmem>>, %arg4: memref<128x16xf32, #tpu.memory_space<vmem>>, %arg5: memref<400x144xf32, #tpu.memory_space<vmem>>, %arg6: memref<400x16xf32, #tpu.memory_space<vmem>>) attributes {dimension_semantics = [#tpu.dimension_semantics<arbitrary>], iteration_bounds = array<i64: 25>, scalar_prefetch = 0 : i64, scratch_operands = 0 : i64, tpu.core_type = #tpu.core_type<tc>, window_params = [{transform_indices = @transform_0, window_bounds = array<i64: 400, 128>}, {pipeline_mode = #tpu.pipeline_mode<synchronous>, transform_indices = @transform_1, window_bounds = array<i64: 128, 128>}, {pipeline_mode = #tpu.pipeline_mode<synchronous>, transform_indices = @transform_2, window_bounds = array<i64: 128, 16>}, {pipeline_mode = #tpu.pipeline_mode<synchronous>, transform_indices = @transform_3, window_bounds = array<i64: 128, 16>}, {transform_indices = @transform_4, window_bounds = array<i64: 400, 144>}, {transform_indices = @transform_5, window_bounds = array<i64: 400, 16>}]} {
    %get3A = arith.constant 0 : index
    %get3A_0 = arith.constant 0 : index
    %get3A_1 = vector.load %arg1[%get3A, %get3A_0] : memref<400x128xf32, #tpu.memory_space<vmem>>, vector<400x128xf32>
    %get3A_2 = arith.constant 0 : index
    %get3A_3 = arith.constant 0 : index
    %get3A_4 = vector.load %arg2[%get3A_2, %get3A_3] : memref<128x128xf32, #tpu.memory_space<vmem>>, vector<128x128xf32>
    %dot_general3A = arith.constant dense<0.000000e+00> : vector<400x128xf32>
    %dot_general3A_5 = tpu.matmul %get3A_1, %get3A_4, %dot_general3A {dimension_numbers = #tpu.dot_dimension_numbers<[1], [0], [0], [1], [0, 0, 1, 1], [], []>, transpose_lhs_hint = false} : vector<400x128xf32>, vector<128x128xf32>, vector<400x128xf32> -> vector<400x128xf32>
    %swap3A = arith.constant 0 : index
    %swap3A_6 = arith.constant 0 : index
    %swap3A_7 = vector.load %arg5[%swap3A, %swap3A_6] : memref<400x144xf32, #tpu.memory_space<vmem>>, vector<400x128xf32>
    tpu.vector_store %arg5[%swap3A, %swap3A_6], %dot_general3A_5 {strides = array<i32>} : memref<400x144xf32, #tpu.memory_space<vmem>>, vector<400x128xf32>,
    %get3A_8 = arith.constant 0 : index
    %get3A_9 = arith.constant 0 : index
    %get3A_10 = vector.load %arg3[%get3A_8, %get3A_9] : memref<128x16xf32, #tpu.memory_space<vmem>>, vector<128x16xf32>
    %dot_general3A_11 = arith.constant dense<0.000000e+00> : vector<400x16xf32>
    %dot_general3A_12 = tpu.matmul %dot_general3A_5, %get3A_10, %dot_general3A_11 {dimension_numbers = #tpu.dot_dimension_numbers<[1], [0], [0], [1], [0, 0, 1, 1], [], []>, transpose_lhs_hint = false} : vector<400x128xf32>, vector<128x16xf32>, vector<400x16xf32> -> vector<400x16xf32>
    %swap3A_13 = arith.constant 0 : index
    %swap3A_14 = arith.constant 128 : index
    %swap3A_15 = vector.load %arg5[%swap3A_13, %swap3A_14] : memref<400x144xf32, #tpu.memory_space<vmem>>, vector<400x16xf32>
    tpu.vector_store %arg5[%swap3A_13, %swap3A_14], %dot_general3A_12 {strides = array<i32>} : memref<400x144xf32, #tpu.memory_space<vmem>>, vector<400x16xf32>,
    %get3A_16 = arith.constant 0 : index
    %get3A_17 = arith.constant 0 : index
    %get3A_18 = vector.load %arg4[%get3A_16, %get3A_17] : memref<128x16xf32, #tpu.memory_space<vmem>>, vector<128x16xf32>
    %dot_general3A_19 = arith.constant dense<0.000000e+00> : vector<400x16xf32>
    %dot_general3A_20 = tpu.matmul %dot_general3A_5, %get3A_18, %dot_general3A_19 {dimension_numbers = #tpu.dot_dimension_numbers<[1], [0], [0], [1], [0, 0, 1, 1], [], []>, transpose_lhs_hint = false} : vector<400x128xf32>, vector<128x16xf32>, vector<400x16xf32> -> vector<400x16xf32>
    %swap3A_21 = arith.constant 0 : index
    %swap3A_22 = arith.constant 0 : index
    %swap3A_23 = vector.load %arg6[%swap3A_21, %swap3A_22] : memref<400x16xf32, #tpu.memory_space<vmem>>, vector<400x16xf32>
    tpu.vector_store %arg6[%swap3A_21, %swap3A_22], %dot_general3A_20 {strides = array<i32>} : memref<400x16xf32, #tpu.memory_space<vmem>>, vector<400x16xf32>,
    return
  }
  func.func @transform_0(%arg0: i32) -> (i32, i32) {
    %c0_i32 = arith.constant 0 : i32
    %c0_i32_0 = arith.constant 0 : i32
    return %arg0, %c0_i32 : i32, i32
  }
  func.func @transform_1(%arg0: i32) -> (i32, i32) {
    %c0_i32 = arith.constant 0 : i32
    %c0_i32_0 = arith.constant 0 : i32
    %c0_i32_1 = arith.constant 0 : i32
    return %c0_i32, %c0_i32_0 : i32, i32
  }
  func.func @transform_2(%arg0: i32) -> (i32, i32) {
    %c0_i32 = arith.constant 0 : i32
    %c0_i32_0 = arith.constant 0 : i32
    %c0_i32_1 = arith.constant 0 : i32
    return %c0_i32, %c0_i32_0 : i32, i32
  }
  func.func @transform_3(%arg0: i32) -> (i32, i32) {
    %c0_i32 = arith.constant 0 : i32
    %c0_i32_0 = arith.constant 0 : i32
    %c0_i32_1 = arith.constant 0 : i32
    return %c0_i32, %c0_i32_0 : i32, i32
  }
  func.func @transform_4(%arg0: i32) -> (i32, i32) {
    %c0_i32 = arith.constant 0 : i32
    %c0_i32_0 = arith.constant 0 : i32
    return %arg0, %c0_i32 : i32, i32
  }
  func.func @transform_5(%arg0: i32) -> (i32, i32) {
    %c0_i32 = arith.constant 0 : i32
    %c0_i32_0 = arith.constant 0 : i32
    return %arg0, %c0_i32 : i32, i32
  }
}

module attributes {stable_mosaic.version = 14 : i64} {
  func.func @_tcb_body(%arg0: i32, %arg1: memref<2x400x144xf32, #tpu.memory_space<vmem>>, %arg2: memref<400x144xf32, #tpu.memory_space<vmem>>, %arg3: memref<400x16xf32, #tpu.memory_space<vmem>>, %arg4: memref<1x128xf32, #tpu.memory_space<vmem>>, %arg5: memref<128x64xf32, #tpu.memory_space<vmem>>, %arg6: memref<64x16xf32, #tpu.memory_space<vmem>>, %arg7: memref<64x16xf32, #tpu.memory_space<vmem>>, %arg8: memref<144x128xf32, #tpu.memory_space<vmem>>, %arg9: memref<144x128xf32, #tpu.memory_space<vmem>>, %arg10: memref<16x128xf32, #tpu.memory_space<vmem>>, %arg11: memref<144x16xf32, #tpu.memory_space<vmem>>, %arg12: memref<400x80xf32, #tpu.memory_space<vmem>>, %arg13: memref<400x16xf32, #tpu.memory_space<vmem>>) attributes {dimension_semantics = [#tpu.dimension_semantics<arbitrary>], iteration_bounds = array<i64: 25>, scalar_prefetch = 0 : i64, scratch_operands = 0 : i64, tpu.core_type = #tpu.core_type<tc>, window_params = [{transform_indices = @transform_0, window_bounds = array<i64: 2, 400, 144>}, {transform_indices = @transform_1, window_bounds = array<i64: 400, 144>}, {transform_indices = @transform_2, window_bounds = array<i64: 400, 16>}, {pipeline_mode = #tpu.pipeline_mode<synchronous>, transform_indices = @transform_3, window_bounds = array<i64: 1, 128>}, {pipeline_mode = #tpu.pipeline_mode<synchronous>, transform_indices = @transform_4, window_bounds = array<i64: 128, 64>}, {pipeline_mode = #tpu.pipeline_mode<synchronous>, transform_indices = @transform_5, window_bounds = array<i64: 64, 16>}, {pipeline_mode = #tpu.pipeline_mode<synchronous>, transform_indices = @transform_6, window_bounds = array<i64: 64, 16>}, {pipeline_mode = #tpu.pipeline_mode<synchronous>, transform_indices = @transform_7, window_bounds = array<i64: 144, 128>}, {pipeline_mode = #tpu.pipeline_mode<synchronous>, transform_indices = @transform_8, window_bounds = array<i64: 144, 128>}, {pipeline_mode = #tpu.pipeline_mode<synchronous>, transform_indices = @transform_9, window_bounds = array<i64: 16, 128>}, {pipeline_mode = #tpu.pipeline_mode<synchronous>, transform_indices = @transform_10, window_bounds = array<i64: 144, 16>}, {transform_indices = @transform_11, window_bounds = array<i64: 400, 80>}, {transform_indices = @transform_12, window_bounds = array<i64: 400, 16>}]} {
    %get3A = arith.constant 0 : index
    %get3A_0 = arith.constant 0 : index
    %get3A_1 = arith.constant 0 : index
    %get3A_2 = vector.load %arg1[%get3A, %get3A_0, %get3A_1] : memref<2x400x144xf32, #tpu.memory_space<vmem>>, vector<1x400x144xf32>
    %get3A_3 = vector.shape_cast %get3A_2 : vector<1x400x144xf32> to vector<400x144xf32>
    %get3A_4 = arith.constant 1 : index
    %get3A_5 = arith.constant 0 : index
    %get3A_6 = arith.constant 0 : index
    %get3A_7 = vector.load %arg1[%get3A_4, %get3A_5, %get3A_6] : memref<2x400x144xf32, #tpu.memory_space<vmem>>, vector<1x400x144xf32>
    %get3A_8 = vector.shape_cast %get3A_7 : vector<1x400x144xf32> to vector<400x144xf32>
    %add3A = arith.addf %get3A_3, %get3A_8 : vector<400x144xf32>
    %get3A_9 = arith.constant 0 : index
    %get3A_10 = arith.constant 0 : index
    %get3A_11 = vector.load %arg8[%get3A_9, %get3A_10] : memref<144x128xf32, #tpu.memory_space<vmem>>, vector<144x128xf32>
    %dot_general3A = arith.constant dense<0.000000e+00> : vector<400x128xf32>
    %dot_general3A_12 = tpu.matmul %add3A, %get3A_11, %dot_general3A {dimension_numbers = #tpu.dot_dimension_numbers<[1], [0], [0], [1], [0, 0, 1, 1], [], []>, transpose_lhs_hint = false} : vector<400x144xf32>, vector<144x128xf32>, vector<400x128xf32> -> vector<400x128xf32>
    %get3A_13 = arith.constant 0 : index
    %get3A_14 = arith.constant 0 : index
    %get3A_15 = vector.load %arg9[%get3A_13, %get3A_14] : memref<144x128xf32, #tpu.memory_space<vmem>>, vector<144x128xf32>
    %dot_general3A_16 = arith.constant dense<0.000000e+00> : vector<400x128xf32>
    %dot_general3A_17 = tpu.matmul %add3A, %get3A_15, %dot_general3A_16 {dimension_numbers = #tpu.dot_dimension_numbers<[1], [0], [0], [1], [0, 0, 1, 1], [], []>, transpose_lhs_hint = false} : vector<400x144xf32>, vector<144x128xf32>, vector<400x128xf32> -> vector<400x128xf32>
    %get3A_18 = arith.constant 0 : index
    %get3A_19 = arith.constant 0 : index
    %get3A_20 = vector.load %arg2[%get3A_18, %get3A_19] : memref<400x144xf32, #tpu.memory_space<vmem>>, vector<400x144xf32>
    %get3A_21 = arith.constant 0 : index
    %get3A_22 = arith.constant 0 : index
    %get3A_23 = vector.load %arg8[%get3A_21, %get3A_22] : memref<144x128xf32, #tpu.memory_space<vmem>>, vector<144x128xf32>
    %dot_general3A_24 = arith.constant dense<0.000000e+00> : vector<400x128xf32>
    %dot_general3A_25 = tpu.matmul %get3A_20, %get3A_23, %dot_general3A_24 {dimension_numbers = #tpu.dot_dimension_numbers<[1], [0], [0], [1], [0, 0, 1, 1], [], []>, transpose_lhs_hint = false} : vector<400x144xf32>, vector<144x128xf32>, vector<400x128xf32> -> vector<400x128xf32>
    %get3A_26 = arith.constant 0 : index
    %get3A_27 = arith.constant 0 : index
    %get3A_28 = vector.load %arg11[%get3A_26, %get3A_27] : memref<144x16xf32, #tpu.memory_space<vmem>>, vector<144x16xf32>
    %dot_general3A_29 = arith.constant dense<0.000000e+00> : vector<400x16xf32>
    %dot_general3A_30 = tpu.matmul %get3A_20, %get3A_28, %dot_general3A_29 {dimension_numbers = #tpu.dot_dimension_numbers<[1], [0], [0], [1], [0, 0, 1, 1], [], []>, transpose_lhs_hint = false} : vector<400x144xf32>, vector<144x16xf32>, vector<400x16xf32> -> vector<400x16xf32>
    %get3A_31 = arith.constant 0 : index
    %get3A_32 = arith.constant 0 : index
    %get3A_33 = vector.load %arg3[%get3A_31, %get3A_32] : memref<400x16xf32, #tpu.memory_space<vmem>>, vector<400x16xf32>
    %add3A_34 = arith.addf %dot_general3A_30, %get3A_33 : vector<400x16xf32>
    %mul3A = arith.constant 2.000000e-01 : f32
    %mul3A_35 = vector.broadcast %mul3A : f32 to vector<400x16xf32>
    %mul3A_36 = arith.mulf %mul3A_35, %add3A_34 : vector<400x16xf32>
    %max3A = arith.maximumf %add3A_34, %mul3A_36 : vector<400x16xf32>
    %exp3A = math.exp %max3A : vector<400x16xf32>
    %get3A_37 = arith.constant 0 : index
    %get3A_38 = arith.constant 0 : index
    %get3A_39 = vector.load %arg10[%get3A_37, %get3A_38] : memref<16x128xf32, #tpu.memory_space<vmem>>, vector<16x128xf32>
    %dot_general3A_40 = arith.constant dense<0.000000e+00> : vector<400x128xf32>
    %dot_general3A_41 = tpu.matmul %exp3A, %get3A_39, %dot_general3A_40 {dimension_numbers = #tpu.dot_dimension_numbers<[1], [0], [0], [1], [0, 0, 1, 1], [], []>, transpose_lhs_hint = false} : vector<400x16xf32>, vector<16x128xf32>, vector<400x128xf32> -> vector<400x128xf32>
    %mul3A_42 = arith.mulf %dot_general3A_25, %dot_general3A_41 : vector<400x128xf32>
    %add3A_43 = arith.addf %dot_general3A_12, %mul3A_42 : vector<400x128xf32>
    %add3A_44 = arith.addf %dot_general3A_17, %dot_general3A_41 : vector<400x128xf32>
    %div3A = arith.divf %add3A_43, %add3A_44 : vector<400x128xf32>
    %get3A_45 = arith.constant 0 : index
    %get3A_46 = arith.constant 0 : index
    %get3A_47 = vector.load %arg4[%get3A_45, %get3A_46] : memref<1x128xf32, #tpu.memory_space<vmem>>, vector<1x128xf32>
    %add3A_48 = vector.broadcast %get3A_47 : vector<1x128xf32> to vector<400x128xf32>
    %add3A_49 = arith.addf %div3A, %add3A_48 : vector<400x128xf32>
    %gt3A = arith.constant 0.000000e+00 : f32
    %gt3A_50 = vector.broadcast %gt3A : f32 to vector<400x128xf32>
    %gt3A_51 = arith.cmpf ogt, %add3A_49, %gt3A_50 : vector<400x128xf32>
    %min3A = arith.constant 0.000000e+00 : f32
    %min3A_52 = vector.broadcast %min3A : f32 to vector<400x128xf32>
    %min3A_53 = arith.minimumf %add3A_49, %min3A_52 : vector<400x128xf32>
    %exp3A_54 = math.exp %min3A_53 : vector<400x128xf32>
    %sub3A = arith.constant 1.000000e+00 : f32
    %sub3A_55 = vector.broadcast %sub3A : f32 to vector<400x128xf32>
    %sub3A_56 = arith.subf %exp3A_54, %sub3A_55 : vector<400x128xf32>
    %select_n3A = arith.select %gt3A_51, %add3A_49, %sub3A_56 : vector<400x128xi1>, vector<400x128xf32>
    %get3A_57 = arith.constant 0 : index
    %get3A_58 = arith.constant 0 : index
    %get3A_59 = vector.load %arg5[%get3A_57, %get3A_58] : memref<128x64xf32, #tpu.memory_space<vmem>>, vector<128x64xf32>
    %dot_general3A_60 = arith.constant dense<0.000000e+00> : vector<400x64xf32>
    %dot_general3A_61 = tpu.matmul %select_n3A, %get3A_59, %dot_general3A_60 {dimension_numbers = #tpu.dot_dimension_numbers<[1], [0], [0], [1], [0, 0, 1, 1], [], []>, transpose_lhs_hint = false} : vector<400x128xf32>, vector<128x64xf32>, vector<400x64xf32> -> vector<400x64xf32>
    %swap3A = arith.constant 0 : index
    %swap3A_62 = arith.constant 0 : index
    %swap3A_63 = vector.load %arg12[%swap3A, %swap3A_62] : memref<400x80xf32, #tpu.memory_space<vmem>>, vector<400x64xf32>
    tpu.vector_store %arg12[%swap3A, %swap3A_62], %dot_general3A_61 {strides = array<i32>} : memref<400x80xf32, #tpu.memory_space<vmem>>, vector<400x64xf32>,
    %get3A_64 = arith.constant 0 : index
    %get3A_65 = arith.constant 0 : index
    %get3A_66 = vector.load %arg6[%get3A_64, %get3A_65] : memref<64x16xf32, #tpu.memory_space<vmem>>, vector<64x16xf32>
    %dot_general3A_67 = arith.constant dense<0.000000e+00> : vector<400x16xf32>
    %dot_general3A_68 = tpu.matmul %dot_general3A_61, %get3A_66, %dot_general3A_67 {dimension_numbers = #tpu.dot_dimension_numbers<[1], [0], [0], [1], [0, 0, 1, 1], [], []>, transpose_lhs_hint = false} : vector<400x64xf32>, vector<64x16xf32>, vector<400x16xf32> -> vector<400x16xf32>
    %swap3A_69 = arith.constant 0 : index
    %swap3A_70 = arith.constant 64 : index
    %swap3A_71 = vector.load %arg12[%swap3A_69, %swap3A_70] : memref<400x80xf32, #tpu.memory_space<vmem>>, vector<400x16xf32>
    tpu.vector_store %arg12[%swap3A_69, %swap3A_70], %dot_general3A_68 {strides = array<i32>} : memref<400x80xf32, #tpu.memory_space<vmem>>, vector<400x16xf32>,
    %get3A_72 = arith.constant 0 : index
    %get3A_73 = arith.constant 0 : index
    %get3A_74 = vector.load %arg7[%get3A_72, %get3A_73] : memref<64x16xf32, #tpu.memory_space<vmem>>, vector<64x16xf32>
    %dot_general3A_75 = arith.constant dense<0.000000e+00> : vector<400x16xf32>
    %dot_general3A_76 = tpu.matmul %dot_general3A_61, %get3A_74, %dot_general3A_75 {dimension_numbers = #tpu.dot_dimension_numbers<[1], [0], [0], [1], [0, 0, 1, 1], [], []>, transpose_lhs_hint = false} : vector<400x64xf32>, vector<64x16xf32>, vector<400x16xf32> -> vector<400x16xf32>
    %swap3A_77 = arith.constant 0 : index
    %swap3A_78 = arith.constant 0 : index
    %swap3A_79 = vector.load %arg13[%swap3A_77, %swap3A_78] : memref<400x16xf32, #tpu.memory_space<vmem>>, vector<400x16xf32>
    tpu.vector_store %arg13[%swap3A_77, %swap3A_78], %dot_general3A_76 {strides = array<i32>} : memref<400x16xf32, #tpu.memory_space<vmem>>, vector<400x16xf32>,
    return
  }
  func.func @transform_0(%arg0: i32) -> (i32, i32, i32) {
    %c0_i32 = arith.constant 0 : i32
    %c0_i32_0 = arith.constant 0 : i32
    %c0_i32_1 = arith.constant 0 : i32
    return %c0_i32, %arg0, %c0_i32_0 : i32, i32, i32
  }
  func.func @transform_1(%arg0: i32) -> (i32, i32) {
    %c0_i32 = arith.constant 0 : i32
    %c0_i32_0 = arith.constant 0 : i32
    return %arg0, %c0_i32 : i32, i32
  }
  func.func @transform_2(%arg0: i32) -> (i32, i32) {
    %c0_i32 = arith.constant 0 : i32
    %c0_i32_0 = arith.constant 0 : i32
    return %arg0, %c0_i32 : i32, i32
  }
  func.func @transform_3(%arg0: i32) -> (i32, i32) {
    %c0_i32 = arith.constant 0 : i32
    %c0_i32_0 = arith.constant 0 : i32
    %c0_i32_1 = arith.constant 0 : i32
    return %c0_i32, %c0_i32_0 : i32, i32
  }
  func.func @transform_4(%arg0: i32) -> (i32, i32) {
    %c0_i32 = arith.constant 0 : i32
    %c0_i32_0 = arith.constant 0 : i32
    %c0_i32_1 = arith.constant 0 : i32
    return %c0_i32, %c0_i32_0 : i32, i32
  }
  func.func @transform_5(%arg0: i32) -> (i32, i32) {
    %c0_i32 = arith.constant 0 : i32
    %c0_i32_0 = arith.constant 0 : i32
    %c0_i32_1 = arith.constant 0 : i32
    return %c0_i32, %c0_i32_0 : i32, i32
  }
  func.func @transform_6(%arg0: i32) -> (i32, i32) {
    %c0_i32 = arith.constant 0 : i32
    %c0_i32_0 = arith.constant 0 : i32
    %c0_i32_1 = arith.constant 0 : i32
    return %c0_i32, %c0_i32_0 : i32, i32
  }
  func.func @transform_7(%arg0: i32) -> (i32, i32) {
    %c0_i32 = arith.constant 0 : i32
    %c0_i32_0 = arith.constant 0 : i32
    %c0_i32_1 = arith.constant 0 : i32
    return %c0_i32, %c0_i32_0 : i32, i32
  }
  func.func @transform_8(%arg0: i32) -> (i32, i32) {
    %c0_i32 = arith.constant 0 : i32
    %c0_i32_0 = arith.constant 0 : i32
    %c0_i32_1 = arith.constant 0 : i32
    return %c0_i32, %c0_i32_0 : i32, i32
  }
  func.func @transform_9(%arg0: i32) -> (i32, i32) {
    %c0_i32 = arith.constant 0 : i32
    %c0_i32_0 = arith.constant 0 : i32
    %c0_i32_1 = arith.constant 0 : i32
    return %c0_i32, %c0_i32_0 : i32, i32
  }
  func.func @transform_10(%arg0: i32) -> (i32, i32) {
    %c0_i32 = arith.constant 0 : i32
    %c0_i32_0 = arith.constant 0 : i32
    %c0_i32_1 = arith.constant 0 : i32
    return %c0_i32, %c0_i32_0 : i32, i32
  }
  func.func @transform_11(%arg0: i32) -> (i32, i32) {
    %c0_i32 = arith.constant 0 : i32
    %c0_i32_0 = arith.constant 0 : i32
    return %arg0, %c0_i32 : i32, i32
  }
  func.func @transform_12(%arg0: i32) -> (i32, i32) {
    %c0_i32 = arith.constant 0 : i32
    %c0_i32_0 = arith.constant 0 : i32
    return %arg0, %c0_i32 : i32, i32
  }
}

module attributes {stable_mosaic.version = 14 : i64} {
  func.func @_tcc_body(%arg0: i32, %arg1: memref<2x400x80xf32, #tpu.memory_space<vmem>>, %arg2: memref<400x80xf32, #tpu.memory_space<vmem>>, %arg3: memref<400x16xf32, #tpu.memory_space<vmem>>, %arg4: memref<1x64xf32, #tpu.memory_space<vmem>>, %arg5: memref<80x64xf32, #tpu.memory_space<vmem>>, %arg6: memref<80x64xf32, #tpu.memory_space<vmem>>, %arg7: memref<16x64xf32, #tpu.memory_space<vmem>>, %arg8: memref<80x16xf32, #tpu.memory_space<vmem>>, %arg9: memref<400x64xf32, #tpu.memory_space<vmem>>) attributes {dimension_semantics = [#tpu.dimension_semantics<arbitrary>], iteration_bounds = array<i64: 25>, scalar_prefetch = 0 : i64, scratch_operands = 0 : i64, tpu.core_type = #tpu.core_type<tc>, window_params = [{transform_indices = @transform_0, window_bounds = array<i64: 2, 400, 80>}, {transform_indices = @transform_1, window_bounds = array<i64: 400, 80>}, {transform_indices = @transform_2, window_bounds = array<i64: 400, 16>}, {pipeline_mode = #tpu.pipeline_mode<synchronous>, transform_indices = @transform_3, window_bounds = array<i64: 1, 64>}, {pipeline_mode = #tpu.pipeline_mode<synchronous>, transform_indices = @transform_4, window_bounds = array<i64: 80, 64>}, {pipeline_mode = #tpu.pipeline_mode<synchronous>, transform_indices = @transform_5, window_bounds = array<i64: 80, 64>}, {pipeline_mode = #tpu.pipeline_mode<synchronous>, transform_indices = @transform_6, window_bounds = array<i64: 16, 64>}, {pipeline_mode = #tpu.pipeline_mode<synchronous>, transform_indices = @transform_7, window_bounds = array<i64: 80, 16>}, {transform_indices = @transform_8, window_bounds = array<i64: 400, 64>}]} {
    %get3A = arith.constant 0 : index
    %get3A_0 = arith.constant 0 : index
    %get3A_1 = arith.constant 0 : index
    %get3A_2 = vector.load %arg1[%get3A, %get3A_0, %get3A_1] : memref<2x400x80xf32, #tpu.memory_space<vmem>>, vector<1x400x80xf32>
    %get3A_3 = vector.shape_cast %get3A_2 : vector<1x400x80xf32> to vector<400x80xf32>
    %get3A_4 = arith.constant 1 : index
    %get3A_5 = arith.constant 0 : index
    %get3A_6 = arith.constant 0 : index
    %get3A_7 = vector.load %arg1[%get3A_4, %get3A_5, %get3A_6] : memref<2x400x80xf32, #tpu.memory_space<vmem>>, vector<1x400x80xf32>
    %get3A_8 = vector.shape_cast %get3A_7 : vector<1x400x80xf32> to vector<400x80xf32>
    %add3A = arith.addf %get3A_3, %get3A_8 : vector<400x80xf32>
    %get3A_9 = arith.constant 0 : index
    %get3A_10 = arith.constant 0 : index
    %get3A_11 = vector.load %arg5[%get3A_9, %get3A_10] : memref<80x64xf32, #tpu.memory_space<vmem>>, vector<80x64xf32>
    %dot_general3A = arith.constant dense<0.000000e+00> : vector<400x64xf32>
    %dot_general3A_12 = tpu.matmul %add3A, %get3A_11, %dot_general3A {dimension_numbers = #tpu.dot_dimension_numbers<[1], [0], [0], [1], [0, 0, 1, 1], [], []>, transpose_lhs_hint = false} : vector<400x80xf32>, vector<80x64xf32>, vector<400x64xf32> -> vector<400x64xf32>
    %get3A_13 = arith.constant 0 : index
    %get3A_14 = arith.constant 0 : index
    %get3A_15 = vector.load %arg6[%get3A_13, %get3A_14] : memref<80x64xf32, #tpu.memory_space<vmem>>, vector<80x64xf32>
    %dot_general3A_16 = arith.constant dense<0.000000e+00> : vector<400x64xf32>
    %dot_general3A_17 = tpu.matmul %add3A, %get3A_15, %dot_general3A_16 {dimension_numbers = #tpu.dot_dimension_numbers<[1], [0], [0], [1], [0, 0, 1, 1], [], []>, transpose_lhs_hint = false} : vector<400x80xf32>, vector<80x64xf32>, vector<400x64xf32> -> vector<400x64xf32>
    %get3A_18 = arith.constant 0 : index
    %get3A_19 = arith.constant 0 : index
    %get3A_20 = vector.load %arg2[%get3A_18, %get3A_19] : memref<400x80xf32, #tpu.memory_space<vmem>>, vector<400x80xf32>
    %get3A_21 = arith.constant 0 : index
    %get3A_22 = arith.constant 0 : index
    %get3A_23 = vector.load %arg5[%get3A_21, %get3A_22] : memref<80x64xf32, #tpu.memory_space<vmem>>, vector<80x64xf32>
    %dot_general3A_24 = arith.constant dense<0.000000e+00> : vector<400x64xf32>
    %dot_general3A_25 = tpu.matmul %get3A_20, %get3A_23, %dot_general3A_24 {dimension_numbers = #tpu.dot_dimension_numbers<[1], [0], [0], [1], [0, 0, 1, 1], [], []>, transpose_lhs_hint = false} : vector<400x80xf32>, vector<80x64xf32>, vector<400x64xf32> -> vector<400x64xf32>
    %get3A_26 = arith.constant 0 : index
    %get3A_27 = arith.constant 0 : index
    %get3A_28 = vector.load %arg8[%get3A_26, %get3A_27] : memref<80x16xf32, #tpu.memory_space<vmem>>, vector<80x16xf32>
    %dot_general3A_29 = arith.constant dense<0.000000e+00> : vector<400x16xf32>
    %dot_general3A_30 = tpu.matmul %get3A_20, %get3A_28, %dot_general3A_29 {dimension_numbers = #tpu.dot_dimension_numbers<[1], [0], [0], [1], [0, 0, 1, 1], [], []>, transpose_lhs_hint = false} : vector<400x80xf32>, vector<80x16xf32>, vector<400x16xf32> -> vector<400x16xf32>
    %get3A_31 = arith.constant 0 : index
    %get3A_32 = arith.constant 0 : index
    %get3A_33 = vector.load %arg3[%get3A_31, %get3A_32] : memref<400x16xf32, #tpu.memory_space<vmem>>, vector<400x16xf32>
    %add3A_34 = arith.addf %dot_general3A_30, %get3A_33 : vector<400x16xf32>
    %mul3A = arith.constant 2.000000e-01 : f32
    %mul3A_35 = vector.broadcast %mul3A : f32 to vector<400x16xf32>
    %mul3A_36 = arith.mulf %mul3A_35, %add3A_34 : vector<400x16xf32>
    %max3A = arith.maximumf %add3A_34, %mul3A_36 : vector<400x16xf32>
    %exp3A = math.exp %max3A : vector<400x16xf32>
    %get3A_37 = arith.constant 0 : index
    %get3A_38 = arith.constant 0 : index
    %get3A_39 = vector.load %arg7[%get3A_37, %get3A_38] : memref<16x64xf32, #tpu.memory_space<vmem>>, vector<16x64xf32>
    %dot_general3A_40 = arith.constant dense<0.000000e+00> : vector<400x64xf32>
    %dot_general3A_41 = tpu.matmul %exp3A, %get3A_39, %dot_general3A_40 {dimension_numbers = #tpu.dot_dimension_numbers<[1], [0], [0], [1], [0, 0, 1, 1], [], []>, transpose_lhs_hint = false} : vector<400x16xf32>, vector<16x64xf32>, vector<400x64xf32> -> vector<400x64xf32>
    %mul3A_42 = arith.mulf %dot_general3A_25, %dot_general3A_41 : vector<400x64xf32>
    %add3A_43 = arith.addf %dot_general3A_12, %mul3A_42 : vector<400x64xf32>
    %add3A_44 = arith.addf %dot_general3A_17, %dot_general3A_41 : vector<400x64xf32>
    %div3A = arith.divf %add3A_43, %add3A_44 : vector<400x64xf32>
    %get3A_45 = arith.constant 0 : index
    %get3A_46 = arith.constant 0 : index
    %get3A_47 = vector.load %arg4[%get3A_45, %get3A_46] : memref<1x64xf32, #tpu.memory_space<vmem>>, vector<1x64xf32>
    %add3A_48 = vector.broadcast %get3A_47 : vector<1x64xf32> to vector<400x64xf32>
    %add3A_49 = arith.addf %div3A, %add3A_48 : vector<400x64xf32>
    %reduce_max3A = arith.constant dense<0xFF800000> : vector<400xf32>
    %reduce_max3A_50 = vector.multi_reduction <maximumf>, %add3A_49, %reduce_max3A [1] : vector<400x64xf32> to vector<400xf32>
    %broadcast_in_dim3A = vector.shape_cast %reduce_max3A_50 : vector<400xf32> to vector<400x1xf32>
    %sub3A = vector.broadcast %broadcast_in_dim3A : vector<400x1xf32> to vector<400x64xf32>
    %sub3A_51 = arith.subf %add3A_49, %sub3A : vector<400x64xf32>
    %exp3A_52 = math.exp %sub3A_51 : vector<400x64xf32>
    %reduce_sum3A = arith.constant dense<0.000000e+00> : vector<400xf32>
    %reduce_sum3A_53 = vector.multi_reduction <add>, %exp3A_52, %reduce_sum3A [1] : vector<400x64xf32> to vector<400xf32>
    %broadcast_in_dim3A_54 = vector.shape_cast %reduce_sum3A_53 : vector<400xf32> to vector<400x1xf32>
    %log3A = math.log %broadcast_in_dim3A_54 : vector<400x1xf32>
    %add3A_55 = arith.addf %log3A, %broadcast_in_dim3A : vector<400x1xf32>
    %sub3A_56 = vector.broadcast %add3A_55 : vector<400x1xf32> to vector<400x64xf32>
    %sub3A_57 = arith.subf %add3A_49, %sub3A_56 : vector<400x64xf32>
    %swap3A = arith.constant 0 : index
    %swap3A_58 = arith.constant 0 : index
    %swap3A_59 = vector.load %arg9[%swap3A, %swap3A_58] : memref<400x64xf32, #tpu.memory_space<vmem>>, vector<400x64xf32>
    tpu.vector_store %arg9[%swap3A, %swap3A_58], %sub3A_57 {strides = array<i32>} : memref<400x64xf32, #tpu.memory_space<vmem>>, vector<400x64xf32>,
    return
  }
  func.func @transform_0(%arg0: i32) -> (i32, i32, i32) {
    %c0_i32 = arith.constant 0 : i32
    %c0_i32_0 = arith.constant 0 : i32
    %c0_i32_1 = arith.constant 0 : i32
    return %c0_i32, %arg0, %c0_i32_0 : i32, i32, i32
  }
  func.func @transform_1(%arg0: i32) -> (i32, i32) {
    %c0_i32 = arith.constant 0 : i32
    %c0_i32_0 = arith.constant 0 : i32
    return %arg0, %c0_i32 : i32, i32
  }
  func.func @transform_2(%arg0: i32) -> (i32, i32) {
    %c0_i32 = arith.constant 0 : i32
    %c0_i32_0 = arith.constant 0 : i32
    return %arg0, %c0_i32 : i32, i32
  }
  func.func @transform_3(%arg0: i32) -> (i32, i32) {
    %c0_i32 = arith.constant 0 : i32
    %c0_i32_0 = arith.constant 0 : i32
    %c0_i32_1 = arith.constant 0 : i32
    return %c0_i32, %c0_i32_0 : i32, i32
  }
  func.func @transform_4(%arg0: i32) -> (i32, i32) {
    %c0_i32 = arith.constant 0 : i32
    %c0_i32_0 = arith.constant 0 : i32
    %c0_i32_1 = arith.constant 0 : i32
    return %c0_i32, %c0_i32_0 : i32, i32
  }
  func.func @transform_5(%arg0: i32) -> (i32, i32) {
    %c0_i32 = arith.constant 0 : i32
    %c0_i32_0 = arith.constant 0 : i32
    %c0_i32_1 = arith.constant 0 : i32
    return %c0_i32, %c0_i32_0 : i32, i32
  }
  func.func @transform_6(%arg0: i32) -> (i32, i32) {
    %c0_i32 = arith.constant 0 : i32
    %c0_i32_0 = arith.constant 0 : i32
    %c0_i32_1 = arith.constant 0 : i32
    return %c0_i32, %c0_i32_0 : i32, i32
  }
  func.func @transform_7(%arg0: i32) -> (i32, i32) {
    %c0_i32 = arith.constant 0 : i32
    %c0_i32_0 = arith.constant 0 : i32
    %c0_i32_1 = arith.constant 0 : i32
    return %c0_i32, %c0_i32_0 : i32, i32
  }
  func.func @transform_8(%arg0: i32) -> (i32, i32) {
    %c0_i32 = arith.constant 0 : i32
    %c0_i32_0 = arith.constant 0 : i32
    return %arg0, %c0_i32 : i32, i32
  }
}

</mosaic_0001>

<sc_bundles>
// kernel: kernel.10.cloned.1.call-start
scs
__scs_entry_jumppad:
0x0: {  	(pc) =	sbr.rel $0x88, $3  }
0x1: {  	(tag) =	ssettag $0x0;
	lr =	simm.s32 $0x1  }
0x2: {  	[smem:$0x3F97] =	sst lr;
	_ =	strace $0xD0000000  }
0x3: {  	_ = 	snop  }
0x4: {  	_ = 	snop  }
0x5: {  	_ = 	snop  }
0x6: {  	_ = 	snop  }
0x7: {  	_ = 	snop  }
__scs_overlays_trampoline_lowered:
0x8: {  	[smem:$0x3FA6] =	sst s0  }
0x9: {  	[smem:$0x3FA7] =	sst s1  }
0xa: {  	[smem:$0x3FA8] =	sst s2  }
0xb: {  	[smem:$0x3FA9] =	sst s3  }
0xc: {  	[smem:$0x3FAA] =	sst s4  }
0xd: {  	[smem:$0x3FAB] =	sst s5  }
0xe: {  	[smem:$0x3FAC] =	sst s6  }
0xf: {  	[smem:$0x3FAD] =	sst s7  }
0x10: {  	[smem:$0x3FAE] =	sst s8  }
0x11: {  	[smem:$0x3FAF] =	sst s9;
	s0 =	simm.s32 @!p0 $0x0  }
0x12: {  	s1 =	sld [smem:$0x3F95];
	s0 =	simm.s32 @p0 $0x1  }
0x13: {  	[smem:$0x3FB0] =	sst s0;
	s0 =	simm.s32 @!p1 $0x0  }
0x14: {  	s2 =	sld [smem:$0x3F94];
	s0 =	simm.s32 @p1 $0x1  }
0x15: {  	[smem:$0x3FB1] =	sst s0;
	s0 =	simm.s32 @!p2 $0x0  }
0x16: {  	s3 =	sld [smem:$0x3FDB];
	s0 =	simm.s32 @p2 $0x1  }
0x17: {  	s4 =	simm.s32 $0x1BF5;
	[smem:$0x3FB3] =	sst s0  }
0x18: {  	s0 =	sld [smem:$0x3F96];
	_ =	swait.ge [sflag:s4], $0x0  }
0x19: {  	s7 =	sld [smem:$0x3F97]  }
0x1a: {  	s8 =	sadd.s32 $0xFFFFE003, lr  }
0x1b: {  	s9 =	sadd.s32 $0xFFFFFEF7, lr;
	s5 =	simm.s32 $0xFFFFFFFF;
	p2 =	slt.u32 s8, $0xFFFFF086  }
0x1c: {  	p1 =	slt.u32 s9, $0xF7A;
	s5 =	simm.s32 @!p2 $0x0  }
0x1d: {  	s5 =	simm.s32 @p1 $0x1;
	p0 =	seq.s32 s7, s2  }
0x1e: {  	s7 =	smul.u32 @!p0 $0xF7A, s2;
	p2 =	seq.s32 @!p0 s5, $0x0  }
0x1f: {  	s9 =	smul.u32 $0xF7A, s1;
	s8 =	simm.s32 @!p0 $0x1BF5;
	p2 =	por !p2, p0  }
0x20: {  	[sflag:s8] =	ssyncset.s32 @!p0 $0xFFFFF086;
	s6 =	sadd.s32 @!p0 s3, s7;
	s7 =	simm.s32 @!p0 $0x108  }
0x21: {  	s3 =	sadd.s32 s3, s9;
	s6 =	sadd.s32 @!p0 $0x88, s6;
	s7 =	simm.s32 @p2 $0x1082  }
0x22: {  	[simem:s7], [sflag:s8] =	dma.local @!p0 [hbm:s6], $0xF7A  }
0x23: {  	s9 =	sor.u32 $0xD0000000, s2;
	s6 =	simm.s32 $0x108;
	_ =	swait.ge @!p0 [sflag:s8], $0x0  }
0x24: {  	s3 =	sadd.s32 $0x88, s3;
	s6 =	simm.s32 @!p1 $0x1082;
	[sflag:s4] =	ssyncset.s32 $0xFFFFF086  }
0x25: {  	[simem:s6], [sflag:s4] =	dma.local [hbm:s3], $0xF7A  }
0x26: {  	[smem:$0x3F97] =	sst s1;
	(tag) =	ssettag s2;
	_ =	strace s9  }
0x27: {  	s1 =	sld [smem:$0x3FA7]  }
0x28: {  	s2 =	sld [smem:$0x3FA8]  }
0x29: {  	s4 =	sld [smem:$0x3FAA]  }
0x2a: {  	p0 =	seq.s32 s5, $0x0;
	s5 =	sld [smem:$0x3FAB]  }
0x2b: {  	s6 =	sld [smem:$0x3FAC]  }
0x2c: {  	s7 =	sld [smem:$0x3FAD]  }
0x2d: {  	s3 =	simm.s32 $0x108;
	s8 =	sld [smem:$0x3FAE]  }
0x2e: {  	s3 =	simm.s32 @!p0 $0x1082;
	s9 =	sld [smem:$0x3FAF]  }
0x2f: {  	lr =	sadd.s32 s0, s3;
	s0 =	sld [smem:$0x3FA6]  }
0x30: {  	s3 =	sld [smem:$0x3FA9]  }
0x31: {  	[smem:$0x3FB2] =	sst s10  }
0x32: {  	s10 =	sld [smem:$0x3FB0];
	_ =	sdelay $0x3  }
0x33: {  	p0 =	seq.s32 s10, $0x1;
	s10 =	sld [smem:$0x3FB2];
	_ =	sdelay $0x3  }
0x34: {  	[smem:$0x3FB2] =	sst s10  }
0x35: {  	s10 =	sld [smem:$0x3FB1];
	_ =	sdelay $0x3  }
0x36: {  	p1 =	seq.s32 s10, $0x1;
	s10 =	sld [smem:$0x3FB2];
	_ =	sdelay $0x3  }
0x37: {  	[smem:$0x3FB2] =	sst s10  }
0x38: {  	s10 =	sld [smem:$0x3FB3]  }
0x39: {  	_ = 	snop;
	(pc) =	sbr.ind lr, $3  }
0x3a: {  	_ = 	snop  }
0x3b: {  	_ = 	snop  }
0x3c: {  	p2 =	seq.s32 s10, $0x1;
	s10 =	sld [smem:$0x3FB2]  }
0x3d: {  	_ =	shalt  }
0x3e: {  	_ =	shalt  }
0x3f: {  	_ =	shalt  }
0x40: {  	_ =	shalt  }
0x41: {  	_ =	shalt  }
0x42: {  	_ =	shalt  }
0x43: {  	_ =	shalt  }
0x44: {  	_ =	shalt  }
0x45: {  	_ =	shalt  }
0x46: {  	_ =	shalt  }
0x47: {  	_ =	shalt  }
0x48: {  	_ =	shalt  }
0x49: {  	_ =	shalt  }
0x4a: {  	_ =	shalt  }
0x4b: {  	_ =	shalt  }
0x4c: {  	_ =	shalt  }
0x4d: {  	_ =	shalt  }
0x4e: {  	_ =	shalt  }
0x4f: {  	_ =	shalt  }
0x50: {  	_ =	shalt  }
0x51: {  	_ =	shalt  }
0x52: {  	_ =	shalt  }
0x53: {  	_ =	shalt  }
0x54: {  	_ =	shalt  }
0x55: {  	_ =	shalt  }
0x56: {  	_ =	shalt  }
0x57: {  	_ =	shalt  }
0x58: {  	_ =	shalt  }
0x59: {  	_ =	shalt  }
0x5a: {  	_ =	shalt  }
0x5b: {  	_ =	shalt  }
0x5c: {  	_ =	shalt  }
0x5d: {  	_ =	shalt  }
0x5e: {  	_ =	shalt  }
0x5f: {  	_ =	shalt  }
0x60: {  	_ =	shalt  }
0x61: {  	_ =	shalt  }
0x62: {  	_ =	shalt  }
0x63: {  	_ =	shalt  }
0x64: {  	_ =	shalt  }
0x65: {  	_ =	shalt  }
0x66: {  	_ =	shalt  }
0x67: {  	_ =	shalt  }
0x68: {  	_ =	shalt  }
0x69: {  	_ =	shalt  }
0x6a: {  	_ =	shalt  }
0x6b: {  	_ =	shalt  }
0x6c: {  	_ =	shalt  }
0x6d: {  	_ =	shalt  }
0x6e: {  	_ =	shalt  }
0x6f: {  	_ =	shalt  }
0x70: {  	_ =	shalt  }
0x71: {  	_ =	shalt  }
0x72: {  	_ =	shalt  }
0x73: {  	_ =	shalt  }
0x74: {  	_ =	shalt  }
0x75: {  	_ =	shalt  }
0x76: {  	_ =	shalt  }
0x77: {  	_ =	shalt  }
0x78: {  	_ =	shalt  }
0x79: {  	_ =	shalt  }
0x7a: {  	_ =	shalt  }
0x7b: {  	_ =	shalt  }
0x7c: {  	_ =	shalt  }
0x7d: {  	_ =	shalt  }
0x7e: {  	_ =	shalt  }
0x7f: {  	_ =	shalt  }
0x80: {  	_ =	shalt  }
0x81: {  	_ =	shalt  }
0x82: {  	_ =	shalt  }
0x83: {  	_ =	shalt  }
0x84: {  	_ =	shalt  }
0x85: {  	_ =	shalt  }
0x86: {  	_ =	shalt  }
0x87: {  	_ =	shalt  }
.Lfunc_end0:
.L_simem_size_0:
called_computation.1_lowered:
.L_overlay_start_0:
0x88: {  	s2 =	sld [smem:$0x3FD9]  }
0x89: {  	s3 =	sld [smem:$0x3FFE];
	_ =	sdelay $0x1  }
0x8a: {  	s1 =	srdreg.scid  }
0x8b: {  	s0 =	sand.u32 $0x1, s1  }
0x8c: {  	s17 =	sshll.u32 s0, $0xA;
	s2 =	sadd.s32 s3, s2  }
0x8d: {  	s2 =	sadd.s32 s2, s17  }
0x8e: {  	[smem:$0x3FBE] =	sst s2  }
0x8f: {  	_ = 	snop  }
0x90: {  	s2 =	sld [smem:$0x3FD0];
	(tm) =	ssettm $0x1  }
0x91: {  	s18 =	sld [smem:$0x3FFB];
	_ =	sdelay $0x3  }
0x92: {  	_ =	strace s18  }
0x93: {  	s3 =	sld [smem:$0x3FFC];
	_ =	sdelay $0x3  }
0x94: {  	_ =	strace s3  }
0x95: {  	s3 =	sld [smem:$0x3FFD];
	_ =	sdelay $0x3  }
0x96: {  	_ =	strace s3  }
0x97: {  	_ =	strace $0x8FFFFFFF  }
0x98: {  	s19 =	sld [smem:$0x3FDB];
	_ =	sdelay $0x1  }
0x99: {  	s4 =	simm.s32 $_scs_section_size  }
0x9a: {  	s5 =	simm.s32 $_size__tile_overlayer_lowered;
	s6 =	simm.s32 $_tile_overlayer_lowered  }
0x9b: {  	s22 =	simm.s32 $0x1BFF;
	s21 =	sshll.u32 s6, $0x1;
	s3 =	sadd.s32 s4, s19  }
0x9c: {  	s7 =	simm.s32 $0x0;
	s20 =	sshll.u32 s5, $0x1;
	s5 =	sadd.s32 s21, s3  }
0x9d: {  	[timem:s7], [sflag:s22] =	dma.local [hbm:s5], s20  }
0x9e: {  	_ =	swait.ge [sflag:s22], s20  }
0x9f: {  	s4 =	ssub.s32 $0x0, s20;
	[sflag:s22] =	ssyncset.done $0x0  }
0xa0: {  	[sflag:s22] =	ssyncadd.s32 s4;
	_ =	sdelay $0x1  }
0xa1: {  	s23 =	simm.s32 $0x1B8B  }
0xa2: {  	_ =	swait.ge [sflag:s23], $0x1  }
0xa3: {  	[sflag:s23] =	ssyncset.done $0x0  }
0xa4: {  	s25 =	simm.s32 $0x1B8E;
	s24 =	sld [smem:$0x3FFE];
	[sflag:s23] =	ssyncadd.s32 $0xFFFFFFFF  }
0xa5: {  	s26 =	simm.s32 $execute0_lowered;
	[smem:$0x3FD2] =	sst s25  }
0xa6: {  	s5 =	sshll.u32 s26, $0x1;
	_ =	strace $0x80000049;
	[dreg:$0x1] =	wrdreg $0xFFFFFFFF  }
0xa7: {  	s28 =	simm.s32 $_size_execute0_lowered;
	s3 =	sadd.s32 s3, s5;
	[dreg:$0x0] =	wrdreg $0x0  }
0xa8: {  	s5 =	sshll.u32 s28, $0x1;
	[dreg:$0x2] =	wrdreg s3  }
0xa9: {  	[dreg:$0x3] =	wrdreg s5  }
0xaa: {  	[dreg:$0x4] =	wrdreg $0xC0  }
0xab: {  	_ =	task [dreg:s7], $0x5FFFF  }
0xac: {  	[dreg:$0x1] =	wrdreg $0xFFFFFFFF  }
0xad: {  	[dreg:$0x0] =	wrdreg $0x60  }
0xae: {  	[dreg:$0x2] =	wrdreg s2  }
0xaf: {  	[dreg:$0x3] =	wrdreg s24  }
0xb0: {  	[dreg:$0x4] =	wrdreg $0xB5100  }
0xb1: {  	[dreg:$0x5] =	wrdreg $0x9  }
0xb2: {  	_ =	task.clear_ibuf [dreg:s7], $0x6FFFF;
	_ =	strace $0x90000049  }
0xb3: {  	s29 =	simm.s32 $0x9;
	_ =	strace $0x8000004B  }
0xb4: {  	_ =	swait.ge [sflag:s29], $0x1  }
0xb5: {  	[sflag:s29] =	ssyncadd.s32 $0xFFFFFFFF  }
0xb6: {  	_ =	strace $0x9000004B  }
0xb7: {  	_ =	sfence  }
0xb8: {  	s30 =	sld [smem:$0x0];
	_ =	sdelay $0x2  }
0xb9: {  	s31 =	sshll.u32 s1, $0xD;
	s1 =	sshrl.u32 s1, $0x2  }
0xba: {  	s3 =	sand.u32 $0x4000, s31;
	s1 =	sadd.s32 s1, s30  }
0xbb: {  	s0 =	sor.u32 s3, s0;
	s1 =	sshll.u32 s1, $0x11  }
0xbc: {  	s0 =	sor.u32 s1, s0  }
0xbd: {  	s0 =	sadd.s32 $0x8F2B, s0  }
0xbe: {  	[sflag:s0] =	ssyncadd.remote.s32 $0x1  }
0xbf: {  	_ =	sfence.sel $0xFFFF  }
0xc0: {  	[dreg:$0x0] =	wrdreg $0xFFFFFFFF;
	(pc) =	sbr.abs _section_cstart, $3  }
0xc1: {  	[dreg:$0x1] =	wrdreg $0xFFFFFFFF  }
0xc2: {  	_ =	task.clear_ibuf [dreg:s7], $0x2FFFF;
	_ =	strace $0x9FFFFFFF  }
0xc3: {  	(tm) =	ssettm $0x7FFFFFFF  }
tec
execute0_lowered:
.L_overlay_start_1:
0x0: {  	(tag) =	ssettag $0x1  }
0x1: {  	s1 =	rddreg [dreg:$0x0]  }
0x2: {  	s0 =	rddreg [dreg:$0x1]  }
0x3: {  	s3 =	rddreg [dreg:$0x2]  }
0x4: {  	s2 =	srdreg.scid;
	s9 =	stileid.u32;
	s5 =	simm.s32 $0x0  }
0x5: {  	s18 =	simm.s32 $0x9;
	s19 =	simm.s32 $0x80;
	s28 =	simm.s32 $0x2  }
0x6: {  	s29 =	simm.s32 $0x380;
	s30 =	simm.s32 $0xD10;
	s31 =	simm.s32 $0x280  }
0x7: {  	s13 =	simm.s32 $0x0;
	s2 =	sand.u32 $0x1, s2;
	s4 =	smul.u32 $0xC350, s9  }
0x8: {  	[smem:$0x7FF] =	sst s5;
	s5 =	sadd.s32 $0x19200, s0;
	s6 =	sadd.s32 $0xA00, s0  }
0x9: {  	s8 =	sadd.s32 $0x1E200, s0;
	s22 =	sshll.u32 s9, $0x6;
	s7 =	smul.u32 $0xC3500, s2  }
0xa: {  	_ =	strace $0x8000004A;
	[dreg:$0x4] =	wrdreg s8;
	s20 =	ssub.s32 $0x2, s2  }
0xb: {  	s2 =	sshll.u32 s2, $0x4;
	s10 =	sor.u32 $0x1C09, s22;
	s22 =	simm.s32 $0x5  }
0xc: {  	s21 =	sshrl.u32 s20, $0x1;
	s2 =	sor.u32 s9, s2;
	[dreg:$0x5] =	wrdreg s10  }
0xd: {  	s7 =	sadd.s32 s4, s7;
	s4 =	sadd.s32 s4, s3;
	s23 =	sshll.u32 s2, $0x4  }
0xe: {  	s24 =	sshll.u32 s2, $0x7;
	s2 =	sshll.u32 s2, $0x1;
	s7 =	sshrl.u32 s7, $0x3  }
0xf: {  	s8 =	sadd.s32 s1, s23;
	s11 =	sor.u32 $0x2000, s24;
	s2 =	sadd.s32 s2, s1  }
0x10: {  	s12 =	sor.u32 $0x3000, s24;
	s9 =	sshrl.u32 s4, $0x3;
	[dreg:$0x6] =	wrdreg s8  }
0x11: {  	s4 =	simm.s32 $0x6510;
	s8 =	sadd.s32 $0x200, s8;
	[dreg:$0xc] =	wrdreg s9  }
0x12: {  	s23 =	simm.s32 $0x6;
	s25 =	sadd.s32 $0x9C00, s2;
	[dreg:$0x7] =	wrdreg s8  }
0x13: {  	s0 =	sadd.s32 s7, s0;
	s2 =	sadd.s32 $0x13840, s2;
	[dreg:$0x8] =	wrdreg s25  }
0x14: {  	s7 =	ssub.s32 s20, s21;
	s20 =	simm.s32 $0x4;
	[dreg:$0x9] =	wrdreg s2  }
0x15: {  	s0 =	sadd.s32 $0x1FC00, s0;
	s26 =	smax.u32 s7, $0x1;
	s2 =	simm.s32 $0x3  }
0x16: {  	s25 =	simm.s32 $0x480;
	s7 =	simm.s32 $0x8D10;
	[dreg:$0xa] =	wrdreg s0  }
0x17: {  	v0 =	vimm.s32 $0x0;
	[dreg:$0xb] =	wrdreg s26;
	s0 =	simm.s32 $0x3D10;
	s26 =	simm.s32 $0x400  }
.LBB2_1:
0x18: {  	[dreg:$0xd] =	wrdreg s13  }
0x19: {  	s8 =	rddreg [dreg:$0x4]  }
0x1a: {  	[spmem:s9], [sflag:s10] =	dma.local [hbm:s8], $0x186A  }
0x1b: {  	_ =	swait.ge [sflag:s18], $0x186A  }
0x1c: {  	[sflag:s18] =	ssyncset.done $0x0  }
0x1d: {  	[sflag:s18] =	ssyncadd.s32 $0xFFFFE796  }
0x1e: {  	s21 =	simm.s32 $0x0;
	[bflag:$0x0] =	sbarrier.arrive $0xFFFF  }
0x1f: {  	s13 =	simm.s32 $0x1;
	s10 =	simm.s32 $0x4E200;
	s24 =	rddreg [dreg:$0x6]  }
0x20: {  	[tilespmem:s21], [sflag:$0x1] =	stream.strided.gather [hbm4b:s24+s19], $0x100, s10, s19, $0x38;
	[tilespmem:$0x17860] =	vst v63  }
0x21: {  	_ =	swait.ge [sflag:s13], $0x100  }
0x22: {  	[sflag:s13] =	ssyncset.done $0x0  }
0x23: {  	[sflag:s13] =	ssyncadd.s32 $0xFFFFFF00  }
0x24: {  	v1 =	vld [tilespmem:$0x0]  }
0x25: {  	v2 =	vld [tilespmem:$0x80]  }
0x26: {  	v3 =	vld [tilespmem:$0x10]  }
0x27: {  	v4 =	vld [tilespmem:$0x90]  }
0x28: {  	v5 =	vld [tilespmem:$0x20]  }
0x29: {  	[tilespmem:$0x200] =	vst v1;
	v1 =	vld [tilespmem:$0xA0]  }
0x2a: {  	v60 =	vld [tilespmem:$0x40];
	[tilespmem:$0x300] =	vst v2  }
0x2b: {  	v61 =	vld [tilespmem:$0xC0];
	[tilespmem:$0x210] =	vst v3  }
0x2c: {  	v2 =	vld [tilespmem:$0x30];
	[tilespmem:$0x310] =	vst v4  }
0x2d: {  	v3 =	vld [tilespmem:$0xB0];
	[tilespmem:$0x220] =	vst v5  }
0x2e: {  	[tilespmem:$0x320] =	vst v1;
	v1 =	vld [tilespmem:$0x50]  }
0x2f: {  	v62 =	vld [tilespmem:$0xE0];
	[tilespmem:$0x240] =	vst v60  }
0x30: {  	v63 =	vld [tilespmem:$0x70];
	[tilespmem:$0x340] =	vst v61  }
0x31: {  	[tilespmem:$0x230] =	vst v2;
	v2 =	vld [tilespmem:$0xD0]  }
0x32: {  	[tilespmem:$0x330] =	vst v3;
	v3 =	vld [tilespmem:$0x60]  }
0x33: {  	[tilespmem:$0x250] =	vst v1;
	v1 =	vld [tilespmem:$0xF0]  }
0x34: {  	[tilespmem:$0x360] =	vst v62  }
0x35: {  	[tilespmem:$0x270] =	vst v63  }
0x36: {  	[tilespmem:$0x350] =	vst v2  }
0x37: {  	[tilespmem:$0x260] =	vst v3  }
0x38: {  	s14 =	simm.s32 $0x300;
	s15 =	simm.s32 $0x510;
	[tilespmem:$0x370] =	vst v1  }
0x39: {  	[tilespmem:s15], [sflag:$0x3] =	stream.indirect.gather [hbm4b:s5+s19], $0x10, s14, s19, $0xb8;
	[tilespmem:$0x17860] =	vst v63  }
0x3a: {  	s16 =	simm.s32 $0x200;
	s17 =	simm.s32 $0x1510  }
0x3b: {  	[tilespmem:s17], [sflag:$0x5] =	stream.indirect.gather [hbm4b:s6+s19], $0x50, s16, s19, $0xb8;
	[tilespmem:$0x17860] =	vst v63  }
0x3c: {  	s9 =	simm.s32 $0x0;
	s24 =	simm.s32 $0x100;
	s21 =	rddreg [dreg:$0x7]  }
0x3d: {  	[tilespmem:s24], [sflag:$0x2] =	stream.strided.gather [hbm4b:s21+s19], $0x100, s10, s19, $0x38;
	[tilespmem:$0x17860] =	vst v63  }
.LBB2_2:
0x3e: {  	_ =	swait.ge [sflag:s28], $0x100  }
0x3f: {  	[sflag:s28] =	ssyncset.done $0x0  }
0x40: {  	[sflag:s28] =	ssyncadd.s32 $0xFFFFFF00  }
0x41: {  	v1 =	vld [tilespmem:$0x100]  }
0x42: {  	v2 =	vld [tilespmem:$0x180]  }
0x43: {  	v3 =	vld [tilespmem:$0x110]  }
0x44: {  	v4 =	vld [tilespmem:$0x190]  }
0x45: {  	v5 =	vld [tilespmem:$0x120]  }
0x46: {  	[tilespmem:$0x280] =	vst v1;
	v1 =	vld [tilespmem:$0x1A0]  }
0x47: {  	[tilespmem:$0x380] =	vst v2;
	v2 =	vld [tilespmem:$0x130]  }
0x48: {  	[tilespmem:$0x290] =	vst v3;
	v3 =	vld [tilespmem:$0x1B0]  }
0x49: {  	[tilespmem:$0x390] =	vst v4;
	v4 =	vld [tilespmem:$0x140]  }
0x4a: {  	[tilespmem:$0x2A0] =	vst v5;
	v5 =	vld [tilespmem:$0x1C0]  }
0x4b: {  	[tilespmem:$0x3A0] =	vst v1;
	v1 =	vld [tilespmem:$0x150]  }
0x4c: {  	[tilespmem:$0x2B0] =	vst v2;
	v2 =	vld [tilespmem:$0x1D0]  }
0x4d: {  	[tilespmem:$0x3B0] =	vst v3;
	v3 =	vld [tilespmem:$0x160]  }
0x4e: {  	[tilespmem:$0x2C0] =	vst v4;
	v4 =	vld [tilespmem:$0x1E0]  }
0x4f: {  	[tilespmem:$0x3C0] =	vst v5;
	v5 =	vld [tilespmem:$0x170]  }
0x50: {  	[tilespmem:$0x2D0] =	vst v1;
	v1 =	vld [tilespmem:$0x1F0]  }
0x51: {  	[tilespmem:$0x3D0] =	vst v2  }
0x52: {  	[tilespmem:$0x2E0] =	vst v3  }
0x53: {  	[tilespmem:$0x3E0] =	vst v4  }
0x54: {  	s21 =	sshll.u32 s9, $0xD;
	p0 =	seq.s32 s9, $0x26;
	[tilespmem:$0x2F0] =	vst v5  }
0x55: {  	s8 =	sadd.s32 @!p0 s11, s21;
	[tilespmem:$0x3F0] =	vst v1  }
0x56: {  	[tilespmem:s30], [sflag:$0x4] =	stream.indirect.gather [hbm4b:s5+s19], $0x10, s29, s19, $0xb8;
	[tilespmem:$0x17860] =	vst v63  }
0x57: {  	s10 =	simm.s32 @!p0 $0x80;
	s8 =	sshrl.u32 @!p0 s8, $0x3  }
0x58: {  	[tilespmem:s0], [sflag:$0x6] =	stream.indirect.gather [hbm4b:s6+s19], $0x50, s31, s19, $0xb8;
	[tilespmem:$0x17860] =	vst v63  }
0x59: {  	s13 =	simm.s32 @!p0 $0x4E200;
	s14 =	simm.s32 @!p0 $0x0;
	s8 =	sadd.s32 @!p0 s1, s8  }
0x5a: {  	[tilespmem:s14], [sflag:$0x1] =	stream.strided.gather @!p0 [hbm4b:s8+s10], $0x100, s13, s10, $0x38;
	[tilespmem:$0x17860] =	vst v63  }
0x5b: {  	_ =	swait.ge [sflag:s2], $0x800  }
0x5c: {  	[sflag:s2] =	ssyncset.done $0x0  }
0x5d: {  	[sflag:s2] =	ssyncadd.s32 $0xFFFFF800  }
0x5e: {  	_ =	swait.ge [sflag:s22], $0x2800  }
0x5f: {  	p1 =	seq.s32 s9, $0x0;
	[sflag:s22] =	ssyncset.done $0x0  }
0x60: {  	s8 =	simm.s32 @!p1 $0x7;
	[sflag:s22] =	ssyncadd.s32 $0xFFFFD800  }
0x61: {  	_ =	swait.ge @!p1 [sflag:s8], $0x2800  }
0x62: {  	[sflag:s8] =	ssyncset.done @!p1 $0x0  }
0x63: {  	s17 =	simm.s32 $0x1650;
	[sflag:s8] =	ssyncadd.s32 @!p1 $0xFFFFD800  }
0x64: {  	s15 =	simm.s32 $0x550;
	v1 =	vld [tilespmem:s17+$0x130]  }
0x65: {  	v2 =	vld [tilespmem:s15+$0x30]  }
0x66: {  	v3 =	vld [tilespmem:s15+$0xFFFFFFC0]  }
0x67: {  	v4 =	vld [tilespmem:s17+$0xFFFFFF50]  }
0x68: {  	v5 =	vld [tilespmem:s15+$0xFFFFFFD0]  }
0x69: {  	v6 =	vld [tilespmem:s17+$0xFFFFFFA0]  }
0x6a: {  	v7 =	vld [tilespmem:s15+$0xFFFFFFE0];
	v1 =	vadd.f32 v2, v1  }
0x6b: {  	v8 =	vld [tilespmem:s15+$0xFFFFFFF0]  }
0x6c: {  	v10 =	vld [tilespmem:s17+$0x40];
	v9 =	vmul.f32 $2.000000030e-01, v1  }
0x6d: {  	v2 =	vld [tilespmem:s17+$0xFFFFFFF0]  }
0x6e: {  	v4 =	vadd.f32 v5, v4;
	v5 =	vld [tilespmem:s17+$0x90];
	v1 =	vmax.f32 v1, v9  }
0x6f: {  	v6 =	vadd.f32 v7, v6;
	v7 =	vld [tilespmem:s15+$0x10];
	v1 =	vmul.f32 $1.442695020e+00, v1  }
0x70: {  	v11 =	vld [tilespmem:s15+$0x0]  }
0x71: {  	v12 =	vld [tilespmem:s17+$0xE0];
	v9 =	vmul.f32 $2.000000030e-01, v4;
	(erf) = vpow2.f32 v1  }
0x72: {  	v2 =	vadd.f32 v8, v2;
	v8 =	vld [tilespmem:s15+$0x20]  }
0x73: {  	v4 =	vmax.f32 v4, v9;
	v9 =	vld [tilespmem:s17+$0xFFFFFF00];
	v1 =	vmul.f32 $2.000000030e-01, v6  }
0x74: {  	v5 =	vadd.f32 v7, v5;
	v4 =	vmul.f32 $1.442695020e+00, v4  }
0x75: {  	v1 =	vmax.f32 v6, v1;
	v6 =	vmul.f32 $2.000000030e-01, v2  }
0x76: {  	v10 =	vadd.f32 v11, v10;
	v7 =	vmul.f32 $2.000000030e-01, v5;
	(erf) = vpow2.f32 v4  }
0x77: {  	s16 =	simm.s32 $0x5D0;
	v1 =	vmul.f32 $1.442695020e+00, v1;
	v4 =	vadd.f32 v8, v12;
	v2 =	vmax.f32 v2, v6  }
0x78: {  	v18 =	vld [tilespmem:s16+$0x30];
	v6 =	vmul.f32 $2.000000030e-01, v10;
	v3 =	vadd.f32 v3, v9;
	v2 =	vmul.f32 $1.442695020e+00, v2  }
0x79: {  	s10 =	simm.s32 $0x18D0;
	v19 =	vld [tilespmem:s16+$0xFFFFFFC0];
	v8 =	vmul.f32 $2.000000030e-01, v4;
	(erf) = vpow2.f32 v1  }
0x7a: {  	s24 =	simm.s32 $0x6650;
	v20 =	vld [tilespmem:s10+$0xFFFFFF50];
	v1 =	vmax.f32 v5, v7;
	v6 =	vmax.f32 v10, v6;
	v5 =	vmul.f32 $2.000000030e-01, v3;
	v7 =	vpop (erf)  }
0x7b: {  	v21 =	vld [tilespmem:s16+$0xFFFFFFD0];
	v1 =	vmul.f32 $1.442695020e+00, v1;
	v6 =	vmul.f32 $1.442695020e+00, v6;
	[tilespmem:s24+$0x130] =	vst v7  }
0x7c: {  	v3 =	vmax.f32 v3, v5;
	(erf) = vpow2.f32 v2;
	v2 =	vmax.f32 v4, v8;
	v5 =	vld [tilespmem:s17+$0xF0]  }
0x7d: {  	v22 =	vld [tilespmem:s10+$0xFFFFFFA0];
	(erf) = vpow2.f32 v6;
	v2 =	vmul.f32 $1.442695020e+00, v2  }
0x7e: {  	v23 =	vld [tilespmem:s16+$0xFFFFFFE0];
	(erf) = vpow2.f32 v1;
	v1 =	vmul.f32 $1.442695020e+00, v3  }
0x7f: {  	v24 =	vld [tilespmem:s16+$0xFFFFFFF0];
	v4 =	vperm.xlane v7, v0;
	(erf) = vpow2.f32 v2  }
0x80: {  	v26 =	vld [tilespmem:s10+$0x40];
	(erf) = vpow2.f32 v1  }
0x81: {  	s14 =	simm.s32 $0x1B50;
	v27 =	vld [tilespmem:s16+$0x10];
	v2 =	vmul.f32 v5, v4  }
0x82: {  	v57 =	vld [tilespmem:s14+$0x130]  }
0x83: {  	v36 =	vld [tilespmem:s14+$0xFFFFFF50];
	v1 =	vpop (erf)  }
0x84: {  	v38 =	vld [tilespmem:s14+$0xFFFFFFA0];
	v6 =	vpop (erf)  }
0x85: {  	v58 =	vld [tilespmem:s14+$0xFFFFFFF0];
	[tilespmem:s24+$0xF0] =	vst v2;
	v2 =	vpop (erf)  }
0x86: {  	v59 =	vld [tilespmem:s14+$0x40];
	[tilespmem:s24+$0xFFFFFF50] =	vst v1;
	v9 =	vpop (erf)  }
0x87: {  	v3 =	vld [tilespmem:s17+$0xFFFFFF10];
	[tilespmem:s24+$0xFFFFFFA0] =	vst v6;
	v12 =	vpop (erf)  }
0x88: {  	v11 =	vld [tilespmem:s17+$0xFFFFFF60];
	[tilespmem:s24+$0x40] =	vst v9;
	v14 =	vpop (erf)  }
0x89: {  	v13 =	vld [tilespmem:s17+$0x0];
	v16 =	vpop (erf)  }
0x8a: {  	v7 =	vld [tilespmem:s17+$0x100];
	[tilespmem:s24+$0xFFFFFF00] =	vst v16  }
0x8b: {  	v5 =	vperm.xlane v1, v0;
	[tilespmem:s24+$0xFFFFFFF0] =	vst v2;
	v17 =	vld [tilespmem:s17+$0xFFFFFEC0]  }
0x8c: {  	v10 =	vperm.xlane v6, v0;
	v1 =	vld [tilespmem:s17+$0xFFFFFFB0];
	v9 =	vperm.xlane v9, v0  }
0x8d: {  	v20 =	vadd.f32 v21, v20;
	v21 =	vld [tilespmem:s16+$0x0];
	v3 =	vmul.f32 v3, v5;
	[tilespmem:s24+$0x90] =	vst v12;
	v6 =	vperm.xlane v12, v0  }
0x8e: {  	v15 =	vld [tilespmem:s17+$0x50];
	[tilespmem:s24+$0xE0] =	vst v14;
	v12 =	vmul.f32 v13, v9;
	v13 =	vperm.xlane v16, v0  }
0x8f: {  	v8 =	vperm.xlane v2, v0;
	v7 =	vmul.f32 v7, v4;
	[tilespmem:s24+$0xFFFFFF10] =	vst v3;
	v2 =	vld [tilespmem:s17+$0xA0]  }
0x90: {  	v11 =	vmul.f32 v11, v10;
	[tilespmem:s24+$0x0] =	vst v12;
	v12 =	vmul.f32 v17, v13;
	v17 =	vld [tilespmem:s10+$0x130]  }
0x91: {  	v3 =	vld [tilespmem:s17+$0xFFFFFF20];
	[tilespmem:s24+$0x100] =	vst v7;
	v1 =	vmul.f32 v1, v8  }
0x92: {  	[tilespmem:s24+$0xFFFFFF60] =	vst v11;
	v11 =	vld [tilespmem:s17+$0x110]  }
0x93: {  	v7 =	vperm.xlane v14, v0;
	v14 =	vmul.f32 v15, v6;
	v15 =	vld [tilespmem:s17+$0xFFFFFF70];
	[tilespmem:s24+$0xFFFFFFB0] =	vst v1  }
0x94: {  	v1 =	vld [tilespmem:s17+$0xFFFFFFC0]  }
0x95: {  	v16 =	vld [tilespmem:s17+$0x10];
	v17 =	vadd.f32 v18, v17  }
0x96: {  	v22 =	vadd.f32 v23, v22;
	[tilespmem:s24+$0x50] =	vst v14;
	v18 =	vld [tilespmem:s10+$0xFFFFFFF0]  }
0x97: {  	v2 =	vmul.f32 v2, v7;
	v14 =	vld [tilespmem:s17+$0x60];
	[tilespmem:s24+$0xFFFFFEC0] =	vst v12;
	v25 =	vmul.f32 $2.000000030e-01, v17  }
0x98: {  	v28 =	vmul.f32 $2.000000030e-01, v22;
	v3 =	vmul.f32 v3, v5;
	v12 =	vld [tilespmem:s17+$0xFFFFFED0]  }
0x99: {  	v23 =	vld [tilespmem:s10+$0x90];
	[tilespmem:s24+$0xA0] =	vst v2;
	v11 =	vmul.f32 v11, v4;
	v15 =	vmul.f32 v15, v10;
	v17 =	vmax.f32 v17, v25  }
0x9a: {  	v22 =	vmax.f32 v22, v28;
	v2 =	vld [tilespmem:s17+$0xB0];
	v25 =	vmul.f32 $2.000000030e-01, v20;
	v17 =	vmul.f32 $1.442695020e+00, v17  }
0x9b: {  	v1 =	vmul.f32 v1, v8;
	v16 =	vmul.f32 v16, v9;
	v18 =	vadd.f32 v24, v18;
	v24 =	vld [tilespmem:s10+$0xE0]  }
0x9c: {  	v14 =	vmul.f32 v14, v6;
	(erf) = vpow2.f32 v17;
	v17 =	vmax.f32 v20, v25;
	v20 =	vld [tilespmem:s16+$0x20]  }
0x9d: {  	v21 =	vadd.f32 v21, v26;
	s15 =	simm.s32 $0x650;
	[tilespmem:s24+$0xFFFFFF20] =	vst v3;
	v12 =	vmul.f32 v12, v13;
	v25 =	vld [tilespmem:s10+$0xFFFFFF00];
	v28 =	vmul.f32 $2.000000030e-01, v18  }
0x9e: {  	v34 =	vld [tilespmem:s15+$0x30];
	[tilespmem:s24+$0x110] =	vst v11;
	v3 =	vmul.f32 $1.442695020e+00, v17;
	v17 =	vmul.f32 $1.442695020e+00, v22  }
0x9f: {  	v37 =	vld [tilespmem:s15+$0xFFFFFFD0];
	[tilespmem:s24+$0xFFFFFED0] =	vst v12;
	v22 =	vadd.f32 v27, v23;
	v12 =	vmax.f32 v18, v28;
	v18 =	vmul.f32 $2.000000030e-01, v21  }
0xa0: {  	v2 =	vmul.f32 v2, v7;
	v23 =	vld [tilespmem:s17+$0x120];
	v12 =	vmul.f32 $1.442695020e+00, v12  }
0xa1: {  	[tilespmem:s24+$0xFFFFFF70] =	vst v15;
	v11 =	vld [tilespmem:s17+$0xFFFFFEE0];
	(erf) = vpow2.f32 v3;
	v15 =	vmul.f32 $2.000000030e-01, v22;
	v3 =	vmax.f32 v21, v18  }
0xa2: {  	[tilespmem:s24+$0xFFFFFFC0] =	vst v1;
	v1 =	vld [tilespmem:s17+$0xFFFFFF30];
	(erf) = vpow2.f32 v17;
	v18 =	vadd.f32 v20, v24;
	v19 =	vadd.f32 v19, v25  }
0xa3: {  	[tilespmem:s24+$0x10] =	vst v16;
	v16 =	vld [tilespmem:s17+$0xFFFFFF80];
	v3 =	vmul.f32 $1.442695020e+00, v3;
	v15 =	vmax.f32 v22, v15;
	(erf) = vpow2.f32 v12  }
0xa4: {  	v12 =	vld [tilespmem:s17+$0xFFFFFFD0];
	v15 =	vmul.f32 $1.442695020e+00, v15;
	v20 =	vmul.f32 $2.000000030e-01, v19  }
0xa5: {  	v22 =	vld [tilespmem:s17+$0x20];
	v4 =	vmul.f32 v23, v4;
	v17 =	vmul.f32 $2.000000030e-01, v18  }
0xa6: {  	[tilespmem:s24+$0x60] =	vst v14;
	v23 =	vld [tilespmem:s15+$0xFFFFFFE0];
	(erf) = vpow2.f32 v3;
	v3 =	vmul.f32 v11, v13;
	v11 =	vmax.f32 v19, v20  }
0xa7: {  	s13 =	simm.s32 $0x68D0;
	[tilespmem:s24+$0xB0] =	vst v2;
	v1 =	vmul.f32 v1, v5;
	v21 =	vpop (erf);
	v17 =	vmax.f32 v18, v17;
	v18 =	vld [tilespmem:s17+$0x70];
	v2 =	vmul.f32 $1.442695020e+00, v11  }
0xa8: {  	(erf) = vpow2.f32 v15;
	v19 =	vld [tilespmem:s17+$0xC0];
	[tilespmem:s13+$0x130] =	vst v21;
	v14 =	vmul.f32 $1.442695020e+00, v17  }
0xa9: {  	[tilespmem:s24+$0xFFFFFEE0] =	vst v3;
	v12 =	vmul.f32 v12, v8;
	v17 =	vld [tilespmem:s10+$0xF0]  }
0xaa: {  	[tilespmem:s24+$0xFFFFFF30] =	vst v1;
	v3 =	vmul.f32 v16, v10;
	v16 =	vld [tilespmem:s17+$0xFFFFFEF0];
	(erf) = vpow2.f32 v14  }
0xab: {  	v20 =	vperm.xlane v21, v0;
	v21 =	vld [tilespmem:s17+$0xFFFFFF40];
	[tilespmem:s24+$0xFFFFFFD0] =	vst v12;
	(erf) = vpow2.f32 v2;
	v2 =	vpop (erf)  }
0xac: {  	v32 =	vld [tilespmem:s17+$0xFFFFFFE0];
	[tilespmem:s13+$0xFFFFFF50] =	vst v2  }
0xad: {  	[tilespmem:s24+$0xFFFFFF80] =	vst v3;
	v14 =	vpop (erf);
	v1 =	vld [tilespmem:s10+$0xFFFFFF10]  }
0xae: {  	v11 =	vmul.f32 v17, v20;
	[tilespmem:s13+$0xFFFFFFA0] =	vst v14;
	v17 =	vld [tilespmem:s17+$0xFFFFFF90];
	v3 =	vpop (erf)  }
0xaf: {  	v24 =	vld [tilespmem:s10+$0xFFFFFF60];
	[tilespmem:s13+$0xFFFFFFF0] =	vst v3  }
0xb0: {  	v26 =	vpop (erf);
	[tilespmem:s13+$0xF0] =	vst v11;
	v27 =	vld [tilespmem:s10+$0xFFFFFFB0]  }
0xb1: {  	[tilespmem:s13+$0x40] =	vst v26;
	v28 =	vpop (erf);
	v25 =	vld [tilespmem:s10+$0x100]  }
0xb2: {  	v11 =	vperm.xlane v2, v0;
	v29 =	vld [tilespmem:s10+$0x0];
	[tilespmem:s13+$0x90] =	vst v28  }
0xb3: {  	v12 =	vperm.xlane v14, v0;
	v15 =	vperm.xlane v3, v0;
	v30 =	vld [tilespmem:s10+$0x50];
	v2 =	vpop (erf)  }
0xb4: {  	v14 =	vmul.f32 v1, v11;
	v10 =	vmul.f32 v17, v10;
	v17 =	vld [tilespmem:s15+$0xFFFFFFF0];
	[tilespmem:s13+$0xE0] =	vst v2;
	v31 =	vpop (erf)  }
0xb5: {  	v3 =	vperm.xlane v28, v0;
	v24 =	vmul.f32 v24, v12;
	[tilespmem:s13+$0xFFFFFF00] =	vst v31;
	v33 =	vld [tilespmem:s10+$0xA0]  }
0xb6: {  	v1 =	vperm.xlane v26, v0;
	[tilespmem:s13+$0xFFFFFF10] =	vst v14;
	v25 =	vmul.f32 v25, v20;
	v26 =	vld [tilespmem:s10+$0xFFFFFEC0]  }
0xb7: {  	v2 =	vperm.xlane v2, v0;
	v27 =	vmul.f32 v27, v15;
	v28 =	vld [tilespmem:s10+$0xFFFFFF20];
	[tilespmem:s13+$0xFFFFFF60] =	vst v24  }
0xb8: {  	[tilespmem:s13+$0x100] =	vst v25;
	v25 =	vmul.f32 v29, v1;
	v29 =	vmul.f32 v30, v3;
	v30 =	vld [tilespmem:s10+$0xFFFFFF70]  }
0xb9: {  	v14 =	vperm.xlane v31, v0;
	[tilespmem:s13+$0xFFFFFFB0] =	vst v27;
	v24 =	vld [tilespmem:s10+$0x110]  }
0xba: {  	v27 =	vld [tilespmem:s10+$0xFFFFFFC0];
	[tilespmem:s13+$0x0] =	vst v25;
	v25 =	vmul.f32 v33, v2  }
0xbb: {  	v13 =	vmul.f32 v16, v13;
	v16 =	vadd.f32 v34, v57;
	[tilespmem:s13+$0x50] =	vst v29;
	v26 =	vmul.f32 v26, v14;
	v31 =	vld [tilespmem:s10+$0x10]  }
0xbc: {  	v5 =	vmul.f32 v21, v5;
	v29 =	vld [tilespmem:s10+$0x60];
	[tilespmem:s13+$0xA0] =	vst v25  }
0xbd: {  	v21 =	vmul.f32 v28, v11;
	v28 =	vmul.f32 $2.000000030e-01, v16;
	[tilespmem:s13+$0xFFFFFEC0] =	vst v26;
	v25 =	vld [tilespmem:s10+$0xB0]  }
0xbe: {  	[tilespmem:s24+$0x120] =	vst v4;
	v4 =	vmul.f32 v32, v8;
	v24 =	vmul.f32 v24, v20;
	v26 =	vld [tilespmem:s10+$0xFFFFFED0]  }
0xbf: {  	v8 =	vmul.f32 v30, v12;
	[tilespmem:s13+$0xFFFFFF20] =	vst v21;
	v21 =	vmul.f32 v27, v15;
	v16 =	vmax.f32 v16, v28;
	v28 =	vld [tilespmem:s14+$0x90]  }
0xc0: {  	v16 =	vmul.f32 $1.442695020e+00, v16;
	[tilespmem:s13+$0x110] =	vst v24;
	v27 =	vmul.f32 v31, v1;
	v31 =	vld [tilespmem:s15+$0x10]  }
0xc1: {  	v22 =	vmul.f32 v22, v9;
	[tilespmem:s13+$0xFFFFFF70] =	vst v8;
	v8 =	vmul.f32 v29, v3;
	v29 =	vadd.f32 v37, v36;
	v24 =	vld [tilespmem:s10+$0x120]  }
0xc2: {  	v30 =	vld [tilespmem:s15+$0x0];
	[tilespmem:s13+$0xFFFFFFC0] =	vst v21;
	(erf) = vpow2.f32 v16;
	v21 =	vmul.f32 v25, v2  }
0xc3: {  	v17 =	vadd.f32 v17, v58;
	v16 =	vld [tilespmem:s15+$0x20];
	[tilespmem:s13+$0x10] =	vst v27;
	v27 =	vmul.f32 $2.000000030e-01, v29;
	v25 =	vmul.f32 v26, v14  }
0xc4: {  	v23 =	vadd.f32 v23, v38;
	[tilespmem:s24+$0x20] =	vst v22;
	v26 =	vld [tilespmem:s14+$0xE0]  }
0xc5: {  	v18 =	vmul.f32 v18, v6;
	[tilespmem:s13+$0xFFFFFED0] =	vst v25;
	v25 =	vmax.f32 v29, v27;
	v27 =	vmul.f32 $2.000000030e-01, v17  }
0xc6: {  	v35 =	vld [tilespmem:s15+$0xFFFFFFC0];
	[tilespmem:s13+$0x60] =	vst v8;
	v22 =	vadd.f32 v31, v28;
	v8 =	vmul.f32 v24, v20;
	v20 =	vmul.f32 $2.000000030e-01, v23  }
0xc7: {  	v19 =	vmul.f32 v19, v7;
	[tilespmem:s13+$0xB0] =	vst v21;
	v24 =	vadd.f32 v30, v59;
	v30 =	vld [tilespmem:s14+$0xFFFFFF00];
	v21 =	vmul.f32 $1.442695020e+00, v25  }
0xc8: {  	[tilespmem:s24+$0x70] =	vst v18;
	v17 =	vmax.f32 v17, v27;
	v27 =	vld [tilespmem:s10+$0xFFFFFF30];
	v18 =	vmul.f32 $2.000000030e-01, v22;
	v20 =	vmax.f32 v23, v20  }
0xc9: {  	v23 =	vld [tilespmem:s10+$0xFFFFFEE0];
	v25 =	vmul.f32 $2.000000030e-01, v24;
	[tilespmem:s13+$0x120] =	vst v8;
	v8 =	vmul.f32 $1.442695020e+00, v17;
	v16 =	vadd.f32 v16, v26  }
0xca: {  	(erf) = vpow2.f32 v21;
	v17 =	vld [tilespmem:s10+$0xFFFFFF80];
	v20 =	vmul.f32 $1.442695020e+00, v20  }
0xcb: {  	[tilespmem:s24+$0xFFFFFEF0] =	vst v13;
	v26 =	vld [tilespmem:s10+$0xC0];
	v13 =	vmax.f32 v22, v18;
	v21 =	vmax.f32 v24, v25;
	v18 =	vmul.f32 $2.000000030e-01, v16  }
0xcc: {  	[tilespmem:s24+$0xC0] =	vst v19;
	v24 =	vld [tilespmem:s10+$0xFFFFFFD0];
	v25 =	vadd.f32 v35, v30;
	v19 =	vmul.f32 $1.442695020e+00, v21;
	(erf) = vpow2.f32 v20  }
0xcd: {  	[tilespmem:s24+$0xFFFFFF40] =	vst v5;
	v5 =	vmul.f32 $1.442695020e+00, v13;
	v20 =	vld [tilespmem:s10+$0x20];
	(erf) = vpow2.f32 v8  }
0xce: {  	s8 =	simm.s32 $0x6B50;
	[tilespmem:s24+$0xFFFFFFE0] =	vst v4;
	v21 =	vld [tilespmem:s10+$0x70];
	v8 =	vpop (erf);
	v13 =	vmax.f32 v16, v18;
	v22 =	vmul.f32 $2.000000030e-01, v25;
	(erf) = vpow2.f32 v19  }
0xcf: {  	v18 =	vld [tilespmem:s17+$0x30];
	[tilespmem:s8+$0x130] =	vst v8;
	v16 =	vmul.f32 v23, v14;
	v13 =	vmul.f32 $1.442695020e+00, v13  }
0xd0: {  	[tilespmem:s24+$0xFFFFFF90] =	vst v10;
	v4 =	vmul.f32 v17, v12;
	v19 =	vld [tilespmem:s14+$0xF0];
	(erf) = vpow2.f32 v5;
	v10 =	vmax.f32 v25, v22  }
0xd1: {  	v23 =	vld [tilespmem:s17+$0x80];
	[tilespmem:s13+$0xFFFFFEE0] =	vst v16;
	v24 =	vmul.f32 v24, v15;
	v5 =	vmul.f32 $1.442695020e+00, v10  }
0xd2: {  	(erf) = vpow2.f32 v13;
	v10 =	vmul.f32 v27, v11;
	v22 =	vld [tilespmem:s10+$0xFFFFFEF0]  }
0xd3: {  	v13 =	vperm.xlane v8, v0;
	v27 =	vld [tilespmem:s17+$0xD0];
	[tilespmem:s13+$0xFFFFFFD0] =	vst v24;
	(erf) = vpow2.f32 v5  }
0xd4: {  	[tilespmem:s13+$0xFFFFFF30] =	vst v10;
	v62 =	vld [tilespmem:s10+$0xFFFFFFE0]  }
0xd5: {  	[tilespmem:s13+$0xFFFFFF80] =	vst v4;
	v10 =	vld [tilespmem:s10+$0xFFFFFF40];
	v8 =	vmul.f32 v19, v13;
	v5 =	vpop (erf)  }
0xd6: {  	v19 =	vld [tilespmem:s10+$0xFFFFFF90];
	[tilespmem:s8+$0xFFFFFF50] =	vst v5  }
0xd7: {  	v17 =	vpop (erf);
	[tilespmem:s8+$0xF0] =	vst v8;
	v25 =	vld [tilespmem:s14+$0xFFFFFF10]  }
0xd8: {  	[tilespmem:s8+$0xFFFFFFA0] =	vst v17;
	v28 =	vpop (erf);
	v30 =	vld [tilespmem:s14+$0x100]  }
0xd9: {  	v16 =	vmul.f32 v20, v1;
	v4 =	vperm.xlane v5, v0;
	v29 =	vld [tilespmem:s14+$0xFFFFFF60];
	[tilespmem:s8+$0xFFFFFFF0] =	vst v28;
	v31 =	vpop (erf)  }
0xda: {  	v8 =	vperm.xlane v17, v0;
	v17 =	vmul.f32 v22, v14;
	v20 =	vld [tilespmem:s14+$0xFFFFFFB0];
	[tilespmem:s8+$0x40] =	vst v31;
	v60 =	vpop (erf)  }
0xdb: {  	v14 =	vmul.f32 v18, v9;
	v5 =	vperm.xlane v28, v0;
	v28 =	vld [tilespmem:s14+$0x0];
	[tilespmem:s8+$0x90] =	vst v60;
	v61 =	vpop (erf)  }
0xdc: {  	v18 =	vmul.f32 v10, v11;
	v22 =	vld [tilespmem:s14+$0x50];
	[tilespmem:s8+$0xE0] =	vst v61;
	v10 =	vmul.f32 v25, v4;
	v24 =	vpop (erf)  }
0xdd: {  	v19 =	vmul.f32 v19, v12;
	v25 =	vld [tilespmem:s14+$0xA0];
	v12 =	vmul.f32 v30, v13;
	[tilespmem:s8+$0xFFFFFF00] =	vst v24  }
0xde: {  	v9 =	vperm.xlane v31, v0;
	v29 =	vmul.f32 v29, v8;
	[tilespmem:s8+$0xFFFFFF10] =	vst v10;
	v30 =	vld [tilespmem:s14+$0xFFFFFEC0]  }
0xdf: {  	v11 =	vperm.xlane v60, v0;
	v20 =	vmul.f32 v20, v5;
	[tilespmem:s8+$0x100] =	vst v12;
	v31 =	vld [tilespmem:s14+$0xFFFFFF20]  }
0xe0: {  	v10 =	vperm.xlane v61, v0;
	v28 =	vmul.f32 v28, v9;
	[tilespmem:s8+$0xFFFFFF60] =	vst v29;
	v29 =	vld [tilespmem:s14+$0x110]  }
0xe1: {  	v12 =	vperm.xlane v24, v0;
	v24 =	vmul.f32 v22, v11;
	[tilespmem:s8+$0xFFFFFFB0] =	vst v20;
	v63 =	vld [tilespmem:s14+$0xFFFFFF70]  }
0xe2: {  	v20 =	vmul.f32 v21, v3;
	[tilespmem:s8+$0x0] =	vst v28;
	v22 =	vld [tilespmem:s14+$0xFFFFFFC0];
	v28 =	vmul.f32 v25, v10  }
0xe3: {  	v21 =	vmul.f32 v26, v2;
	[tilespmem:s8+$0x50] =	vst v24;
	v25 =	vld [tilespmem:s14+$0x10];
	v26 =	vmul.f32 v30, v12  }
0xe4: {  	v6 =	vmul.f32 v23, v6;
	v23 =	vld [tilespmem:s14+$0x60];
	[tilespmem:s8+$0xA0] =	vst v28;
	v30 =	vmul.f32 v31, v4  }
0xe5: {  	v7 =	vmul.f32 v27, v7;
	v24 =	vld [tilespmem:s14+$0xB0];
	v27 =	vmul.f32 v29, v13;
	[tilespmem:s8+$0xFFFFFEC0] =	vst v26  }
0xe6: {  	s16 =	simm.s32 $0x1DD0;
	s17 =	simm.s32 $0x10;
	v15 =	vmul.f32 v62, v15;
	v28 =	vmul.f32 v63, v8;
	v26 =	vld [tilespmem:s14+$0xFFFFFED0];
	[tilespmem:s8+$0xFFFFFF20] =	vst v30  }
.LBB2_3:
0xe7: {  	v29 =	vld [tilespmem:s16+$0x130];
	v22 =	vmul.f32 v22, v5;
	[tilespmem:s8+$0x110] =	vst v27  }
0xe8: {  	s15 =	sadd.s32 $0x80, s15;
	[tilespmem:s8+$0xFFFFFF70] =	vst v28;
	v25 =	vmul.f32 v25, v9;
	v27 =	vld [tilespmem:s14+$0x120]  }
0xe9: {  	s17 =	sadd.s32 $0x8, s17;
	v28 =	vld [tilespmem:s15+$0x30];
	[tilespmem:s8+$0xFFFFFFC0] =	vst v22;
	v22 =	vmul.f32 v23, v11  }
0xea: {  	p2 =	slt.u32 s17, $0x78;
	v23 =	vld [tilespmem:s15+$0xFFFFFFC0];
	[tilespmem:s8+$0x10] =	vst v25;
	v24 =	vmul.f32 v24, v10  }
0xeb: {  	v25 =	vld [tilespmem:s16+$0xFFFFFF50];
	v26 =	vmul.f32 v26, v12;
	[tilespmem:s8+$0x60] =	vst v22  }
0xec: {  	v22 =	vld [tilespmem:s15+$0xFFFFFFD0];
	[tilespmem:s8+$0xB0] =	vst v24  }
0xed: {  	v24 =	vld [tilespmem:s16+$0xFFFFFFA0];
	[tilespmem:s8+$0xFFFFFED0] =	vst v26;
	v13 =	vmul.f32 v27, v13  }
0xee: {  	v26 =	vld [tilespmem:s15+$0xFFFFFFE0];
	v27 =	vadd.f32 v28, v29;
	[tilespmem:s13+$0x20] =	vst v16  }
0xef: {  	v16 =	vld [tilespmem:s16+$0xFFFFFFF0];
	[tilespmem:s8+$0x120] =	vst v13  }
0xf0: {  	v13 =	vld [tilespmem:s15+$0xFFFFFFF0];
	v28 =	vmul.f32 $2.000000030e-01, v27;
	[tilespmem:s13+$0x70] =	vst v20  }
0xf1: {  	v20 =	vadd.f32 v22, v25;
	v22 =	vld [tilespmem:s16+$0x40];
	[tilespmem:s13+$0xC0] =	vst v21  }
0xf2: {  	v21 =	vld [tilespmem:s15+$0x0];
	v25 =	vmax.f32 v27, v28;
	[tilespmem:s13+$0xFFFFFEF0] =	vst v17  }
0xf3: {  	v17 =	vmul.f32 $2.000000030e-01, v20;
	v24 =	vadd.f32 v26, v24;
	v26 =	vld [tilespmem:s16+$0x90];
	v25 =	vmul.f32 $1.442695020e+00, v25;
	[tilespmem:s13+$0xFFFFFF40] =	vst v18  }
0xf4: {  	v18 =	vld [tilespmem:s15+$0x10];
	[tilespmem:s13+$0xFFFFFF90] =	vst v19  }
0xf5: {  	v19 =	vmul.f32 $2.000000030e-01, v24;
	v13 =	vadd.f32 v13, v16;
	v16 =	vld [tilespmem:s16+$0xE0];
	(erf) = vpow2.f32 v25;
	[tilespmem:s13+$0xFFFFFFE0] =	vst v15  }
0xf6: {  	v15 =	vmax.f32 v20, v17;
	v17 =	vld [tilespmem:s15+$0x20];
	[tilespmem:s24+$0x30] =	vst v14  }
0xf7: {  	v14 =	vld [tilespmem:s16+$0xFFFFFF00];
	v19 =	vmax.f32 v24, v19;
	v20 =	vmul.f32 $2.000000030e-01, v13;
	v21 =	vadd.f32 v21, v22;
	[tilespmem:s24+$0x80] =	vst v6  }
0xf8: {  	v6 =	vmul.f32 $1.442695020e+00, v15;
	v15 =	vmul.f32 $1.442695020e+00, v19;
	v19 =	vld [tilespmem:s14+$0xFFFFFEE0];
	[tilespmem:s24+$0xD0] =	vst v7;
	s24 =	smov.u32 s13;
	s13 =	smov.u32 s8  }
0xf9: {  	v7 =	vmax.f32 v13, v20;
	v13 =	vmul.f32 $2.000000030e-01, v21;
	v18 =	vadd.f32 v18, v26;
	v20 =	vld [tilespmem:s14+$0xFFFFFF30]  }
0xfa: {  	v7 =	vmul.f32 $1.442695020e+00, v7;
	(erf) = vpow2.f32 v6;
	v6 =	vld [tilespmem:s14+$0xFFFFFF80]  }
0xfb: {  	v13 =	vmax.f32 v21, v13;
	v21 =	vmul.f32 $2.000000030e-01, v18;
	v16 =	vadd.f32 v17, v16;
	v17 =	vld [tilespmem:s14+$0xFFFFFFD0]  }
0xfc: {  	v14 =	vadd.f32 v23, v14;
	v13 =	vmul.f32 $1.442695020e+00, v13;
	(erf) = vpow2.f32 v15;
	v15 =	vld [tilespmem:s14+$0x20]  }
0xfd: {  	s8 =	sadd.s32 $0x280, s8;
	v18 =	vmax.f32 v18, v21;
	v21 =	vmul.f32 $2.000000030e-01, v16;
	(erf) = vpow2.f32 v7;
	v7 =	vld [tilespmem:s14+$0x70]  }
0xfe: {  	v22 =	vmul.f32 $2.000000030e-01, v14;
	v18 =	vmul.f32 $1.442695020e+00, v18;
	v23 =	vpop (erf);
	v24 =	vld [tilespmem:s14+$0xC0]  }
0xff: {  	v16 =	vmax.f32 v16, v21;
	[tilespmem:s8+$0x130] =	vst v23;
	(erf) = vpow2.f32 v13;
	v13 =	vmul.f32 v19, v12;
	v19 =	vld [tilespmem:s10+$0x30]  }
0x100: {  	v14 =	vmax.f32 v14, v22;
	v16 =	vmul.f32 $1.442695020e+00, v16;
	v21 =	vld [tilespmem:s16+$0xF0];
	(erf) = vpow2.f32 v18  }
0x101: {  	v18 =	vmul.f32 v20, v4;
	v26 =	vmul.f32 $1.442695020e+00, v14;
	[tilespmem:s13+$0xFFFFFEE0] =	vst v13;
	v22 =	vld [tilespmem:s10+$0x80]  }
0x102: {  	v6 =	vmul.f32 v6, v8;
	(erf) = vpow2.f32 v16;
	v25 =	vld [tilespmem:s14+$0xFFFFFEF0]  }
0x103: {  	v13 =	vperm.xlane v23, v0;
	(erf) = vpow2.f32 v26;
	v14 =	vpop (erf);
	[tilespmem:s13+$0xFFFFFF30] =	vst v18;
	v23 =	vld [tilespmem:s10+$0xD0];
	s10 =	smov.u32 s14;
	s14 =	smov.u32 s16  }
0x104: {  	v27 =	vmul.f32 v17, v5;
	[tilespmem:s8+$0xFFFFFF50] =	vst v14;
	v26 =	vperm.xlane v14, v0;
	v18 =	vld [tilespmem:s10+$0xFFFFFF40]  }
0x105: {  	v16 =	vmul.f32 v15, v9;
	v28 =	vld [tilespmem:s16+$0xFFFFFF10];
	v14 =	vmul.f32 v21, v13;
	v17 =	vpop (erf);
	[tilespmem:s13+$0xFFFFFF80] =	vst v6  }
0x106: {  	v20 =	vmul.f32 v7, v11;
	[tilespmem:s8+$0xFFFFFFA0] =	vst v17;
	v15 =	vperm.xlane v17, v0;
	v6 =	vpop (erf);
	v29 =	vld [tilespmem:s10+$0xFFFFFF90]  }
0x107: {  	v21 =	vmul.f32 v24, v10;
	v7 =	vld [tilespmem:s16+$0xFFFFFF60];
	v30 =	vperm.xlane v6, v0;
	[tilespmem:s8+$0xF0] =	vst v14  }
0x108: {  	v17 =	vmul.f32 v25, v12;
	v14 =	vmul.f32 v19, v1;
	v1 =	vmov v9;
	[tilespmem:s8+$0xFFFFFFF0] =	vst v6;
	v24 =	vld [tilespmem:s16+$0x100];
	v6 =	vpop (erf)  }
0x109: {  	v25 =	vld [tilespmem:s16+$0xFFFFFFB0];
	[tilespmem:s8+$0x40] =	vst v6;
	v9 =	vperm.xlane v6, v0;
	v6 =	vpop (erf);
	v18 =	vmul.f32 v18, v4;
	v4 =	vmov v26  }
0x10a: {  	v26 =	vmul.f32 v28, v4;
	v28 =	vld [tilespmem:s16+$0x0];
	[tilespmem:s8+$0x90] =	vst v6;
	v31 =	vperm.xlane v6, v0  }
0x10b: {  	v6 =	vmul.f32 v22, v3;
	v32 =	vld [tilespmem:s16+$0x50];
	v12 =	vpop (erf);
	v19 =	vmul.f32 v29, v8;
	[tilespmem:s13+$0xFFFFFFD0] =	vst v27;
	v8 =	vmov v15  }
0x10c: {  	v3 =	vmov v11;
	v15 =	vmul.f32 v7, v8;
	[tilespmem:s8+$0xE0] =	vst v12;
	v22 =	vperm.xlane v12, v0;
	v7 =	vpop (erf);
	v27 =	vld [tilespmem:s10+$0xFFFFFFE0]  }
0x10d: {  	v11 =	vmov v31;
	[tilespmem:s8+$0xFFFFFF00] =	vst v7;
	v12 =	vperm.xlane v7, v0;
	v29 =	vld [tilespmem:s16+$0xA0];
	v24 =	vmul.f32 v24, v13  }
0x10e: {  	v7 =	vmul.f32 v23, v2;
	v2 =	vmovc v10;
	v31 =	vld [tilespmem:s16+$0xFFFFFEC0];
	[tilespmem:s8+$0xFFFFFF10] =	vst v26;
	v25 =	vmul.f32 v25, v30;
	v10 =	vmov v22  }
0x10f: {  	v23 =	vld [tilespmem:s16+$0xFFFFFF20];
	v26 =	vmul.f32 v28, v9;
	[tilespmem:s8+$0x100] =	vst v24  }
0x110: {  	[tilespmem:s8+$0xFFFFFF60] =	vst v15;
	v24 =	vmul.f32 v32, v11;
	v28 =	vld [tilespmem:s16+$0x110]  }
0x111: {  	v32 =	vld [tilespmem:s16+$0xFFFFFF70];
	[tilespmem:s8+$0xFFFFFFB0] =	vst v25;
	v15 =	vmul.f32 v27, v5;
	v5 =	vmov v30  }
.Ltmp0:
0x112: {  	v22 =	vld [tilespmem:s16+$0xFFFFFFC0];
	[tilespmem:s8+$0x0] =	vst v26;
	v26 =	vmul.f32 v29, v10;
	(pc) =	sbr.rel @p2 .LBB2_3-.Ltmp0, $4  }
0x113: {  	v27 =	vmul.f32 v31, v12;
	v25 =	vld [tilespmem:s16+$0x10];
	[tilespmem:s8+$0x50] =	vst v24  }
0x114: {  	v29 =	vmul.f32 v23, v4;
	v23 =	vld [tilespmem:s16+$0x60];
	[tilespmem:s8+$0xA0] =	vst v26  }
0x115: {  	[tilespmem:s8+$0xFFFFFEC0] =	vst v27;
	v24 =	vld [tilespmem:s16+$0xB0];
	v27 =	vmul.f32 v28, v13  }
0x116: {  	s16 =	sadd.s32 $0x280, s16;
	v26 =	vld [tilespmem:s14+$0xFFFFFED0];
	[tilespmem:s8+$0xFFFFFF20] =	vst v29;
	v28 =	vmul.f32 v32, v8  }
0x117: {  	[tilespmem:s8+$0x110] =	vst v27  }
0x118: {  	[tilespmem:s13+$0x20] =	vst v16  }
0x119: {  	[tilespmem:s13+$0x70] =	vst v20  }
0x11a: {  	[tilespmem:s13+$0xC0] =	vst v21  }
0x11b: {  	[tilespmem:s13+$0xFFFFFEF0] =	vst v17  }
0x11c: {  	[tilespmem:s13+$0xFFFFFF40] =	vst v18;
	v27 =	vld [tilespmem:s14+$0x120]  }
0x11d: {  	v22 =	vmul.f32 v22, v5;
	[tilespmem:s13+$0xFFFFFFE0] =	vst v15  }
0x11e: {  	[tilespmem:s24+$0x30] =	vst v14  }
0x11f: {  	v16 =	vld [tilespmem:s14+$0xFFFFFF30];
	[tilespmem:s8+$0xFFFFFFC0] =	vst v22;
	v22 =	vmul.f32 v23, v11  }
0x120: {  	[tilespmem:s24+$0x80] =	vst v6;
	v23 =	vmul.f32 v24, v10;
	v24 =	vmul.f32 v26, v12  }
0x121: {  	[tilespmem:s8+$0xFFFFFF70] =	vst v28;
	v13 =	vmul.f32 v27, v13  }
0x122: {  	v18 =	vld [tilespmem:s14+$0xFFFFFFD0];
	[tilespmem:s8+$0xFFFFFED0] =	vst v24  }
0x123: {  	v25 =	vmul.f32 v25, v9;
	[tilespmem:s8+$0x120] =	vst v13;
	v13 =	vld [tilespmem:s14+$0xFFFFFEE0]  }
0x124: {  	v17 =	vld [tilespmem:s14+$0xFFFFFF80];
	[tilespmem:s8+$0x60] =	vst v22;
	v15 =	vmul.f32 v16, v4  }
0x125: {  	[tilespmem:s8+$0x10] =	vst v25;
	v6 =	vld [tilespmem:s14+$0x70]  }
0x126: {  	v14 =	vld [tilespmem:s14+$0x20];
	[tilespmem:s8+$0xFFFFFF30] =	vst v15  }
0x127: {  	[tilespmem:s8+$0xB0] =	vst v23;
	v15 =	vmul.f32 v18, v5;
	v18 =	vld [tilespmem:s14+$0xFFFFFF40]  }
0x128: {  	[tilespmem:s24+$0xD0] =	vst v7;
	v16 =	vld [tilespmem:s14+$0xC0];
	v13 =	vmul.f32 v13, v12  }
0x129: {  	[tilespmem:s8+$0xFFFFFFD0] =	vst v15;
	v15 =	vld [tilespmem:s10+$0x30]  }
0x12a: {  	v6 =	vmul.f32 v6, v11;
	v7 =	vld [tilespmem:s14+$0xFFFFFFE0];
	[tilespmem:s8+$0xFFFFFEE0] =	vst v13  }
0x12b: {  	[tilespmem:s13+$0xFFFFFF90] =	vst v19;
	v13 =	vmul.f32 v17, v8;
	v17 =	vld [tilespmem:s14+$0xFFFFFEF0]  }
0x12c: {  	[tilespmem:s8+$0x70] =	vst v6;
	v6 =	vld [tilespmem:s10+$0xD0];
	v4 =	vmul.f32 v18, v4  }
0x12d: {  	[tilespmem:s8+$0xFFFFFF80] =	vst v13;
	v13 =	vmul.f32 v14, v9  }
0x12e: {  	v16 =	vmul.f32 v16, v10;
	[tilespmem:s8+$0xFFFFFF40] =	vst v4;
	v4 =	vld [tilespmem:s14+$0x80]  }
0x12f: {  	v1 =	vmul.f32 v15, v1;
	[tilespmem:s8+$0x20] =	vst v13;
	v13 =	vld [tilespmem:s10+$0x80]  }
0x130: {  	[tilespmem:s8+$0xC0] =	vst v16;
	v14 =	vld [tilespmem:s14+$0xFFFFFF90];
	v12 =	vmul.f32 v17, v12  }
0x131: {  	v5 =	vmul.f32 v7, v5;
	v7 =	vld [tilespmem:s14+$0xD0];
	v2 =	vmul.f32 v6, v2;
	[tilespmem:s13+$0x30] =	vst v1  }
0x132: {  	[tilespmem:s8+$0xFFFFFEF0] =	vst v12;
	v12 =	vld [tilespmem:s14+$0x30]  }
0x133: {  	[tilespmem:s13+$0xD0] =	vst v2;
	v2 =	vmul.f32 v4, v11  }
0x134: {  	[tilespmem:s8+$0xFFFFFFE0] =	vst v5;
	v3 =	vmul.f32 v13, v3  }
0x135: {  	[tilespmem:s8+$0x80] =	vst v2;
	v8 =	vmul.f32 v14, v8  }
0x136: {  	[tilespmem:s13+$0x80] =	vst v3;
	v3 =	vmul.f32 v7, v10  }
0x137: {  	[tilespmem:s8+$0xFFFFFF90] =	vst v8;
	v1 =	vmul.f32 v12, v9  }
0x138: {  	[tilespmem:s8+$0xD0] =	vst v3  }
0x139: {  	[tilespmem:s8+$0x30] =	vst v1  }
0x13a: {  	v1 =	vld [tilespmem:$0x300]  }
0x13b: {  	v2 =	vld [tilespmem:$0x310]  }
0x13c: {  	v3 =	vld [tilespmem:$0x320]  }
0x13d: {  	v4 =	vld [tilespmem:$0x330]  }
0x13e: {  	v5 =	vld [tilespmem:$0x340]  }
0x13f: {  	[tilespmem:$0x400] =	vst v1;
	v1 =	vld [tilespmem:$0x350]  }
0x140: {  	[tilespmem:$0x410] =	vst v2;
	v2 =	vld [tilespmem:$0x360]  }
0x141: {  	[tilespmem:$0x420] =	vst v3;
	v3 =	vld [tilespmem:$0x370]  }
0x142: {  	[tilespmem:$0x430] =	vst v4  }
0x143: {  	[tilespmem:$0x440] =	vst v5  }
0x144: {  	[tilespmem:$0x450] =	vst v1  }
0x145: {  	[tilespmem:$0x460] =	vst v2  }
0x146: {  	s8 =	simm.s32 @!p0 $0x1;
	[tilespmem:$0x470] =	vst v3  }
0x147: {  	[spmem:s3] =	stream.indirect.scatter.add.f32 [tilespmem:s4], [sflag:$0x7], $0x50, s26, s19, $0xb8;
	[tilespmem:$0x17860] =	vst v63  }
0x148: {  	_ =	swait.ge @!p0 [sflag:s8], $0x100  }
0x149: {  	[sflag:s8] =	ssyncset.done @!p0 $0x0  }
0x14a: {  	[sflag:s8] =	ssyncadd.s32 @!p0 $0xFFFFFF00  }
0x14b: {  	v1 =	vld @!p0 [tilespmem:$0x0]  }
0x14c: {  	v2 =	vld @!p0 [tilespmem:$0x80]  }
0x14d: {  	v3 =	vld @!p0 [tilespmem:$0x10]  }
0x14e: {  	v4 =	vld @!p0 [tilespmem:$0x90]  }
0x14f: {  	v5 =	vld @!p0 [tilespmem:$0x20]  }
0x150: {  	[tilespmem:$0x200] =	vst @!p0 v1;
	v1 =	vld @!p0 [tilespmem:$0xA0]  }
0x151: {  	[tilespmem:$0x300] =	vst @!p0 v2;
	v2 =	vld @!p0 [tilespmem:$0x30]  }
0x152: {  	[tilespmem:$0x210] =	vst @!p0 v3;
	v3 =	vld @!p0 [tilespmem:$0xB0]  }
0x153: {  	[tilespmem:$0x310] =	vst @!p0 v4;
	v4 =	vld @!p0 [tilespmem:$0x40]  }
0x154: {  	[tilespmem:$0x220] =	vst @!p0 v5;
	v5 =	vld @!p0 [tilespmem:$0xC0]  }
0x155: {  	[tilespmem:$0x320] =	vst @!p0 v1;
	v1 =	vld @!p0 [tilespmem:$0x50]  }
0x156: {  	[tilespmem:$0x230] =	vst @!p0 v2;
	v2 =	vld @!p0 [tilespmem:$0xD0]  }
0x157: {  	[tilespmem:$0x330] =	vst @!p0 v3;
	v3 =	vld @!p0 [tilespmem:$0x60]  }
0x158: {  	[tilespmem:$0x240] =	vst @!p0 v4;
	v4 =	vld @!p0 [tilespmem:$0xE0]  }
0x159: {  	[tilespmem:$0x340] =	vst @!p0 v5;
	v5 =	vld @!p0 [tilespmem:$0x70]  }
0x15a: {  	[tilespmem:$0x250] =	vst @!p0 v1;
	v1 =	vld @!p0 [tilespmem:$0xF0]  }
0x15b: {  	[tilespmem:$0x350] =	vst @!p0 v2  }
0x15c: {  	[tilespmem:$0x260] =	vst @!p0 v3  }
0x15d: {  	[tilespmem:$0x360] =	vst @!p0 v4  }
0x15e: {  	[tilespmem:$0x270] =	vst @!p0 v5  }
0x15f: {  	s10 =	simm.s32 @!p0 $0x300;
	s13 =	simm.s32 @!p0 $0x510;
	s8 =	simm.s32 @!p0 $0x80;
	[tilespmem:$0x370] =	vst @!p0 v1  }
0x160: {  	[tilespmem:s13], [sflag:$0x3] =	stream.indirect.gather @!p0 [hbm4b:s5+s8], $0x10, s10, s8, $0xb8;
	[tilespmem:$0x17860] =	vst v63  }
0x161: {  	s10 =	simm.s32 @!p0 $0x200;
	s13 =	simm.s32 @!p0 $0x1510  }
0x162: {  	[tilespmem:s13], [sflag:$0x5] =	stream.indirect.gather @!p0 [hbm4b:s6+s8], $0x50, s10, s8, $0xb8;
	[tilespmem:$0x17860] =	vst v63  }
0x163: {  	s10 =	sadd.s32 @!p0 s12, s21  }
0x164: {  	s10 =	sshrl.u32 @!p0 s10, $0x3  }
0x165: {  	s14 =	simm.s32 @!p0 $0x100;
	s13 =	simm.s32 @!p0 $0x4E200;
	s10 =	sadd.s32 @!p0 s1, s10  }
0x166: {  	[tilespmem:s14], [sflag:$0x2] =	stream.strided.gather @!p0 [hbm4b:s10+s8], $0x100, s13, s8, $0x38;
	[tilespmem:$0x17860] =	vst v63  }
0x167: {  	_ =	swait.ge [sflag:s20], $0x800  }
0x168: {  	[sflag:s20] =	ssyncset.done $0x0  }
0x169: {  	[sflag:s20] =	ssyncadd.s32 $0xFFFFF800  }
0x16a: {  	_ =	swait.ge [sflag:s23], $0x2800  }
0x16b: {  	[sflag:s23] =	ssyncset.done $0x0  }
0x16c: {  	s8 =	simm.s32 @!p1 $0x8;
	[sflag:s23] =	ssyncadd.s32 $0xFFFFD800  }
0x16d: {  	_ =	swait.ge @!p1 [sflag:s8], $0x2800  }
0x16e: {  	[sflag:s8] =	ssyncset.done @!p1 $0x0  }
0x16f: {  	s17 =	simm.s32 $0x3E50;
	[sflag:s8] =	ssyncadd.s32 @!p1 $0xFFFFD800  }
0x170: {  	s21 =	simm.s32 $0xD50;
	v1 =	vld [tilespmem:s17+$0x130]  }
0x171: {  	v2 =	vld [tilespmem:s21+$0x30]  }
0x172: {  	v3 =	vld [tilespmem:s21+$0xFFFFFFC0]  }
0x173: {  	v4 =	vld [tilespmem:s17+$0xFFFFFF50]  }
0x174: {  	v5 =	vld [tilespmem:s21+$0xFFFFFFD0]  }
0x175: {  	v6 =	vld [tilespmem:s17+$0xFFFFFFA0]  }
0x176: {  	v7 =	vld [tilespmem:s21+$0xFFFFFFE0];
	v1 =	vadd.f32 v2, v1  }
0x177: {  	v8 =	vld [tilespmem:s21+$0xFFFFFFF0]  }
0x178: {  	v10 =	vld [tilespmem:s17+$0x40];
	v9 =	vmul.f32 $2.000000030e-01, v1  }
0x179: {  	v2 =	vld [tilespmem:s17+$0xFFFFFFF0]  }
0x17a: {  	v4 =	vadd.f32 v5, v4;
	v5 =	vld [tilespmem:s17+$0x90];
	v1 =	vmax.f32 v1, v9  }
0x17b: {  	v6 =	vadd.f32 v7, v6;
	v7 =	vld [tilespmem:s21+$0x10];
	v1 =	vmul.f32 $1.442695020e+00, v1  }
0x17c: {  	v11 =	vld [tilespmem:s21+$0x0]  }
0x17d: {  	v12 =	vld [tilespmem:s17+$0xE0];
	v9 =	vmul.f32 $2.000000030e-01, v4;
	(erf) = vpow2.f32 v1  }
0x17e: {  	v2 =	vadd.f32 v8, v2;
	v8 =	vld [tilespmem:s21+$0x20]  }
0x17f: {  	v4 =	vmax.f32 v4, v9;
	v9 =	vld [tilespmem:s17+$0xFFFFFF00];
	v1 =	vmul.f32 $2.000000030e-01, v6  }
0x180: {  	v5 =	vadd.f32 v7, v5;
	v4 =	vmul.f32 $1.442695020e+00, v4  }
0x181: {  	v1 =	vmax.f32 v6, v1;
	v6 =	vmul.f32 $2.000000030e-01, v2  }
0x182: {  	v10 =	vadd.f32 v11, v10;
	v7 =	vmul.f32 $2.000000030e-01, v5;
	(erf) = vpow2.f32 v4  }
0x183: {  	s24 =	simm.s32 $0xDD0;
	v1 =	vmul.f32 $1.442695020e+00, v1;
	v4 =	vadd.f32 v8, v12;
	v2 =	vmax.f32 v2, v6  }
0x184: {  	v18 =	vld [tilespmem:s24+$0x30];
	v6 =	vmul.f32 $2.000000030e-01, v10;
	v3 =	vadd.f32 v3, v9;
	v2 =	vmul.f32 $1.442695020e+00, v2  }
0x185: {  	s10 =	simm.s32 $0x40D0;
	v19 =	vld [tilespmem:s24+$0xFFFFFFC0];
	v8 =	vmul.f32 $2.000000030e-01, v4;
	(erf) = vpow2.f32 v1  }
0x186: {  	v20 =	vld [tilespmem:s10+$0xFFFFFF50];
	s21 =	simm.s32 $0x8E50;
	v1 =	vmax.f32 v5, v7;
	v6 =	vmax.f32 v10, v6;
	v5 =	vmul.f32 $2.000000030e-01, v3;
	v7 =	vpop (erf)  }
0x187: {  	v21 =	vld [tilespmem:s24+$0xFFFFFFD0];
	v1 =	vmul.f32 $1.442695020e+00, v1;
	v6 =	vmul.f32 $1.442695020e+00, v6;
	[tilespmem:s21+$0x130] =	vst v7  }
0x188: {  	v3 =	vmax.f32 v3, v5;
	(erf) = vpow2.f32 v2;
	v2 =	vmax.f32 v4, v8;
	v5 =	vld [tilespmem:s17+$0xF0]  }
0x189: {  	v22 =	vld [tilespmem:s10+$0xFFFFFFA0];
	(erf) = vpow2.f32 v6;
	v2 =	vmul.f32 $1.442695020e+00, v2  }
0x18a: {  	v23 =	vld [tilespmem:s24+$0xFFFFFFE0];
	(erf) = vpow2.f32 v1;
	v1 =	vmul.f32 $1.442695020e+00, v3  }
0x18b: {  	v24 =	vld [tilespmem:s24+$0xFFFFFFF0];
	v4 =	vperm.xlane v7, v0;
	(erf) = vpow2.f32 v2  }
0x18c: {  	v26 =	vld [tilespmem:s10+$0x40];
	(erf) = vpow2.f32 v1  }
0x18d: {  	s14 =	simm.s32 $0x4350;
	v27 =	vld [tilespmem:s24+$0x10];
	v2 =	vmul.f32 v5, v4  }
0x18e: {  	s15 =	simm.s32 $0xE50;
	v57 =	vld [tilespmem:s14+$0x130]  }
0x18f: {  	v34 =	vld [tilespmem:s15+$0x30];
	v1 =	vpop (erf)  }
0x190: {  	v36 =	vld [tilespmem:s14+$0xFFFFFF50];
	v6 =	vpop (erf)  }
0x191: {  	v37 =	vld [tilespmem:s15+$0xFFFFFFD0];
	[tilespmem:s21+$0xF0] =	vst v2;
	v2 =	vpop (erf)  }
0x192: {  	v38 =	vld [tilespmem:s14+$0xFFFFFFA0];
	[tilespmem:s21+$0xFFFFFF50] =	vst v1;
	v9 =	vpop (erf)  }
0x193: {  	v3 =	vld [tilespmem:s17+$0xFFFFFF10];
	[tilespmem:s21+$0xFFFFFFA0] =	vst v6;
	v12 =	vpop (erf)  }
0x194: {  	v11 =	vld [tilespmem:s17+$0xFFFFFF60];
	[tilespmem:s21+$0x40] =	vst v9;
	v14 =	vpop (erf)  }
0x195: {  	v13 =	vld [tilespmem:s17+$0x0];
	v16 =	vpop (erf)  }
0x196: {  	v7 =	vld [tilespmem:s17+$0x100];
	[tilespmem:s21+$0xFFFFFF00] =	vst v16  }
0x197: {  	v5 =	vperm.xlane v1, v0;
	[tilespmem:s21+$0xFFFFFFF0] =	vst v2;
	v17 =	vld [tilespmem:s17+$0xFFFFFEC0]  }
0x198: {  	v10 =	vperm.xlane v6, v0;
	v1 =	vld [tilespmem:s17+$0xFFFFFFB0];
	v9 =	vperm.xlane v9, v0  }
0x199: {  	v20 =	vadd.f32 v21, v20;
	v21 =	vld [tilespmem:s24+$0x0];
	v3 =	vmul.f32 v3, v5;
	[tilespmem:s21+$0x90] =	vst v12;
	v6 =	vperm.xlane v12, v0  }
0x19a: {  	v15 =	vld [tilespmem:s17+$0x50];
	[tilespmem:s21+$0xE0] =	vst v14;
	v12 =	vmul.f32 v13, v9;
	v13 =	vperm.xlane v16, v0  }
0x19b: {  	v8 =	vperm.xlane v2, v0;
	v7 =	vmul.f32 v7, v4;
	[tilespmem:s21+$0xFFFFFF10] =	vst v3;
	v2 =	vld [tilespmem:s17+$0xA0]  }
0x19c: {  	v11 =	vmul.f32 v11, v10;
	[tilespmem:s21+$0x0] =	vst v12;
	v12 =	vmul.f32 v17, v13;
	v17 =	vld [tilespmem:s10+$0x130]  }
0x19d: {  	v3 =	vld [tilespmem:s17+$0xFFFFFF20];
	[tilespmem:s21+$0x100] =	vst v7;
	v1 =	vmul.f32 v1, v8  }
0x19e: {  	[tilespmem:s21+$0xFFFFFF60] =	vst v11;
	v11 =	vld [tilespmem:s17+$0x110]  }
0x19f: {  	v7 =	vperm.xlane v14, v0;
	v14 =	vmul.f32 v15, v6;
	v15 =	vld [tilespmem:s17+$0xFFFFFF70];
	[tilespmem:s21+$0xFFFFFFB0] =	vst v1  }
0x1a0: {  	v1 =	vld [tilespmem:s17+$0xFFFFFFC0]  }
0x1a1: {  	v16 =	vld [tilespmem:s17+$0x10];
	v17 =	vadd.f32 v18, v17  }
0x1a2: {  	v22 =	vadd.f32 v23, v22;
	[tilespmem:s21+$0x50] =	vst v14;
	v18 =	vld [tilespmem:s10+$0xFFFFFFF0]  }
0x1a3: {  	v2 =	vmul.f32 v2, v7;
	v14 =	vld [tilespmem:s17+$0x60];
	[tilespmem:s21+$0xFFFFFEC0] =	vst v12;
	v25 =	vmul.f32 $2.000000030e-01, v17  }
0x1a4: {  	v28 =	vmul.f32 $2.000000030e-01, v22;
	v3 =	vmul.f32 v3, v5;
	v12 =	vld [tilespmem:s17+$0xFFFFFED0]  }
0x1a5: {  	v23 =	vld [tilespmem:s10+$0x90];
	[tilespmem:s21+$0xA0] =	vst v2;
	v11 =	vmul.f32 v11, v4;
	v15 =	vmul.f32 v15, v10;
	v17 =	vmax.f32 v17, v25  }
0x1a6: {  	v22 =	vmax.f32 v22, v28;
	v2 =	vld [tilespmem:s17+$0xB0];
	v25 =	vmul.f32 $2.000000030e-01, v20;
	v17 =	vmul.f32 $1.442695020e+00, v17  }
0x1a7: {  	v1 =	vmul.f32 v1, v8;
	v16 =	vmul.f32 v16, v9;
	v18 =	vadd.f32 v24, v18;
	v24 =	vld [tilespmem:s10+$0xE0]  }
0x1a8: {  	v14 =	vmul.f32 v14, v6;
	(erf) = vpow2.f32 v17;
	v17 =	vmax.f32 v20, v25;
	v20 =	vld [tilespmem:s24+$0x20]  }
0x1a9: {  	v21 =	vadd.f32 v21, v26;
	[tilespmem:s21+$0xFFFFFF20] =	vst v3;
	v12 =	vmul.f32 v12, v13;
	v25 =	vld [tilespmem:s10+$0xFFFFFF00];
	v28 =	vmul.f32 $2.000000030e-01, v18  }
0x1aa: {  	v58 =	vld [tilespmem:s14+$0xFFFFFFF0];
	[tilespmem:s21+$0x110] =	vst v11;
	v3 =	vmul.f32 $1.442695020e+00, v17;
	v17 =	vmul.f32 $1.442695020e+00, v22  }
0x1ab: {  	v59 =	vld [tilespmem:s14+$0x40];
	[tilespmem:s21+$0xFFFFFED0] =	vst v12;
	v22 =	vadd.f32 v27, v23;
	v12 =	vmax.f32 v18, v28;
	v18 =	vmul.f32 $2.000000030e-01, v21  }
0x1ac: {  	v2 =	vmul.f32 v2, v7;
	v23 =	vld [tilespmem:s17+$0x120];
	v12 =	vmul.f32 $1.442695020e+00, v12  }
0x1ad: {  	[tilespmem:s21+$0xFFFFFF70] =	vst v15;
	v11 =	vld [tilespmem:s17+$0xFFFFFEE0];
	(erf) = vpow2.f32 v3;
	v15 =	vmul.f32 $2.000000030e-01, v22;
	v3 =	vmax.f32 v21, v18  }
0x1ae: {  	[tilespmem:s21+$0xFFFFFFC0] =	vst v1;
	v1 =	vld [tilespmem:s17+$0xFFFFFF30];
	(erf) = vpow2.f32 v17;
	v18 =	vadd.f32 v20, v24;
	v19 =	vadd.f32 v19, v25  }
0x1af: {  	[tilespmem:s21+$0x10] =	vst v16;
	v16 =	vld [tilespmem:s17+$0xFFFFFF80];
	v3 =	vmul.f32 $1.442695020e+00, v3;
	v15 =	vmax.f32 v22, v15;
	(erf) = vpow2.f32 v12  }
0x1b0: {  	v12 =	vld [tilespmem:s17+$0xFFFFFFD0];
	v15 =	vmul.f32 $1.442695020e+00, v15;
	v20 =	vmul.f32 $2.000000030e-01, v19  }
0x1b1: {  	v22 =	vld [tilespmem:s17+$0x20];
	v4 =	vmul.f32 v23, v4;
	v17 =	vmul.f32 $2.000000030e-01, v18  }
0x1b2: {  	[tilespmem:s21+$0x60] =	vst v14;
	v23 =	vld [tilespmem:s15+$0xFFFFFFE0];
	(erf) = vpow2.f32 v3;
	v3 =	vmul.f32 v11, v13;
	v11 =	vmax.f32 v19, v20  }
0x1b3: {  	s13 =	simm.s32 $0x90D0;
	[tilespmem:s21+$0xB0] =	vst v2;
	v1 =	vmul.f32 v1, v5;
	v21 =	vpop (erf);
	v17 =	vmax.f32 v18, v17;
	v18 =	vld [tilespmem:s17+$0x70];
	v2 =	vmul.f32 $1.442695020e+00, v11  }
0x1b4: {  	(erf) = vpow2.f32 v15;
	v19 =	vld [tilespmem:s17+$0xC0];
	[tilespmem:s13+$0x130] =	vst v21;
	v14 =	vmul.f32 $1.442695020e+00, v17  }
0x1b5: {  	[tilespmem:s21+$0xFFFFFEE0] =	vst v3;
	v12 =	vmul.f32 v12, v8;
	v17 =	vld [tilespmem:s10+$0xF0]  }
0x1b6: {  	[tilespmem:s21+$0xFFFFFF30] =	vst v1;
	v3 =	vmul.f32 v16, v10;
	v16 =	vld [tilespmem:s17+$0xFFFFFEF0];
	(erf) = vpow2.f32 v14  }
0x1b7: {  	v20 =	vperm.xlane v21, v0;
	v21 =	vld [tilespmem:s17+$0xFFFFFF40];
	[tilespmem:s21+$0xFFFFFFD0] =	vst v12;
	(erf) = vpow2.f32 v2;
	v2 =	vpop (erf)  }
0x1b8: {  	v32 =	vld [tilespmem:s17+$0xFFFFFFE0];
	[tilespmem:s13+$0xFFFFFF50] =	vst v2  }
0x1b9: {  	[tilespmem:s21+$0xFFFFFF80] =	vst v3;
	v14 =	vpop (erf);
	v1 =	vld [tilespmem:s10+$0xFFFFFF10]  }
0x1ba: {  	v11 =	vmul.f32 v17, v20;
	[tilespmem:s13+$0xFFFFFFA0] =	vst v14;
	v17 =	vld [tilespmem:s17+$0xFFFFFF90];
	v3 =	vpop (erf)  }
0x1bb: {  	v24 =	vld [tilespmem:s10+$0xFFFFFF60];
	[tilespmem:s13+$0xFFFFFFF0] =	vst v3  }
0x1bc: {  	v26 =	vpop (erf);
	[tilespmem:s13+$0xF0] =	vst v11;
	v27 =	vld [tilespmem:s10+$0xFFFFFFB0]  }
0x1bd: {  	[tilespmem:s13+$0x40] =	vst v26;
	v28 =	vpop (erf);
	v25 =	vld [tilespmem:s10+$0x100]  }
0x1be: {  	v11 =	vperm.xlane v2, v0;
	v29 =	vld [tilespmem:s10+$0x0];
	[tilespmem:s13+$0x90] =	vst v28  }
0x1bf: {  	v12 =	vperm.xlane v14, v0;
	v15 =	vperm.xlane v3, v0;
	v30 =	vld [tilespmem:s10+$0x50];
	v2 =	vpop (erf)  }
0x1c0: {  	v14 =	vmul.f32 v1, v11;
	v10 =	vmul.f32 v17, v10;
	v17 =	vld [tilespmem:s15+$0xFFFFFFF0];
	[tilespmem:s13+$0xE0] =	vst v2;
	v31 =	vpop (erf)  }
0x1c1: {  	v3 =	vperm.xlane v28, v0;
	v24 =	vmul.f32 v24, v12;
	[tilespmem:s13+$0xFFFFFF00] =	vst v31;
	v33 =	vld [tilespmem:s10+$0xA0]  }
0x1c2: {  	v1 =	vperm.xlane v26, v0;
	[tilespmem:s13+$0xFFFFFF10] =	vst v14;
	v25 =	vmul.f32 v25, v20;
	v26 =	vld [tilespmem:s10+$0xFFFFFEC0]  }
0x1c3: {  	v2 =	vperm.xlane v2, v0;
	v27 =	vmul.f32 v27, v15;
	v28 =	vld [tilespmem:s10+$0xFFFFFF20];
	[tilespmem:s13+$0xFFFFFF60] =	vst v24  }
0x1c4: {  	[tilespmem:s13+$0x100] =	vst v25;
	v25 =	vmul.f32 v29, v1;
	v29 =	vmul.f32 v30, v3;
	v30 =	vld [tilespmem:s10+$0xFFFFFF70]  }
0x1c5: {  	v14 =	vperm.xlane v31, v0;
	[tilespmem:s13+$0xFFFFFFB0] =	vst v27;
	v24 =	vld [tilespmem:s10+$0x110]  }
0x1c6: {  	v27 =	vld [tilespmem:s10+$0xFFFFFFC0];
	[tilespmem:s13+$0x0] =	vst v25;
	v25 =	vmul.f32 v33, v2  }
0x1c7: {  	v13 =	vmul.f32 v16, v13;
	v16 =	vadd.f32 v34, v57;
	[tilespmem:s13+$0x50] =	vst v29;
	v26 =	vmul.f32 v26, v14;
	v31 =	vld [tilespmem:s10+$0x10]  }
0x1c8: {  	v5 =	vmul.f32 v21, v5;
	v29 =	vld [tilespmem:s10+$0x60];
	[tilespmem:s13+$0xA0] =	vst v25  }
0x1c9: {  	v21 =	vmul.f32 v28, v11;
	v28 =	vmul.f32 $2.000000030e-01, v16;
	[tilespmem:s13+$0xFFFFFEC0] =	vst v26;
	v25 =	vld [tilespmem:s10+$0xB0]  }
0x1ca: {  	[tilespmem:s21+$0x120] =	vst v4;
	v4 =	vmul.f32 v32, v8;
	v24 =	vmul.f32 v24, v20;
	v26 =	vld [tilespmem:s10+$0xFFFFFED0]  }
0x1cb: {  	v8 =	vmul.f32 v30, v12;
	[tilespmem:s13+$0xFFFFFF20] =	vst v21;
	v21 =	vmul.f32 v27, v15;
	v16 =	vmax.f32 v16, v28;
	v28 =	vld [tilespmem:s14+$0x90]  }
0x1cc: {  	v16 =	vmul.f32 $1.442695020e+00, v16;
	[tilespmem:s13+$0x110] =	vst v24;
	v27 =	vmul.f32 v31, v1;
	v31 =	vld [tilespmem:s15+$0x10]  }
0x1cd: {  	v22 =	vmul.f32 v22, v9;
	[tilespmem:s13+$0xFFFFFF70] =	vst v8;
	v8 =	vmul.f32 v29, v3;
	v29 =	vadd.f32 v37, v36;
	v24 =	vld [tilespmem:s10+$0x120]  }
0x1ce: {  	v30 =	vld [tilespmem:s15+$0x0];
	[tilespmem:s13+$0xFFFFFFC0] =	vst v21;
	(erf) = vpow2.f32 v16;
	v21 =	vmul.f32 v25, v2  }
0x1cf: {  	v17 =	vadd.f32 v17, v58;
	v16 =	vld [tilespmem:s15+$0x20];
	[tilespmem:s13+$0x10] =	vst v27;
	v27 =	vmul.f32 $2.000000030e-01, v29;
	v25 =	vmul.f32 v26, v14  }
0x1d0: {  	v23 =	vadd.f32 v23, v38;
	[tilespmem:s21+$0x20] =	vst v22;
	v26 =	vld [tilespmem:s14+$0xE0]  }
0x1d1: {  	v18 =	vmul.f32 v18, v6;
	[tilespmem:s13+$0xFFFFFED0] =	vst v25;
	v25 =	vmax.f32 v29, v27;
	v27 =	vmul.f32 $2.000000030e-01, v17  }
0x1d2: {  	v35 =	vld [tilespmem:s15+$0xFFFFFFC0];
	[tilespmem:s13+$0x60] =	vst v8;
	v22 =	vadd.f32 v31, v28;
	v8 =	vmul.f32 v24, v20;
	v20 =	vmul.f32 $2.000000030e-01, v23  }
0x1d3: {  	v19 =	vmul.f32 v19, v7;
	[tilespmem:s13+$0xB0] =	vst v21;
	v24 =	vadd.f32 v30, v59;
	v30 =	vld [tilespmem:s14+$0xFFFFFF00];
	v21 =	vmul.f32 $1.442695020e+00, v25  }
0x1d4: {  	[tilespmem:s21+$0x70] =	vst v18;
	v17 =	vmax.f32 v17, v27;
	v27 =	vld [tilespmem:s10+$0xFFFFFF30];
	v18 =	vmul.f32 $2.000000030e-01, v22;
	v20 =	vmax.f32 v23, v20  }
0x1d5: {  	v23 =	vld [tilespmem:s10+$0xFFFFFEE0];
	v25 =	vmul.f32 $2.000000030e-01, v24;
	[tilespmem:s13+$0x120] =	vst v8;
	v8 =	vmul.f32 $1.442695020e+00, v17;
	v16 =	vadd.f32 v16, v26  }
0x1d6: {  	(erf) = vpow2.f32 v21;
	v17 =	vld [tilespmem:s10+$0xFFFFFF80];
	v20 =	vmul.f32 $1.442695020e+00, v20  }
0x1d7: {  	[tilespmem:s21+$0xFFFFFEF0] =	vst v13;
	v26 =	vld [tilespmem:s10+$0xC0];
	v13 =	vmax.f32 v22, v18;
	v21 =	vmax.f32 v24, v25;
	v18 =	vmul.f32 $2.000000030e-01, v16  }
0x1d8: {  	[tilespmem:s21+$0xC0] =	vst v19;
	v24 =	vld [tilespmem:s10+$0xFFFFFFD0];
	v25 =	vadd.f32 v35, v30;
	v19 =	vmul.f32 $1.442695020e+00, v21;
	(erf) = vpow2.f32 v20  }
0x1d9: {  	[tilespmem:s21+$0xFFFFFF40] =	vst v5;
	v5 =	vmul.f32 $1.442695020e+00, v13;
	v20 =	vld [tilespmem:s10+$0x20];
	(erf) = vpow2.f32 v8  }
0x1da: {  	s8 =	simm.s32 $0x9350;
	[tilespmem:s21+$0xFFFFFFE0] =	vst v4;
	v21 =	vld [tilespmem:s10+$0x70];
	v8 =	vpop (erf);
	v13 =	vmax.f32 v16, v18;
	v22 =	vmul.f32 $2.000000030e-01, v25;
	(erf) = vpow2.f32 v19  }
0x1db: {  	v18 =	vld [tilespmem:s17+$0x30];
	[tilespmem:s8+$0x130] =	vst v8;
	v16 =	vmul.f32 v23, v14;
	v13 =	vmul.f32 $1.442695020e+00, v13  }
0x1dc: {  	[tilespmem:s21+$0xFFFFFF90] =	vst v10;
	v4 =	vmul.f32 v17, v12;
	v19 =	vld [tilespmem:s14+$0xF0];
	(erf) = vpow2.f32 v5;
	v10 =	vmax.f32 v25, v22  }
0x1dd: {  	v23 =	vld [tilespmem:s17+$0x80];
	[tilespmem:s13+$0xFFFFFEE0] =	vst v16;
	v24 =	vmul.f32 v24, v15;
	v5 =	vmul.f32 $1.442695020e+00, v10  }
0x1de: {  	(erf) = vpow2.f32 v13;
	v10 =	vmul.f32 v27, v11;
	v22 =	vld [tilespmem:s10+$0xFFFFFEF0]  }
0x1df: {  	v13 =	vperm.xlane v8, v0;
	v27 =	vld [tilespmem:s17+$0xD0];
	[tilespmem:s13+$0xFFFFFFD0] =	vst v24;
	(erf) = vpow2.f32 v5  }
0x1e0: {  	[tilespmem:s13+$0xFFFFFF30] =	vst v10;
	v62 =	vld [tilespmem:s10+$0xFFFFFFE0]  }
0x1e1: {  	[tilespmem:s13+$0xFFFFFF80] =	vst v4;
	v10 =	vld [tilespmem:s10+$0xFFFFFF40];
	v8 =	vmul.f32 v19, v13;
	v5 =	vpop (erf)  }
0x1e2: {  	v19 =	vld [tilespmem:s10+$0xFFFFFF90];
	[tilespmem:s8+$0xFFFFFF50] =	vst v5  }
0x1e3: {  	v17 =	vpop (erf);
	[tilespmem:s8+$0xF0] =	vst v8;
	v25 =	vld [tilespmem:s14+$0xFFFFFF10]  }
0x1e4: {  	[tilespmem:s8+$0xFFFFFFA0] =	vst v17;
	v28 =	vpop (erf);
	v30 =	vld [tilespmem:s14+$0x100]  }
0x1e5: {  	v16 =	vmul.f32 v20, v1;
	v4 =	vperm.xlane v5, v0;
	v29 =	vld [tilespmem:s14+$0xFFFFFF60];
	[tilespmem:s8+$0xFFFFFFF0] =	vst v28;
	v31 =	vpop (erf)  }
0x1e6: {  	v8 =	vperm.xlane v17, v0;
	v17 =	vmul.f32 v22, v14;
	v20 =	vld [tilespmem:s14+$0xFFFFFFB0];
	[tilespmem:s8+$0x40] =	vst v31;
	v60 =	vpop (erf)  }
0x1e7: {  	v14 =	vmul.f32 v18, v9;
	v5 =	vperm.xlane v28, v0;
	v28 =	vld [tilespmem:s14+$0x0];
	[tilespmem:s8+$0x90] =	vst v60;
	v61 =	vpop (erf)  }
0x1e8: {  	v18 =	vmul.f32 v10, v11;
	v22 =	vld [tilespmem:s14+$0x50];
	[tilespmem:s8+$0xE0] =	vst v61;
	v10 =	vmul.f32 v25, v4;
	v24 =	vpop (erf)  }
0x1e9: {  	v19 =	vmul.f32 v19, v12;
	v25 =	vld [tilespmem:s14+$0xA0];
	v12 =	vmul.f32 v30, v13;
	[tilespmem:s8+$0xFFFFFF00] =	vst v24  }
0x1ea: {  	v9 =	vperm.xlane v31, v0;
	v29 =	vmul.f32 v29, v8;
	[tilespmem:s8+$0xFFFFFF10] =	vst v10;
	v30 =	vld [tilespmem:s14+$0xFFFFFEC0]  }
0x1eb: {  	v11 =	vperm.xlane v60, v0;
	v20 =	vmul.f32 v20, v5;
	[tilespmem:s8+$0x100] =	vst v12;
	v31 =	vld [tilespmem:s14+$0xFFFFFF20]  }
0x1ec: {  	v10 =	vperm.xlane v61, v0;
	v28 =	vmul.f32 v28, v9;
	[tilespmem:s8+$0xFFFFFF60] =	vst v29;
	v29 =	vld [tilespmem:s14+$0x110]  }
0x1ed: {  	v12 =	vperm.xlane v24, v0;
	v24 =	vmul.f32 v22, v11;
	[tilespmem:s8+$0xFFFFFFB0] =	vst v20;
	v63 =	vld [tilespmem:s14+$0xFFFFFF70]  }
0x1ee: {  	v20 =	vmul.f32 v21, v3;
	[tilespmem:s8+$0x0] =	vst v28;
	v22 =	vld [tilespmem:s14+$0xFFFFFFC0];
	v28 =	vmul.f32 v25, v10  }
0x1ef: {  	v21 =	vmul.f32 v26, v2;
	[tilespmem:s8+$0x50] =	vst v24;
	v25 =	vld [tilespmem:s14+$0x10];
	v26 =	vmul.f32 v30, v12  }
0x1f0: {  	v6 =	vmul.f32 v23, v6;
	v23 =	vld [tilespmem:s14+$0x60];
	[tilespmem:s8+$0xA0] =	vst v28;
	v30 =	vmul.f32 v31, v4  }
0x1f1: {  	v7 =	vmul.f32 v27, v7;
	v24 =	vld [tilespmem:s14+$0xB0];
	v27 =	vmul.f32 v29, v13;
	[tilespmem:s8+$0xFFFFFEC0] =	vst v26  }
0x1f2: {  	s16 =	simm.s32 $0x45D0;
	s17 =	simm.s32 $0x10;
	v15 =	vmul.f32 v62, v15;
	v28 =	vmul.f32 v63, v8;
	v26 =	vld [tilespmem:s14+$0xFFFFFED0];
	[tilespmem:s8+$0xFFFFFF20] =	vst v30  }
.LBB2_5:
0x1f3: {  	v29 =	vld [tilespmem:s16+$0x130];
	v22 =	vmul.f32 v22, v5;
	[tilespmem:s8+$0x110] =	vst v27  }
0x1f4: {  	s15 =	sadd.s32 $0x80, s15;
	[tilespmem:s8+$0xFFFFFF70] =	vst v28;
	v25 =	vmul.f32 v25, v9;
	v27 =	vld [tilespmem:s14+$0x120]  }
0x1f5: {  	s17 =	sadd.s32 $0x8, s17;
	v28 =	vld [tilespmem:s15+$0x30];
	[tilespmem:s8+$0xFFFFFFC0] =	vst v22;
	v22 =	vmul.f32 v23, v11  }
0x1f6: {  	p0 =	slt.u32 s17, $0x78;
	v23 =	vld [tilespmem:s15+$0xFFFFFFC0];
	[tilespmem:s8+$0x10] =	vst v25;
	v24 =	vmul.f32 v24, v10  }
0x1f7: {  	v25 =	vld [tilespmem:s16+$0xFFFFFF50];
	v26 =	vmul.f32 v26, v12;
	[tilespmem:s8+$0x60] =	vst v22  }
0x1f8: {  	v22 =	vld [tilespmem:s15+$0xFFFFFFD0];
	[tilespmem:s8+$0xB0] =	vst v24  }
0x1f9: {  	v24 =	vld [tilespmem:s16+$0xFFFFFFA0];
	[tilespmem:s8+$0xFFFFFED0] =	vst v26;
	v13 =	vmul.f32 v27, v13  }
0x1fa: {  	v26 =	vld [tilespmem:s15+$0xFFFFFFE0];
	v27 =	vadd.f32 v28, v29;
	[tilespmem:s13+$0x20] =	vst v16  }
0x1fb: {  	v16 =	vld [tilespmem:s16+$0xFFFFFFF0];
	[tilespmem:s8+$0x120] =	vst v13  }
0x1fc: {  	v13 =	vld [tilespmem:s15+$0xFFFFFFF0];
	v28 =	vmul.f32 $2.000000030e-01, v27;
	[tilespmem:s13+$0x70] =	vst v20  }
0x1fd: {  	v20 =	vadd.f32 v22, v25;
	v22 =	vld [tilespmem:s16+$0x40];
	[tilespmem:s13+$0xC0] =	vst v21  }
0x1fe: {  	v21 =	vld [tilespmem:s15+$0x0];
	v25 =	vmax.f32 v27, v28;
	[tilespmem:s13+$0xFFFFFEF0] =	vst v17  }
0x1ff: {  	v17 =	vmul.f32 $2.000000030e-01, v20;
	v24 =	vadd.f32 v26, v24;
	v26 =	vld [tilespmem:s16+$0x90];
	v25 =	vmul.f32 $1.442695020e+00, v25;
	[tilespmem:s13+$0xFFFFFF40] =	vst v18  }
0x200: {  	v18 =	vld [tilespmem:s15+$0x10];
	[tilespmem:s13+$0xFFFFFF90] =	vst v19  }
0x201: {  	v19 =	vmul.f32 $2.000000030e-01, v24;
	v13 =	vadd.f32 v13, v16;
	v16 =	vld [tilespmem:s16+$0xE0];
	(erf) = vpow2.f32 v25;
	[tilespmem:s13+$0xFFFFFFE0] =	vst v15  }
0x202: {  	v15 =	vmax.f32 v20, v17;
	v17 =	vld [tilespmem:s15+$0x20];
	[tilespmem:s21+$0x30] =	vst v14  }
0x203: {  	v14 =	vld [tilespmem:s16+$0xFFFFFF00];
	v19 =	vmax.f32 v24, v19;
	v20 =	vmul.f32 $2.000000030e-01, v13;
	v21 =	vadd.f32 v21, v22;
	[tilespmem:s21+$0x80] =	vst v6  }
0x204: {  	v6 =	vmul.f32 $1.442695020e+00, v15;
	v15 =	vmul.f32 $1.442695020e+00, v19;
	v19 =	vld [tilespmem:s14+$0xFFFFFEE0];
	[tilespmem:s21+$0xD0] =	vst v7;
	s21 =	smov.u32 s13;
	s13 =	smov.u32 s8  }
0x205: {  	v7 =	vmax.f32 v13, v20;
	v13 =	vmul.f32 $2.000000030e-01, v21;
	v18 =	vadd.f32 v18, v26;
	v20 =	vld [tilespmem:s14+$0xFFFFFF30]  }
0x206: {  	v7 =	vmul.f32 $1.442695020e+00, v7;
	(erf) = vpow2.f32 v6;
	v6 =	vld [tilespmem:s14+$0xFFFFFF80]  }
0x207: {  	v13 =	vmax.f32 v21, v13;
	v21 =	vmul.f32 $2.000000030e-01, v18;
	v16 =	vadd.f32 v17, v16;
	v17 =	vld [tilespmem:s14+$0xFFFFFFD0]  }
0x208: {  	v14 =	vadd.f32 v23, v14;
	v13 =	vmul.f32 $1.442695020e+00, v13;
	(erf) = vpow2.f32 v15;
	v15 =	vld [tilespmem:s14+$0x20]  }
0x209: {  	s8 =	sadd.s32 $0x280, s8;
	v18 =	vmax.f32 v18, v21;
	v21 =	vmul.f32 $2.000000030e-01, v16;
	(erf) = vpow2.f32 v7;
	v7 =	vld [tilespmem:s14+$0x70]  }
0x20a: {  	v22 =	vmul.f32 $2.000000030e-01, v14;
	v18 =	vmul.f32 $1.442695020e+00, v18;
	v23 =	vpop (erf);
	v24 =	vld [tilespmem:s14+$0xC0]  }
0x20b: {  	v16 =	vmax.f32 v16, v21;
	[tilespmem:s8+$0x130] =	vst v23;
	(erf) = vpow2.f32 v13;
	v13 =	vmul.f32 v19, v12;
	v19 =	vld [tilespmem:s10+$0x30]  }
0x20c: {  	v14 =	vmax.f32 v14, v22;
	v16 =	vmul.f32 $1.442695020e+00, v16;
	v21 =	vld [tilespmem:s16+$0xF0];
	(erf) = vpow2.f32 v18  }
0x20d: {  	v18 =	vmul.f32 v20, v4;
	v26 =	vmul.f32 $1.442695020e+00, v14;
	[tilespmem:s13+$0xFFFFFEE0] =	vst v13;
	v22 =	vld [tilespmem:s10+$0x80]  }
0x20e: {  	v6 =	vmul.f32 v6, v8;
	(erf) = vpow2.f32 v16;
	v25 =	vld [tilespmem:s14+$0xFFFFFEF0]  }
0x20f: {  	v13 =	vperm.xlane v23, v0;
	(erf) = vpow2.f32 v26;
	v14 =	vpop (erf);
	[tilespmem:s13+$0xFFFFFF30] =	vst v18;
	v23 =	vld [tilespmem:s10+$0xD0];
	s10 =	smov.u32 s14;
	s14 =	smov.u32 s16  }
0x210: {  	v27 =	vmul.f32 v17, v5;
	[tilespmem:s8+$0xFFFFFF50] =	vst v14;
	v26 =	vperm.xlane v14, v0;
	v18 =	vld [tilespmem:s10+$0xFFFFFF40]  }
0x211: {  	v16 =	vmul.f32 v15, v9;
	v28 =	vld [tilespmem:s16+$0xFFFFFF10];
	v14 =	vmul.f32 v21, v13;
	v17 =	vpop (erf);
	[tilespmem:s13+$0xFFFFFF80] =	vst v6  }
0x212: {  	v20 =	vmul.f32 v7, v11;
	[tilespmem:s8+$0xFFFFFFA0] =	vst v17;
	v15 =	vperm.xlane v17, v0;
	v6 =	vpop (erf);
	v29 =	vld [tilespmem:s10+$0xFFFFFF90]  }
0x213: {  	v21 =	vmul.f32 v24, v10;
	v7 =	vld [tilespmem:s16+$0xFFFFFF60];
	v30 =	vperm.xlane v6, v0;
	[tilespmem:s8+$0xF0] =	vst v14  }
0x214: {  	v17 =	vmul.f32 v25, v12;
	v14 =	vmul.f32 v19, v1;
	v1 =	vmov v9;
	[tilespmem:s8+$0xFFFFFFF0] =	vst v6;
	v24 =	vld [tilespmem:s16+$0x100];
	v6 =	vpop (erf)  }
0x215: {  	v25 =	vld [tilespmem:s16+$0xFFFFFFB0];
	[tilespmem:s8+$0x40] =	vst v6;
	v9 =	vperm.xlane v6, v0;
	v6 =	vpop (erf);
	v18 =	vmul.f32 v18, v4;
	v4 =	vmov v26  }
0x216: {  	v26 =	vmul.f32 v28, v4;
	v28 =	vld [tilespmem:s16+$0x0];
	[tilespmem:s8+$0x90] =	vst v6;
	v31 =	vperm.xlane v6, v0  }
0x217: {  	v6 =	vmul.f32 v22, v3;
	v32 =	vld [tilespmem:s16+$0x50];
	v12 =	vpop (erf);
	v19 =	vmul.f32 v29, v8;
	[tilespmem:s13+$0xFFFFFFD0] =	vst v27;
	v8 =	vmov v15  }
0x218: {  	v3 =	vmov v11;
	v15 =	vmul.f32 v7, v8;
	[tilespmem:s8+$0xE0] =	vst v12;
	v22 =	vperm.xlane v12, v0;
	v7 =	vpop (erf);
	v27 =	vld [tilespmem:s10+$0xFFFFFFE0]  }
0x219: {  	v11 =	vmov v31;
	[tilespmem:s8+$0xFFFFFF00] =	vst v7;
	v12 =	vperm.xlane v7, v0;
	v29 =	vld [tilespmem:s16+$0xA0];
	v24 =	vmul.f32 v24, v13  }
0x21a: {  	v7 =	vmul.f32 v23, v2;
	v2 =	vmovc v10;
	v31 =	vld [tilespmem:s16+$0xFFFFFEC0];
	[tilespmem:s8+$0xFFFFFF10] =	vst v26;
	v25 =	vmul.f32 v25, v30;
	v10 =	vmov v22  }
0x21b: {  	v23 =	vld [tilespmem:s16+$0xFFFFFF20];
	v26 =	vmul.f32 v28, v9;
	[tilespmem:s8+$0x100] =	vst v24  }
0x21c: {  	[tilespmem:s8+$0xFFFFFF60] =	vst v15;
	v24 =	vmul.f32 v32, v11;
	v28 =	vld [tilespmem:s16+$0x110]  }
0x21d: {  	v32 =	vld [tilespmem:s16+$0xFFFFFF70];
	[tilespmem:s8+$0xFFFFFFB0] =	vst v25;
	v15 =	vmul.f32 v27, v5;
	v5 =	vmov v30  }
.Ltmp1:
0x21e: {  	v22 =	vld [tilespmem:s16+$0xFFFFFFC0];
	[tilespmem:s8+$0x0] =	vst v26;
	v26 =	vmul.f32 v29, v10;
	(pc) =	sbr.rel @p0 .LBB2_5-.Ltmp1, $4  }
0x21f: {  	v27 =	vmul.f32 v31, v12;
	v25 =	vld [tilespmem:s16+$0x10];
	[tilespmem:s8+$0x50] =	vst v24  }
0x220: {  	v29 =	vmul.f32 v23, v4;
	v23 =	vld [tilespmem:s16+$0x60];
	[tilespmem:s8+$0xA0] =	vst v26  }
0x221: {  	[tilespmem:s8+$0xFFFFFEC0] =	vst v27;
	v24 =	vld [tilespmem:s16+$0xB0];
	v27 =	vmul.f32 v28, v13  }
0x222: {  	s16 =	sadd.s32 $0x280, s16;
	v26 =	vld [tilespmem:s14+$0xFFFFFED0];
	[tilespmem:s8+$0xFFFFFF20] =	vst v29;
	v28 =	vmul.f32 v32, v8  }
0x223: {  	[tilespmem:s8+$0x110] =	vst v27  }
0x224: {  	[tilespmem:s13+$0x20] =	vst v16  }
0x225: {  	[tilespmem:s13+$0x70] =	vst v20  }
0x226: {  	[tilespmem:s13+$0xC0] =	vst v21  }
0x227: {  	[tilespmem:s13+$0xFFFFFEF0] =	vst v17  }
0x228: {  	[tilespmem:s13+$0xFFFFFF40] =	vst v18  }
0x229: {  	[tilespmem:s13+$0xFFFFFF90] =	vst v19  }
0x22a: {  	[tilespmem:s13+$0xFFFFFFE0] =	vst v15  }
0x22b: {  	[tilespmem:s21+$0x30] =	vst v14  }
0x22c: {  	[tilespmem:s21+$0x80] =	vst v6  }
0x22d: {  	v22 =	vmul.f32 v22, v5;
	v39 =	vld [tilespmem:s14+$0xFFFFFF30];
	[tilespmem:s21+$0xD0] =	vst v7  }
0x22e: {  	[tilespmem:s8+$0xFFFFFF70] =	vst v28;
	v25 =	vmul.f32 v25, v9;
	v27 =	vld [tilespmem:s14+$0x120]  }
0x22f: {  	v53 =	vld [tilespmem:s10+$0x30];
	[tilespmem:s8+$0xFFFFFFC0] =	vst v22;
	v35 =	vmul.f32 v23, v11  }
0x230: {  	v54 =	vld [tilespmem:s10+$0x80];
	[tilespmem:s8+$0x10] =	vst v25;
	v36 =	vmul.f32 v24, v10  }
0x231: {  	v40 =	vld [tilespmem:s14+$0xFFFFFF80];
	v37 =	vmul.f32 v26, v12;
	[tilespmem:s8+$0x60] =	vst v35  }
0x232: {  	v41 =	vld [tilespmem:s14+$0xFFFFFFD0];
	[tilespmem:s8+$0xB0] =	vst v36;
	v44 =	vmul.f32 v39, v4  }
0x233: {  	v42 =	vld [tilespmem:s14+$0x20];
	[tilespmem:s8+$0xFFFFFED0] =	vst v37;
	v13 =	vmul.f32 v27, v13  }
0x234: {  	v43 =	vld [tilespmem:s14+$0x70];
	v1 =	vmul.f32 v53, v1;
	[tilespmem:s8+$0xFFFFFF30] =	vst v44  }
0x235: {  	v45 =	vld [tilespmem:s14+$0xC0];
	v3 =	vmul.f32 v54, v3;
	[tilespmem:s8+$0x120] =	vst v13  }
0x236: {  	v38 =	vld [tilespmem:s14+$0xFFFFFEE0];
	v46 =	vmul.f32 v40, v8;
	[tilespmem:s13+$0x30] =	vst v1  }
0x237: {  	v56 =	vld [tilespmem:s10+$0xD0];
	v48 =	vmul.f32 v41, v5;
	[tilespmem:s13+$0x80] =	vst v3  }
0x238: {  	v49 =	vld [tilespmem:s14+$0xFFFFFF40];
	[tilespmem:s8+$0xFFFFFF80] =	vst v46;
	v50 =	vmul.f32 v42, v9  }
0x239: {  	v51 =	vld [tilespmem:s14+$0xFFFFFF90];
	[tilespmem:s8+$0xFFFFFFD0] =	vst v48;
	v6 =	vmul.f32 v43, v11  }
0x23a: {  	v52 =	vld [tilespmem:s14+$0xFFFFFFE0];
	v16 =	vmul.f32 v45, v10;
	[tilespmem:s8+$0x20] =	vst v50  }
0x23b: {  	v13 =	vmul.f32 v38, v12;
	[tilespmem:s8+$0x70] =	vst v6;
	v59 =	vld [tilespmem:s14+$0x30]  }
0x23c: {  	v2 =	vmul.f32 v56, v2;
	[tilespmem:s8+$0xC0] =	vst v16;
	v61 =	vld [tilespmem:s14+$0x80]  }
0x23d: {  	v57 =	vmul.f32 v49, v4;
	[tilespmem:s8+$0xFFFFFEE0] =	vst v13;
	v62 =	vld [tilespmem:s14+$0xD0]  }
0x23e: {  	[tilespmem:s13+$0xD0] =	vst v2;
	v47 =	vld [tilespmem:s14+$0xFFFFFEF0];
	v58 =	vmul.f32 v51, v8  }
0x23f: {  	[tilespmem:s8+$0xFFFFFF40] =	vst v57;
	v60 =	vmul.f32 v52, v5  }
0x240: {  	[tilespmem:s8+$0xFFFFFF90] =	vst v58;
	v1 =	vmul.f32 v59, v9  }
0x241: {  	[tilespmem:s8+$0xFFFFFFE0] =	vst v60;
	v2 =	vmul.f32 v61, v11  }
0x242: {  	v3 =	vmul.f32 v62, v10;
	[tilespmem:s8+$0x30] =	vst v1  }
0x243: {  	v55 =	vmul.f32 v47, v12;
	[tilespmem:s8+$0x80] =	vst v2  }
0x244: {  	[tilespmem:s8+$0xD0] =	vst v3  }
0x245: {  	[tilespmem:s8+$0xFFFFFEF0] =	vst v55  }
0x246: {  	v1 =	vld [tilespmem:$0x380]  }
0x247: {  	v2 =	vld [tilespmem:$0x390]  }
0x248: {  	v3 =	vld [tilespmem:$0x3A0]  }
0x249: {  	v63 =	vld [tilespmem:$0x3B0]  }
0x24a: {  	v5 =	vld [tilespmem:$0x3C0]  }
0x24b: {  	[tilespmem:$0x480] =	vst v1;
	v1 =	vld [tilespmem:$0x3D0]  }
0x24c: {  	[tilespmem:$0x490] =	vst v2;
	v2 =	vld [tilespmem:$0x3E0]  }
0x24d: {  	s9 =	sadd.s32 $0x1, s9;
	[tilespmem:$0x4A0] =	vst v3;
	v3 =	vld [tilespmem:$0x3F0]  }
0x24e: {  	p0 =	sne.s32 s9, $0x27;
	[tilespmem:$0x4B0] =	vst v63  }
.Ltmp2:
0x24f: {  	[tilespmem:$0x4C0] =	vst v5;
	(pc) =	sbr.rel @p0 .LBB2_2-.Ltmp2, $4  }
0x250: {  	[tilespmem:$0x4D0] =	vst v1  }
0x251: {  	[tilespmem:$0x4E0] =	vst v2  }
0x252: {  	[tilespmem:$0x4F0] =	vst v3  }
0x253: {  	[spmem:s3] =	stream.indirect.scatter.add.f32 [tilespmem:s7], [sflag:$0x8], $0x50, s25, s19, $0xb8;
	[tilespmem:$0x17860] =	vst v63  }
0x254: {  	s8 =	simm.s32 $0x7  }
0x255: {  	_ =	swait.ge [sflag:s8], $0x2800  }
0x256: {  	[sflag:s8] =	ssyncset.done $0x0  }
0x257: {  	s15 =	simm.s32 $0x8;
	[sflag:s8] =	ssyncadd.s32 $0xFFFFD800  }
0x258: {  	_ =	swait.ge [sflag:s15], $0x2800  }
0x259: {  	s10 =	simm.s32 $0x0;
	[sflag:s15] =	ssyncset.done $0x0  }
0x25a: {  	s9 =	simm.s32 $0x200;
	s16 =	rddreg [dreg:$0x8];
	[sflag:s15] =	ssyncadd.s32 $0xFFFFD800  }
0x25b: {  	[tilespmem:s9], [sflag:$0x9] =	stream.linear.gather [hbm4b:s16+s10], $0x10, $0x38;
	[tilespmem:$0x17860] =	vst v63  }
0x25c: {  	_ =	swait.ge [sflag:s18], $0x10  }
0x25d: {  	[sflag:s18] =	ssyncset.done $0x0  }
0x25e: {  	s13 =	simm.s32 $0x500;
	s17 =	rddreg [dreg:$0x9];
	[sflag:s18] =	ssyncadd.s32 $0xFFFFFFF0  }
0x25f: {  	[tilespmem:s13], [sflag:$0x9] =	stream.linear.gather [hbm4b:s17+s10], $0x10, $0x38;
	[tilespmem:$0x17860] =	vst v63  }
0x260: {  	_ =	swait.ge [sflag:s18], $0x10  }
0x261: {  	[sflag:s18] =	ssyncset.done $0x0  }
0x262: {  	s21 =	simm.s32 $0x510;
	s14 =	simm.s32 $0x10;
	[sflag:s18] =	ssyncadd.s32 $0xFFFFFFF0  }
0x263: {  	[tilespmem:s21], [sflag:$0x9] =	stream.indirect.gather [hbm4b:s5+s14], $0x10, s13, s14, $0xb8;
	[tilespmem:$0x17860] =	vst v63  }
0x264: {  	_ =	swait.ge [sflag:s18], $0x100  }
0x265: {  	[sflag:s18] =	ssyncset.done $0x0  }
0x266: {  	s24 =	simm.s32 $0x1510;
	[sflag:s18] =	ssyncadd.s32 $0xFFFFFF00  }
0x267: {  	[tilespmem:s24], [sflag:$0x9] =	stream.indirect.gather [hbm4b:s6+s14], $0x50, s9, s14, $0xb8;
	[tilespmem:$0x17860] =	vst v63  }
0x268: {  	_ =	swait.ge [sflag:s18], $0x500  }
0x269: {  	[sflag:s18] =	ssyncset.done $0x0  }
0x26a: {  	p0 =	por $0x1, $0x1;
	[sflag:s18] =	ssyncadd.s32 $0xFFFFFB00  }
.LBB2_8:
0x26b: {  	s16 =	smul.u32 $0x50, s10  }
0x26c: {  	s8 =	sshll.u32 s10, $0x4  }
0x26d: {  	s8 =	sand.u32 $0x3FFFFFF0, s8;
	v1 =	vld [tilespmem:s16+$0x1550]  }
0x26e: {  	v2 =	vld [tilespmem:s8+$0x510]  }
0x26f: {  	s13 =	sor.u32 $0x1, s10  }
0x270: {  	s15 =	smul.u32 $0x50, s13  }
0x271: {  	s8 =	sshll.u32 s13, $0x4  }
0x272: {  	v3 =	vld [tilespmem:s15+$0x1550];
	s8 =	sand.u32 $0x3FFFFFF0, s8  }
0x273: {  	v1 =	vadd.f32 v2, v1;
	v2 =	vld [tilespmem:s8+$0x510]  }
0x274: {  	s14 =	sor.u32 $0x2, s10  }
0x275: {  	s9 =	smul.u32 $0x50, s14;
	v4 =	vmul.f32 $2.000000030e-01, v1  }
0x276: {  	s8 =	sshll.u32 s14, $0x4  }
0x277: {  	v60 =	vld [tilespmem:s9+$0x1550];
	s14 =	sand.u32 $0x3FFFFFF0, s8;
	v1 =	vmax.f32 v1, v4  }
0x278: {  	s13 =	sor.u32 $0x3, s10;
	v1 =	vmul.f32 $1.442695020e+00, v1;
	v2 =	vadd.f32 v2, v3;
	v3 =	vld [tilespmem:s14+$0x510]  }
0x279: {  	v9 =	vld [tilespmem:s16+$0x1510];
	s8 =	smul.u32 $0x50, s13  }
0x27a: {  	v10 =	vld [tilespmem:s16+$0x1520];
	s13 =	sshll.u32 s13, $0x4;
	(erf) = vpow2.f32 v1;
	v1 =	vmul.f32 $2.000000030e-01, v2  }
0x27b: {  	s13 =	sand.u32 $0x3FFFFFF0, s13;
	v5 =	vld [tilespmem:s8+$0x1550]  }
0x27c: {  	v6 =	vld [tilespmem:s13+$0x510];
	s14 =	sor.u32 $0x4, s10;
	v1 =	vmax.f32 v2, v1  }
0x27d: {  	v63 =	vld [tilespmem:s16+$0x1530];
	s17 =	sshll.u32 s14, $0x4;
	v1 =	vmul.f32 $1.442695020e+00, v1;
	v3 =	vadd.f32 v3, v60  }
0x27e: {  	s21 =	sor.u32 $0x5, s10;
	v12 =	vld [tilespmem:s16+$0x1540];
	s14 =	smul.u32 $0x50, s14;
	s17 =	sand.u32 $0x3FFFFFF0, s17  }
0x27f: {  	s24 =	sor.u32 $0x6, s10;
	s18 =	sshll.u32 s21, $0x4;
	v7 =	vld [tilespmem:s17+$0x510];
	(erf) = vpow2.f32 v1;
	v1 =	vmul.f32 $2.000000030e-01, v3  }
0x280: {  	s13 =	sand.u32 $0x3FFFFFF0, s18;
	s18 =	sshll.u32 s24, $0x4;
	s17 =	sor.u32 $0x7, s10;
	v62 =	vld [tilespmem:s14+$0x1550]  }
0x281: {  	v2 =	vld [tilespmem:s13+$0x510];
	s13 =	sand.u32 $0x3FFFFFF0, s18;
	s18 =	sshll.u32 s17, $0x4;
	v1 =	vmax.f32 v3, v1;
	v3 =	vadd.f32 v6, v5  }
0x282: {  	v8 =	vld [tilespmem:s13+$0x510];
	s13 =	sand.u32 $0x3FFFFFF0, s18;
	s18 =	smul.u32 $0x50, s21;
	v1 =	vmul.f32 $1.442695020e+00, v1  }
0x283: {  	v15 =	vld [tilespmem:s15+$0x1510];
	v11 =	vpop (erf);
	v13 =	vmul.f32 $2.000000030e-01, v3  }
0x284: {  	v20 =	vld [tilespmem:s18+$0x1550];
	v14 =	vperm.xlane v11, v0;
	(erf) = vpow2.f32 v1  }
0x285: {  	v18 =	vld [tilespmem:s15+$0x1530];
	v3 =	vmax.f32 v3, v13  }
0x286: {  	v22 =	vld [tilespmem:s15+$0x1540];
	v9 =	vmul.f32 v9, v14;
	v3 =	vmul.f32 $1.442695020e+00, v3  }
0x287: {  	v5 =	vadd.f32 v7, v62;
	v1 =	vld [tilespmem:s15+$0x1520];
	[tilespmem:s16+$0x6550] =	vst v11;
	v19 =	vmul.f32 v10, v14;
	v6 =	vmul.f32 v63, v14  }
0x288: {  	v25 =	vld [tilespmem:s9+$0x1510];
	v23 =	vmul.f32 v12, v14;
	[tilespmem:s16+$0x6510] =	vst v9;
	v21 =	vpop (erf);
	(erf) = vpow2.f32 v3  }
0x289: {  	v26 =	vld [tilespmem:s9+$0x1520];
	s21 =	smul.u32 $0x50, s24;
	v2 =	vadd.f32 v2, v20;
	v3 =	vmul.f32 $2.000000030e-01, v5;
	[tilespmem:s16+$0x6520] =	vst v19;
	v24 =	vperm.xlane v21, v0  }
0x28a: {  	v28 =	vld [tilespmem:s9+$0x1530];
	[tilespmem:s16+$0x6530] =	vst v6  }
0x28b: {  	v30 =	vld [tilespmem:s21+$0x1550];
	v34 =	vmul.f32 $2.000000030e-01, v2;
	[tilespmem:s16+$0x6540] =	vst v23;
	v3 =	vmax.f32 v5, v3;
	v27 =	vmul.f32 v15, v24  }
0x28c: {  	v33 =	vld [tilespmem:s9+$0x1540];
	[tilespmem:s15+$0x6550] =	vst v21;
	v3 =	vmul.f32 $1.442695020e+00, v3;
	v1 =	vmul.f32 v1, v24  }
0x28d: {  	v35 =	vld [tilespmem:s8+$0x1520];
	v29 =	vmul.f32 v18, v24;
	v31 =	vmul.f32 v22, v24;
	[tilespmem:s15+$0x6510] =	vst v27;
	v32 =	vpop (erf)  }
0x28e: {  	v37 =	vld [tilespmem:s8+$0x1530];
	(erf) = vpow2.f32 v3;
	[tilespmem:s15+$0x6520] =	vst v1;
	v1 =	vperm.xlane v32, v0  }
0x28f: {  	s24 =	smul.u32 $0x50, s17;
	v61 =	vld [tilespmem:s13+$0x510];
	v2 =	vmax.f32 v2, v34;
	[tilespmem:s15+$0x6530] =	vst v29  }
0x290: {  	v8 =	vadd.f32 v8, v30;
	v2 =	vmul.f32 $1.442695020e+00, v2;
	v3 =	vld [tilespmem:s8+$0x1510];
	[tilespmem:s15+$0x6540] =	vst v31;
	v36 =	vmul.f32 v25, v1  }
0x291: {  	v39 =	vld [tilespmem:s24+$0x1550];
	[tilespmem:s9+$0x6550] =	vst v32;
	v5 =	vmul.f32 v26, v1;
	v7 =	vmul.f32 v28, v1  }
0x292: {  	v41 =	vld [tilespmem:s8+$0x1540];
	v38 =	vpop (erf);
	(erf) = vpow2.f32 v2;
	v2 =	vmul.f32 $2.000000030e-01, v8;
	[tilespmem:s9+$0x6510] =	vst v36  }
0x293: {  	v1 =	vmul.f32 v33, v1;
	v40 =	vperm.xlane v38, v0;
	[tilespmem:s9+$0x6520] =	vst v5  }
0x294: {  	v42 =	vld [tilespmem:s14+$0x1510];
	[tilespmem:s9+$0x6530] =	vst v7;
	v2 =	vmax.f32 v8, v2  }
0x295: {  	v43 =	vld [tilespmem:s14+$0x1520];
	[tilespmem:s9+$0x6540] =	vst v1;
	v1 =	vmul.f32 v3, v40;
	v2 =	vmul.f32 $1.442695020e+00, v2  }
0x296: {  	v46 =	vld [tilespmem:s14+$0x1530];
	v4 =	vadd.f32 v61, v39;
	[tilespmem:s8+$0x6550] =	vst v38;
	v3 =	vmul.f32 v35, v40;
	v44 =	vmul.f32 v37, v40  }
0x297: {  	v48 =	vld [tilespmem:s14+$0x1540];
	v45 =	vpop (erf);
	[tilespmem:s8+$0x6510] =	vst v1;
	v1 =	vmul.f32 v41, v40;
	(erf) = vpow2.f32 v2  }
0x298: {  	[tilespmem:s8+$0x6520] =	vst v3;
	v2 =	vmul.f32 $2.000000030e-01, v4;
	v47 =	vperm.xlane v45, v0  }
0x299: {  	[tilespmem:s8+$0x6530] =	vst v44  }
0x29a: {  	v3 =	vld [tilespmem:s18+$0x1510];
	[tilespmem:s8+$0x6540] =	vst v1;
	v2 =	vmax.f32 v4, v2;
	v1 =	vmul.f32 v42, v47  }
0x29b: {  	v50 =	vld [tilespmem:s18+$0x1520];
	[tilespmem:s14+$0x6550] =	vst v45;
	v49 =	vmul.f32 v43, v47;
	v2 =	vmul.f32 $1.442695020e+00, v2  }
0x29c: {  	v52 =	vld [tilespmem:s18+$0x1530];
	v6 =	vmul.f32 v48, v47;
	v51 =	vpop (erf);
	[tilespmem:s14+$0x6510] =	vst v1;
	v1 =	vmul.f32 v46, v47  }
0x29d: {  	[tilespmem:s14+$0x6520] =	vst v49;
	v53 =	vperm.xlane v51, v0;
	(erf) = vpow2.f32 v2;
	v2 =	vld [tilespmem:s18+$0x1540]  }
0x29e: {  	[tilespmem:s14+$0x6540] =	vst v6  }
0x29f: {  	[tilespmem:s14+$0x6530] =	vst v1;
	v1 =	vmul.f32 v3, v53;
	v3 =	vld [tilespmem:s21+$0x1510]  }
0x2a0: {  	v54 =	vld [tilespmem:s21+$0x1520];
	[tilespmem:s18+$0x6550] =	vst v51;
	v5 =	vmul.f32 v50, v53  }
0x2a1: {  	v55 =	vpop (erf);
	[tilespmem:s18+$0x6510] =	vst v1;
	v1 =	vmul.f32 v52, v53  }
0x2a2: {  	v56 =	vld [tilespmem:s21+$0x1530];
	[tilespmem:s18+$0x6520] =	vst v5;
	v2 =	vmul.f32 v2, v53;
	v57 =	vperm.xlane v55, v0  }
0x2a3: {  	v58 =	vld [tilespmem:s21+$0x1540];
	[tilespmem:s18+$0x6530] =	vst v1  }
0x2a4: {  	[tilespmem:s18+$0x6540] =	vst v2;
	v1 =	vmul.f32 v3, v57;
	v2 =	vld [tilespmem:s24+$0x1510]  }
0x2a5: {  	v59 =	vld [tilespmem:s24+$0x1520];
	[tilespmem:s21+$0x6550] =	vst v55;
	v3 =	vmul.f32 v54, v57  }
0x2a6: {  	v61 =	vld [tilespmem:s24+$0x1530];
	[tilespmem:s21+$0x6510] =	vst v1;
	v60 =	vpop (erf)  }
0x2a7: {  	v63 =	vld [tilespmem:s24+$0x1540];
	v1 =	vmul.f32 v56, v57;
	[tilespmem:s21+$0x6520] =	vst v3;
	v62 =	vperm.xlane v60, v0  }
0x2a8: {  	v3 =	vmul.f32 v58, v57;
	[tilespmem:s24+$0x6550] =	vst v60  }
0x2a9: {  	p1 =	por p0, p0;
	[tilespmem:s21+$0x6530] =	vst v1;
	v1 =	vmul.f32 v2, v62  }
.Ltmp3:
0x2aa: {  	[tilespmem:s21+$0x6540] =	vst v3;
	v2 =	vmul.f32 v59, v62;
	(pc) =	sbr.rel @p1 .LBB2_8-.Ltmp3, $4  }
0x2ab: {  	[tilespmem:s24+$0x6510] =	vst v1;
	v1 =	vmul.f32 v61, v62  }
0x2ac: {  	[tilespmem:s24+$0x6520] =	vst v2;
	v2 =	vmul.f32 v63, v62  }
0x2ad: {  	[tilespmem:s24+$0x6530] =	vst v1  }
0x2ae: {  	p0 =	por $0x0, $0x0;
	s10 =	simm.s32 $0x8;
	[tilespmem:s24+$0x6540] =	vst v2  }
0x2af: {  	s8 =	simm.s32 $0x500;
	s9 =	simm.s32 $0x10;
	s18 =	simm.s32 $0x9  }
0x2b0: {  	[spmem:s3] =	stream.indirect.scatter.add.f32 [tilespmem:s4], [sflag:$0x9], $0x50, s8, s9, $0xb8;
	[tilespmem:$0x17860] =	vst v63  }
0x2b1: {  	_ =	swait.ge [sflag:s18], $0x500  }
0x2b2: {  	[sflag:s18] =	ssyncset.done $0x0  }
0x2b3: {  	[sflag:s18] =	ssyncadd.s32 $0xFFFFFB00  }
0x2b4: {  	[bflag:$0x0] =	sbarrier.arrive $0xFFFF  }
0x2b5: {  	s10 =	rddreg [dreg:$0x5]  }
0x2b6: {  	s21 =	rddreg [dreg:$0xa]  }
0x2b7: {  	s9 =	rddreg [dreg:$0xc]  }
0x2b8: {  	[hbm:s21], [sflag:s10] =	dma.local [spmem:s9], $0x186A  }
0x2b9: {  	_ =	swait.ge [sflag:s18], $0x186A  }
0x2ba: {  	s13 =	rddreg [dreg:$0xd]  }
0x2bb: {  	s24 =	rddreg [dreg:$0xb];
	s13 =	sadd.s32 $0x1, s13  }
0x2bc: {  	p0 =	sne.s32 s13, s24  }
.Ltmp4:
0x2bd: {  	_ = 	snop;
	(pc) =	sbr.rel @p0 .LBB2_1-.Ltmp4, $3  }
0x2be: {  	_ =	sdelay $0x1  }
0x2bf: {  	[sflag:s18] =	ssyncset.done $0x0  }
0x2c0: {  	[sflag:s18] =	ssyncadd.s32 $0xFFFFE796  }
0x2c1: {  	_ =	sfence.sel $0x180000  }
0x2c2: {  	[bflag:$0x0] =	sbarrier.arrive $0xFFFF  }
0x2c3: {  	_ =	strace $0x9000004A  }
0x2c4: {  	s0 =	stileid.u32;
	[bflag:$0x2] =	sbarrier.arrive $0xFFFF  }
0x2c5: {  	p0 =	sne.s32 s0, $0x0;
	s0 =	rddreg [dreg:$0x3]  }
0x2c6: {  	s0 =	sadd.s32 @!p0 $0x100000, s0  }
0x2c7: {  	[sflag:s0] =	ssyncadd.tile.s32 @!p0 $0x1;
	_ =	shalt  }
.Lfunc_end2:
_tile_overlayer_lowered:
.L_overlay_start_2:
0x2c8: {  	(tag) =	ssettag $0x2  }
0x2c9: {  	s0 =	rddreg [dreg:$0x0];
	s2 =	stileid.u32  }
0x2ca: {  	s1 =	rddreg [dreg:$0x1];
	p0 =	sne.s32 s2, $0x0  }
0x2cb: {  	s3 =	rddreg [dreg:$0x2];
	[bflag:$0x3] =	sbarrier.arrive $0xFFFF;
	s2 =	simm.s32 @!p0 $0x1C09  }
0x2cc: {  	[timem:s3], [sflag:s2] =	dma.local @!p0 [hbm:s0], s1  }
0x2cd: {  	s0 =	simm.s32 @!p0 $0x9  }
0x2ce: {  	_ =	swait.ge @!p0 [sflag:s0], s1  }
0x2cf: {  	s1 =	ssub.s32 @!p0 $0x0, s1;
	[sflag:s0] =	ssyncset.done @!p0 $0x0  }
0x2d0: {  	[sflag:s0] =	ssyncadd.s32 @!p0 s1  }
0x2d1: {  	[bflag:$0x3] =	sbarrier.arrive $0xFFFF  }
0x2d2: {  	_ =	shalt  }

// kernel: kernel.7.cloned.1.call-start
scs
__scs_entry_jumppad:
0x0: {  	(pc) =	sbr.rel $0x88, $3  }
0x1: {  	(tag) =	ssettag $0x0;
	lr =	simm.s32 $0x1  }
0x2: {  	[smem:$0x3F97] =	sst lr;
	_ =	strace $0xD0000000  }
0x3: {  	_ = 	snop  }
0x4: {  	_ = 	snop  }
0x5: {  	_ = 	snop  }
0x6: {  	_ = 	snop  }
0x7: {  	_ = 	snop  }
__scs_overlays_trampoline_lowered:
0x8: {  	[smem:$0x3FA6] =	sst s0  }
0x9: {  	[smem:$0x3FA7] =	sst s1  }
0xa: {  	[smem:$0x3FA8] =	sst s2  }
0xb: {  	[smem:$0x3FA9] =	sst s3  }
0xc: {  	[smem:$0x3FAA] =	sst s4  }
0xd: {  	[smem:$0x3FAB] =	sst s5  }
0xe: {  	[smem:$0x3FAC] =	sst s6  }
0xf: {  	[smem:$0x3FAD] =	sst s7  }
0x10: {  	[smem:$0x3FAE] =	sst s8  }
0x11: {  	[smem:$0x3FAF] =	sst s9;
	s0 =	simm.s32 @!p0 $0x0  }
0x12: {  	s1 =	sld [smem:$0x3F95];
	s0 =	simm.s32 @p0 $0x1  }
0x13: {  	[smem:$0x3FB0] =	sst s0;
	s0 =	simm.s32 @!p1 $0x0  }
0x14: {  	s2 =	sld [smem:$0x3F94];
	s0 =	simm.s32 @p1 $0x1  }
0x15: {  	[smem:$0x3FB1] =	sst s0;
	s0 =	simm.s32 @!p2 $0x0  }
0x16: {  	s3 =	sld [smem:$0x3FDB];
	s0 =	simm.s32 @p2 $0x1  }
0x17: {  	s4 =	simm.s32 $0x1BF5;
	[smem:$0x3FB3] =	sst s0  }
0x18: {  	s0 =	sld [smem:$0x3F96];
	_ =	swait.ge [sflag:s4], $0x0  }
0x19: {  	s7 =	sld [smem:$0x3F97]  }
0x1a: {  	s8 =	sadd.s32 $0xFFFFE003, lr  }
0x1b: {  	s9 =	sadd.s32 $0xFFFFFEF7, lr;
	s5 =	simm.s32 $0xFFFFFFFF;
	p2 =	slt.u32 s8, $0xFFFFF086  }
0x1c: {  	p1 =	slt.u32 s9, $0xF7A;
	s5 =	simm.s32 @!p2 $0x0  }
0x1d: {  	s5 =	simm.s32 @p1 $0x1;
	p0 =	seq.s32 s7, s2  }
0x1e: {  	s7 =	smul.u32 @!p0 $0xF7A, s2;
	p2 =	seq.s32 @!p0 s5, $0x0  }
0x1f: {  	s9 =	smul.u32 $0xF7A, s1;
	s8 =	simm.s32 @!p0 $0x1BF5;
	p2 =	por !p2, p0  }
0x20: {  	[sflag:s8] =	ssyncset.s32 @!p0 $0xFFFFF086;
	s6 =	sadd.s32 @!p0 s3, s7;
	s7 =	simm.s32 @!p0 $0x108  }
0x21: {  	s3 =	sadd.s32 s3, s9;
	s6 =	sadd.s32 @!p0 $0x88, s6;
	s7 =	simm.s32 @p2 $0x1082  }
0x22: {  	[simem:s7], [sflag:s8] =	dma.local @!p0 [hbm:s6], $0xF7A  }
0x23: {  	s9 =	sor.u32 $0xD0000000, s2;
	s6 =	simm.s32 $0x108;
	_ =	swait.ge @!p0 [sflag:s8], $0x0  }
0x24: {  	s3 =	sadd.s32 $0x88, s3;
	s6 =	simm.s32 @!p1 $0x1082;
	[sflag:s4] =	ssyncset.s32 $0xFFFFF086  }
0x25: {  	[simem:s6], [sflag:s4] =	dma.local [hbm:s3], $0xF7A  }
0x26: {  	[smem:$0x3F97] =	sst s1;
	(tag) =	ssettag s2;
	_ =	strace s9  }
0x27: {  	s1 =	sld [smem:$0x3FA7]  }
0x28: {  	s2 =	sld [smem:$0x3FA8]  }
0x29: {  	s4 =	sld [smem:$0x3FAA]  }
0x2a: {  	p0 =	seq.s32 s5, $0x0;
	s5 =	sld [smem:$0x3FAB]  }
0x2b: {  	s6 =	sld [smem:$0x3FAC]  }
0x2c: {  	s7 =	sld [smem:$0x3FAD]  }
0x2d: {  	s3 =	simm.s32 $0x108;
	s8 =	sld [smem:$0x3FAE]  }
0x2e: {  	s3 =	simm.s32 @!p0 $0x1082;
	s9 =	sld [smem:$0x3FAF]  }
0x2f: {  	lr =	sadd.s32 s0, s3;
	s0 =	sld [smem:$0x3FA6]  }
0x30: {  	s3 =	sld [smem:$0x3FA9]  }
0x31: {  	[smem:$0x3FB2] =	sst s10  }
0x32: {  	s10 =	sld [smem:$0x3FB0];
	_ =	sdelay $0x3  }
0x33: {  	p0 =	seq.s32 s10, $0x1;
	s10 =	sld [smem:$0x3FB2];
	_ =	sdelay $0x3  }
0x34: {  	[smem:$0x3FB2] =	sst s10  }
0x35: {  	s10 =	sld [smem:$0x3FB1];
	_ =	sdelay $0x3  }
0x36: {  	p1 =	seq.s32 s10, $0x1;
	s10 =	sld [smem:$0x3FB2];
	_ =	sdelay $0x3  }
0x37: {  	[smem:$0x3FB2] =	sst s10  }
0x38: {  	s10 =	sld [smem:$0x3FB3]  }
0x39: {  	_ = 	snop;
	(pc) =	sbr.ind lr, $3  }
0x3a: {  	_ = 	snop  }
0x3b: {  	_ = 	snop  }
0x3c: {  	p2 =	seq.s32 s10, $0x1;
	s10 =	sld [smem:$0x3FB2]  }
0x3d: {  	_ =	shalt  }
0x3e: {  	_ =	shalt  }
0x3f: {  	_ =	shalt  }
0x40: {  	_ =	shalt  }
0x41: {  	_ =	shalt  }
0x42: {  	_ =	shalt  }
0x43: {  	_ =	shalt  }
0x44: {  	_ =	shalt  }
0x45: {  	_ =	shalt  }
0x46: {  	_ =	shalt  }
0x47: {  	_ =	shalt  }
0x48: {  	_ =	shalt  }
0x49: {  	_ =	shalt  }
0x4a: {  	_ =	shalt  }
0x4b: {  	_ =	shalt  }
0x4c: {  	_ =	shalt  }
0x4d: {  	_ =	shalt  }
0x4e: {  	_ =	shalt  }
0x4f: {  	_ =	shalt  }
0x50: {  	_ =	shalt  }
0x51: {  	_ =	shalt  }
0x52: {  	_ =	shalt  }
0x53: {  	_ =	shalt  }
0x54: {  	_ =	shalt  }
0x55: {  	_ =	shalt  }
0x56: {  	_ =	shalt  }
0x57: {  	_ =	shalt  }
0x58: {  	_ =	shalt  }
0x59: {  	_ =	shalt  }
0x5a: {  	_ =	shalt  }
0x5b: {  	_ =	shalt  }
0x5c: {  	_ =	shalt  }
0x5d: {  	_ =	shalt  }
0x5e: {  	_ =	shalt  }
0x5f: {  	_ =	shalt  }
0x60: {  	_ =	shalt  }
0x61: {  	_ =	shalt  }
0x62: {  	_ =	shalt  }
0x63: {  	_ =	shalt  }
0x64: {  	_ =	shalt  }
0x65: {  	_ =	shalt  }
0x66: {  	_ =	shalt  }
0x67: {  	_ =	shalt  }
0x68: {  	_ =	shalt  }
0x69: {  	_ =	shalt  }
0x6a: {  	_ =	shalt  }
0x6b: {  	_ =	shalt  }
0x6c: {  	_ =	shalt  }
0x6d: {  	_ =	shalt  }
0x6e: {  	_ =	shalt  }
0x6f: {  	_ =	shalt  }
0x70: {  	_ =	shalt  }
0x71: {  	_ =	shalt  }
0x72: {  	_ =	shalt  }
0x73: {  	_ =	shalt  }
0x74: {  	_ =	shalt  }
0x75: {  	_ =	shalt  }
0x76: {  	_ =	shalt  }
0x77: {  	_ =	shalt  }
0x78: {  	_ =	shalt  }
0x79: {  	_ =	shalt  }
0x7a: {  	_ =	shalt  }
0x7b: {  	_ =	shalt  }
0x7c: {  	_ =	shalt  }
0x7d: {  	_ =	shalt  }
0x7e: {  	_ =	shalt  }
0x7f: {  	_ =	shalt  }
0x80: {  	_ =	shalt  }
0x81: {  	_ =	shalt  }
0x82: {  	_ =	shalt  }
0x83: {  	_ =	shalt  }
0x84: {  	_ =	shalt  }
0x85: {  	_ =	shalt  }
0x86: {  	_ =	shalt  }
0x87: {  	_ =	shalt  }
.Lfunc_end0:
.L_simem_size_0:
called_computation_lowered:
.L_overlay_start_0:
0x88: {  	s2 =	sld [smem:$0x3FD9]  }
0x89: {  	s3 =	sld [smem:$0x3FFE];
	_ =	sdelay $0x1  }
0x8a: {  	s1 =	srdreg.scid  }
0x8b: {  	s0 =	sand.u32 $0x1, s1  }
0x8c: {  	s17 =	sshll.u32 s0, $0xA;
	s2 =	sadd.s32 s3, s2  }
0x8d: {  	s2 =	sadd.s32 s2, s17  }
0x8e: {  	[smem:$0x3FBE] =	sst s2  }
0x8f: {  	_ = 	snop  }
0x90: {  	s2 =	sld [smem:$0x3FD0];
	(tm) =	ssettm $0x1  }
0x91: {  	s18 =	sld [smem:$0x3FFB];
	_ =	sdelay $0x3  }
0x92: {  	_ =	strace s18  }
0x93: {  	s3 =	sld [smem:$0x3FFC];
	_ =	sdelay $0x3  }
0x94: {  	_ =	strace s3  }
0x95: {  	s3 =	sld [smem:$0x3FFD];
	_ =	sdelay $0x3  }
0x96: {  	_ =	strace s3  }
0x97: {  	_ =	strace $0x8FFFFFFF  }
0x98: {  	s19 =	sld [smem:$0x3FDB];
	_ =	sdelay $0x1  }
0x99: {  	s4 =	simm.s32 $_scs_section_size  }
0x9a: {  	s5 =	simm.s32 $_size__tile_overlayer_lowered;
	s6 =	simm.s32 $_tile_overlayer_lowered  }
0x9b: {  	s22 =	simm.s32 $0x1BFF;
	s21 =	sshll.u32 s6, $0x1;
	s3 =	sadd.s32 s4, s19  }
0x9c: {  	s7 =	simm.s32 $0x0;
	s20 =	sshll.u32 s5, $0x1;
	s5 =	sadd.s32 s21, s3  }
0x9d: {  	[timem:s7], [sflag:s22] =	dma.local [hbm:s5], s20  }
0x9e: {  	_ =	swait.ge [sflag:s22], s20  }
0x9f: {  	s4 =	ssub.s32 $0x0, s20;
	[sflag:s22] =	ssyncset.done $0x0  }
0xa0: {  	[sflag:s22] =	ssyncadd.s32 s4;
	_ =	sdelay $0x1  }
0xa1: {  	s23 =	simm.s32 $0x1B8B  }
0xa2: {  	_ =	swait.ge [sflag:s23], $0x1  }
0xa3: {  	[sflag:s23] =	ssyncset.done $0x0  }
0xa4: {  	s25 =	simm.s32 $0x1B8E;
	s24 =	sld [smem:$0x3FFE];
	[sflag:s23] =	ssyncadd.s32 $0xFFFFFFFF  }
0xa5: {  	s26 =	simm.s32 $execute0_lowered;
	[smem:$0x3FD2] =	sst s25  }
0xa6: {  	s5 =	sshll.u32 s26, $0x1;
	_ =	strace $0x80000046;
	[dreg:$0x1] =	wrdreg $0xFFFFFFFF  }
0xa7: {  	s28 =	simm.s32 $_size_execute0_lowered;
	s3 =	sadd.s32 s3, s5;
	[dreg:$0x0] =	wrdreg $0x0  }
0xa8: {  	s5 =	sshll.u32 s28, $0x1;
	[dreg:$0x2] =	wrdreg s3  }
0xa9: {  	[dreg:$0x3] =	wrdreg s5  }
0xaa: {  	[dreg:$0x4] =	wrdreg $0xC0  }
0xab: {  	_ =	task [dreg:s7], $0x5FFFF  }
0xac: {  	[dreg:$0x1] =	wrdreg $0xFFFFFFFF  }
0xad: {  	[dreg:$0x0] =	wrdreg $0x60  }
0xae: {  	[dreg:$0x2] =	wrdreg s2  }
0xaf: {  	[dreg:$0x3] =	wrdreg s24  }
0xb0: {  	[dreg:$0x4] =	wrdreg $0x9A900  }
0xb1: {  	[dreg:$0x5] =	wrdreg $0x9  }
0xb2: {  	_ =	task.clear_ibuf [dreg:s7], $0x6FFFF;
	_ =	strace $0x90000046  }
0xb3: {  	s29 =	simm.s32 $0x9;
	_ =	strace $0x80000048  }
0xb4: {  	_ =	swait.ge [sflag:s29], $0x1  }
0xb5: {  	[sflag:s29] =	ssyncadd.s32 $0xFFFFFFFF  }
0xb6: {  	_ =	strace $0x90000048  }
0xb7: {  	_ =	sfence  }
0xb8: {  	s30 =	sld [smem:$0x0];
	_ =	sdelay $0x2  }
0xb9: {  	s31 =	sshll.u32 s1, $0xD;
	s1 =	sshrl.u32 s1, $0x2  }
0xba: {  	s3 =	sand.u32 $0x4000, s31;
	s1 =	sadd.s32 s1, s30  }
0xbb: {  	s0 =	sor.u32 s3, s0;
	s1 =	sshll.u32 s1, $0x11  }
0xbc: {  	s0 =	sor.u32 s1, s0  }
0xbd: {  	s0 =	sadd.s32 $0x8F2B, s0  }
0xbe: {  	[sflag:s0] =	ssyncadd.remote.s32 $0x1  }
0xbf: {  	_ =	sfence.sel $0xFFFF  }
0xc0: {  	[dreg:$0x0] =	wrdreg $0xFFFFFFFF;
	(pc) =	sbr.abs _section_cstart, $3  }
0xc1: {  	[dreg:$0x1] =	wrdreg $0xFFFFFFFF  }
0xc2: {  	_ =	task.clear_ibuf [dreg:s7], $0x2FFFF;
	_ =	strace $0x9FFFFFFF  }
0xc3: {  	(tm) =	ssettm $0x7FFFFFFF  }
tec
execute0_lowered:
.L_overlay_start_1:
0x0: {  	(tag) =	ssettag $0x1  }
0x1: {  	s1 =	rddreg [dreg:$0x0]  }
0x2: {  	s0 =	rddreg [dreg:$0x1]  }
0x3: {  	s3 =	rddreg [dreg:$0x2]  }
0x4: {  	s2 =	srdreg.scid;
	s9 =	stileid.u32;
	s5 =	simm.s32 $0x0  }
0x5: {  	s18 =	simm.s32 $0x9;
	s19 =	simm.s32 $0x40;
	s17 =	simm.s32 $0x290  }
0x6: {  	s28 =	simm.s32 $0x2;
	s29 =	simm.s32 $0x1C0;
	s30 =	simm.s32 $0x690  }
0x7: {  	s31 =	simm.s32 $0x140;
	s13 =	simm.s32 $0x0;
	s2 =	sand.u32 $0x1, s2  }
0x8: {  	s4 =	smul.u32 $0x15F90, s9;
	[smem:$0x7FF] =	sst s5;
	s5 =	sadd.s32 $0xA1E00, s0  }
0x9: {  	s6 =	sadd.s32 $0x75E00, s0;
	s8 =	sadd.s32 $0xA6E00, s0;
	s22 =	sshll.u32 s9, $0x6  }
0xa: {  	s7 =	smul.u32 $0x15F900, s2;
	_ =	strace $0x80000047;
	[dreg:$0x4] =	wrdreg s8  }
0xb: {  	s20 =	ssub.s32 $0x2, s2;
	s2 =	sshll.u32 s2, $0x4;
	s10 =	sor.u32 $0x1C09, s22  }
0xc: {  	s22 =	simm.s32 $0x5;
	s21 =	sshrl.u32 s20, $0x1;
	s2 =	sor.u32 s9, s2  }
0xd: {  	[dreg:$0x5] =	wrdreg s10;
	s7 =	sadd.s32 s4, s7;
	s4 =	sadd.s32 s4, s3  }
0xe: {  	s23 =	sshll.u32 s2, $0x3;
	s24 =	sshll.u32 s2, $0x6;
	s2 =	sshll.u32 s2, $0x1  }
0xf: {  	s7 =	sshrl.u32 s7, $0x3;
	s8 =	sadd.s32 s1, s23;
	s11 =	sor.u32 $0x1000, s24  }
0x10: {  	s2 =	sadd.s32 s2, s1;
	s12 =	sor.u32 $0x1800, s24;
	s9 =	sshrl.u32 s4, $0x3  }
0x11: {  	s24 =	simm.s32 $0xA90;
	s4 =	simm.s32 $0x5290;
	[dreg:$0x6] =	wrdreg s8  }
0x12: {  	s23 =	simm.s32 $0x6;
	s8 =	sadd.s32 $0x100, s8;
	[dreg:$0xc] =	wrdreg s9  }
0x13: {  	s0 =	sadd.s32 s7, s0;
	s25 =	sadd.s32 $0x9C00, s2;
	[dreg:$0x7] =	wrdreg s8  }
0x14: {  	s7 =	ssub.s32 s20, s21;
	s2 =	sadd.s32 $0x13840, s2;
	[dreg:$0x8] =	wrdreg s25  }
0x15: {  	s21 =	simm.s32 $0x100;
	s20 =	simm.s32 $0x4;
	[dreg:$0x9] =	wrdreg s2  }
0x16: {  	v63 =	vimm.s32 $0x0;
	s0 =	sadd.s32 $0xA9A00, s0;
	s26 =	smax.u32 s7, $0x1;
	s2 =	simm.s32 $0x3  }
0x17: {  	v59 =	vimm.s32 $0x1;
	v6 =	vimm.s32 $0x2;
	v7 =	vimm.s32 $0x3;
	s25 =	simm.s32 $0x240;
	s7 =	simm.s32 $0x7690;
	[dreg:$0xa] =	wrdreg s0  }
0x18: {  	v61 =	vimm.s32 $0x4;
	v60 =	vimm.s32 $0x5;
	v62 =	vimm.s32 $0x7;
	[dreg:$0xb] =	wrdreg s26;
	s0 =	simm.s32 $0x2E90;
	s26 =	simm.s32 $0x200  }
.LBB2_1:
0x19: {  	[dreg:$0xd] =	wrdreg s13  }
0x1a: {  	s8 =	rddreg [dreg:$0x4]  }
0x1b: {  	[spmem:s9], [sflag:s10] =	dma.local [hbm:s8], $0x2BF2  }
0x1c: {  	_ =	swait.ge [sflag:s18], $0x2BF2  }
0x1d: {  	[sflag:s18] =	ssyncset.done $0x0  }
0x1e: {  	[sflag:s18] =	ssyncadd.s32 $0xFFFFD40E  }
0x1f: {  	s14 =	simm.s32 $0x4E200;
	[bflag:$0x0] =	sbarrier.arrive $0xFFFF  }
0x20: {  	s15 =	simm.s32 $0x1;
	s10 =	simm.s32 $0x0;
	s13 =	rddreg [dreg:$0x6]  }
0x21: {  	[tilespmem:s10], [sflag:$0x1] =	stream.strided.gather [hbm4b:s13+s19], $0x80, s14, s19, $0x38;
	[tilespmem:$0x1FA20] =	vst v63  }
0x22: {  	_ =	swait.ge [sflag:s15], $0x80  }
0x23: {  	[sflag:s15] =	ssyncset.done $0x0  }
0x24: {  	[sflag:s15] =	ssyncadd.s32 $0xFFFFFF80  }
0x25: {  	v8 =	vld [tilespmem:$0x0]  }
0x26: {  	v9 =	vld [tilespmem:$0x40]  }
0x27: {  	v10 =	vld [tilespmem:$0x10]  }
0x28: {  	v11 =	vld [tilespmem:$0x50]  }
0x29: {  	v12 =	vld [tilespmem:$0x20]  }
0x2a: {  	v57 =	vld [tilespmem:$0x30];
	[tilespmem:$0x100] =	vst v8  }
0x2b: {  	v58 =	vld [tilespmem:$0x70];
	[tilespmem:$0x180] =	vst v9  }
0x2c: {  	v8 =	vld [tilespmem:$0x60];
	[tilespmem:$0x110] =	vst v10  }
0x2d: {  	[tilespmem:$0x190] =	vst v11  }
0x2e: {  	[tilespmem:$0x120] =	vst v12  }
0x2f: {  	[tilespmem:$0x130] =	vst v57  }
0x30: {  	[tilespmem:$0x1B0] =	vst v58  }
0x31: {  	s16 =	simm.s32 $0x180;
	[tilespmem:$0x1A0] =	vst v8  }
0x32: {  	[tilespmem:s17], [sflag:$0x3] =	stream.indirect.gather [hbm4b:s5+s19], $0x10, s16, s19, $0xb8;
	[tilespmem:$0x1FA20] =	vst v63  }
0x33: {  	_ = 	snop  }
0x34: {  	[tilespmem:s24], [sflag:$0x5] =	stream.indirect.gather [hbm4b:s6+s19], $0x90, s21, s19, $0xb8;
	[tilespmem:$0x1FA20] =	vst v63  }
0x35: {  	s9 =	simm.s32 $0x0;
	s21 =	rddreg [dreg:$0x7];
	s24 =	simm.s32 $0x80  }
0x36: {  	[tilespmem:s24], [sflag:$0x2] =	stream.strided.gather [hbm4b:s21+s19], $0x80, s14, s19, $0x38;
	[tilespmem:$0x1FA20] =	vst v63  }
.LBB2_2:
0x37: {  	_ =	swait.ge [sflag:s28], $0x80  }
0x38: {  	[sflag:s28] =	ssyncset.done $0x0  }
0x39: {  	[sflag:s28] =	ssyncadd.s32 $0xFFFFFF80  }
0x3a: {  	v8 =	vld [tilespmem:$0x80]  }
0x3b: {  	v9 =	vld [tilespmem:$0xC0]  }
0x3c: {  	v10 =	vld [tilespmem:$0x90]  }
0x3d: {  	v11 =	vld [tilespmem:$0xD0]  }
0x3e: {  	v12 =	vld [tilespmem:$0xA0]  }
0x3f: {  	[tilespmem:$0x140] =	vst v8;
	v8 =	vld [tilespmem:$0xE0]  }
0x40: {  	[tilespmem:$0x1C0] =	vst v9;
	v9 =	vld [tilespmem:$0xB0]  }
0x41: {  	[tilespmem:$0x150] =	vst v10;
	v10 =	vld [tilespmem:$0xF0]  }
0x42: {  	[tilespmem:$0x1D0] =	vst v11  }
0x43: {  	[tilespmem:$0x160] =	vst v12  }
0x44: {  	[tilespmem:$0x1E0] =	vst v8  }
0x45: {  	s21 =	sshll.u32 s9, $0xC;
	p0 =	seq.s32 s9, $0x4D;
	[tilespmem:$0x170] =	vst v9  }
0x46: {  	s8 =	sadd.s32 @!p0 s11, s21;
	[tilespmem:$0x1F0] =	vst v10  }
0x47: {  	[tilespmem:s30], [sflag:$0x4] =	stream.indirect.gather [hbm4b:s5+s19], $0x10, s29, s19, $0xb8;
	[tilespmem:$0x1FA20] =	vst v63  }
0x48: {  	s10 =	simm.s32 @!p0 $0x40;
	s8 =	sshrl.u32 @!p0 s8, $0x3  }
0x49: {  	[tilespmem:s0], [sflag:$0x6] =	stream.indirect.gather [hbm4b:s6+s19], $0x90, s31, s19, $0xb8;
	[tilespmem:$0x1FA20] =	vst v63  }
0x4a: {  	s13 =	simm.s32 @!p0 $0x4E200;
	s14 =	simm.s32 @!p0 $0x0;
	s8 =	sadd.s32 @!p0 s1, s8  }
0x4b: {  	[tilespmem:s14], [sflag:$0x1] =	stream.strided.gather @!p0 [hbm4b:s8+s10], $0x80, s13, s10, $0x38;
	[tilespmem:$0x1FA20] =	vst v63  }
0x4c: {  	_ =	swait.ge [sflag:s2], $0x400  }
0x4d: {  	[sflag:s2] =	ssyncset.done $0x0  }
0x4e: {  	[sflag:s2] =	ssyncadd.s32 $0xFFFFFC00  }
0x4f: {  	_ =	swait.ge [sflag:s22], $0x2400  }
0x50: {  	p1 =	seq.s32 s9, $0x0;
	[sflag:s22] =	ssyncset.done $0x0  }
0x51: {  	s8 =	simm.s32 @!p1 $0x7;
	[sflag:s22] =	ssyncadd.s32 $0xFFFFDC00  }
0x52: {  	_ =	swait.ge @!p1 [sflag:s8], $0x2400  }
0x53: {  	[sflag:s8] =	ssyncset.done @!p1 $0x0  }
0x54: {  	s14 =	simm.s32 $0xCD0;
	[sflag:s8] =	ssyncadd.s32 @!p1 $0xFFFFDC00  }
0x55: {  	s16 =	simm.s32 $0x2D0;
	v8 =	vld [tilespmem:s14+$0x230]  }
0x56: {  	v9 =	vld [tilespmem:s16+$0x30];
	_ =	sdelay $0x1  }
0x57: {  	v10 =	vld [tilespmem:s16+$0xFFFFFFC0]  }
0x58: {  	v11 =	vld [tilespmem:s14+$0xFFFFFED0]  }
0x59: {  	v12 =	vld [tilespmem:s16+$0xFFFFFFD0]  }
0x5a: {  	v13 =	vld [tilespmem:s14+$0xFFFFFF60];
	v8 =	vadd.f32 v9, v8  }
0x5b: {  	v14 =	vld [tilespmem:s16+$0xFFFFFFE0]  }
0x5c: {  	v15 =	vld [tilespmem:s16+$0xFFFFFFF0];
	v16 =	vmul.f32 $2.000000030e-01, v8  }
0x5d: {  	v17 =	vld [tilespmem:s14+$0x80]  }
0x5e: {  	v9 =	vld [tilespmem:s14+$0xFFFFFFF0];
	v8 =	vmax.f32 v8, v16  }
0x5f: {  	v18 =	vld [tilespmem:s16+$0x0];
	v8 =	vmul.f32 $1.442695020e+00, v8  }
0x60: {  	v19 =	vld [tilespmem:s14+$0x1A0];
	v11 =	vadd.f32 v12, v11  }
0x61: {  	v12 =	vld [tilespmem:s14+$0x110];
	v13 =	vadd.f32 v14, v13;
	(erf) = vpow2.f32 v8  }
0x62: {  	v14 =	vld [tilespmem:s16+$0x10];
	v16 =	vmul.f32 $2.000000030e-01, v11  }
0x63: {  	v9 =	vadd.f32 v15, v9;
	v15 =	vld [tilespmem:s16+$0x20];
	v8 =	vmul.f32 $2.000000030e-01, v13  }
0x64: {  	v11 =	vmax.f32 v11, v16;
	v16 =	vld [tilespmem:s14+$0xFFFFFE40]  }
0x65: {  	v11 =	vmul.f32 $1.442695020e+00, v11;
	v8 =	vmax.f32 v13, v8  }
0x66: {  	v17 =	vadd.f32 v18, v17;
	v13 =	vmul.f32 $2.000000030e-01, v9;
	v8 =	vmul.f32 $1.442695020e+00, v8  }
0x67: {  	v12 =	vadd.f32 v14, v12;
	(erf) = vpow2.f32 v11  }
0x68: {  	v11 =	vadd.f32 v15, v19;
	v9 =	vmax.f32 v9, v13;
	v13 =	vmul.f32 $2.000000030e-01, v17  }
0x69: {  	v14 =	vmul.f32 $2.000000030e-01, v12;
	v10 =	vadd.f32 v10, v16;
	v9 =	vmul.f32 $1.442695020e+00, v9  }
0x6a: {  	s24 =	simm.s32 $0x54D0;
	v15 =	vmul.f32 $2.000000030e-01, v11;
	(erf) = vpow2.f32 v8;
	v13 =	vmax.f32 v17, v13;
	v8 =	vpop (erf)  }
0x6b: {  	v12 =	vmax.f32 v12, v14;
	v14 =	vmul.f32 $2.000000030e-01, v10;
	v13 =	vmul.f32 $1.442695020e+00, v13;
	[tilespmem:s24+$0x230] =	vst v8  }
0x6c: {  	s10 =	simm.s32 $0x1150;
	v11 =	vmax.f32 v11, v15;
	(erf) = vpow2.f32 v9;
	v9 =	vmul.f32 $1.442695020e+00, v12;
	v12 =	vld [tilespmem:s14+$0x1B0]  }
0x6d: {  	s17 =	simm.s32 $0x350;
	v27 =	vld [tilespmem:s10+$0xFFFFFED0];
	v10 =	vmax.f32 v10, v14;
	v11 =	vmul.f32 $1.442695020e+00, v11;
	(erf) = vpow2.f32 v13  }
0x6e: {  	v30 =	vld [tilespmem:s17+$0xFFFFFFD0];
	(erf) = vpow2.f32 v9;
	v9 =	vmul.f32 $1.442695020e+00, v10  }
0x6f: {  	v33 =	vld [tilespmem:s10+$0xFFFFFF60];
	(erf) = vpow2.f32 v11;
	v11 =	vperm.xlane v8, v63  }
0x70: {  	v36 =	vld [tilespmem:s17+$0xFFFFFFE0];
	(erf) = vpow2.f32 v9  }
0x71: {  	v38 =	vld [tilespmem:s10+$0xFFFFFFF0];
	v9 =	vmul.f32 v12, v11  }
0x72: {  	v40 =	vld [tilespmem:s17+$0xFFFFFFF0];
	v10 =	vpop (erf)  }
0x73: {  	v43 =	vld [tilespmem:s10+$0x110];
	[tilespmem:s24+$0xFFFFFED0] =	vst v10  }
0x74: {  	v15 =	vld [tilespmem:s14+$0xFFFFFE50];
	v12 =	vpop (erf);
	[tilespmem:s24+$0x1B0] =	vst v9  }
0x75: {  	[tilespmem:s24+$0xFFFFFF60] =	vst v12;
	v16 =	vld [tilespmem:s14+$0x1C0];
	v9 =	vpop (erf)  }
0x76: {  	v17 =	vld [tilespmem:s14+$0xFFFFFEE0];
	[tilespmem:s24+$0xFFFFFFF0] =	vst v9;
	v13 =	vpop (erf)  }
0x77: {  	v18 =	vperm.xlane v10, v63;
	v19 =	vld [tilespmem:s14+$0xFFFFFF70];
	[tilespmem:s24+$0x80] =	vst v13;
	v14 =	vpop (erf)  }
0x78: {  	v21 =	vperm.xlane v8, v59;
	v20 =	vld [tilespmem:s14+$0x0];
	[tilespmem:s24+$0x110] =	vst v14;
	v11 =	vpop (erf)  }
0x79: {  	v22 =	vperm.xlane v12, v63;
	v18 =	vmul.f32 v15, v18;
	v23 =	vld [tilespmem:s14+$0x90];
	[tilespmem:s24+$0x1A0] =	vst v11;
	v15 =	vpop (erf)  }
0x7a: {  	v24 =	vperm.xlane v9, v63;
	v16 =	vmul.f32 v16, v21;
	[tilespmem:s24+$0xFFFFFE40] =	vst v15;
	v25 =	vld [tilespmem:s14+$0x120]  }
0x7b: {  	[tilespmem:s24+$0xFFFFFE50] =	vst v18;
	v17 =	vmul.f32 v17, v22;
	v21 =	vperm.xlane v13, v63;
	v22 =	vld [tilespmem:s14+$0xFFFFFDC0]  }
0x7c: {  	v18 =	vperm.xlane v14, v63;
	[tilespmem:s24+$0x1C0] =	vst v16;
	v19 =	vmul.f32 v19, v24;
	v24 =	vld [tilespmem:s14+$0xFFFFFE60]  }
0x7d: {  	[tilespmem:s24+$0xFFFFFEE0] =	vst v17;
	v16 =	vperm.xlane v11, v63;
	v17 =	vld [tilespmem:s14+$0x1D0];
	v20 =	vmul.f32 v20, v21  }
0x7e: {  	v21 =	vperm.xlane v15, v63;
	v18 =	vmul.f32 v23, v18;
	v23 =	vld [tilespmem:s14+$0xFFFFFEF0];
	[tilespmem:s24+$0xFFFFFF70] =	vst v19  }
0x7f: {  	v19 =	vperm.xlane v10, v59;
	v26 =	vld [tilespmem:s14+$0xFFFFFF80];
	[tilespmem:s24+$0x0] =	vst v20;
	v16 =	vmul.f32 v25, v16  }
0x80: {  	v20 =	vmul.f32 v22, v21;
	v21 =	vld [tilespmem:s14+$0x10];
	[tilespmem:s24+$0x90] =	vst v18;
	v18 =	vperm.xlane v8, v6  }
0x81: {  	v22 =	vperm.xlane v12, v59;
	v19 =	vmul.f32 v24, v19;
	v24 =	vld [tilespmem:s14+$0xA0];
	[tilespmem:s24+$0x120] =	vst v16  }
0x82: {  	v16 =	vperm.xlane v9, v59;
	[tilespmem:s24+$0xFFFFFDC0] =	vst v20;
	v20 =	vld [tilespmem:s14+$0x130];
	v17 =	vmul.f32 v17, v18  }
0x83: {  	v18 =	vperm.xlane v13, v59;
	v25 =	vld [tilespmem:s14+$0xFFFFFDD0];
	[tilespmem:s24+$0xFFFFFE60] =	vst v19;
	v19 =	vmul.f32 v23, v22  }
0x84: {  	v22 =	vperm.xlane v14, v59;
	v23 =	vld [tilespmem:s14+$0xFFFFFE70];
	v16 =	vmul.f32 v26, v16;
	[tilespmem:s24+$0x1D0] =	vst v17  }
0x85: {  	v17 =	vperm.xlane v11, v59;
	[tilespmem:s24+$0xFFFFFEF0] =	vst v19;
	v18 =	vmul.f32 v21, v18;
	v19 =	vld [tilespmem:s14+$0x1E0]  }
0x86: {  	v21 =	vperm.xlane v15, v59;
	v26 =	vld [tilespmem:s14+$0xFFFFFF00];
	[tilespmem:s24+$0xFFFFFF80] =	vst v16;
	v16 =	vmul.f32 v24, v22  }
0x87: {  	v22 =	vperm.xlane v10, v6;
	v24 =	vld [tilespmem:s14+$0xFFFFFF90];
	[tilespmem:s24+$0x10] =	vst v18;
	v17 =	vmul.f32 v20, v17  }
0x88: {  	v18 =	vmul.f32 v25, v21;
	v20 =	vld [tilespmem:s14+$0x20];
	[tilespmem:s24+$0xA0] =	vst v16;
	v16 =	vperm.xlane v8, v7  }
0x89: {  	v21 =	vperm.xlane v12, v6;
	v22 =	vmul.f32 v23, v22;
	v23 =	vld [tilespmem:s14+$0xB0];
	[tilespmem:s24+$0x130] =	vst v17  }
0x8a: {  	v17 =	vperm.xlane v9, v6;
	[tilespmem:s24+$0xFFFFFDD0] =	vst v18;
	v18 =	vld [tilespmem:s14+$0x140];
	v16 =	vmul.f32 v19, v16  }
0x8b: {  	v19 =	vperm.xlane v13, v6;
	v25 =	vld [tilespmem:s14+$0xFFFFFDE0];
	[tilespmem:s24+$0xFFFFFE70] =	vst v22;
	v21 =	vmul.f32 v26, v21  }
0x8c: {  	v22 =	vperm.xlane v14, v6;
	v26 =	vld [tilespmem:s14+$0xFFFFFE80];
	v17 =	vmul.f32 v24, v17;
	[tilespmem:s24+$0x1E0] =	vst v16  }
0x8d: {  	v16 =	vperm.xlane v11, v6;
	[tilespmem:s24+$0xFFFFFF00] =	vst v21;
	v19 =	vmul.f32 v20, v19;
	v20 =	vld [tilespmem:s14+$0x1F0]  }
0x8e: {  	v21 =	vperm.xlane v15, v6;
	v24 =	vld [tilespmem:s14+$0xFFFFFF10];
	[tilespmem:s24+$0xFFFFFF90] =	vst v17;
	v17 =	vmul.f32 v23, v22  }
0x8f: {  	v22 =	vperm.xlane v10, v7;
	v23 =	vld [tilespmem:s14+$0xFFFFFFA0];
	[tilespmem:s24+$0x20] =	vst v19;
	v16 =	vmul.f32 v18, v16  }
0x90: {  	v18 =	vmul.f32 v25, v21;
	v19 =	vld [tilespmem:s14+$0x30];
	[tilespmem:s24+$0xB0] =	vst v17;
	v17 =	vperm.xlane v8, v61  }
0x91: {  	v21 =	vperm.xlane v12, v7;
	v22 =	vmul.f32 v26, v22;
	v25 =	vld [tilespmem:s14+$0xC0];
	[tilespmem:s24+$0x140] =	vst v16  }
0x92: {  	v16 =	vperm.xlane v9, v7;
	[tilespmem:s24+$0xFFFFFDE0] =	vst v18;
	v18 =	vld [tilespmem:s14+$0x150];
	v17 =	vmul.f32 v20, v17  }
0x93: {  	v20 =	vperm.xlane v13, v7;
	v26 =	vld [tilespmem:s14+$0xFFFFFDF0];
	[tilespmem:s24+$0xFFFFFE80] =	vst v22;
	v21 =	vmul.f32 v24, v21  }
0x94: {  	v22 =	vperm.xlane v14, v7;
	v24 =	vld [tilespmem:s14+$0xFFFFFE90];
	v16 =	vmul.f32 v23, v16;
	[tilespmem:s24+$0x1F0] =	vst v17  }
0x95: {  	v17 =	vperm.xlane v11, v7;
	[tilespmem:s24+$0xFFFFFF10] =	vst v21;
	v19 =	vmul.f32 v19, v20;
	v20 =	vld [tilespmem:s14+$0x200]  }
0x96: {  	v21 =	vperm.xlane v15, v7;
	v23 =	vld [tilespmem:s14+$0xFFFFFF20];
	[tilespmem:s24+$0xFFFFFFA0] =	vst v16;
	v16 =	vmul.f32 v25, v22  }
0x97: {  	v22 =	vperm.xlane v10, v61;
	v25 =	vld [tilespmem:s14+$0xFFFFFFB0];
	[tilespmem:s24+$0x30] =	vst v19;
	v17 =	vmul.f32 v18, v17  }
0x98: {  	v18 =	vmul.f32 v26, v21;
	v19 =	vld [tilespmem:s14+$0x40];
	[tilespmem:s24+$0xC0] =	vst v16;
	v16 =	vperm.xlane v8, v60  }
0x99: {  	v21 =	vperm.xlane v12, v61;
	v22 =	vmul.f32 v24, v22;
	v24 =	vld [tilespmem:s14+$0xD0];
	[tilespmem:s24+$0x150] =	vst v17  }
0x9a: {  	v44 =	vadd.f32 v40, v38;
	v17 =	vperm.xlane v9, v61;
	[tilespmem:s24+$0xFFFFFDF0] =	vst v18;
	v18 =	vld [tilespmem:s14+$0x160];
	v16 =	vmul.f32 v20, v16  }
0x9b: {  	v20 =	vperm.xlane v13, v61;
	v26 =	vld [tilespmem:s14+$0xFFFFFE00];
	[tilespmem:s24+$0xFFFFFE90] =	vst v22;
	v21 =	vmul.f32 v23, v21  }
0x9c: {  	v47 =	vmul.f32 $2.000000030e-01, v44;
	v22 =	vperm.xlane v14, v61;
	v23 =	vld [tilespmem:s14+$0xFFFFFEA0];
	[tilespmem:s24+$0x200] =	vst v16  }
0x9d: {  	v17 =	vmul.f32 v25, v17;
	[tilespmem:s24+$0xFFFFFF20] =	vst v21;
	v19 =	vmul.f32 v19, v20;
	v20 =	vld [tilespmem:s14+$0x210]  }
0x9e: {  	v0 =	vimm.s32 $0x6;
	v16 =	vperm.xlane v11, v61;
	v21 =	vperm.xlane v15, v61;
	v25 =	vld [tilespmem:s14+$0xFFFFFF30]  }
0x9f: {  	v39 =	vperm.xlane v8, v0;
	[tilespmem:s24+$0xFFFFFFB0] =	vst v17;
	v17 =	vmul.f32 v24, v22;
	v24 =	vld [tilespmem:s17+$0x30]  }
0xa0: {  	v16 =	vmul.f32 v18, v16;
	v18 =	vmul.f32 v26, v21;
	v21 =	vld [tilespmem:s10+$0x230]  }
0xa1: {  	v29 =	vperm.xlane v10, v60;
	v42 =	vperm.xlane v10, v0;
	v22 =	vld [tilespmem:s14+$0xFFFFFFC0]  }
0xa2: {  	v45 =	vld [tilespmem:s10+$0x1A0];
	v31 =	vperm.xlane v12, v60;
	v32 =	vperm.xlane v9, v60;
	[tilespmem:s24+$0x40] =	vst v19  }
0xa3: {  	v34 =	vperm.xlane v13, v60;
	v35 =	vperm.xlane v14, v60;
	v19 =	vld [tilespmem:s14+$0x50];
	[tilespmem:s24+$0xD0] =	vst v17  }
0xa4: {  	v28 =	vperm.xlane v15, v60;
	v37 =	vperm.xlane v15, v0;
	v17 =	vld [tilespmem:s14+$0xE0]  }
0xa5: {  	[tilespmem:s24+$0x160] =	vst v16;
	v23 =	vmul.f32 v23, v29;
	v29 =	vld [tilespmem:s10+$0x80];
	v20 =	vmul.f32 v20, v39;
	v21 =	vadd.f32 v24, v21  }
0xa6: {  	v16 =	vld [tilespmem:s14+$0x170];
	v25 =	vmul.f32 v25, v31;
	v22 =	vmul.f32 v22, v32  }
0xa7: {  	[tilespmem:s24+$0xFFFFFE00] =	vst v18;
	v31 =	vld [tilespmem:s17+$0x0];
	v24 =	vperm.xlane v11, v60;
	v41 =	vmul.f32 $2.000000030e-01, v21  }
0xa8: {  	v18 =	vld [tilespmem:s14+$0xFFFFFE10];
	[tilespmem:s24+$0xFFFFFEA0] =	vst v23;
	v34 =	vmul.f32 v19, v34;
	v19 =	vadd.f32 v30, v27;
	v27 =	vadd.f32 v36, v33  }
0xa9: {  	[tilespmem:s24+$0x210] =	vst v20;
	v20 =	vld [tilespmem:s14+$0xFFFFFEB0];
	v33 =	vperm.xlane v9, v0;
	v17 =	vmul.f32 v17, v35;
	v21 =	vmax.f32 v21, v41  }
0xaa: {  	v46 =	vld [tilespmem:s17+$0x20];
	v35 =	vperm.xlane v13, v0;
	v21 =	vmul.f32 $1.442695020e+00, v21  }
0xab: {  	v30 =	vld [tilespmem:s17+$0x10];
	v36 =	vmul.f32 $2.000000030e-01, v27;
	v16 =	vmul.f32 v16, v24  }
0xac: {  	v26 =	vld [tilespmem:s17+$0xFFFFFFC0];
	v29 =	vadd.f32 v31, v29;
	(erf) = vpow2.f32 v21;
	v21 =	vmul.f32 $2.000000030e-01, v19  }
0xad: {  	v24 =	vld [tilespmem:s10+$0xFFFFFE40];
	[tilespmem:s24+$0x50] =	vst v34;
	v34 =	vperm.xlane v12, v0;
	v18 =	vmul.f32 v18, v28  }
0xae: {  	[tilespmem:s24+$0xE0] =	vst v17;
	v17 =	vmul.f32 v20, v42;
	v28 =	vmul.f32 $2.000000030e-01, v29;
	v19 =	vmax.f32 v19, v21  }
0xaf: {  	v21 =	vmax.f32 v27, v36;
	v27 =	vmax.f32 v44, v47;
	v19 =	vmul.f32 $1.442695020e+00, v19  }
0xb0: {  	v48 =	vld [tilespmem:s14+$0x220];
	[tilespmem:s24+$0xFFFFFE10] =	vst v18;
	v18 =	vmul.f32 $1.442695020e+00, v21;
	v21 =	vadd.f32 v30, v43;
	v27 =	vmul.f32 $1.442695020e+00, v27  }
0xb1: {  	[tilespmem:s24+$0xFFFFFF30] =	vst v25;
	v30 =	vld [tilespmem:s14+$0xFFFFFE20];
	(erf) = vpow2.f32 v19;
	v19 =	vmax.f32 v29, v28;
	v28 =	vadd.f32 v46, v45  }
0xb2: {  	v32 =	vld [tilespmem:s14+$0xFFFFFF40];
	v24 =	vadd.f32 v26, v24;
	v23 =	vmul.f32 $2.000000030e-01, v21;
	v26 =	vmul.f32 $1.442695020e+00, v19  }
0xb3: {  	v29 =	vld [tilespmem:s14+$0xF0];
	(erf) = vpow2.f32 v18;
	v18 =	vmul.f32 $2.000000030e-01, v28  }
0xb4: {  	[tilespmem:s24+$0xFFFFFFC0] =	vst v22;
	v21 =	vmax.f32 v21, v23;
	(erf) = vpow2.f32 v27;
	v23 =	vmul.f32 $2.000000030e-01, v24;
	v27 =	vld [tilespmem:s14+$0x60]  }
0xb5: {  	s13 =	simm.s32 $0x5950;
	[tilespmem:s24+$0x170] =	vst v16;
	v21 =	vmul.f32 $1.442695020e+00, v21;
	(erf) = vpow2.f32 v26;
	v26 =	vld [tilespmem:s14+$0xFFFFFFD0];
	v19 =	vpop (erf)  }
0xb6: {  	v36 =	vperm.xlane v14, v0;
	v22 =	vmul.f32 v30, v37;
	v18 =	vmax.f32 v28, v18;
	v28 =	vld [tilespmem:s14+$0x180];
	[tilespmem:s13+$0x230] =	vst v19  }
0xb7: {  	s15 =	simm.s32 $0x15D0;
	v23 =	vmax.f32 v24, v23;
	v18 =	vmul.f32 $1.442695020e+00, v18;
	(erf) = vpow2.f32 v21;
	v24 =	vld [tilespmem:s10+$0x1B0]  }
0xb8: {  	v21 =	vmul.f32 $1.442695020e+00, v23;
	[tilespmem:s24+$0xFFFFFE20] =	vst v22;
	v29 =	vmul.f32 v29, v36;
	v36 =	vld [tilespmem:s15+$0xFFFFFF60]  }
0xb9: {  	s17 =	simm.s32 $0x3D0;
	v22 =	vperm.xlane v15, v62;
	v20 =	vld [tilespmem:s14+$0xFFFFFE30];
	(erf) = vpow2.f32 v18  }
0xba: {  	[tilespmem:s24+$0xFFFFFEB0] =	vst v17;
	v18 =	vperm.xlane v19, v63;
	v27 =	vmul.f32 v27, v35;
	v35 =	vld [tilespmem:s17+$0xFFFFFFD0]  }
0xbb: {  	(erf) = vpow2.f32 v21;
	v21 =	vld [tilespmem:s14+$0xFFFFFEC0];
	v26 =	vmul.f32 v26, v33;
	v16 =	vpop (erf)  }
0xbc: {  	v33 =	vld [tilespmem:s15+$0xFFFFFED0];
	[tilespmem:s13+$0xFFFFFED0] =	vst v16;
	v30 =	vpop (erf);
	v17 =	vmul.f32 v24, v18;
	v24 =	vperm.xlane v8, v62  }
0xbd: {  	v23 =	vperm.xlane v12, v62;
	v15 =	vld [tilespmem:s10+$0xFFFFFE50];
	[tilespmem:s13+$0xFFFFFF60] =	vst v30;
	v12 =	vpop (erf);
	v8 =	vperm.xlane v9, v62  }
0xbe: {  	v9 =	vperm.xlane v13, v62;
	v13 =	vld [tilespmem:s10+$0xFFFFFEE0];
	[tilespmem:s13+$0xFFFFFFF0] =	vst v12;
	v37 =	vmul.f32 v48, v24  }
0xbf: {  	v25 =	vperm.xlane v10, v62;
	[tilespmem:s13+$0x1B0] =	vst v17;
	v50 =	vld [tilespmem:s10+$0xFFFFFF70]  }
0xc0: {  	v10 =	vperm.xlane v14, v62;
	v14 =	vperm.xlane v16, v63;
	v49 =	vld [tilespmem:s10+$0x1C0];
	v17 =	vpop (erf);
	[tilespmem:s24+$0x220] =	vst v37  }
0xc1: {  	v31 =	vperm.xlane v11, v0;
	v11 =	vperm.xlane v11, v62;
	v33 =	vadd.f32 v35, v33;
	v35 =	vld [tilespmem:s15+$0x110];
	[tilespmem:s13+$0x80] =	vst v17;
	v18 =	vpop (erf)  }
0xc2: {  	v53 =	vperm.xlane v30, v63;
	v15 =	vmul.f32 v15, v14;
	v51 =	vld [tilespmem:s10+$0x0];
	[tilespmem:s13+$0x110] =	vst v18;
	v24 =	vpop (erf)  }
0xc3: {  	v52 =	vperm.xlane v19, v59;
	v28 =	vmul.f32 v28, v31;
	v43 =	vld [tilespmem:s10+$0x90];
	[tilespmem:s13+$0x1A0] =	vst v24  }
0xc4: {  	v44 =	vperm.xlane v12, v63;
	v13 =	vmul.f32 v13, v53;
	v14 =	vpop (erf);
	[tilespmem:s13+$0xFFFFFE50] =	vst v15;
	v45 =	vld [tilespmem:s10+$0x120]  }
0xc5: {  	v54 =	vperm.xlane v17, v63;
	[tilespmem:s13+$0xFFFFFE40] =	vst v14;
	v39 =	vmul.f32 v49, v52;
	v56 =	vld [tilespmem:s10+$0xFFFFFE60]  }
0xc6: {  	v15 =	vperm.xlane v18, v63;
	v40 =	vmul.f32 v50, v44;
	[tilespmem:s13+$0xFFFFFEE0] =	vst v13;
	v55 =	vld [tilespmem:s10+$0xFFFFFDC0]  }
0xc7: {  	v57 =	vperm.xlane v24, v63;
	v1 =	vld [tilespmem:s10+$0xFFFFFEF0];
	[tilespmem:s13+$0x1C0] =	vst v39;
	v38 =	vmul.f32 v51, v54  }
0xc8: {  	v2 =	vperm.xlane v16, v59;
	[tilespmem:s13+$0xFFFFFF70] =	vst v40;
	v13 =	vld [tilespmem:s10+$0x1D0];
	v15 =	vmul.f32 v43, v15  }
0xc9: {  	v58 =	vperm.xlane v14, v63;
	v46 =	vld [tilespmem:s10+$0xFFFFFF80];
	[tilespmem:s13+$0x0] =	vst v38;
	v48 =	vmul.f32 v45, v57  }
0xca: {  	v51 =	vperm.xlane v30, v59;
	v40 =	vmul.f32 v56, v2;
	v50 =	vld [tilespmem:s10+$0x10];
	[tilespmem:s13+$0x90] =	vst v15  }
0xcb: {  	v49 =	vmul.f32 v55, v58;
	v15 =	vperm.xlane v19, v6;
	v52 =	vld [tilespmem:s10+$0xA0];
	[tilespmem:s13+$0x120] =	vst v48  }
0xcc: {  	v53 =	vperm.xlane v12, v59;
	v56 =	vmul.f32 v1, v51;
	[tilespmem:s13+$0xFFFFFE60] =	vst v40;
	v54 =	vld [tilespmem:s10+$0x130]  }
0xcd: {  	[tilespmem:s13+$0xFFFFFDC0] =	vst v49;
	v13 =	vmul.f32 v13, v15;
	v15 =	vperm.xlane v17, v59;
	v58 =	vld [tilespmem:s10+$0xFFFFFE70]  }
0xce: {  	v57 =	vperm.xlane v18, v59;
	v38 =	vmul.f32 v46, v53;
	[tilespmem:s13+$0xFFFFFEF0] =	vst v56;
	v55 =	vld [tilespmem:s10+$0xFFFFFDD0]  }
0xcf: {  	v37 =	vld [tilespmem:s17+$0x10];
	[tilespmem:s13+$0x1D0] =	vst v13;
	v13 =	vperm.xlane v24, v59;
	v15 =	vmul.f32 v50, v15  }
0xd0: {  	[tilespmem:s13+$0xFFFFFF80] =	vst v38;
	v1 =	vld [tilespmem:s10+$0x1E0];
	v50 =	vperm.xlane v16, v6;
	v49 =	vmul.f32 v52, v57  }
0xd1: {  	v2 =	vperm.xlane v14, v59;
	v48 =	vld [tilespmem:s10+$0xFFFFFF00];
	[tilespmem:s13+$0x10] =	vst v15;
	v13 =	vmul.f32 v54, v13  }
0xd2: {  	v20 =	vmul.f32 v20, v22;
	v51 =	vld [tilespmem:s10+$0xFFFFFF90];
	v42 =	vmul.f32 v58, v50;
	[tilespmem:s13+$0xA0] =	vst v49  }
0xd3: {  	v53 =	vperm.xlane v19, v7;
	v15 =	vmul.f32 v55, v2;
	v52 =	vld [tilespmem:s10+$0x20];
	[tilespmem:s13+$0x130] =	vst v13  }
0xd4: {  	v25 =	vmul.f32 v21, v25;
	v54 =	vperm.xlane v30, v6;
	v55 =	vld [tilespmem:s10+$0xB0];
	[tilespmem:s13+$0xFFFFFE70] =	vst v42  }
0xd5: {  	v13 =	vperm.xlane v12, v6;
	[tilespmem:s13+$0xFFFFFDD0] =	vst v15;
	v15 =	vld [tilespmem:s10+$0x140];
	v38 =	vmul.f32 v1, v53  }
0xd6: {  	v56 =	vperm.xlane v17, v6;
	v41 =	vmul.f32 v48, v54;
	v59 =	vld [tilespmem:s10+$0xFFFFFE80]  }
0xd7: {  	v58 =	vperm.xlane v18, v6;
	v57 =	vld [tilespmem:s10+$0xFFFFFDE0];
	v13 =	vmul.f32 v51, v13;
	[tilespmem:s13+$0x1E0] =	vst v38  }
0xd8: {  	v1 =	vperm.xlane v24, v6;
	[tilespmem:s13+$0xFFFFFF00] =	vst v41;
	v39 =	vmul.f32 v52, v56;
	v2 =	vld [tilespmem:s10+$0x1F0]  }
0xd9: {  	v50 =	vperm.xlane v16, v7;
	v49 =	vld [tilespmem:s10+$0xFFFFFF10];
	[tilespmem:s13+$0xFFFFFF90] =	vst v13;
	v13 =	vmul.f32 v55, v58  }
0xda: {  	v48 =	vperm.xlane v14, v6;
	v51 =	vld [tilespmem:s10+$0xFFFFFFA0];
	[tilespmem:s13+$0x20] =	vst v39;
	v15 =	vmul.f32 v15, v1  }
0xdb: {  	v42 =	vmul.f32 v59, v50;
	v39 =	vld [tilespmem:s10+$0x30];
	[tilespmem:s13+$0xB0] =	vst v13;
	v13 =	vperm.xlane v19, v61  }
0xdc: {  	v53 =	vperm.xlane v30, v7;
	v52 =	vmul.f32 v57, v48;
	v54 =	vld [tilespmem:s10+$0xC0];
	[tilespmem:s13+$0x140] =	vst v15  }
0xdd: {  	v15 =	vperm.xlane v12, v7;
	[tilespmem:s13+$0xFFFFFE80] =	vst v42;
	v55 =	vld [tilespmem:s10+$0x150];
	v13 =	vmul.f32 v2, v13  }
0xde: {  	v44 =	vmul.f32 v32, v34;
	v41 =	vmul.f32 v49, v53;
	[tilespmem:s13+$0xFFFFFDE0] =	vst v52;
	v59 =	vld [tilespmem:s10+$0xFFFFFE90]  }
0xdf: {  	v58 =	vperm.xlane v18, v7;
	v57 =	vld [tilespmem:s10+$0xFFFFFDF0];
	v15 =	vmul.f32 v51, v15;
	[tilespmem:s13+$0x1F0] =	vst v13  }
0xe0: {  	v56 =	vperm.xlane v17, v7;
	v49 =	vperm.xlane v16, v61;
	[tilespmem:s13+$0xFFFFFF10] =	vst v41;
	v1 =	vld [tilespmem:s10+$0x200]  }
0xe1: {  	v13 =	vperm.xlane v24, v7;
	v48 =	vld [tilespmem:s10+$0xFFFFFF20];
	[tilespmem:s13+$0xFFFFFFA0] =	vst v15;
	v15 =	vmul.f32 v54, v58  }
0xe2: {  	v2 =	vperm.xlane v14, v7;
	v39 =	vmul.f32 v39, v56;
	v50 =	vld [tilespmem:s10+$0xFFFFFFB0]  }
0xe3: {  	v31 =	vld [tilespmem:s15+$0xFFFFFFF0];
	v13 =	vmul.f32 v55, v13;
	[tilespmem:s13+$0xC0] =	vst v15;
	v15 =	vperm.xlane v19, v60  }
0xe4: {  	v52 =	vperm.xlane v30, v61;
	[tilespmem:s13+$0x30] =	vst v39;
	v42 =	vmul.f32 v59, v49;
	v53 =	vld [tilespmem:s10+$0xD0]  }
0xe5: {  	v22 =	vld [tilespmem:s15+$0xFFFFFE40];
	[tilespmem:s13+$0x150] =	vst v13;
	v13 =	vperm.xlane v12, v61;
	v15 =	vmul.f32 v1, v15  }
0xe6: {  	v51 =	vmul.f32 v57, v2;
	v39 =	vld [tilespmem:s10+$0x40];
	v57 =	vperm.xlane v18, v61;
	[tilespmem:s13+$0xFFFFFE90] =	vst v42  }
0xe7: {  	v35 =	vadd.f32 v37, v35;
	v41 =	vmul.f32 v48, v52;
	v52 =	vld [tilespmem:s15+$0x230];
	v13 =	vmul.f32 v50, v13;
	[tilespmem:s13+$0x200] =	vst v15  }
0xe8: {  	v32 =	vperm.xlane v12, v0;
	v34 =	vperm.xlane v17, v0;
	[tilespmem:s13+$0xFFFFFDF0] =	vst v51;
	v58 =	vld [tilespmem:s10+$0x210]  }
0xe9: {  	v37 =	vmul.f32 $2.000000030e-01, v35;
	v54 =	vld [tilespmem:s10+$0x160];
	[tilespmem:s13+$0xFFFFFFB0] =	vst v13;
	v13 =	vmul.f32 v53, v57  }
0xea: {  	v46 =	vperm.xlane v14, v60;
	v55 =	vperm.xlane v17, v61;
	v43 =	vld [tilespmem:s10+$0xFFFFFEA0];
	[tilespmem:s13+$0xFFFFFF20] =	vst v41  }
0xeb: {  	v40 =	vperm.xlane v30, v60;
	v56 =	vld [tilespmem:s10+$0xFFFFFE00];
	[tilespmem:s13+$0xD0] =	vst v13;
	v13 =	vperm.xlane v19, v0  }
0xec: {  	v59 =	vperm.xlane v14, v61;
	v45 =	vld [tilespmem:s10+$0xFFFFFF30];
	v39 =	vmul.f32 v39, v55  }
0xed: {  	v48 =	vperm.xlane v12, v60;
	v13 =	vmul.f32 v58, v13;
	v58 =	vld [tilespmem:s17+$0x30]  }
0xee: {  	v12 =	vperm.xlane v12, v62;
	v15 =	vperm.xlane v24, v61;
	v42 =	vld [tilespmem:s10+$0xFFFFFFC0];
	[tilespmem:s13+$0x40] =	vst v39  }
0xef: {  	v51 =	vperm.xlane v18, v60;
	v50 =	vperm.xlane v17, v60;
	v41 =	vld [tilespmem:s10+$0x50]  }
0xf0: {  	v15 =	vmul.f32 v54, v15;
	v1 =	vmul.f32 v56, v59;
	v59 =	vld [tilespmem:s17+$0xFFFFFFC0]  }
0xf1: {  	v53 =	vperm.xlane v24, v60;
	v57 =	vperm.xlane v30, v0;
	v47 =	vld [tilespmem:s10+$0xE0]  }
0xf2: {  	v54 =	vperm.xlane v14, v0;
	[tilespmem:s13+$0x160] =	vst v15;
	v40 =	vmul.f32 v45, v40;
	v45 =	vld [tilespmem:s17+$0xFFFFFFE0];
	v2 =	vadd.f32 v58, v52  }
0xf3: {  	v39 =	vperm.xlane v18, v0;
	v15 =	vperm.xlane v16, v60;
	[tilespmem:s13+$0xFFFFFE00] =	vst v1;
	v38 =	vld [tilespmem:s10+$0x170]  }
0xf4: {  	v56 =	vperm.xlane v16, v0;
	v49 =	vld [tilespmem:s10+$0xFFFFFE10];
	[tilespmem:s13+$0x210] =	vst v13;
	v52 =	vmul.f32 $2.000000030e-01, v2  }
0xf5: {  	v43 =	vmul.f32 v43, v15;
	v42 =	vmul.f32 v42, v48;
	v55 =	vld [tilespmem:s10+$0x220]  }
0xf6: {  	v15 =	vperm.xlane v14, v62;
	v47 =	vmul.f32 v47, v51;
	v51 =	vld [tilespmem:s15+$0x80];
	v48 =	vmax.f32 v2, v52  }
0xf7: {  	v14 =	vperm.xlane v16, v62;
	v58 =	vld [tilespmem:s17+$0xFFFFFFF0];
	v48 =	vmul.f32 $1.442695020e+00, v48  }
0xf8: {  	[tilespmem:s24+$0xF0] =	vst v29;
	v16 =	vperm.xlane v30, v62;
	v30 =	vmul.f32 v38, v53;
	v38 =	vld [tilespmem:s17+$0x0]  }
0xf9: {  	[tilespmem:s24+$0xFFFFFF40] =	vst v44;
	v19 =	vperm.xlane v19, v62;
	v36 =	vadd.f32 v45, v36;
	v45 =	vld [tilespmem:s15+$0x1A0];
	(erf) = vpow2.f32 v48  }
0xfa: {  	[tilespmem:s24+$0xFFFFFFD0] =	vst v26;
	v13 =	vperm.xlane v24, v0;
	v46 =	vmul.f32 v49, v46;
	v49 =	vld [tilespmem:s14+$0xFFFFFF50]  }
0xfb: {  	[tilespmem:s24+$0xFFFFFE30] =	vst v20;
	v53 =	vld [tilespmem:s17+$0x20];
	v19 =	vmul.f32 v55, v19;
	v2 =	vmul.f32 $2.000000030e-01, v33  }
0xfc: {  	[tilespmem:s13+$0xFFFFFF30] =	vst v40;
	v41 =	vmul.f32 v41, v50;
	v52 =	vmul.f32 $2.000000030e-01, v36;
	v31 =	vadd.f32 v58, v31  }
0xfd: {  	v38 =	vadd.f32 v38, v51;
	[tilespmem:s13+$0x220] =	vst v19;
	v19 =	vmax.f32 v35, v37;
	v21 =	vmax.f32 v33, v2  }
0xfe: {  	[tilespmem:s13+$0xFFFFFEA0] =	vst v43;
	v55 =	vmax.f32 v36, v52;
	v19 =	vmul.f32 $1.442695020e+00, v19;
	v21 =	vmul.f32 $1.442695020e+00, v21  }
0xff: {  	[tilespmem:s13+$0x170] =	vst v30;
	v30 =	vld [tilespmem:s10+$0xFFFFFEB0];
	v52 =	vadd.f32 v59, v22;
	v37 =	vmul.f32 v49, v23;
	v58 =	vmul.f32 $2.000000030e-01, v31  }
0x100: {  	s8 =	simm.s32 $0x5DD0;
	v20 =	vld [tilespmem:s14+$0xFFFFFFE0];
	[tilespmem:s13+$0x50] =	vst v41;
	v50 =	vmul.f32 $2.000000030e-01, v38;
	(erf) = vpow2.f32 v21;
	v21 =	vadd.f32 v53, v45  }
0x101: {  	[tilespmem:s13+$0xE0] =	vst v47;
	v40 =	vld [tilespmem:s10+$0x60];
	v2 =	vmul.f32 $1.442695020e+00, v55;
	v31 =	vmax.f32 v31, v58;
	v58 =	vmul.f32 $2.000000030e-01, v52  }
0x102: {  	[tilespmem:s24+$0x60] =	vst v27;
	v41 =	vld [tilespmem:s10+$0xF0];
	v33 =	vmax.f32 v38, v50;
	v31 =	vmul.f32 $1.442695020e+00, v31;
	v55 =	vmul.f32 $2.000000030e-01, v21;
	v22 =	vpop (erf)  }
0x103: {  	v29 =	vld [tilespmem:s10+$0x180];
	v26 =	vmul.f32 $1.442695020e+00, v33;
	(erf) = vpow2.f32 v2;
	[tilespmem:s8+$0x230] =	vst v22  }
0x104: {  	[tilespmem:s13+$0xFFFFFE10] =	vst v46;
	v36 =	vmul.f32 v30, v56;
	(erf) = vpow2.f32 v31;
	v21 =	vmax.f32 v21, v55;
	v27 =	vld [tilespmem:s15+$0x1B0]  }
0x105: {  	[tilespmem:s24+$0x180] =	vst v28;
	v51 =	vld [tilespmem:s10+$0xFFFFFE20];
	(erf) = vpow2.f32 v26;
	v26 =	vmax.f32 v52, v58;
	v21 =	vmul.f32 $1.442695020e+00, v21  }
0x106: {  	[tilespmem:s24+$0xFFFFFEC0] =	vst v25;
	v23 =	vld [tilespmem:s14+$0x100];
	(erf) = vpow2.f32 v19;
	v19 =	vmul.f32 $1.442695020e+00, v26  }
0x107: {  	[tilespmem:s13+$0xFFFFFFC0] =	vst v42;
	v53 =	vld [tilespmem:s10+$0xFFFFFF40];
	(erf) = vpow2.f32 v21;
	v28 =	vperm.xlane v22, v63  }
0x108: {  	[tilespmem:s24+$0xFFFFFF50] =	vst v37;
	v37 =	vld [tilespmem:s14+$0x190];
	(erf) = vpow2.f32 v19;
	v19 =	vperm.xlane v17, v62  }
0x109: {  	[tilespmem:s13+$0xFFFFFEB0] =	vst v36;
	v33 =	vld [tilespmem:s10+$0xFFFFFFD0];
	v17 =	vperm.xlane v24, v62;
	v25 =	vpop (erf);
	v24 =	vmul.f32 v27, v28  }
0x10a: {  	v18 =	vperm.xlane v18, v62;
	v40 =	vmul.f32 v40, v34;
	v36 =	vld [tilespmem:s10+$0xFFFFFEC0];
	[tilespmem:s8+$0xFFFFFED0] =	vst v25  }
0x10b: {  	v1 =	vimm.s32 $0x1;
	v39 =	vmul.f32 v41, v39;
	v26 =	vmul.f32 v51, v54;
	v62 =	vld [tilespmem:s15+$0xFFFFFE50]  }
0x10c: {  	v38 =	vmul.f32 v53, v57;
	v21 =	vld [tilespmem:s14+$0x70];
	v2 =	vperm.xlane v22, v1;
	v28 =	vpop (erf);
	[tilespmem:s8+$0x1B0] =	vst v24  }
0x10d: {  	v59 =	vperm.xlane v25, v63;
	v43 =	vperm.xlane v25, v1;
	[tilespmem:s8+$0xFFFFFF60] =	vst v28;
	v45 =	vld [tilespmem:s15+$0x1C0];
	v24 =	vpop (erf)  }
0x10e: {  	v44 =	vperm.xlane v25, v6;
	v46 =	vperm.xlane v28, v63;
	v48 =	vld [tilespmem:s15+$0xFFFFFEE0];
	[tilespmem:s8+$0xFFFFFFF0] =	vst v24;
	v27 =	vpop (erf)  }
0x10f: {  	v47 =	vperm.xlane v28, v1;
	v52 =	vperm.xlane v28, v6;
	v51 =	vld [tilespmem:s15+$0xFFFFFF70];
	[tilespmem:s8+$0x80] =	vst v27;
	v30 =	vpop (erf)  }
0x110: {  	v42 =	vmul.f32 v62, v59;
	v59 =	vperm.xlane v22, v7;
	v53 =	vld [tilespmem:s15+$0x0];
	[tilespmem:s8+$0x110] =	vst v30;
	v31 =	vpop (erf)  }
0x111: {  	v49 =	vperm.xlane v24, v63;
	v50 =	vperm.xlane v24, v1;
	v56 =	vld [tilespmem:s15+$0x90];
	[tilespmem:s8+$0x1A0] =	vst v31;
	v35 =	vpop (erf)  }
0x112: {  	v62 =	vperm.xlane v27, v63;
	v45 =	vmul.f32 v45, v2;
	[tilespmem:s8+$0xFFFFFE40] =	vst v35;
	v54 =	vld [tilespmem:s15+$0x120]  }
0x113: {  	[tilespmem:s8+$0xFFFFFE50] =	vst v42;
	v46 =	vmul.f32 v48, v46;
	v48 =	vperm.xlane v27, v1;
	v42 =	vld [tilespmem:s15+$0xFFFFFDC0]  }
0x114: {  	v2 =	vperm.xlane v30, v63;
	[tilespmem:s8+$0x1C0] =	vst v45;
	v45 =	vld [tilespmem:s15+$0xFFFFFE60];
	v49 =	vmul.f32 v51, v49  }
0x115: {  	[tilespmem:s8+$0xFFFFFEE0] =	vst v46;
	v46 =	vld [tilespmem:s15+$0x1D0];
	v53 =	vmul.f32 v53, v62;
	v62 =	vperm.xlane v31, v63  }
0x116: {  	v63 =	vperm.xlane v35, v63;
	v51 =	vmul.f32 v56, v2;
	[tilespmem:s8+$0xFFFFFF70] =	vst v49;
	v2 =	vld [tilespmem:s15+$0xFFFFFEF0]  }
0x117: {  	[tilespmem:s8+$0x0] =	vst v53;
	v53 =	vperm.xlane v30, v1;
	v54 =	vmul.f32 v54, v62;
	v57 =	vld [tilespmem:s15+$0xFFFFFF80]  }
0x118: {  	v62 =	vperm.xlane v22, v6;
	v42 =	vmul.f32 v42, v63;
	v56 =	vld [tilespmem:s15+$0x10];
	[tilespmem:s8+$0x90] =	vst v51  }
0x119: {  	v43 =	vmul.f32 v45, v43;
	v45 =	vperm.xlane v35, v1;
	[tilespmem:s8+$0x120] =	vst v54;
	v63 =	vld [tilespmem:s15+$0xA0]  }
0x11a: {  	v46 =	vmul.f32 v46, v62;
	[tilespmem:s8+$0xFFFFFDC0] =	vst v42;
	v42 =	vperm.xlane v31, v1;
	v1 =	vld [tilespmem:s15+$0x130]  }
0x11b: {  	v55 =	vperm.xlane v24, v6;
	[tilespmem:s8+$0xFFFFFE60] =	vst v43;
	v47 =	vmul.f32 v2, v47;
	v2 =	vld [tilespmem:s15+$0xFFFFFDD0]  }
0x11c: {  	v34 =	vperm.xlane v30, v0;
	[tilespmem:s8+$0x1D0] =	vst v46;
	v46 =	vld [tilespmem:s15+$0xFFFFFE70];
	v50 =	vmul.f32 v57, v50  }
0x11d: {  	v58 =	vperm.xlane v35, v61;
	v62 =	vld [tilespmem:s15+$0x1E0];
	[tilespmem:s8+$0xFFFFFEF0] =	vst v47;
	v48 =	vmul.f32 v56, v48  }
0x11e: {  	v43 =	vperm.xlane v35, v6;
	[tilespmem:s8+$0xFFFFFF80] =	vst v50;
	v53 =	vmul.f32 v63, v53;
	v63 =	vld [tilespmem:s15+$0xFFFFFF00]  }
0x11f: {  	v57 =	vperm.xlane v27, v6;
	[tilespmem:s8+$0x10] =	vst v48;
	v42 =	vmul.f32 v1, v42;
	v1 =	vld [tilespmem:s15+$0xFFFFFF90]  }
0x120: {  	v47 =	vperm.xlane v30, v6;
	v45 =	vmul.f32 v2, v45;
	v2 =	vld [tilespmem:s15+$0x20];
	[tilespmem:s8+$0xA0] =	vst v53  }
0x121: {  	v50 =	vperm.xlane v31, v6;
	v44 =	vmul.f32 v46, v44;
	[tilespmem:s8+$0x130] =	vst v42;
	v42 =	vld [tilespmem:s15+$0xB0]  }
0x122: {  	v48 =	vperm.xlane v35, v7;
	v53 =	vmul.f32 v62, v59;
	[tilespmem:s8+$0xFFFFFDD0] =	vst v45;
	v62 =	vld [tilespmem:s15+$0x140]  }
0x123: {  	v46 =	vperm.xlane v25, v7;
	[tilespmem:s8+$0xFFFFFE70] =	vst v44;
	v52 =	vmul.f32 v63, v52;
	v63 =	vld [tilespmem:s15+$0xFFFFFDE0]  }
0x124: {  	v45 =	vperm.xlane v28, v7;
	[tilespmem:s8+$0x1E0] =	vst v53;
	v51 =	vmul.f32 v1, v55;
	v1 =	vld [tilespmem:s15+$0xFFFFFE80]  }
0x125: {  	v44 =	vperm.xlane v24, v7;
	[tilespmem:s8+$0xFFFFFF00] =	vst v52;
	v49 =	vmul.f32 v2, v57;
	v2 =	vld [tilespmem:s15+$0x1F0]  }
0x126: {  	v53 =	vperm.xlane v25, v61;
	[tilespmem:s8+$0xFFFFFF90] =	vst v51;
	v42 =	vmul.f32 v42, v47;
	v47 =	vld [tilespmem:s15+$0xFFFFFF10]  }
0x127: {  	v55 =	vperm.xlane v27, v7;
	[tilespmem:s8+$0x20] =	vst v49;
	v59 =	vmul.f32 v62, v50;
	v50 =	vld [tilespmem:s15+$0xFFFFFFA0]  }
0x128: {  	v43 =	vmul.f32 v63, v43;
	v62 =	vld [tilespmem:s15+$0x30];
	[tilespmem:s8+$0xB0] =	vst v42;
	v63 =	vperm.xlane v22, v61  }
0x129: {  	v52 =	vperm.xlane v30, v7;
	v46 =	vmul.f32 v1, v46;
	[tilespmem:s8+$0x140] =	vst v59;
	v1 =	vld [tilespmem:s15+$0xC0]  }
0x12a: {  	v57 =	vperm.xlane v24, v61;
	[tilespmem:s8+$0xFFFFFDE0] =	vst v43;
	v42 =	vmul.f32 v2, v63;
	v2 =	vld [tilespmem:s15+$0x150]  }
0x12b: {  	v51 =	vperm.xlane v31, v7;
	[tilespmem:s8+$0xFFFFFE80] =	vst v46;
	v45 =	vmul.f32 v47, v45;
	v59 =	vld [tilespmem:s15+$0xFFFFFDF0]  }
0x12c: {  	v43 =	vperm.xlane v28, v61;
	v44 =	vmul.f32 v50, v44;
	[tilespmem:s8+$0x1F0] =	vst v42;
	v42 =	vld [tilespmem:s15+$0xFFFFFE90]  }
0x12d: {  	v47 =	vperm.xlane v27, v61;
	[tilespmem:s8+$0xFFFFFF10] =	vst v45;
	v62 =	vmul.f32 v62, v55;
	v63 =	vld [tilespmem:s15+$0x200]  }
0x12e: {  	v50 =	vperm.xlane v30, v61;
	[tilespmem:s8+$0xFFFFFFA0] =	vst v44;
	v49 =	vmul.f32 v1, v52;
	v1 =	vld [tilespmem:s15+$0xFFFFFF20]  }
0x12f: {  	v45 =	vperm.xlane v35, v60;
	[tilespmem:s8+$0x30] =	vst v62;
	v51 =	vmul.f32 v2, v51;
	v2 =	vld [tilespmem:s15+$0xFFFFFFB0]  }
0x130: {  	v44 =	vperm.xlane v31, v61;
	v46 =	vmul.f32 v59, v48;
	v56 =	vld [tilespmem:s15+$0x40];
	[tilespmem:s8+$0xC0] =	vst v49  }
0x131: {  	v61 =	vperm.xlane v22, v60;
	v42 =	vmul.f32 v42, v53;
	[tilespmem:s8+$0x150] =	vst v51;
	v62 =	vld [tilespmem:s15+$0xD0]  }
0x132: {  	v59 =	vperm.xlane v28, v60;
	v48 =	vperm.xlane v24, v60;
	[tilespmem:s8+$0xFFFFFDF0] =	vst v46;
	v54 =	vld [tilespmem:s15+$0x160]  }
0x133: {  	v49 =	vperm.xlane v30, v60;
	[tilespmem:s8+$0xFFFFFE90] =	vst v42;
	v42 =	vmul.f32 v1, v43;
	v1 =	vld [tilespmem:s15+$0xFFFFFE00]  }
0x134: {  	[tilespmem:s13+$0xFFFFFE20] =	vst v26;
	v63 =	vmul.f32 v63, v61;
	v55 =	vmul.f32 v2, v57;
	v2 =	vld [tilespmem:s15+$0xFFFFFEA0]  }
0x135: {  	[tilespmem:s13+$0xFFFFFF40] =	vst v38;
	v26 =	vld [tilespmem:s10+$0xFFFFFE30];
	v53 =	vperm.xlane v25, v60;
	v51 =	vmul.f32 v33, v32  }
0x136: {  	v38 =	vld [tilespmem:s10+$0xFFFFFF50];
	v32 =	vperm.xlane v24, v0;
	v46 =	vperm.xlane v27, v60;
	[tilespmem:s8+$0x200] =	vst v63  }
0x137: {  	v56 =	vmul.f32 v56, v47;
	v47 =	vperm.xlane v31, v60;
	v60 =	vld [tilespmem:s15+$0x210];
	[tilespmem:s8+$0xFFFFFF20] =	vst v42  }
0x138: {  	v50 =	vmul.f32 v62, v50;
	[tilespmem:s8+$0xFFFFFFB0] =	vst v55;
	v58 =	vmul.f32 v1, v58;
	v1 =	vld [tilespmem:s15+$0xFFFFFF30]  }
0x139: {  	v61 =	vmul.f32 v54, v44;
	[tilespmem:s8+$0x40] =	vst v56;
	v2 =	vmul.f32 v2, v53;
	v53 =	vld [tilespmem:s15+$0xFFFFFFC0]  }
0x13a: {  	v33 =	vperm.xlane v27, v0;
	v57 =	vperm.xlane v22, v0;
	[tilespmem:s8+$0xD0] =	vst v50;
	v54 =	vld [tilespmem:s15+$0x50]  }
0x13b: {  	v43 =	vperm.xlane v35, v0;
	v42 =	vperm.xlane v25, v0;
	[tilespmem:s8+$0x160] =	vst v61;
	v52 =	vld [tilespmem:s15+$0xE0]  }
0x13c: {  	v5 =	vimm.s32 $0x0;
	v50 =	vperm.xlane v31, v0;
	v56 =	vmul.f32 v60, v57;
	[tilespmem:s8+$0xFFFFFE00] =	vst v58;
	v55 =	vld [tilespmem:s15+$0x170]  }
0x13d: {  	s16 =	simm.s32 $0x1A50;
	s14 =	simm.s32 $0x10;
	v7 =	vimm.s32 $0x7;
	v44 =	vperm.xlane v28, v0;
	[tilespmem:s8+$0xFFFFFEA0] =	vst v2;
	v41 =	vld [tilespmem:s15+$0xFFFFFE10];
	v57 =	vmul.f32 v1, v59  }
.LBB2_3:
0x13e: {  	v58 =	vld [tilespmem:s16+$0x230];
	v48 =	vmul.f32 v53, v48;
	[tilespmem:s8+$0x210] =	vst v56;
	v29 =	vmul.f32 v29, v13;
	v13 =	vmov v50  }
0x13f: {  	v35 =	vperm.xlane v35, v7;
	s17 =	sadd.s32 $0x80, s17;
	[tilespmem:s8+$0xFFFFFF30] =	vst v57;
	v46 =	vmul.f32 v54, v46;
	v50 =	vld [tilespmem:s15+$0x220]  }
0x140: {  	s14 =	sadd.s32 $0x8, s14;
	v25 =	vperm.xlane v25, v7;
	v53 =	vld [tilespmem:s17+$0x30];
	[tilespmem:s8+$0xFFFFFFC0] =	vst v48;
	v48 =	vmul.f32 v52, v49  }
0x141: {  	v28 =	vperm.xlane v28, v7;
	p2 =	slt.u32 s14, $0x38;
	v49 =	vld [tilespmem:s17+$0xFFFFFFC0];
	[tilespmem:s8+$0x50] =	vst v46;
	v46 =	vmul.f32 v55, v47  }
0x142: {  	v22 =	vperm.xlane v22, v7;
	v47 =	vld [tilespmem:s16+$0xFFFFFED0];
	v41 =	vmul.f32 v41, v45;
	[tilespmem:s8+$0xE0] =	vst v48  }
0x143: {  	v24 =	vperm.xlane v24, v7;
	v27 =	vperm.xlane v27, v7;
	v45 =	vld [tilespmem:s17+$0xFFFFFFD0];
	[tilespmem:s8+$0x170] =	vst v46  }
0x144: {  	v30 =	vperm.xlane v30, v7;
	v46 =	vld [tilespmem:s16+$0xFFFFFF60];
	[tilespmem:s8+$0xFFFFFE10] =	vst v41;
	v22 =	vmul.f32 v50, v22  }
0x145: {  	v31 =	vperm.xlane v31, v7;
	v26 =	vmul.f32 v26, v15;
	v41 =	vld [tilespmem:s17+$0xFFFFFFE0];
	v48 =	vadd.f32 v53, v58;
	[tilespmem:s13+$0xFFFFFFD0] =	vst v51  }
0x146: {  	v15 =	vmovc v35;
	v50 =	vld [tilespmem:s16+$0xFFFFFFF0];
	[tilespmem:s8+$0x220] =	vst v22;
	v22 =	vmul.f32 v36, v14;
	v36 =	vmul.f32 v38, v16;
	v14 =	vmov v25  }
0x147: {  	v20 =	vmul.f32 v20, v8;
	v8 =	vmovc v12;
	v12 =	vmovc v24;
	v16 =	vmov v28;
	v25 =	vld [tilespmem:s17+$0xFFFFFFF0];
	v35 =	vmul.f32 $2.000000030e-01, v48;
	[tilespmem:s13+$0x60] =	vst v40  }
0x148: {  	v21 =	vmul.f32 v21, v9;
	v23 =	vmul.f32 v23, v10;
	v24 =	vadd.f32 v45, v47;
	v28 =	vld [tilespmem:s16+$0x80];
	[tilespmem:s13+$0xF0] =	vst v39  }
0x149: {  	v9 =	vmovc v19;
	v19 =	vmov v27;
	v38 =	vld [tilespmem:s17+$0x0];
	v0 =	vmax.f32 v48, v35;
	[tilespmem:s13+$0x180] =	vst v29;
	v29 =	vmul.f32 v37, v11  }
0x14a: {  	v10 =	vmovc v18;
	v18 =	vmovc v30;
	v27 =	vmul.f32 $2.000000030e-01, v24;
	v35 =	vadd.f32 v41, v46;
	v37 =	vld [tilespmem:s16+$0x110];
	v39 =	vmul.f32 $1.442695020e+00, v0;
	[tilespmem:s13+$0xFFFFFE30] =	vst v26  }
0x14b: {  	v11 =	vmov v17;
	v17 =	vmov v31;
	v26 =	vld [tilespmem:s17+$0x10];
	[tilespmem:s13+$0xFFFFFEC0] =	vst v22  }
0x14c: {  	v22 =	vmul.f32 $2.000000030e-01, v35;
	v25 =	vadd.f32 v25, v50;
	v30 =	vld [tilespmem:s16+$0x1A0];
	(erf) = vpow2.f32 v39;
	[tilespmem:s13+$0xFFFFFF50] =	vst v36  }
0x14d: {  	v24 =	vmax.f32 v24, v27;
	v27 =	vld [tilespmem:s17+$0x20];
	[tilespmem:s24+$0xFFFFFFE0] =	vst v20  }
0x14e: {  	v20 =	vld [tilespmem:s16+$0xFFFFFE40];
	v22 =	vmax.f32 v35, v22;
	v31 =	vmul.f32 $2.000000030e-01, v25;
	v28 =	vadd.f32 v38, v28;
	[tilespmem:s24+$0x70] =	vst v21  }
0x14f: {  	v21 =	vmul.f32 $1.442695020e+00, v24;
	v22 =	vmul.f32 $1.442695020e+00, v22;
	v24 =	vld [tilespmem:s15+$0xFFFFFE20];
	[tilespmem:s24+$0x100] =	vst v23  }
0x150: {  	v23 =	vmax.f32 v25, v31;
	v25 =	vmul.f32 $2.000000030e-01, v28;
	v26 =	vadd.f32 v26, v37;
	v31 =	vld [tilespmem:s15+$0xFFFFFEB0];
	[tilespmem:s24+$0x190] =	vst v29;
	s24 =	smov.u32 s13;
	s13 =	smov.u32 s8  }
0x151: {  	v23 =	vmul.f32 $1.442695020e+00, v23;
	(erf) = vpow2.f32 v21;
	v35 =	vld [tilespmem:s15+$0xFFFFFF40]  }
0x152: {  	v21 =	vmax.f32 v28, v25;
	v25 =	vmul.f32 $2.000000030e-01, v26;
	v27 =	vadd.f32 v27, v30;
	v41 =	vld [tilespmem:s15+$0xFFFFFFD0]  }
0x153: {  	v28 =	vadd.f32 v49, v20;
	v20 =	vmul.f32 $1.442695020e+00, v21;
	(erf) = vpow2.f32 v22;
	v40 =	vld [tilespmem:s15+$0x60]  }
0x154: {  	s8 =	sadd.s32 $0x480, s8;
	v21 =	vmax.f32 v26, v25;
	v25 =	vmul.f32 $2.000000030e-01, v27;
	(erf) = vpow2.f32 v23;
	v39 =	vld [tilespmem:s15+$0xF0]  }
0x155: {  	v23 =	vmul.f32 $2.000000030e-01, v28;
	v21 =	vmul.f32 $1.442695020e+00, v21;
	v22 =	vpop (erf);
	v29 =	vld [tilespmem:s15+$0x180]  }
0x156: {  	v24 =	vmul.f32 v24, v43;
	v25 =	vmax.f32 v27, v25;
	[tilespmem:s8+$0x230] =	vst v22;
	(erf) = vpow2.f32 v20;
	v20 =	vld [tilespmem:s10+$0xFFFFFFE0]  }
0x157: {  	v23 =	vmax.f32 v28, v23;
	v0 =	vmul.f32 $1.442695020e+00, v25;
	v27 =	vld [tilespmem:s16+$0x1B0];
	(erf) = vpow2.f32 v21  }
0x158: {  	v23 =	vmul.f32 $1.442695020e+00, v23;
	[tilespmem:s13+$0xFFFFFE20] =	vst v24;
	v24 =	vmul.f32 v31, v42;
	v21 =	vld [tilespmem:s10+$0x70]  }
0x159: {  	v30 =	vmul.f32 v35, v44;
	(erf) = vpow2.f32 v0;
	v26 =	vld [tilespmem:s15+$0xFFFFFE30]  }
0x15a: {  	v2 =	vperm.xlane v22, v5;
	v0 =	vimm.s32 $0x1;
	(erf) = vpow2.f32 v23;
	v25 =	vpop (erf);
	[tilespmem:s13+$0xFFFFFEB0] =	vst v24;
	v23 =	vld [tilespmem:s10+$0x100]  }
0x15b: {  	v1 =	vimm.s32 $0x2;
	[tilespmem:s8+$0xFFFFFED0] =	vst v25;
	v31 =	vperm.xlane v25, v5;
	v42 =	vperm.xlane v25, v0;
	v36 =	vld [tilespmem:s15+$0xFFFFFEC0]  }
0x15c: {  	v43 =	vperm.xlane v25, v1;
	v35 =	vld [tilespmem:s16+$0xFFFFFE50];
	v2 =	vmul.f32 v27, v2;
	v28 =	vpop (erf);
	[tilespmem:s13+$0xFFFFFF40] =	vst v30  }
0x15d: {  	[tilespmem:s8+$0xFFFFFF60] =	vst v28;
	v37 =	vperm.xlane v28, v5;
	v44 =	vperm.xlane v28, v0;
	v24 =	vpop (erf);
	v38 =	vld [tilespmem:s15+$0xFFFFFF50]  }
0x15e: {  	v45 =	vld [tilespmem:s16+$0xFFFFFEE0];
	v46 =	vperm.xlane v24, v5;
	v47 =	vperm.xlane v24, v0;
	[tilespmem:s8+$0x1B0] =	vst v2  }
0x15f: {  	v48 =	vperm.xlane v28, v1;
	v49 =	vperm.xlane v24, v1;
	[tilespmem:s8+$0xFFFFFFF0] =	vst v24;
	v50 =	vld [tilespmem:s16+$0x1C0];
	v27 =	vpop (erf)  }
0x160: {  	v51 =	vld [tilespmem:s16+$0xFFFFFF70];
	[tilespmem:s8+$0x80] =	vst v27;
	v52 =	vperm.xlane v27, v5;
	v53 =	vperm.xlane v27, v0;
	v30 =	vpop (erf)  }
0x161: {  	v54 =	vmul.f32 v35, v31;
	v55 =	vld [tilespmem:s16+$0x0];
	[tilespmem:s8+$0x110] =	vst v30;
	v56 =	vperm.xlane v30, v5  }
0x162: {  	v59 =	vperm.xlane v22, v0;
	v58 =	vperm.xlane v30, v0;
	v57 =	vld [tilespmem:s16+$0x90];
	v31 =	vpop (erf)  }
0x163: {  	v45 =	vmul.f32 v45, v37;
	[tilespmem:s8+$0x1A0] =	vst v31;
	v60 =	vperm.xlane v31, v5;
	v35 =	vpop (erf);
	v37 =	vld [tilespmem:s10+$0x190];
	s10 =	smov.u32 s15;
	s15 =	smov.u32 s16  }
0x164: {  	[tilespmem:s8+$0xFFFFFE40] =	vst v35;
	v61 =	vperm.xlane v35, v5;
	v62 =	vld [tilespmem:s16+$0x120];
	v50 =	vmul.f32 v50, v59  }
0x165: {  	v63 =	vperm.xlane v35, v0;
	v59 =	vld [tilespmem:s16+$0xFFFFFDC0];
	[tilespmem:s8+$0xFFFFFE50] =	vst v54;
	v46 =	vmul.f32 v51, v46  }
0x166: {  	v54 =	vperm.xlane v31, v0;
	v51 =	vld [tilespmem:s16+$0xFFFFFE60];
	v52 =	vmul.f32 v55, v52;
	[tilespmem:s8+$0x1C0] =	vst v50  }
0x167: {  	v50 =	vperm.xlane v35, v1;
	[tilespmem:s8+$0xFFFFFEE0] =	vst v45;
	v45 =	vmul.f32 v57, v56;
	v55 =	vld [tilespmem:s16+$0x1D0]  }
0x168: {  	v57 =	vperm.xlane v30, v1;
	v56 =	vld [tilespmem:s16+$0xFFFFFEF0];
	[tilespmem:s8+$0xFFFFFF70] =	vst v46;
	v46 =	vperm.xlane v27, v1  }
0x169: {  	v0 =	vld [tilespmem:s16+$0xFFFFFF80];
	[tilespmem:s8+$0x0] =	vst v52;
	v52 =	vmul.f32 v62, v60;
	v60 =	vperm.xlane v31, v1  }
0x16a: {  	v59 =	vmul.f32 v59, v61;
	v61 =	vld [tilespmem:s16+$0x10];
	[tilespmem:s8+$0x90] =	vst v45;
	v45 =	vperm.xlane v22, v1;
	v1 =	vimm.s32 $0x3  }
0x16b: {  	v62 =	vperm.xlane v35, v1;
	v42 =	vmul.f32 v51, v42;
	v51 =	vld [tilespmem:s16+$0xA0];
	[tilespmem:s8+$0x120] =	vst v52  }
0x16c: {  	v52 =	vperm.xlane v25, v1;
	[tilespmem:s8+$0xFFFFFDC0] =	vst v59;
	v59 =	vld [tilespmem:s16+$0x130];
	v45 =	vmul.f32 v55, v45  }
0x16d: {  	v55 =	vld [tilespmem:s16+$0xFFFFFDD0];
	[tilespmem:s8+$0xFFFFFE60] =	vst v42;
	v42 =	vmul.f32 v56, v44;
	v44 =	vperm.xlane v28, v1  }
0x16e: {  	v56 =	vld [tilespmem:s16+$0xFFFFFE70];
	v0 =	vmul.f32 v0, v47;
	v47 =	vperm.xlane v24, v1;
	[tilespmem:s8+$0x1D0] =	vst v45  }
0x16f: {  	[tilespmem:s8+$0xFFFFFEF0] =	vst v42;
	v42 =	vmul.f32 v61, v53;
	v53 =	vperm.xlane v27, v1;
	v45 =	vld [tilespmem:s16+$0x1E0]  }
0x170: {  	v61 =	vld [tilespmem:s16+$0xFFFFFF00];
	[tilespmem:s8+$0xFFFFFF80] =	vst v0;
	v0 =	vmul.f32 v51, v58;
	v51 =	vperm.xlane v30, v1  }
0x171: {  	v58 =	vld [tilespmem:s16+$0xFFFFFF90];
	[tilespmem:s8+$0x10] =	vst v42;
	v42 =	vmul.f32 v59, v54;
	v54 =	vperm.xlane v31, v1  }
0x172: {  	v55 =	vmul.f32 v55, v63;
	v59 =	vld [tilespmem:s16+$0x20];
	[tilespmem:s8+$0xA0] =	vst v0;
	v0 =	vperm.xlane v22, v1;
	v1 =	vimm.s32 $0x4  }
0x173: {  	v63 =	vperm.xlane v35, v1;
	v43 =	vmul.f32 v56, v43;
	v56 =	vld [tilespmem:s16+$0xB0];
	[tilespmem:s8+$0x130] =	vst v42  }
0x174: {  	v42 =	vperm.xlane v25, v1;
	[tilespmem:s8+$0xFFFFFDD0] =	vst v55;
	v55 =	vld [tilespmem:s16+$0x140];
	v0 =	vmul.f32 v45, v0  }
0x175: {  	v45 =	vld [tilespmem:s16+$0xFFFFFDE0];
	[tilespmem:s8+$0xFFFFFE70] =	vst v43;
	v43 =	vmul.f32 v61, v48;
	v61 =	vperm.xlane v28, v1  }
0x176: {  	v48 =	vld [tilespmem:s16+$0xFFFFFE80];
	v49 =	vmul.f32 v58, v49;
	v58 =	vperm.xlane v24, v1;
	[tilespmem:s8+$0x1E0] =	vst v0  }
0x177: {  	[tilespmem:s8+$0xFFFFFF00] =	vst v43;
	v0 =	vmul.f32 v59, v46;
	v59 =	vperm.xlane v27, v1;
	v43 =	vld [tilespmem:s16+$0x1F0]  }
0x178: {  	v46 =	vld [tilespmem:s16+$0xFFFFFF10];
	[tilespmem:s8+$0xFFFFFF90] =	vst v49;
	v49 =	vmul.f32 v56, v57;
	v56 =	vperm.xlane v30, v1  }
0x179: {  	v57 =	vld [tilespmem:s16+$0xFFFFFFA0];
	[tilespmem:s8+$0x20] =	vst v0;
	v0 =	vmul.f32 v55, v60;
	v55 =	vperm.xlane v31, v1  }
0x17a: {  	v4 =	vimm.s32 $0x5;
	v50 =	vmul.f32 v45, v50;
	v60 =	vld [tilespmem:s16+$0x30];
	[tilespmem:s8+$0xB0] =	vst v49;
	v49 =	vperm.xlane v22, v1  }
0x17b: {  	v45 =	vperm.xlane v35, v4;
	v48 =	vmul.f32 v48, v52;
	v52 =	vld [tilespmem:s16+$0xC0];
	[tilespmem:s8+$0x140] =	vst v0  }
0x17c: {  	v0 =	vperm.xlane v25, v4;
	[tilespmem:s8+$0xFFFFFDE0] =	vst v50;
	v50 =	vld [tilespmem:s16+$0x150];
	v43 =	vmul.f32 v43, v49  }
0x17d: {  	v2 =	vperm.xlane v28, v4;
	v1 =	vld [tilespmem:s16+$0xFFFFFDF0];
	[tilespmem:s8+$0xFFFFFE80] =	vst v48;
	v44 =	vmul.f32 v46, v44  }
0x17e: {  	v48 =	vperm.xlane v24, v4;
	v3 =	vld [tilespmem:s16+$0xFFFFFE90];
	v47 =	vmul.f32 v57, v47;
	[tilespmem:s8+$0x1F0] =	vst v43  }
0x17f: {  	v46 =	vperm.xlane v27, v4;
	[tilespmem:s8+$0xFFFFFF10] =	vst v44;
	v43 =	vmul.f32 v60, v53;
	v44 =	vld [tilespmem:s16+$0x200]  }
0x180: {  	v49 =	vperm.xlane v30, v4;
	v53 =	vld [tilespmem:s16+$0xFFFFFF20];
	[tilespmem:s8+$0xFFFFFFA0] =	vst v47;
	v51 =	vmul.f32 v52, v51  }
0x181: {  	v47 =	vperm.xlane v31, v4;
	v52 =	vld [tilespmem:s16+$0xFFFFFFB0];
	[tilespmem:s8+$0x30] =	vst v43;
	v50 =	vmul.f32 v50, v54  }
0x182: {  	v6 =	vimm.s32 $0x6;
	v1 =	vmul.f32 v1, v62;
	v54 =	vld [tilespmem:s16+$0x40];
	[tilespmem:s8+$0xC0] =	vst v51;
	v51 =	vperm.xlane v22, v4  }
0x183: {  	v43 =	vperm.xlane v35, v6;
	v3 =	vmul.f32 v3, v42;
	v57 =	vld [tilespmem:s16+$0xD0];
	[tilespmem:s8+$0x150] =	vst v50  }
0x184: {  	v42 =	vperm.xlane v25, v6;
	[tilespmem:s8+$0xFFFFFDF0] =	vst v1;
	v1 =	vld [tilespmem:s16+$0x160];
	v50 =	vmul.f32 v44, v51  }
0x185: {  	v44 =	vperm.xlane v28, v6;
	v51 =	vld [tilespmem:s16+$0xFFFFFE00];
	[tilespmem:s8+$0xFFFFFE90] =	vst v3;
	v3 =	vmul.f32 v53, v61  }
0x186: {  	v60 =	vld [tilespmem:s16+$0xFFFFFEA0];
	v52 =	vmul.f32 v52, v58;
	v58 =	vperm.xlane v24, v6;
	[tilespmem:s8+$0x200] =	vst v50  }
0x187: {  	[tilespmem:s8+$0xFFFFFF20] =	vst v3;
	v3 =	vmul.f32 v54, v59;
	v59 =	vperm.xlane v27, v6;
	v61 =	vld [tilespmem:s16+$0x210]  }
0x188: {  	v4 =	vperm.xlane v30, v6;
	v62 =	vld [tilespmem:s16+$0xFFFFFF30];
	[tilespmem:s8+$0xFFFFFFB0] =	vst v52;
	v52 =	vmul.f32 v57, v56  }
.Ltmp0:
0x189: {  	v50 =	vperm.xlane v31, v6;
	v53 =	vld [tilespmem:s16+$0xFFFFFFC0];
	[tilespmem:s8+$0x40] =	vst v3;
	v1 =	vmul.f32 v1, v55;
	(pc) =	sbr.rel @p2 .LBB2_3-.Ltmp0, $4  }
0x18a: {  	v56 =	vperm.xlane v22, v6;
	v3 =	vmul.f32 v51, v63;
	v54 =	vld [tilespmem:s16+$0x50];
	[tilespmem:s8+$0xD0] =	vst v52  }
0x18b: {  	v51 =	vmul.f32 v41, v32;
	v32 =	vmov v58;
	v0 =	vmul.f32 v60, v0;
	v52 =	vld [tilespmem:s16+$0xE0];
	[tilespmem:s8+$0x160] =	vst v1  }
0x18c: {  	v40 =	vmul.f32 v40, v33;
	v33 =	vmov v59;
	[tilespmem:s8+$0xFFFFFE00] =	vst v3;
	v55 =	vld [tilespmem:s16+$0x170];
	v56 =	vmul.f32 v61, v56  }
0x18d: {  	v39 =	vmul.f32 v39, v34;
	v34 =	vmov v4;
	s16 =	sadd.s32 $0x480, s16;
	v41 =	vld [tilespmem:s15+$0xFFFFFE10];
	[tilespmem:s8+$0xFFFFFEA0] =	vst v0;
	v57 =	vmul.f32 v62, v2  }
0x18e: {  	[tilespmem:s8+$0x210] =	vst v56  }
0x18f: {  	[tilespmem:s13+$0xFFFFFFD0] =	vst v51  }
0x190: {  	[tilespmem:s13+$0x60] =	vst v40  }
0x191: {  	v0 =	vmul.f32 v53, v48;
	[tilespmem:s8+$0xFFFFFF30] =	vst v57  }
0x192: {  	v62 =	vmul.f32 v29, v13;
	[tilespmem:s13+$0xF0] =	vst v39  }
0x193: {  	v63 =	vmul.f32 v26, v15;
	[tilespmem:s8+$0xFFFFFFC0] =	vst v0  }
0x194: {  	v36 =	vmul.f32 v36, v14;
	[tilespmem:s13+$0x180] =	vst v62  }
0x195: {  	v4 =	vmul.f32 v20, v8;
	[tilespmem:s13+$0xFFFFFE30] =	vst v63  }
0x196: {  	v8 =	vmul.f32 v21, v9;
	[tilespmem:s13+$0xFFFFFEC0] =	vst v36  }
0x197: {  	v9 =	vmul.f32 v23, v10;
	[tilespmem:s24+$0xFFFFFFE0] =	vst v4  }
0x198: {  	v40 =	vld [tilespmem:s15+$0xFFFFFEB0];
	v59 =	vmul.f32 v52, v49;
	[tilespmem:s24+$0x70] =	vst v8  }
0x199: {  	v2 =	vld [tilespmem:s15+$0x220];
	[tilespmem:s24+$0x100] =	vst v9;
	v3 =	vmul.f32 v41, v45  }
0x19a: {  	v1 =	vmul.f32 v54, v46;
	[tilespmem:s8+$0xE0] =	vst v59;
	v41 =	vld [tilespmem:s15+$0xFFFFFF40]  }
0x19b: {  	v60 =	vmul.f32 v55, v47;
	v8 =	vld [tilespmem:s15+$0xF0];
	[tilespmem:s8+$0xFFFFFE10] =	vst v3  }
0x19c: {  	v61 =	vperm.xlane v22, v7;
	[tilespmem:s8+$0x50] =	vst v1;
	v3 =	vmul.f32 v38, v16;
	v39 =	vld [tilespmem:s15+$0xFFFFFE20]  }
0x19d: {  	v10 =	vld [tilespmem:s10+$0xFFFFFFE0];
	[tilespmem:s8+$0x170] =	vst v60;
	v1 =	vmul.f32 v40, v42  }
0x19e: {  	v0 =	vmul.f32 v2, v61;
	[tilespmem:s13+$0xFFFFFF50] =	vst v3;
	v3 =	vld [tilespmem:s15+$0xFFFFFFD0]  }
0x19f: {  	v4 =	vld [tilespmem:s15+$0x60];
	[tilespmem:s8+$0xFFFFFEB0] =	vst v1;
	v42 =	vmul.f32 v41, v44  }
0x1a0: {  	v9 =	vld [tilespmem:s15+$0x180];
	[tilespmem:s8+$0x220] =	vst v0;
	v8 =	vmul.f32 v8, v34  }
0x1a1: {  	v1 =	vld [tilespmem:s15+$0xFFFFFEC0];
	[tilespmem:s8+$0xFFFFFF40] =	vst v42;
	v0 =	vmul.f32 v39, v43  }
0x1a2: {  	v14 =	vld [tilespmem:s10+$0x100];
	v43 =	vmul.f32 v37, v11;
	[tilespmem:s8+$0xF0] =	vst v8  }
0x1a3: {  	v45 =	vld [tilespmem:s15+$0xFFFFFF50];
	v44 =	vmul.f32 v3, v32;
	[tilespmem:s8+$0xFFFFFE20] =	vst v0  }
0x1a4: {  	v46 =	vperm.xlane v25, v7;
	v3 =	vmul.f32 v4, v33;
	[tilespmem:s24+$0x190] =	vst v43  }
0x1a5: {  	v9 =	vmul.f32 v9, v50;
	v11 =	vld [tilespmem:s15+$0xFFFFFE30];
	[tilespmem:s8+$0xFFFFFFD0] =	vst v44  }
0x1a6: {  	v15 =	vld [tilespmem:s10+$0x190];
	v0 =	vmul.f32 v1, v46;
	[tilespmem:s8+$0x60] =	vst v3;
	v3 =	vperm.xlane v28, v7  }
0x1a7: {  	v13 =	vld [tilespmem:s10+$0x70];
	v4 =	vperm.xlane v35, v7;
	[tilespmem:s8+$0x180] =	vst v9;
	v9 =	vmul.f32 v14, v18  }
0x1a8: {  	v48 =	vld [tilespmem:s15+$0xFFFFFFE0];
	[tilespmem:s8+$0xFFFFFEC0] =	vst v0;
	v47 =	vmul.f32 v45, v3;
	v3 =	vmul.f32 v10, v12  }
0x1a9: {  	v49 =	vld [tilespmem:s15+$0x70];
	[tilespmem:s13+$0x100] =	vst v9  }
0x1aa: {  	[tilespmem:s13+$0xFFFFFFE0] =	vst v3;
	v3 =	vld [tilespmem:s15+$0x190];
	v4 =	vmul.f32 v11, v4  }
0x1ab: {  	v8 =	vperm.xlane v24, v7;
	v50 =	vld [tilespmem:s15+$0x100];
	[tilespmem:s8+$0xFFFFFF50] =	vst v47;
	v11 =	vmul.f32 v15, v17  }
0x1ac: {  	v10 =	vperm.xlane v27, v7;
	[tilespmem:s8+$0xFFFFFE30] =	vst v4;
	v4 =	vmul.f32 v13, v19  }
0x1ad: {  	v2 =	vmul.f32 v48, v8;
	v8 =	vperm.xlane v31, v7;
	[tilespmem:s13+$0x190] =	vst v11  }
0x1ae: {  	v0 =	vmul.f32 v49, v10;
	[tilespmem:s13+$0x70] =	vst v4;
	v4 =	vperm.xlane v30, v7  }
0x1af: {  	[tilespmem:s8+$0xFFFFFFE0] =	vst v2;
	v51 =	vmul.f32 v3, v8  }
0x1b0: {  	[tilespmem:s8+$0x70] =	vst v0;
	v1 =	vmul.f32 v50, v4  }
0x1b1: {  	[tilespmem:s8+$0x190] =	vst v51  }
0x1b2: {  	[tilespmem:s8+$0x100] =	vst v1  }
0x1b3: {  	v0 =	vld [tilespmem:$0x180]  }
0x1b4: {  	v1 =	vld [tilespmem:$0x190]  }
0x1b5: {  	v2 =	vld [tilespmem:$0x1A0]  }
0x1b6: {  	v3 =	vld [tilespmem:$0x1B0];
	_ =	sdelay $0x1  }
0x1b7: {  	[tilespmem:$0x200] =	vst v0  }
0x1b8: {  	[tilespmem:$0x210] =	vst v1  }
0x1b9: {  	[tilespmem:$0x220] =	vst v2  }
0x1ba: {  	s8 =	simm.s32 @!p0 $0x1;
	[tilespmem:$0x230] =	vst v3  }
0x1bb: {  	[spmem:s3] =	stream.indirect.scatter.add.f32 [tilespmem:s4], [sflag:$0x7], $0x90, s26, s19, $0xb8;
	[tilespmem:$0x1FA20] =	vst v63  }
0x1bc: {  	_ =	swait.ge @!p0 [sflag:s8], $0x80  }
0x1bd: {  	[sflag:s8] =	ssyncset.done @!p0 $0x0  }
0x1be: {  	[sflag:s8] =	ssyncadd.s32 @!p0 $0xFFFFFF80  }
0x1bf: {  	v0 =	vld @!p0 [tilespmem:$0x0]  }
0x1c0: {  	v1 =	vld @!p0 [tilespmem:$0x40]  }
0x1c1: {  	v2 =	vld @!p0 [tilespmem:$0x10]  }
0x1c2: {  	v3 =	vld @!p0 [tilespmem:$0x50]  }
0x1c3: {  	v4 =	vld @!p0 [tilespmem:$0x20]  }
0x1c4: {  	[tilespmem:$0x100] =	vst @!p0 v0;
	v0 =	vld @!p0 [tilespmem:$0x60]  }
0x1c5: {  	[tilespmem:$0x180] =	vst @!p0 v1;
	v1 =	vld @!p0 [tilespmem:$0x30]  }
0x1c6: {  	[tilespmem:$0x110] =	vst @!p0 v2;
	v2 =	vld @!p0 [tilespmem:$0x70]  }
0x1c7: {  	[tilespmem:$0x190] =	vst @!p0 v3  }
0x1c8: {  	[tilespmem:$0x120] =	vst @!p0 v4  }
0x1c9: {  	[tilespmem:$0x1A0] =	vst @!p0 v0  }
0x1ca: {  	[tilespmem:$0x130] =	vst @!p0 v1  }
0x1cb: {  	s10 =	simm.s32 @!p0 $0x180;
	s13 =	simm.s32 @!p0 $0x290;
	s8 =	simm.s32 @!p0 $0x40;
	[tilespmem:$0x1B0] =	vst @!p0 v2  }
0x1cc: {  	[tilespmem:s13], [sflag:$0x3] =	stream.indirect.gather @!p0 [hbm4b:s5+s8], $0x10, s10, s8, $0xb8;
	[tilespmem:$0x1FA20] =	vst v63  }
0x1cd: {  	s10 =	simm.s32 @!p0 $0x100;
	s13 =	simm.s32 @!p0 $0xA90  }
0x1ce: {  	[tilespmem:s13], [sflag:$0x5] =	stream.indirect.gather @!p0 [hbm4b:s6+s8], $0x90, s10, s8, $0xb8;
	[tilespmem:$0x1FA20] =	vst v63  }
0x1cf: {  	s10 =	sadd.s32 @!p0 s12, s21  }
0x1d0: {  	s10 =	sshrl.u32 @!p0 s10, $0x3  }
0x1d1: {  	s14 =	simm.s32 @!p0 $0x80;
	s13 =	simm.s32 @!p0 $0x4E200;
	s10 =	sadd.s32 @!p0 s1, s10  }
0x1d2: {  	[tilespmem:s14], [sflag:$0x2] =	stream.strided.gather @!p0 [hbm4b:s10+s8], $0x80, s13, s8, $0x38;
	[tilespmem:$0x1FA20] =	vst v63  }
0x1d3: {  	_ =	swait.ge [sflag:s20], $0x400  }
0x1d4: {  	[sflag:s20] =	ssyncset.done $0x0  }
0x1d5: {  	[sflag:s20] =	ssyncadd.s32 $0xFFFFFC00  }
0x1d6: {  	_ =	swait.ge [sflag:s23], $0x2400  }
0x1d7: {  	[sflag:s23] =	ssyncset.done $0x0  }
0x1d8: {  	s8 =	simm.s32 @!p1 $0x8;
	[sflag:s23] =	ssyncadd.s32 $0xFFFFDC00  }
0x1d9: {  	_ =	swait.ge @!p1 [sflag:s8], $0x2400  }
0x1da: {  	[sflag:s8] =	ssyncset.done @!p1 $0x0  }
0x1db: {  	s13 =	simm.s32 $0x30D0;
	[sflag:s8] =	ssyncadd.s32 @!p1 $0xFFFFDC00  }
0x1dc: {  	s16 =	simm.s32 $0x6D0;
	v52 =	vld [tilespmem:s13+$0x230]  }
0x1dd: {  	v53 =	vld [tilespmem:s16+$0x30]  }
0x1de: {  	v3 =	vld [tilespmem:s13+$0xFFFFFED0]  }
0x1df: {  	v4 =	vld [tilespmem:s16+$0xFFFFFFD0]  }
0x1e0: {  	v8 =	vld [tilespmem:s13+$0xFFFFFF60]  }
0x1e1: {  	v9 =	vld [tilespmem:s16+$0xFFFFFFE0]  }
0x1e2: {  	v55 =	vld [tilespmem:s13+$0xFFFFFFF0];
	v0 =	vadd.f32 v53, v52  }
0x1e3: {  	v10 =	vld [tilespmem:s16+$0xFFFFFFF0]  }
0x1e4: {  	v12 =	vld [tilespmem:s13+$0x80];
	v11 =	vmul.f32 $2.000000030e-01, v0  }
0x1e5: {  	v13 =	vld [tilespmem:s16+$0x0]  }
0x1e6: {  	v54 =	vld [tilespmem:s16+$0xFFFFFFC0];
	v8 =	vadd.f32 v9, v8;
	v0 =	vmax.f32 v0, v11  }
0x1e7: {  	v14 =	vld [tilespmem:s13+$0x1A0];
	v3 =	vadd.f32 v4, v3;
	v0 =	vmul.f32 $1.442695020e+00, v0  }
0x1e8: {  	v4 =	vld [tilespmem:s13+$0x110];
	v56 =	vmul.f32 $2.000000030e-01, v8  }
0x1e9: {  	v9 =	vld [tilespmem:s16+$0x10];
	v1 =	vadd.f32 v10, v55;
	v11 =	vmul.f32 $2.000000030e-01, v3;
	(erf) = vpow2.f32 v0  }
0x1ea: {  	v10 =	vld [tilespmem:s16+$0x20];
	v12 =	vadd.f32 v13, v12  }
0x1eb: {  	v3 =	vmax.f32 v3, v11;
	v11 =	vld [tilespmem:s13+$0xFFFFFE40];
	v0 =	vmax.f32 v8, v56;
	v8 =	vmul.f32 $2.000000030e-01, v1;
	_ =	sdelay $0x1  }
0x1ec: {  	v3 =	vmul.f32 $1.442695020e+00, v3;
	v1 =	vmax.f32 v1, v8;
	v8 =	vmul.f32 $2.000000030e-01, v12  }
0x1ed: {  	v4 =	vadd.f32 v9, v4;
	v0 =	vmul.f32 $1.442695020e+00, v0  }
0x1ee: {  	(erf) = vpow2.f32 v3;
	v3 =	vadd.f32 v10, v14;
	v8 =	vmax.f32 v12, v8  }
0x1ef: {  	s24 =	simm.s32 $0x3550;
	v9 =	vmul.f32 $2.000000030e-01, v4;
	v1 =	vmul.f32 $1.442695020e+00, v1;
	v2 =	vadd.f32 v54, v11  }
0x1f0: {  	s17 =	simm.s32 $0x750;
	v22 =	vld [tilespmem:s24+$0xFFFFFED0];
	(erf) = vpow2.f32 v0;
	v11 =	vmul.f32 $2.000000030e-01, v3  }
0x1f1: {  	s21 =	simm.s32 $0x78D0;
	v25 =	vld [tilespmem:s17+$0xFFFFFFD0];
	v57 =	vmax.f32 v4, v9;
	v10 =	vmul.f32 $1.442695020e+00, v8;
	v4 =	vmul.f32 $2.000000030e-01, v2;
	v8 =	vpop (erf)  }
0x1f2: {  	v28 =	vld [tilespmem:s24+$0xFFFFFF60];
	v0 =	vmul.f32 $1.442695020e+00, v57;
	v58 =	vmax.f32 v3, v11;
	(erf) = vpow2.f32 v1;
	[tilespmem:s21+$0x230] =	vst v8  }
0x1f3: {  	v2 =	vmax.f32 v2, v4;
	v1 =	vmul.f32 $1.442695020e+00, v58;
	(erf) = vpow2.f32 v10;
	v3 =	vld [tilespmem:s13+$0x1B0]  }
0x1f4: {  	v31 =	vld [tilespmem:s17+$0xFFFFFFE0];
	v59 =	vmul.f32 $1.442695020e+00, v2;
	(erf) = vpow2.f32 v0  }
0x1f5: {  	(erf) = vpow2.f32 v1  }
0x1f6: {  	v60 =	vperm.xlane v8, v5;
	(erf) = vpow2.f32 v59;
	_ =	sdelay $0x1  }
0x1f7: {  	v10 =	vpop (erf);
	v61 =	vmul.f32 v3, v60  }
0x1f8: {  	v22 =	vadd.f32 v25, v22;
	v25 =	vadd.f32 v31, v28;
	v28 =	vld [tilespmem:s17+$0x10];
	[tilespmem:s21+$0xFFFFFED0] =	vst v10  }
0x1f9: {  	v12 =	vpop (erf);
	v62 =	vld [tilespmem:s13+$0xFFFFFE50];
	[tilespmem:s21+$0x1B0] =	vst v61  }
0x1fa: {  	[tilespmem:s21+$0xFFFFFF60] =	vst v12;
	v9 =	vpop (erf);
	v0 =	vld [tilespmem:s13+$0x1C0]  }
0x1fb: {  	v63 =	vld [tilespmem:s13+$0xFFFFFEE0];
	[tilespmem:s21+$0xFFFFFFF0] =	vst v9;
	v13 =	vpop (erf)  }
0x1fc: {  	v59 =	vimm.s32 $0x1;
	v3 =	vperm.xlane v10, v5;
	v4 =	vld [tilespmem:s13+$0xFFFFFF70];
	[tilespmem:s21+$0x80] =	vst v13;
	v14 =	vpop (erf)  }
0x1fd: {  	v17 =	vperm.xlane v8, v59;
	v16 =	vld [tilespmem:s13+$0x0];
	[tilespmem:s21+$0x110] =	vst v14;
	v11 =	vpop (erf)  }
0x1fe: {  	v18 =	vperm.xlane v12, v5;
	v1 =	vmul.f32 v62, v3;
	v3 =	vld [tilespmem:s13+$0x90];
	[tilespmem:s21+$0x1A0] =	vst v11;
	v15 =	vpop (erf)  }
0x1ff: {  	v19 =	vperm.xlane v9, v5;
	[tilespmem:s21+$0xFFFFFE40] =	vst v15;
	v20 =	vld [tilespmem:s13+$0x120];
	v0 =	vmul.f32 v0, v17  }
0x200: {  	v2 =	vmul.f32 v63, v18;
	[tilespmem:s21+$0xFFFFFE50] =	vst v1;
	v17 =	vperm.xlane v13, v5;
	v18 =	vld [tilespmem:s13+$0xFFFFFDC0]  }
0x201: {  	v32 =	vperm.xlane v14, v5;
	v4 =	vmul.f32 v4, v19;
	v19 =	vld [tilespmem:s13+$0xFFFFFE60];
	[tilespmem:s21+$0x1C0] =	vst v0  }
0x202: {  	[tilespmem:s21+$0xFFFFFEE0] =	vst v2;
	v33 =	vperm.xlane v11, v5;
	v16 =	vmul.f32 v16, v17;
	v34 =	vld [tilespmem:s13+$0x1D0]  }
0x203: {  	v17 =	vperm.xlane v15, v5;
	v1 =	vmul.f32 v3, v32;
	v3 =	vld [tilespmem:s13+$0xFFFFFEF0];
	[tilespmem:s21+$0xFFFFFF70] =	vst v4  }
0x204: {  	v57 =	vimm.s32 $0x2;
	v4 =	vperm.xlane v10, v59;
	v21 =	vld [tilespmem:s13+$0xFFFFFF80];
	[tilespmem:s21+$0x0] =	vst v16;
	v0 =	vmul.f32 v20, v33  }
0x205: {  	v35 =	vperm.xlane v8, v57;
	v16 =	vmul.f32 v18, v17;
	v17 =	vld [tilespmem:s13+$0x10];
	[tilespmem:s21+$0x90] =	vst v1  }
0x206: {  	v18 =	vperm.xlane v12, v59;
	v4 =	vmul.f32 v19, v4;
	v19 =	vld [tilespmem:s13+$0xA0];
	[tilespmem:s21+$0x120] =	vst v0  }
0x207: {  	v36 =	vperm.xlane v9, v59;
	[tilespmem:s21+$0xFFFFFDC0] =	vst v16;
	v16 =	vld [tilespmem:s13+$0x130];
	v1 =	vmul.f32 v34, v35  }
0x208: {  	v37 =	vperm.xlane v13, v59;
	v20 =	vld [tilespmem:s13+$0xFFFFFDD0];
	[tilespmem:s21+$0xFFFFFE60] =	vst v4;
	v3 =	vmul.f32 v3, v18  }
0x209: {  	v4 =	vperm.xlane v14, v59;
	v18 =	vld [tilespmem:s13+$0xFFFFFE70];
	v0 =	vmul.f32 v21, v36;
	[tilespmem:s21+$0x1D0] =	vst v1  }
0x20a: {  	v38 =	vperm.xlane v11, v59;
	[tilespmem:s21+$0xFFFFFEF0] =	vst v3;
	v2 =	vmul.f32 v17, v37;
	v3 =	vld [tilespmem:s13+$0x1E0]  }
0x20b: {  	v17 =	vperm.xlane v15, v59;
	v21 =	vld [tilespmem:s13+$0xFFFFFF00];
	[tilespmem:s21+$0xFFFFFF80] =	vst v0;
	v39 =	vmul.f32 v19, v4  }
0x20c: {  	v4 =	vperm.xlane v10, v57;
	v19 =	vld [tilespmem:s13+$0xFFFFFF90];
	[tilespmem:s21+$0x10] =	vst v2;
	v1 =	vmul.f32 v16, v38  }
0x20d: {  	v16 =	vld [tilespmem:s13+$0x20];
	[tilespmem:s21+$0xA0] =	vst v39  }
0x20e: {  	v56 =	vimm.s32 $0x3;
	v40 =	vmul.f32 v20, v17;
	v4 =	vmul.f32 v18, v4;
	v18 =	vld [tilespmem:s13+$0xB0];
	[tilespmem:s21+$0x130] =	vst v1  }
0x20f: {  	v41 =	vperm.xlane v8, v56;
	v43 =	vld [tilespmem:s13+$0x140]  }
0x210: {  	v17 =	vperm.xlane v12, v57;
	[tilespmem:s21+$0xFFFFFDD0] =	vst v40;
	v40 =	vld [tilespmem:s24+$0xFFFFFFF0]  }
0x211: {  	v42 =	vperm.xlane v9, v57;
	v0 =	vmul.f32 v3, v41;
	v20 =	vld [tilespmem:s13+$0xFFFFFDE0];
	[tilespmem:s21+$0xFFFFFE70] =	vst v4  }
0x212: {  	v3 =	vperm.xlane v13, v57;
	v4 =	vmul.f32 v21, v17;
	v21 =	vld [tilespmem:s13+$0xFFFFFE80]  }
0x213: {  	v17 =	vperm.xlane v14, v57;
	v1 =	vmul.f32 v19, v42;
	v42 =	vld [tilespmem:s17+$0xFFFFFFF0];
	[tilespmem:s21+$0x1E0] =	vst v0  }
0x214: {  	[tilespmem:s21+$0xFFFFFF00] =	vst v4;
	v3 =	vmul.f32 v16, v3;
	v16 =	vperm.xlane v15, v57;
	v4 =	vld [tilespmem:s13+$0x1F0]  }
0x215: {  	v44 =	vperm.xlane v11, v57;
	v19 =	vld [tilespmem:s13+$0xFFFFFF10];
	[tilespmem:s21+$0xFFFFFF90] =	vst v1;
	v45 =	vmul.f32 v18, v17  }
0x216: {  	v55 =	vimm.s32 $0x4;
	v17 =	vperm.xlane v10, v56;
	v18 =	vld [tilespmem:s13+$0xFFFFFFA0];
	[tilespmem:s21+$0x20] =	vst v3;
	v46 =	vmul.f32 v20, v16  }
0x217: {  	v47 =	vperm.xlane v8, v55;
	v0 =	vmul.f32 v43, v44;
	v3 =	vld [tilespmem:s13+$0x30];
	[tilespmem:s21+$0xB0] =	vst v45  }
0x218: {  	v16 =	vperm.xlane v12, v56;
	v17 =	vmul.f32 v21, v17;
	v20 =	vld [tilespmem:s13+$0xC0];
	[tilespmem:s21+$0xFFFFFDE0] =	vst v46  }
0x219: {  	v48 =	vperm.xlane v9, v56;
	v50 =	vperm.xlane v11, v56;
	[tilespmem:s21+$0x140] =	vst v0;
	v21 =	vld [tilespmem:s13+$0xFFFFFDF0]  }
0x21a: {  	v49 =	vld [tilespmem:s13+$0x150];
	v1 =	vmul.f32 v4, v47;
	[tilespmem:s21+$0xFFFFFE80] =	vst v17;
	v16 =	vmul.f32 v19, v16  }
0x21b: {  	v4 =	vperm.xlane v13, v56;
	v17 =	vperm.xlane v14, v56;
	v19 =	vld [tilespmem:s13+$0xFFFFFE90]  }
0x21c: {  	v45 =	vld [tilespmem:s17+$0x20];
	v0 =	vmul.f32 v18, v48;
	[tilespmem:s21+$0xFFFFFF10] =	vst v16;
	v16 =	vperm.xlane v15, v56  }
0x21d: {  	[tilespmem:s21+$0x1F0] =	vst v1;
	v3 =	vmul.f32 v3, v4;
	v18 =	vld [tilespmem:s13+$0xFFFFFF20];
	v51 =	vmul.f32 v20, v17  }
0x21e: {  	v4 =	vld [tilespmem:s13+$0x200];
	[tilespmem:s21+$0xFFFFFFA0] =	vst v0;
	v17 =	vperm.xlane v10, v55;
	v52 =	vmul.f32 v21, v16  }
0x21f: {  	v20 =	vld [tilespmem:s13+$0xFFFFFFB0];
	v1 =	vmul.f32 v49, v50;
	[tilespmem:s21+$0xC0] =	vst v51  }
0x220: {  	v6 =	vimm.s32 $0x5;
	v16 =	vperm.xlane v12, v55;
	v17 =	vmul.f32 v19, v17;
	v19 =	vld [tilespmem:s13+$0xD0];
	[tilespmem:s21+$0xFFFFFDF0] =	vst v52  }
0x221: {  	v31 =	vmul.f32 $2.000000030e-01, v25;
	v53 =	vperm.xlane v8, v6;
	[tilespmem:s21+$0x30] =	vst v3;
	v21 =	vld [tilespmem:s13+$0xFFFFFE00]  }
0x222: {  	v24 =	vperm.xlane v10, v6;
	v3 =	vld [tilespmem:s13+$0x40];
	[tilespmem:s21+$0x150] =	vst v1;
	v16 =	vmul.f32 v18, v16  }
0x223: {  	v54 =	vperm.xlane v9, v55;
	v58 =	vld [tilespmem:s13+$0x160];
	[tilespmem:s21+$0xFFFFFE90] =	vst v17;
	v17 =	vperm.xlane v14, v55  }
0x224: {  	v0 =	vmul.f32 v4, v53;
	v18 =	vld [tilespmem:s13+$0xFFFFFEA0];
	[tilespmem:s21+$0xFFFFFF20] =	vst v16;
	v16 =	vperm.xlane v15, v55  }
0x225: {  	v4 =	vperm.xlane v13, v55;
	v61 =	vmul.f32 v19, v17;
	v19 =	vld [tilespmem:s17+$0x30]  }
0x226: {  	v1 =	vmul.f32 v20, v54;
	[tilespmem:s21+$0x200] =	vst v0;
	v62 =	vmul.f32 v21, v16;
	v16 =	vld [tilespmem:s24+$0x230]  }
0x227: {  	v60 =	vperm.xlane v11, v55;
	v3 =	vmul.f32 v3, v4;
	v4 =	vld [tilespmem:s13+$0x210]  }
0x228: {  	v26 =	vperm.xlane v12, v6;
	v27 =	vperm.xlane v9, v6;
	v20 =	vld [tilespmem:s13+$0xFFFFFF30];
	[tilespmem:s21+$0xFFFFFFB0] =	vst v1  }
0x229: {  	v29 =	vperm.xlane v13, v6;
	v17 =	vld [tilespmem:s13+$0xFFFFFFC0];
	[tilespmem:s21+$0x40] =	vst v3;
	v0 =	vmul.f32 v58, v60  }
0x22a: {  	v30 =	vperm.xlane v14, v6;
	v23 =	vperm.xlane v15, v6;
	v3 =	vld [tilespmem:s13+$0x50];
	[tilespmem:s21+$0xD0] =	vst v61  }
0x22b: {  	v53 =	vperm.xlane v8, v7;
	v58 =	vimm.s32 $0x6;
	v1 =	vld [tilespmem:s13+$0xE0];
	[tilespmem:s21+$0x160] =	vst v0;
	v16 =	vadd.f32 v19, v16  }
0x22c: {  	v63 =	vperm.xlane v15, v58;
	v41 =	vperm.xlane v8, v58;
	v0 =	vld [tilespmem:s13+$0x170]  }
0x22d: {  	v18 =	vmul.f32 v18, v24;
	v24 =	vld [tilespmem:s24+$0x80];
	[tilespmem:s21+$0xFFFFFE00] =	vst v62;
	v43 =	vmul.f32 $2.000000030e-01, v16  }
0x22e: {  	v36 =	vperm.xlane v14, v58;
	v2 =	vld [tilespmem:s13+$0xFFFFFE10];
	v4 =	vmul.f32 v4, v41  }
0x22f: {  	v20 =	vmul.f32 v20, v26;
	v26 =	vld [tilespmem:s17+$0x0];
	v19 =	vperm.xlane v11, v6;
	v16 =	vmax.f32 v16, v43  }
0x230: {  	v21 =	vld [tilespmem:s17+$0xFFFFFFC0];
	v17 =	vmul.f32 v17, v27;
	v16 =	vmul.f32 $1.442695020e+00, v16  }
0x231: {  	v27 =	vld [tilespmem:s24+$0x110];
	v3 =	vmul.f32 v3, v29;
	v29 =	vadd.f32 v42, v40;
	v0 =	vmul.f32 v0, v19  }
0x232: {  	v19 =	vld [tilespmem:s24+$0xFFFFFE40];
	(erf) = vpow2.f32 v16;
	v16 =	vmul.f32 $2.000000030e-01, v22  }
0x233: {  	v1 =	vmul.f32 v1, v30;
	v30 =	vld [tilespmem:s24+$0x1A0];
	v46 =	vmul.f32 $2.000000030e-01, v29  }
0x234: {  	v24 =	vadd.f32 v26, v24;
	v2 =	vmul.f32 v2, v23;
	v16 =	vmax.f32 v22, v16  }
0x235: {  	v23 =	vmax.f32 v29, v46;
	v22 =	vmax.f32 v25, v31;
	v16 =	vmul.f32 $1.442695020e+00, v16  }
0x236: {  	[tilespmem:s21+$0xFFFFFE10] =	vst v2;
	v25 =	vmul.f32 $2.000000030e-01, v24;
	v47 =	vmul.f32 $1.442695020e+00, v22;
	v22 =	vadd.f32 v28, v27  }
0x237: {  	[tilespmem:s21+$0xFFFFFEA0] =	vst v18;
	v23 =	vmul.f32 $1.442695020e+00, v23;
	v26 =	vld [tilespmem:s13+$0xFFFFFE20];
	v21 =	vadd.f32 v21, v19;
	(erf) = vpow2.f32 v16  }
0x238: {  	[tilespmem:s21+$0xE0] =	vst v1;
	v16 =	vmax.f32 v24, v25;
	v24 =	vadd.f32 v45, v30;
	v18 =	vmul.f32 $2.000000030e-01, v22  }
0x239: {  	[tilespmem:s21+$0xFFFFFF30] =	vst v20;
	v29 =	vld [tilespmem:s13+$0xF0];
	v20 =	vmul.f32 $2.000000030e-01, v21;
	v16 =	vmul.f32 $1.442695020e+00, v16  }
0x23a: {  	[tilespmem:s21+$0x210] =	vst v4;
	v4 =	vld [tilespmem:s13+$0xFFFFFEB0];
	(erf) = vpow2.f32 v47;
	v48 =	vmul.f32 $2.000000030e-01, v24;
	v18 =	vmax.f32 v22, v18  }
0x23b: {  	v49 =	vld [tilespmem:s13+$0x220];
	[tilespmem:s21+$0xFFFFFFC0] =	vst v17;
	(erf) = vpow2.f32 v23;
	v18 =	vmul.f32 $1.442695020e+00, v18  }
0x23c: {  	v32 =	vld [tilespmem:s13+$0xFFFFFF40];
	[tilespmem:s21+$0x170] =	vst v0;
	(erf) = vpow2.f32 v16;
	v16 =	vmul.f32 v26, v63;
	v2 =	vmax.f32 v24, v48  }
0x23d: {  	s10 =	simm.s32 $0x7D50;
	s14 =	simm.s32 $0x39D0;
	[tilespmem:s21+$0x50] =	vst v3;
	v28 =	vld [tilespmem:s13+$0x180];
	v17 =	vmax.f32 v21, v20;
	v19 =	vpop (erf);
	v2 =	vmul.f32 $1.442695020e+00, v2;
	(erf) = vpow2.f32 v18  }
0x23e: {  	v29 =	vmul.f32 v29, v36;
	v36 =	vld [tilespmem:s14+$0xFFFFFF60];
	v3 =	vmul.f32 $1.442695020e+00, v17;
	[tilespmem:s10+$0x230] =	vst v19  }
0x23f: {  	v44 =	vperm.xlane v10, v58;
	v21 =	vld [tilespmem:s24+$0x1B0];
	(erf) = vpow2.f32 v2  }
0x240: {  	v31 =	vperm.xlane v11, v58;
	v27 =	vld [tilespmem:s13+$0x60];
	(erf) = vpow2.f32 v3  }
0x241: {  	v60 =	vperm.xlane v13, v7;
	v50 =	vmul.f32 v4, v44;
	v26 =	vld [tilespmem:s13+$0xFFFFFFD0];
	[tilespmem:s21+$0xFFFFFE20] =	vst v16;
	v16 =	vpop (erf)  }
0x242: {  	v28 =	vmul.f32 v28, v31;
	v31 =	vld [tilespmem:s14+$0xFFFFFFF0];
	v51 =	vperm.xlane v19, v5;
	[tilespmem:s10+$0xFFFFFED0] =	vst v16  }
0x243: {  	v34 =	vperm.xlane v12, v58;
	v33 =	vperm.xlane v9, v58;
	[tilespmem:s21+$0xFFFFFEB0] =	vst v50;
	v30 =	vpop (erf);
	v52 =	vld [tilespmem:s24+$0xFFFFFE50]  }
0x244: {  	v23 =	vperm.xlane v12, v7;
	v20 =	vld [tilespmem:s13+$0xFFFFFE30];
	v0 =	vmul.f32 v21, v51;
	[tilespmem:s10+$0xFFFFFF60] =	vst v30;
	v12 =	vpop (erf)  }
0x245: {  	v35 =	vperm.xlane v13, v58;
	v9 =	vperm.xlane v9, v7;
	v3 =	vld [tilespmem:s24+$0xFFFFFEE0];
	[tilespmem:s10+$0xFFFFFFF0] =	vst v12;
	v17 =	vpop (erf)  }
0x246: {  	v37 =	vmul.f32 v49, v53;
	v4 =	vperm.xlane v16, v5;
	[tilespmem:s10+$0x1B0] =	vst v0;
	v13 =	vld [tilespmem:s24+$0xFFFFFF70];
	v18 =	vpop (erf)  }
0x247: {  	v25 =	vperm.xlane v10, v7;
	v10 =	vperm.xlane v14, v7;
	v54 =	vld [tilespmem:s24+$0x1C0];
	[tilespmem:s10+$0x110] =	vst v18  }
0x248: {  	v44 =	vperm.xlane v30, v5;
	[tilespmem:s10+$0x80] =	vst v17;
	v24 =	vpop (erf);
	v1 =	vmul.f32 v52, v4;
	v4 =	vld [tilespmem:s24+$0x90]  }
0x249: {  	v22 =	vperm.xlane v15, v7;
	v45 =	vperm.xlane v12, v5;
	v63 =	vld [tilespmem:s24+$0x0];
	[tilespmem:s10+$0x1A0] =	vst v24;
	v14 =	vpop (erf)  }
0x24a: {  	v15 =	vperm.xlane v19, v59;
	v3 =	vmul.f32 v3, v44;
	[tilespmem:s10+$0xFFFFFE40] =	vst v14;
	v46 =	vld [tilespmem:s24+$0x120]  }
0x24b: {  	v48 =	vperm.xlane v18, v5;
	[tilespmem:s10+$0xFFFFFE50] =	vst v1;
	v13 =	vmul.f32 v13, v45;
	v47 =	vld [tilespmem:s24+$0xFFFFFDC0]  }
0x24c: {  	v2 =	vmul.f32 v54, v15;
	v15 =	vperm.xlane v17, v5;
	v49 =	vld [tilespmem:s24+$0xFFFFFE60];
	[tilespmem:s10+$0xFFFFFEE0] =	vst v3  }
0x24d: {  	v26 =	vmul.f32 v26, v33;
	[tilespmem:s10+$0xFFFFFF70] =	vst v13;
	v1 =	vmul.f32 v4, v48;
	v4 =	vld [tilespmem:s24+$0xFFFFFEF0]  }
0x24e: {  	v50 =	vperm.xlane v24, v5;
	[tilespmem:s10+$0x1C0] =	vst v2;
	v0 =	vmul.f32 v63, v15;
	v51 =	vld [tilespmem:s24+$0xFFFFFF80]  }
0x24f: {  	v61 =	vperm.xlane v30, v59;
	v15 =	vperm.xlane v14, v5;
	v3 =	vld [tilespmem:s24+$0x1D0]  }
0x250: {  	v33 =	vld [tilespmem:s14+$0xFFFFFED0];
	v13 =	vperm.xlane v16, v59;
	[tilespmem:s10+$0x0] =	vst v0;
	v52 =	vmul.f32 v46, v50  }
0x251: {  	v63 =	vperm.xlane v12, v59;
	[tilespmem:s10+$0x90] =	vst v1;
	v53 =	vmul.f32 v47, v15;
	v15 =	vld [tilespmem:s24+$0x10]  }
0x252: {  	v54 =	vperm.xlane v19, v57;
	v13 =	vmul.f32 v49, v13;
	v62 =	vld [tilespmem:s24+$0xA0];
	[tilespmem:s10+$0x120] =	vst v52  }
0x253: {  	[tilespmem:s10+$0xFFFFFDC0] =	vst v53;
	v44 =	vld [tilespmem:s24+$0x130];
	v4 =	vmul.f32 v4, v61;
	v0 =	vmul.f32 v51, v63  }
0x254: {  	[tilespmem:s10+$0xFFFFFE60] =	vst v13;
	v1 =	vmul.f32 v3, v54;
	v3 =	vperm.xlane v17, v59;
	v45 =	vld [tilespmem:s24+$0xFFFFFDD0]  }
0x255: {  	v41 =	vmul.f32 v32, v34;
	v13 =	vperm.xlane v18, v59;
	v46 =	vld [tilespmem:s24+$0xFFFFFE70];
	[tilespmem:s10+$0xFFFFFEF0] =	vst v4  }
0x256: {  	v21 =	vld [tilespmem:s13+$0xFFFFFEC0];
	v47 =	vperm.xlane v24, v59;
	[tilespmem:s10+$0xFFFFFF80] =	vst v0;
	v3 =	vmul.f32 v15, v3  }
0x257: {  	[tilespmem:s10+$0x1D0] =	vst v1;
	v15 =	vperm.xlane v14, v59;
	v48 =	vld [tilespmem:s24+$0xFFFFFF00];
	v49 =	vmul.f32 v62, v13  }
0x258: {  	v13 =	vperm.xlane v16, v57;
	v50 =	vld [tilespmem:s24+$0xFFFFFF90];
	[tilespmem:s10+$0x10] =	vst v3;
	v1 =	vmul.f32 v44, v47  }
0x259: {  	v11 =	vperm.xlane v11, v7;
	v4 =	vld [tilespmem:s24+$0x1E0];
	[tilespmem:s10+$0xA0] =	vst v49;
	v51 =	vmul.f32 v45, v15  }
0x25a: {  	v3 =	vld [tilespmem:s24+$0x20];
	v15 =	vperm.xlane v30, v57;
	v13 =	vmul.f32 v46, v13;
	[tilespmem:s10+$0x130] =	vst v1  }
0x25b: {  	v27 =	vmul.f32 v27, v35;
	v54 =	vperm.xlane v12, v57;
	v53 =	vld [tilespmem:s24+$0xB0];
	[tilespmem:s10+$0xFFFFFDD0] =	vst v51  }
0x25c: {  	v52 =	vperm.xlane v19, v56;
	v61 =	vld [tilespmem:s24+$0x140];
	[tilespmem:s10+$0xFFFFFE70] =	vst v13;
	v13 =	vmul.f32 v48, v15  }
0x25d: {  	v25 =	vmul.f32 v21, v25;
	v1 =	vmul.f32 v50, v54;
	v62 =	vld [tilespmem:s24+$0xFFFFFDE0]  }
0x25e: {  	v0 =	vmul.f32 v4, v52;
	v4 =	vperm.xlane v17, v57;
	v63 =	vld [tilespmem:s24+$0xFFFFFE80];
	[tilespmem:s10+$0xFFFFFF00] =	vst v13  }
0x25f: {  	v44 =	vperm.xlane v24, v57;
	v15 =	vperm.xlane v18, v57;
	[tilespmem:s10+$0xFFFFFF90] =	vst v1;
	v45 =	vld [tilespmem:s24+$0xFFFFFF10]  }
0x260: {  	v51 =	vperm.xlane v12, v56;
	[tilespmem:s10+$0x1E0] =	vst v0;
	v3 =	vmul.f32 v3, v4;
	v47 =	vld [tilespmem:s24+$0xFFFFFFA0]  }
0x261: {  	v13 =	vperm.xlane v14, v57;
	v46 =	vmul.f32 v53, v15;
	v4 =	vld [tilespmem:s24+$0x1F0]  }
0x262: {  	v21 =	vld [tilespmem:s14+$0xFFFFFE40];
	v15 =	vperm.xlane v16, v56;
	[tilespmem:s10+$0x20] =	vst v3;
	v0 =	vmul.f32 v61, v44  }
0x263: {  	[tilespmem:s10+$0xB0] =	vst v46;
	v48 =	vmul.f32 v62, v13;
	v3 =	vld [tilespmem:s24+$0x30];
	v13 =	vperm.xlane v30, v56  }
0x264: {  	v49 =	vperm.xlane v19, v55;
	v15 =	vmul.f32 v63, v15;
	v50 =	vld [tilespmem:s24+$0xC0];
	[tilespmem:s10+$0x140] =	vst v0  }
0x265: {  	[tilespmem:s10+$0xFFFFFDE0] =	vst v48;
	v52 =	vld [tilespmem:s24+$0x150];
	v13 =	vmul.f32 v45, v13;
	v0 =	vmul.f32 v47, v51  }
0x266: {  	[tilespmem:s10+$0xFFFFFE80] =	vst v15;
	v1 =	vmul.f32 v4, v49;
	v4 =	vperm.xlane v17, v56;
	v53 =	vld [tilespmem:s24+$0xFFFFFDF0]  }
0x267: {  	v32 =	vperm.xlane v12, v58;
	v15 =	vperm.xlane v18, v56;
	v54 =	vld [tilespmem:s24+$0xFFFFFE90];
	[tilespmem:s10+$0xFFFFFF10] =	vst v13  }
0x268: {  	v34 =	vperm.xlane v17, v58;
	[tilespmem:s10+$0xFFFFFFA0] =	vst v0;
	v3 =	vmul.f32 v3, v4;
	v62 =	vld [tilespmem:s24+$0xFFFFFF20]  }
0x269: {  	v61 =	vperm.xlane v24, v56;
	[tilespmem:s10+$0x1F0] =	vst v1;
	v63 =	vmul.f32 v50, v15;
	v44 =	vld [tilespmem:s24+$0xFFFFFFB0]  }
0x26a: {  	s15 =	simm.s32 $0x7D0;
	v42 =	vperm.xlane v14, v6;
	v46 =	vperm.xlane v19, v6;
	v4 =	vld [tilespmem:s24+$0x200];
	[tilespmem:s10+$0x30] =	vst v3  }
0x26b: {  	v13 =	vperm.xlane v14, v56;
	v1 =	vmul.f32 v52, v61;
	[tilespmem:s10+$0xC0] =	vst v63;
	v63 =	vld [tilespmem:s15+$0x30]  }
0x26c: {  	v48 =	vperm.xlane v12, v55;
	v15 =	vperm.xlane v16, v55;
	v3 =	vld [tilespmem:s24+$0x40]  }
0x26d: {  	v45 =	vmul.f32 v53, v13;
	v13 =	vperm.xlane v30, v55;
	v47 =	vld [tilespmem:s24+$0xD0];
	[tilespmem:s10+$0x150] =	vst v1  }
0x26e: {  	v51 =	vperm.xlane v24, v55;
	v15 =	vmul.f32 v54, v15;
	v49 =	vld [tilespmem:s24+$0x160]  }
0x26f: {  	[tilespmem:s10+$0xFFFFFDF0] =	vst v45;
	v13 =	vmul.f32 v62, v13;
	v1 =	vmul.f32 v44, v48;
	v48 =	vld [tilespmem:s14+$0x230]  }
0x270: {  	[tilespmem:s10+$0xFFFFFE90] =	vst v15;
	v0 =	vmul.f32 v4, v46;
	v4 =	vperm.xlane v17, v55;
	v50 =	vld [tilespmem:s24+$0xFFFFFE00]  }
0x271: {  	v61 =	vperm.xlane v16, v6;
	v15 =	vperm.xlane v18, v55;
	v38 =	vld [tilespmem:s24+$0xFFFFFEA0];
	[tilespmem:s10+$0xFFFFFF20] =	vst v13  }
0x272: {  	v54 =	vperm.xlane v19, v58;
	[tilespmem:s10+$0xFFFFFFB0] =	vst v1;
	v3 =	vmul.f32 v3, v4;
	v40 =	vld [tilespmem:s24+$0xFFFFFF30]  }
0x273: {  	v19 =	vperm.xlane v19, v7;
	[tilespmem:s10+$0x200] =	vst v0;
	v52 =	vmul.f32 v47, v15;
	v15 =	vld [tilespmem:s24+$0xFFFFFFC0]  }
0x274: {  	v62 =	vperm.xlane v12, v6;
	v46 =	vperm.xlane v17, v6;
	v4 =	vld [tilespmem:s24+$0x210];
	[tilespmem:s10+$0x40] =	vst v3  }
0x275: {  	v13 =	vperm.xlane v14, v55;
	v0 =	vmul.f32 v49, v51;
	[tilespmem:s10+$0xD0] =	vst v52;
	v3 =	vld [tilespmem:s24+$0x50]  }
0x276: {  	v47 =	vperm.xlane v18, v6;
	v49 =	vperm.xlane v14, v58;
	v43 =	vld [tilespmem:s24+$0xE0]  }
0x277: {  	v53 =	vmul.f32 v50, v13;
	[tilespmem:s10+$0x160] =	vst v0;
	v0 =	vmul.f32 v38, v61;
	v61 =	vld [tilespmem:s15+$0xFFFFFFD0]  }
0x278: {  	v51 =	vperm.xlane v16, v58;
	v52 =	vperm.xlane v30, v58;
	v63 =	vadd.f32 v63, v48;
	v2 =	vld [tilespmem:s24+$0x170]  }
0x279: {  	[tilespmem:s10+$0xFFFFFE00] =	vst v53;
	v38 =	vmul.f32 v15, v62;
	v62 =	vld [tilespmem:s15+$0xFFFFFFE0];
	v1 =	vmul.f32 v4, v54  }
0x27a: {  	v48 =	vmul.f32 $2.000000030e-01, v63;
	v15 =	vperm.xlane v14, v7;
	v45 =	vld [tilespmem:s24+$0xFFFFFE10]  }
0x27b: {  	v14 =	vperm.xlane v16, v7;
	[tilespmem:s10+$0x210] =	vst v1;
	v3 =	vmul.f32 v3, v46;
	v46 =	vld [tilespmem:s15+$0xFFFFFFF0]  }
0x27c: {  	v16 =	vperm.xlane v30, v7;
	v4 =	vperm.xlane v30, v6;
	v30 =	vmax.f32 v63, v48;
	v50 =	vld [tilespmem:s24+$0x220]  }
0x27d: {  	v53 =	vld [tilespmem:s15+$0x0];
	v30 =	vmul.f32 $1.442695020e+00, v30;
	v1 =	vperm.xlane v24, v6;
	v33 =	vadd.f32 v61, v33  }
0x27e: {  	[tilespmem:s21+$0x220] =	vst v37;
	v4 =	vmul.f32 v40, v4;
	v43 =	vmul.f32 v43, v47;
	v47 =	vld [tilespmem:s14+$0x80]  }
0x27f: {  	[tilespmem:s21+$0xFFFFFF40] =	vst v41;
	v61 =	vld [tilespmem:s14+$0x110];
	(erf) = vpow2.f32 v30;
	v63 =	vmul.f32 $2.000000030e-01, v33  }
0x280: {  	v36 =	vadd.f32 v62, v36;
	v62 =	vld [tilespmem:s15+$0x10];
	[tilespmem:s10+$0xFFFFFF30] =	vst v4;
	v4 =	vmul.f32 v20, v22;
	v42 =	vmul.f32 v45, v42  }
0x281: {  	[tilespmem:s21+$0xF0] =	vst v29;
	v44 =	vld [tilespmem:s14+$0x1A0];
	v30 =	vadd.f32 v46, v31;
	v20 =	vmax.f32 v33, v63;
	v45 =	vmul.f32 v50, v19  }
0x282: {  	[tilespmem:s10+$0x50] =	vst v3;
	v31 =	vld [tilespmem:s15+$0x20];
	v19 =	vmul.f32 $2.000000030e-01, v36;
	v3 =	vmul.f32 $1.442695020e+00, v20  }
0x283: {  	[tilespmem:s21+$0x60] =	vst v27;
	v54 =	vld [tilespmem:s15+$0xFFFFFFC0];
	v1 =	vmul.f32 v2, v1;
	v2 =	vadd.f32 v53, v47;
	v22 =	vmul.f32 $2.000000030e-01, v30  }
0x284: {  	[tilespmem:s21+$0x180] =	vst v28;
	v39 =	vperm.xlane v18, v58;
	v19 =	vmax.f32 v36, v19;
	(erf) = vpow2.f32 v3  }
0x285: {  	[tilespmem:s21+$0xFFFFFFD0] =	vst v26;
	v20 =	vmax.f32 v30, v22;
	v22 =	vmul.f32 $2.000000030e-01, v2;
	v30 =	vadd.f32 v62, v61  }
0x286: {  	[tilespmem:s21+$0xFFFFFEC0] =	vst v25;
	v19 =	vmul.f32 $1.442695020e+00, v19;
	v20 =	vmul.f32 $1.442695020e+00, v20  }
0x287: {  	[tilespmem:s10+$0xE0] =	vst v43;
	v40 =	vld [tilespmem:s24+$0x60];
	v3 =	vadd.f32 v31, v44;
	v2 =	vmax.f32 v2, v22;
	v22 =	vmul.f32 $2.000000030e-01, v30  }
0x288: {  	[tilespmem:s10+$0xFFFFFEA0] =	vst v0;
	v21 =	vadd.f32 v54, v21;
	v41 =	vld [tilespmem:s24+$0xF0];
	(erf) = vpow2.f32 v19;
	v2 =	vmul.f32 $1.442695020e+00, v2  }
0x289: {  	v47 =	vld [tilespmem:s13+$0xFFFFFF50];
	[tilespmem:s10+$0xFFFFFE10] =	vst v42;
	v26 =	vmul.f32 $2.000000030e-01, v3;
	(erf) = vpow2.f32 v20;
	v53 =	vmax.f32 v30, v22  }
0x28a: {  	[tilespmem:s10+$0xFFFFFFC0] =	vst v38;
	v48 =	vld [tilespmem:s24+$0xFFFFFE20];
	v19 =	vmul.f32 $2.000000030e-01, v21;
	v0 =	vmul.f32 $1.442695020e+00, v53  }
0x28b: {  	s8 =	simm.s32 $0x81D0;
	v12 =	vperm.xlane v12, v7;
	[tilespmem:s10+$0x170] =	vst v1;
	v33 =	vld [tilespmem:s24+$0xFFFFFFD0];
	v3 =	vmax.f32 v3, v26;
	(erf) = vpow2.f32 v2;
	v22 =	vpop (erf)  }
0x28c: {  	v29 =	vld [tilespmem:s24+$0x180];
	v54 =	vmax.f32 v21, v19;
	v3 =	vmul.f32 $1.442695020e+00, v3;
	[tilespmem:s8+$0x230] =	vst v22;
	(erf) = vpow2.f32 v0  }
0x28d: {  	v18 =	vperm.xlane v18, v7;
	[tilespmem:s21+$0xFFFFFE30] =	vst v4;
	v61 =	vmul.f32 $1.442695020e+00, v54;
	v27 =	vld [tilespmem:s14+$0x1B0]  }
0x28e: {  	v50 =	vld [tilespmem:s24+$0xFFFFFEB0];
	[tilespmem:s10+$0x220] =	vst v45;
	v38 =	vmul.f32 v47, v23;
	(erf) = vpow2.f32 v3;
	v25 =	vpop (erf)  }
0x28f: {  	v31 =	vld [tilespmem:s24+$0xFFFFFF40];
	v62 =	vmul.f32 v48, v49;
	(erf) = vpow2.f32 v61;
	[tilespmem:s8+$0xFFFFFED0] =	vst v25  }
0x290: {  	v13 =	vperm.xlane v24, v58;
	[tilespmem:s21+$0xFFFFFF50] =	vst v38;
	v3 =	vperm.xlane v22, v5;
	v54 =	vld [tilespmem:s14+$0xFFFFFE50]  }
0x291: {  	v40 =	vmul.f32 v40, v34;
	v23 =	vld [tilespmem:s13+$0x100];
	v19 =	vperm.xlane v17, v7;
	[tilespmem:s10+$0xFFFFFE20] =	vst v62;
	v28 =	vpop (erf)  }
0x292: {  	v20 =	vld [tilespmem:s13+$0xFFFFFFE0];
	v17 =	vperm.xlane v24, v7;
	[tilespmem:s8+$0xFFFFFF60] =	vst v28;
	v24 =	vpop (erf);
	v63 =	vmul.f32 v27, v3  }
0x293: {  	v39 =	vmul.f32 v41, v39;
	v35 =	vperm.xlane v25, v5;
	v44 =	vld [tilespmem:s14+$0xFFFFFEE0];
	[tilespmem:s8+$0xFFFFFFF0] =	vst v24  }
0x294: {  	v36 =	vmul.f32 v50, v51;
	v37 =	vmul.f32 v31, v52;
	v27 =	vpop (erf);
	v61 =	vld [tilespmem:s14+$0xFFFFFF70];
	[tilespmem:s8+$0x1B0] =	vst v63  }
0x295: {  	v62 =	vperm.xlane v22, v59;
	[tilespmem:s8+$0x80] =	vst v27;
	v1 =	vmul.f32 v54, v35;
	v4 =	vld [tilespmem:s14+$0x1C0];
	v30 =	vpop (erf)  }
0x296: {  	v38 =	vld [tilespmem:s13+$0x190];
	v0 =	vperm.xlane v25, v59;
	v42 =	vperm.xlane v28, v5;
	[tilespmem:s8+$0x110] =	vst v30  }
0x297: {  	v43 =	vperm.xlane v28, v59;
	v45 =	vperm.xlane v24, v5;
	v49 =	vld [tilespmem:s14+$0x0];
	v31 =	vpop (erf);
	[tilespmem:s8+$0xFFFFFE50] =	vst v1  }
0x298: {  	v48 =	vperm.xlane v28, v57;
	v2 =	vld [tilespmem:s14+$0x90];
	[tilespmem:s8+$0x1A0] =	vst v31;
	v35 =	vpop (erf);
	v42 =	vmul.f32 v44, v42  }
0x299: {  	v3 =	vperm.xlane v25, v57;
	[tilespmem:s8+$0xFFFFFE40] =	vst v35;
	v50 =	vld [tilespmem:s14+$0x120];
	v45 =	vmul.f32 v61, v45  }
0x29a: {  	v63 =	vperm.xlane v27, v5;
	v1 =	vld [tilespmem:s14+$0xFFFFFDC0];
	[tilespmem:s8+$0xFFFFFEE0] =	vst v42;
	v4 =	vmul.f32 v4, v62  }
0x29b: {  	v46 =	vperm.xlane v24, v59;
	v61 =	vperm.xlane v30, v5;
	[tilespmem:s8+$0xFFFFFF70] =	vst v45;
	v45 =	vld [tilespmem:s14+$0xFFFFFEF0]  }
0x29c: {  	v51 =	vperm.xlane v24, v57;
	v49 =	vmul.f32 v49, v63;
	[tilespmem:s8+$0x1C0] =	vst v4;
	v4 =	vld [tilespmem:s14+$0xFFFFFE60]  }
0x29d: {  	v63 =	vperm.xlane v35, v5;
	v2 =	vmul.f32 v2, v61;
	v61 =	vld [tilespmem:s14+$0xFFFFFF80]  }
0x29e: {  	v44 =	vperm.xlane v27, v59;
	v62 =	vperm.xlane v31, v5;
	[tilespmem:s8+$0x0] =	vst v49;
	v42 =	vld [tilespmem:s14+$0x1D0]  }
0x29f: {  	v49 =	vperm.xlane v30, v59;
	v47 =	vld [tilespmem:s14+$0x10];
	v1 =	vmul.f32 v1, v63;
	[tilespmem:s8+$0x90] =	vst v2  }
0x2a0: {  	v50 =	vmul.f32 v50, v62;
	v62 =	vperm.xlane v22, v57;
	v63 =	vld [tilespmem:s14+$0xA0]  }
0x2a1: {  	v21 =	vld [tilespmem:s13+$0x70];
	v43 =	vmul.f32 v45, v43;
	[tilespmem:s8+$0xFFFFFDC0] =	vst v1;
	v0 =	vmul.f32 v4, v0  }
0x2a2: {  	[tilespmem:s8+$0x120] =	vst v50;
	v1 =	vperm.xlane v31, v59;
	v4 =	vperm.xlane v35, v59;
	v59 =	vld [tilespmem:s14+$0xFFFFFDD0]  }
0x2a3: {  	v52 =	vperm.xlane v27, v57;
	v2 =	vmul.f32 v42, v62;
	v42 =	vld [tilespmem:s14+$0x130];
	[tilespmem:s8+$0xFFFFFE60] =	vst v0  }
0x2a4: {  	v54 =	vperm.xlane v22, v56;
	v46 =	vmul.f32 v61, v46;
	[tilespmem:s8+$0xFFFFFEF0] =	vst v43;
	v61 =	vld [tilespmem:s14+$0xFFFFFE70]  }
0x2a5: {  	v44 =	vmul.f32 v47, v44;
	[tilespmem:s8+$0x1D0] =	vst v2;
	v49 =	vmul.f32 v63, v49;
	v63 =	vld [tilespmem:s14+$0xFFFFFF00]  }
0x2a6: {  	v34 =	vperm.xlane v30, v58;
	v43 =	vperm.xlane v30, v57;
	[tilespmem:s8+$0xFFFFFF80] =	vst v46;
	v62 =	vld [tilespmem:s14+$0x1E0]  }
0x2a7: {  	v0 =	vperm.xlane v35, v57;
	[tilespmem:s8+$0x10] =	vst v44;
	v53 =	vld [tilespmem:s14+$0xFFFFFF90];
	v4 =	vmul.f32 v59, v4  }
0x2a8: {  	v26 =	vld [tilespmem:s24+$0xFFFFFE30];
	v46 =	vperm.xlane v31, v57;
	[tilespmem:s8+$0xA0] =	vst v49;
	v1 =	vmul.f32 v42, v1  }
0x2a9: {  	v44 =	vperm.xlane v35, v56;
	v59 =	vld [tilespmem:s14+$0x20];
	v49 =	vperm.xlane v30, v6;
	[tilespmem:s8+$0xFFFFFDD0] =	vst v4  }
0x2aa: {  	v57 =	vld [tilespmem:s14+$0xB0];
	v4 =	vperm.xlane v28, v56;
	v2 =	vmul.f32 v61, v3;
	[tilespmem:s8+$0x130] =	vst v1  }
0x2ab: {  	v3 =	vperm.xlane v25, v56;
	v47 =	vmul.f32 v62, v54;
	v61 =	vld [tilespmem:s14+$0x140]  }
0x2ac: {  	v48 =	vmul.f32 v63, v48;
	v42 =	vmul.f32 v53, v51;
	v62 =	vld [tilespmem:s14+$0xFFFFFDE0];
	[tilespmem:s8+$0xFFFFFE70] =	vst v2  }
0x2ad: {  	v51 =	vperm.xlane v27, v56;
	v53 =	vperm.xlane v35, v55;
	[tilespmem:s8+$0x1E0] =	vst v47;
	v63 =	vld [tilespmem:s14+$0xFFFFFE80]  }
0x2ae: {  	v2 =	vperm.xlane v24, v56;
	[tilespmem:s8+$0xFFFFFF00] =	vst v48;
	v45 =	vmul.f32 v59, v52;
	v59 =	vld [tilespmem:s14+$0x1F0]  }
0x2af: {  	v48 =	vperm.xlane v30, v56;
	[tilespmem:s8+$0xFFFFFF90] =	vst v42;
	v1 =	vmul.f32 v57, v43;
	v43 =	vld [tilespmem:s14+$0xFFFFFF10]  }
0x2b0: {  	v42 =	vperm.xlane v31, v56;
	v57 =	vld [tilespmem:s14+$0xFFFFFFA0];
	[tilespmem:s8+$0x20] =	vst v45;
	v56 =	vmul.f32 v61, v46  }
0x2b1: {  	[tilespmem:s8+$0xB0] =	vst v1;
	v0 =	vmul.f32 v62, v0;
	v61 =	vld [tilespmem:s14+$0x30];
	v62 =	vperm.xlane v22, v55  }
0x2b2: {  	v54 =	vperm.xlane v25, v6;
	v3 =	vmul.f32 v63, v3;
	[tilespmem:s8+$0x140] =	vst v56;
	v63 =	vld [tilespmem:s14+$0xC0]  }
0x2b3: {  	v52 =	vperm.xlane v27, v55;
	[tilespmem:s8+$0xFFFFFDE0] =	vst v0;
	v1 =	vmul.f32 v59, v62;
	v59 =	vld [tilespmem:s14+$0x150]  }
0x2b4: {  	v47 =	vperm.xlane v25, v55;
	v45 =	vperm.xlane v35, v6;
	v56 =	vld [tilespmem:s14+$0xFFFFFDF0];
	[tilespmem:s8+$0xFFFFFE80] =	vst v3  }
0x2b5: {  	v4 =	vmul.f32 v43, v4;
	v2 =	vmul.f32 v57, v2;
	[tilespmem:s8+$0x1F0] =	vst v1;
	v57 =	vld [tilespmem:s14+$0xFFFFFE90]  }
0x2b6: {  	[tilespmem:s10+$0xFFFFFEB0] =	vst v36;
	v46 =	vperm.xlane v27, v6;
	v0 =	vperm.xlane v28, v55;
	v62 =	vld [tilespmem:s14+$0x200]  }
0x2b7: {  	v36 =	vld [tilespmem:s24+$0xFFFFFEC0];
	v3 =	vperm.xlane v24, v55;
	[tilespmem:s8+$0xFFFFFF10] =	vst v4;
	v61 =	vmul.f32 v61, v51  }
0x2b8: {  	[tilespmem:s8+$0xFFFFFFA0] =	vst v2;
	v48 =	vmul.f32 v63, v48;
	v63 =	vld [tilespmem:s14+$0xFFFFFF20];
	v42 =	vmul.f32 v59, v42  }
0x2b9: {  	v4 =	vperm.xlane v30, v55;
	v50 =	vld [tilespmem:s14+$0xFFFFFFB0];
	[tilespmem:s8+$0x30] =	vst v61;
	v59 =	vperm.xlane v22, v6  }
0x2ba: {  	v2 =	vperm.xlane v31, v55;
	v43 =	vmul.f32 v56, v44;
	v44 =	vld [tilespmem:s14+$0x40];
	[tilespmem:s8+$0x150] =	vst v42  }
0x2bb: {  	[tilespmem:s8+$0xC0] =	vst v48;
	v1 =	vmul.f32 v57, v47;
	v61 =	vmul.f32 v62, v59;
	v62 =	vld [tilespmem:s14+$0x160]  }
0x2bc: {  	v55 =	vperm.xlane v28, v6;
	v51 =	vperm.xlane v31, v58;
	v42 =	vld [tilespmem:s14+$0xD0];
	[tilespmem:s8+$0xFFFFFDF0] =	vst v43  }
0x2bd: {  	v48 =	vperm.xlane v24, v6;
	[tilespmem:s8+$0xFFFFFE90] =	vst v1;
	v0 =	vmul.f32 v63, v0;
	v63 =	vld [tilespmem:s14+$0xFFFFFE00]  }
0x2be: {  	v3 =	vmul.f32 v50, v3;
	v47 =	vperm.xlane v31, v6;
	v57 =	vld [tilespmem:s14+$0xFFFFFEA0];
	[tilespmem:s8+$0x200] =	vst v61  }
0x2bf: {  	v43 =	vperm.xlane v35, v58;
	v50 =	vmul.f32 v33, v32;
	v59 =	vld [tilespmem:s14+$0x210];
	[tilespmem:s8+$0xFFFFFF20] =	vst v0  }
0x2c0: {  	[tilespmem:s10+$0xFFFFFF40] =	vst v37;
	v44 =	vmul.f32 v44, v52;
	v61 =	vmul.f32 v62, v2;
	v62 =	vld [tilespmem:s14+$0xFFFFFF30]  }
0x2c1: {  	v37 =	vld [tilespmem:s24+$0xFFFFFF50];
	v32 =	vperm.xlane v24, v58;
	[tilespmem:s8+$0xFFFFFFB0] =	vst v3;
	v4 =	vmul.f32 v42, v4  }
0x2c2: {  	v33 =	vperm.xlane v27, v58;
	[tilespmem:s8+$0x40] =	vst v44;
	v1 =	vmul.f32 v63, v53;
	v53 =	vld [tilespmem:s14+$0xFFFFFFC0]  }
0x2c3: {  	v5 =	vimm.s32 $0x2;
	v63 =	vperm.xlane v22, v58;
	[tilespmem:s8+$0xD0] =	vst v4;
	v3 =	vmul.f32 v57, v54;
	v54 =	vld [tilespmem:s14+$0x50]  }
0x2c4: {  	v6 =	vimm.s32 $0x3;
	v42 =	vperm.xlane v25, v58;
	v44 =	vperm.xlane v28, v58;
	[tilespmem:s8+$0x160] =	vst v61;
	v52 =	vld [tilespmem:s14+$0xE0]  }
0x2c5: {  	v61 =	vimm.s32 $0x4;
	v56 =	vmul.f32 v59, v63;
	[tilespmem:s8+$0xFFFFFE00] =	vst v1;
	v57 =	vmul.f32 v62, v55;
	v55 =	vld [tilespmem:s14+$0x170]  }
0x2c6: {  	s16 =	simm.s32 $0x3E50;
	s13 =	simm.s32 $0x10;
	v63 =	vimm.s32 $0x0;
	v59 =	vimm.s32 $0x1;
	[tilespmem:s8+$0xFFFFFEA0] =	vst v3;
	v41 =	vld [tilespmem:s14+$0xFFFFFE10];
	v62 =	vimm.s32 $0x7  }
.LBB2_5:
0x2c7: {  	v0 =	vld [tilespmem:s16+$0x230];
	v1 =	vmul.f32 v53, v48;
	[tilespmem:s8+$0x210] =	vst v56;
	v2 =	vmul.f32 v29, v13;
	v13 =	vmov v51  }
0x2c8: {  	v3 =	vperm.xlane v35, v62;
	s15 =	sadd.s32 $0x80, s15;
	[tilespmem:s8+$0xFFFFFF30] =	vst v57;
	v4 =	vmul.f32 v54, v46;
	v29 =	vld [tilespmem:s14+$0x220]  }
0x2c9: {  	s13 =	sadd.s32 $0x8, s13;
	v25 =	vperm.xlane v25, v62;
	v35 =	vld [tilespmem:s15+$0x30];
	[tilespmem:s8+$0xFFFFFFC0] =	vst v1;
	v1 =	vmul.f32 v52, v49  }
0x2ca: {  	v28 =	vperm.xlane v28, v62;
	p0 =	slt.u32 s13, $0x38;
	v46 =	vld [tilespmem:s15+$0xFFFFFFC0];
	[tilespmem:s8+$0x50] =	vst v4;
	v4 =	vmul.f32 v55, v47  }
0x2cb: {  	v47 =	vld [tilespmem:s16+$0xFFFFFED0];
	v41 =	vmul.f32 v41, v45;
	[tilespmem:s8+$0xE0] =	vst v1;
	v1 =	vperm.xlane v22, v62  }
0x2cc: {  	v24 =	vperm.xlane v24, v62;
	v27 =	vperm.xlane v27, v62;
	v22 =	vld [tilespmem:s15+$0xFFFFFFD0];
	[tilespmem:s8+$0x170] =	vst v4  }
0x2cd: {  	v30 =	vperm.xlane v30, v62;
	v4 =	vld [tilespmem:s16+$0xFFFFFF60];
	[tilespmem:s8+$0xFFFFFE10] =	vst v41;
	v1 =	vmul.f32 v29, v1  }
0x2ce: {  	v31 =	vperm.xlane v31, v62;
	v26 =	vmul.f32 v26, v15;
	v29 =	vld [tilespmem:s15+$0xFFFFFFE0];
	v0 =	vadd.f32 v35, v0;
	[tilespmem:s10+$0xFFFFFFD0] =	vst v50  }
0x2cf: {  	v15 =	vmovc v3;
	v35 =	vld [tilespmem:s16+$0xFFFFFFF0];
	[tilespmem:s8+$0x220] =	vst v1;
	v1 =	vmul.f32 v36, v14;
	v36 =	vmul.f32 v37, v16;
	v14 =	vmov v25  }
0x2d0: {  	v20 =	vmul.f32 v20, v9;
	v9 =	vmovc v12;
	v12 =	vmovc v24;
	v16 =	vmov v28;
	v3 =	vld [tilespmem:s15+$0xFFFFFFF0];
	v25 =	vmul.f32 $2.000000030e-01, v0;
	[tilespmem:s10+$0x60] =	vst v40  }
0x2d1: {  	v21 =	vmul.f32 v21, v60;
	v23 =	vmul.f32 v23, v10;
	v22 =	vadd.f32 v22, v47;
	v24 =	vld [tilespmem:s16+$0x80];
	[tilespmem:s10+$0xF0] =	vst v39  }
0x2d2: {  	v7 =	vmovc v19;
	v19 =	vmov v27;
	v28 =	vld [tilespmem:s15+$0x0];
	v0 =	vmax.f32 v0, v25;
	[tilespmem:s10+$0x180] =	vst v2;
	v2 =	vmul.f32 v38, v11  }
0x2d3: {  	v10 =	vmovc v18;
	v18 =	vmovc v30;
	v25 =	vmul.f32 $2.000000030e-01, v22;
	v4 =	vadd.f32 v29, v4;
	v27 =	vld [tilespmem:s16+$0x110];
	v0 =	vmul.f32 $1.442695020e+00, v0;
	[tilespmem:s10+$0xFFFFFE30] =	vst v26  }
0x2d4: {  	v11 =	vmov v17;
	v17 =	vmov v31;
	v26 =	vld [tilespmem:s15+$0x10];
	[tilespmem:s10+$0xFFFFFEC0] =	vst v1  }
0x2d5: {  	v1 =	vmul.f32 $2.000000030e-01, v4;
	v3 =	vadd.f32 v3, v35;
	v29 =	vld [tilespmem:s16+$0x1A0];
	(erf) = vpow2.f32 v0;
	[tilespmem:s10+$0xFFFFFF50] =	vst v36  }
0x2d6: {  	v0 =	vmax.f32 v22, v25;
	v22 =	vld [tilespmem:s15+$0x20];
	[tilespmem:s21+$0xFFFFFFE0] =	vst v20  }
0x2d7: {  	v20 =	vld [tilespmem:s16+$0xFFFFFE40];
	v1 =	vmax.f32 v4, v1;
	v4 =	vmul.f32 $2.000000030e-01, v3;
	v24 =	vadd.f32 v28, v24;
	[tilespmem:s21+$0x70] =	vst v21  }
0x2d8: {  	v0 =	vmul.f32 $1.442695020e+00, v0;
	v1 =	vmul.f32 $1.442695020e+00, v1;
	v21 =	vld [tilespmem:s14+$0xFFFFFE20];
	[tilespmem:s21+$0x100] =	vst v23  }
0x2d9: {  	v3 =	vmax.f32 v3, v4;
	v4 =	vmul.f32 $2.000000030e-01, v24;
	v23 =	vadd.f32 v26, v27;
	v25 =	vld [tilespmem:s14+$0xFFFFFEB0];
	[tilespmem:s21+$0x190] =	vst v2;
	s21 =	smov.u32 s10;
	s10 =	smov.u32 s8  }
0x2da: {  	v2 =	vmul.f32 $1.442695020e+00, v3;
	(erf) = vpow2.f32 v0;
	v0 =	vld [tilespmem:s14+$0xFFFFFF40]  }
0x2db: {  	v3 =	vmax.f32 v24, v4;
	v4 =	vmul.f32 $2.000000030e-01, v23;
	v24 =	vadd.f32 v22, v29;
	v41 =	vld [tilespmem:s14+$0xFFFFFFD0]  }
0x2dc: {  	v26 =	vadd.f32 v46, v20;
	v3 =	vmul.f32 $1.442695020e+00, v3;
	(erf) = vpow2.f32 v1;
	v40 =	vld [tilespmem:s14+$0x60]  }
0x2dd: {  	s8 =	sadd.s32 $0x480, s8;
	v1 =	vmax.f32 v23, v4;
	v4 =	vmul.f32 $2.000000030e-01, v24;
	(erf) = vpow2.f32 v2;
	v39 =	vld [tilespmem:s14+$0xF0]  }
0x2de: {  	v2 =	vmul.f32 $2.000000030e-01, v26;
	v1 =	vmul.f32 $1.442695020e+00, v1;
	v22 =	vpop (erf);
	v29 =	vld [tilespmem:s14+$0x180]  }
0x2df: {  	(erf) = vpow2.f32 v3  }
0x2e0: {  	v4 =	vmax.f32 v24, v4;
	[tilespmem:s8+$0x230] =	vst v22;
	v3 =	vmul.f32 v21, v43;
	v20 =	vld [tilespmem:s24+$0xFFFFFFE0];
	v0 =	vmul.f32 v0, v44  }
0x2e1: {  	v2 =	vmax.f32 v26, v2;
	v4 =	vmul.f32 $1.442695020e+00, v4;
	v24 =	vld [tilespmem:s16+$0x1B0];
	(erf) = vpow2.f32 v1  }
0x2e2: {  	v1 =	vmul.f32 $1.442695020e+00, v2;
	[tilespmem:s10+$0xFFFFFE20] =	vst v3;
	v2 =	vmul.f32 v25, v42;
	v21 =	vld [tilespmem:s24+$0x70]  }
0x2e3: {  	v54 =	vperm.xlane v22, v59;
	(erf) = vpow2.f32 v4;
	v26 =	vld [tilespmem:s14+$0xFFFFFE30]  }
0x2e4: {  	v3 =	vperm.xlane v22, v63;
	(erf) = vpow2.f32 v1;
	v25 =	vpop (erf);
	[tilespmem:s10+$0xFFFFFEB0] =	vst v2;
	v23 =	vld [tilespmem:s24+$0x100]  }
0x2e5: {  	[tilespmem:s8+$0xFFFFFED0] =	vst v25;
	v1 =	vperm.xlane v25, v63;
	v2 =	vperm.xlane v25, v59;
	v36 =	vld [tilespmem:s14+$0xFFFFFEC0]  }
0x2e6: {  	v42 =	vperm.xlane v25, v5;
	v4 =	vld [tilespmem:s16+$0xFFFFFE50];
	v3 =	vmul.f32 v24, v3;
	v28 =	vpop (erf);
	[tilespmem:s10+$0xFFFFFF40] =	vst v0  }
0x2e7: {  	[tilespmem:s8+$0xFFFFFF60] =	vst v28;
	v0 =	vperm.xlane v28, v63;
	v43 =	vperm.xlane v28, v59;
	v24 =	vpop (erf);
	v37 =	vld [tilespmem:s14+$0xFFFFFF50]  }
0x2e8: {  	v35 =	vld [tilespmem:s16+$0xFFFFFEE0];
	v44 =	vperm.xlane v24, v63;
	v45 =	vperm.xlane v24, v59;
	[tilespmem:s8+$0x1B0] =	vst v3  }
0x2e9: {  	v3 =	vperm.xlane v28, v5;
	v46 =	vperm.xlane v24, v5;
	[tilespmem:s8+$0xFFFFFFF0] =	vst v24;
	v47 =	vld [tilespmem:s16+$0x1C0];
	v27 =	vpop (erf)  }
0x2ea: {  	v48 =	vld [tilespmem:s16+$0xFFFFFF70];
	[tilespmem:s8+$0x80] =	vst v27;
	v49 =	vperm.xlane v27, v63;
	v50 =	vperm.xlane v27, v59;
	v30 =	vpop (erf)  }
0x2eb: {  	v1 =	vmul.f32 v4, v1;
	v4 =	vld [tilespmem:s16+$0x0];
	[tilespmem:s8+$0x110] =	vst v30;
	v51 =	vperm.xlane v30, v63  }
0x2ec: {  	v40 =	vmul.f32 v40, v33;
	v53 =	vperm.xlane v30, v59;
	v52 =	vld [tilespmem:s16+$0x90];
	v31 =	vpop (erf)  }
0x2ed: {  	v0 =	vmul.f32 v35, v0;
	[tilespmem:s8+$0x1A0] =	vst v31;
	v55 =	vperm.xlane v31, v63;
	v35 =	vpop (erf);
	v38 =	vld [tilespmem:s24+$0x190];
	s24 =	smov.u32 s14;
	s14 =	smov.u32 s16  }
0x2ee: {  	[tilespmem:s8+$0xFFFFFE40] =	vst v35;
	v56 =	vperm.xlane v35, v63;
	v57 =	vld [tilespmem:s16+$0x120];
	v47 =	vmul.f32 v47, v54  }
0x2ef: {  	v58 =	vperm.xlane v35, v59;
	v54 =	vld [tilespmem:s16+$0xFFFFFDC0];
	[tilespmem:s8+$0xFFFFFE50] =	vst v1;
	v1 =	vmul.f32 v48, v44  }
0x2f0: {  	v48 =	vperm.xlane v31, v59;
	v44 =	vld [tilespmem:s16+$0xFFFFFE60];
	v4 =	vmul.f32 v4, v49;
	[tilespmem:s8+$0x1C0] =	vst v47  }
0x2f1: {  	v47 =	vperm.xlane v35, v5;
	[tilespmem:s8+$0xFFFFFEE0] =	vst v0;
	v0 =	vmul.f32 v52, v51;
	v49 =	vld [tilespmem:s16+$0x1D0]  }
0x2f2: {  	v52 =	vperm.xlane v30, v5;
	v51 =	vld [tilespmem:s16+$0xFFFFFEF0];
	[tilespmem:s8+$0xFFFFFF70] =	vst v1;
	v1 =	vperm.xlane v27, v5  }
0x2f3: {  	v59 =	vld [tilespmem:s16+$0xFFFFFF80];
	[tilespmem:s8+$0x0] =	vst v4;
	v4 =	vmul.f32 v57, v55;
	v55 =	vperm.xlane v31, v5  }
0x2f4: {  	v54 =	vmul.f32 v54, v56;
	v56 =	vld [tilespmem:s16+$0x10];
	[tilespmem:s8+$0x90] =	vst v0;
	v0 =	vperm.xlane v22, v5  }
0x2f5: {  	v57 =	vperm.xlane v35, v6;
	v2 =	vmul.f32 v44, v2;
	v44 =	vld [tilespmem:s16+$0xA0];
	[tilespmem:s8+$0x120] =	vst v4  }
0x2f6: {  	v4 =	vperm.xlane v25, v6;
	[tilespmem:s8+$0xFFFFFDC0] =	vst v54;
	v54 =	vld [tilespmem:s16+$0x130];
	v0 =	vmul.f32 v49, v0  }
0x2f7: {  	v49 =	vld [tilespmem:s16+$0xFFFFFDD0];
	[tilespmem:s8+$0xFFFFFE60] =	vst v2;
	v2 =	vmul.f32 v51, v43;
	v43 =	vperm.xlane v28, v6  }
0x2f8: {  	v51 =	vld [tilespmem:s16+$0xFFFFFE70];
	v45 =	vmul.f32 v59, v45;
	v59 =	vperm.xlane v24, v6;
	[tilespmem:s8+$0x1D0] =	vst v0  }
0x2f9: {  	[tilespmem:s8+$0xFFFFFEF0] =	vst v2;
	v0 =	vmul.f32 v56, v50;
	v2 =	vperm.xlane v27, v6;
	v50 =	vld [tilespmem:s16+$0x1E0]  }
0x2fa: {  	v56 =	vld [tilespmem:s16+$0xFFFFFF00];
	[tilespmem:s8+$0xFFFFFF80] =	vst v45;
	v44 =	vmul.f32 v44, v53;
	v53 =	vperm.xlane v30, v6  }
0x2fb: {  	v45 =	vld [tilespmem:s16+$0xFFFFFF90];
	[tilespmem:s8+$0x10] =	vst v0;
	v0 =	vmul.f32 v54, v48;
	v54 =	vperm.xlane v31, v6  }
0x2fc: {  	v48 =	vmul.f32 v49, v58;
	v49 =	vld [tilespmem:s16+$0x20];
	[tilespmem:s8+$0xA0] =	vst v44;
	v44 =	vperm.xlane v22, v6  }
0x2fd: {  	v58 =	vperm.xlane v35, v61;
	v42 =	vmul.f32 v51, v42;
	v51 =	vld [tilespmem:s16+$0xB0];
	[tilespmem:s8+$0x130] =	vst v0  }
0x2fe: {  	v0 =	vperm.xlane v25, v61;
	[tilespmem:s8+$0xFFFFFDD0] =	vst v48;
	v48 =	vld [tilespmem:s16+$0x140];
	v44 =	vmul.f32 v50, v44  }
0x2ff: {  	v50 =	vld [tilespmem:s16+$0xFFFFFDE0];
	[tilespmem:s8+$0xFFFFFE70] =	vst v42;
	v3 =	vmul.f32 v56, v3;
	v56 =	vperm.xlane v28, v61  }
0x300: {  	v60 =	vperm.xlane v24, v61;
	v42 =	vld [tilespmem:s16+$0xFFFFFE80];
	v45 =	vmul.f32 v45, v46;
	[tilespmem:s8+$0x1E0] =	vst v44  }
0x301: {  	[tilespmem:s8+$0xFFFFFF00] =	vst v3;
	v1 =	vmul.f32 v49, v1;
	v3 =	vperm.xlane v27, v61;
	v44 =	vld [tilespmem:s16+$0x1F0]  }
0x302: {  	v46 =	vld [tilespmem:s16+$0xFFFFFF10];
	[tilespmem:s8+$0xFFFFFF90] =	vst v45;
	v45 =	vmul.f32 v51, v52;
	v51 =	vperm.xlane v30, v61  }
0x303: {  	v52 =	vperm.xlane v31, v61;
	v49 =	vld [tilespmem:s16+$0xFFFFFFA0];
	[tilespmem:s8+$0x20] =	vst v1;
	v1 =	vmul.f32 v48, v55  }
0x304: {  	v8 =	vimm.s32 $0x5;
	v48 =	vperm.xlane v22, v61;
	v47 =	vmul.f32 v50, v47;
	v50 =	vld [tilespmem:s16+$0x30];
	[tilespmem:s8+$0xB0] =	vst v45  }
0x305: {  	v45 =	vperm.xlane v35, v8;
	v4 =	vmul.f32 v42, v4;
	v42 =	vld [tilespmem:s16+$0xC0];
	[tilespmem:s8+$0x140] =	vst v1  }
0x306: {  	v1 =	vperm.xlane v25, v8;
	[tilespmem:s8+$0xFFFFFDE0] =	vst v47;
	v47 =	vld [tilespmem:s16+$0x150];
	v44 =	vmul.f32 v44, v48  }
0x307: {  	v61 =	vperm.xlane v28, v8;
	v55 =	vld [tilespmem:s16+$0xFFFFFDF0];
	[tilespmem:s8+$0xFFFFFE80] =	vst v4;
	v4 =	vmul.f32 v46, v43  }
0x308: {  	v48 =	vperm.xlane v24, v8;
	v62 =	vld [tilespmem:s16+$0xFFFFFE90];
	v43 =	vmul.f32 v49, v59;
	[tilespmem:s8+$0x1F0] =	vst v44  }
0x309: {  	v46 =	vperm.xlane v27, v8;
	[tilespmem:s8+$0xFFFFFF10] =	vst v4;
	v2 =	vmul.f32 v50, v2;
	v4 =	vld [tilespmem:s16+$0x200]  }
0x30a: {  	v49 =	vperm.xlane v30, v8;
	v44 =	vld [tilespmem:s16+$0xFFFFFF20];
	[tilespmem:s8+$0xFFFFFFA0] =	vst v43;
	v42 =	vmul.f32 v42, v53  }
0x30b: {  	v50 =	vld [tilespmem:s16+$0xFFFFFFB0];
	[tilespmem:s8+$0x30] =	vst v2;
	v2 =	vmul.f32 v47, v54;
	v47 =	vperm.xlane v31, v8  }
0x30c: {  	v53 =	vmul.f32 v55, v57;
	v54 =	vld [tilespmem:s16+$0x40];
	[tilespmem:s8+$0xC0] =	vst v42;
	v55 =	vperm.xlane v22, v8;
	v8 =	vimm.s32 $0x6  }
0x30d: {  	v43 =	vperm.xlane v35, v8;
	v0 =	vmul.f32 v62, v0;
	v57 =	vld [tilespmem:s16+$0xD0];
	[tilespmem:s8+$0x150] =	vst v2  }
0x30e: {  	v42 =	vperm.xlane v25, v8;
	[tilespmem:s8+$0xFFFFFDF0] =	vst v53;
	v2 =	vld [tilespmem:s16+$0x160];
	v4 =	vmul.f32 v4, v55  }
0x30f: {  	v55 =	vld [tilespmem:s16+$0xFFFFFE00];
	[tilespmem:s8+$0xFFFFFE90] =	vst v0;
	v0 =	vmul.f32 v44, v56;
	v44 =	vperm.xlane v28, v8  }
0x310: {  	v59 =	vperm.xlane v24, v8;
	v56 =	vld [tilespmem:s16+$0xFFFFFEA0];
	v50 =	vmul.f32 v50, v60;
	[tilespmem:s8+$0x200] =	vst v4  }
0x311: {  	[tilespmem:s8+$0xFFFFFF20] =	vst v0;
	v0 =	vmul.f32 v54, v3;
	v3 =	vperm.xlane v27, v8;
	v4 =	vld [tilespmem:s16+$0x210]  }
0x312: {  	v62 =	vperm.xlane v30, v8;
	v60 =	vld [tilespmem:s16+$0xFFFFFF30];
	[tilespmem:s8+$0xFFFFFFB0] =	vst v50;
	v50 =	vmul.f32 v57, v51  }
.Ltmp1:
0x313: {  	v51 =	vperm.xlane v31, v8;
	v53 =	vld [tilespmem:s16+$0xFFFFFFC0];
	[tilespmem:s8+$0x40] =	vst v0;
	v0 =	vmul.f32 v2, v52;
	(pc) =	sbr.rel @p0 .LBB2_5-.Ltmp1, $4  }
0x314: {  	v57 =	vperm.xlane v22, v8;
	v2 =	vmul.f32 v55, v58;
	v54 =	vld [tilespmem:s16+$0x50];
	[tilespmem:s8+$0xD0] =	vst v50  }
0x315: {  	v50 =	vmul.f32 v41, v32;
	v32 =	vmovc v59;
	v59 =	vimm.s32 $0x1;
	v1 =	vmul.f32 v56, v1;
	v52 =	vld [tilespmem:s16+$0xE0];
	[tilespmem:s8+$0x160] =	vst v0  }
0x316: {  	v39 =	vmul.f32 v39, v34;
	v33 =	vmov v3;
	[tilespmem:s8+$0xFFFFFE00] =	vst v2;
	v55 =	vld [tilespmem:s16+$0x170];
	v56 =	vmul.f32 v4, v57  }
0x317: {  	v34 =	vmovc v62;
	v62 =	vimm.s32 $0x7;
	s16 =	sadd.s32 $0x480, s16;
	v41 =	vld [tilespmem:s14+$0xFFFFFE10];
	[tilespmem:s8+$0xFFFFFEA0] =	vst v1;
	v57 =	vmul.f32 v60, v61;
	v60 =	vmovc v7;
	v61 =	vimm.s32 $0x4  }
0x318: {  	[tilespmem:s8+$0x210] =	vst v56  }
0x319: {  	[tilespmem:s10+$0xFFFFFFD0] =	vst v50  }
0x31a: {  	[tilespmem:s10+$0x60] =	vst v40  }
0x31b: {  	v0 =	vmul.f32 v53, v48;
	[tilespmem:s10+$0xF0] =	vst v39  }
0x31c: {  	v58 =	vmul.f32 v29, v13;
	[tilespmem:s8+$0xFFFFFF30] =	vst v57  }
0x31d: {  	v13 =	vmul.f32 v26, v15;
	[tilespmem:s8+$0xFFFFFFC0] =	vst v0  }
0x31e: {  	v15 =	vmul.f32 v36, v14;
	[tilespmem:s10+$0x180] =	vst v58  }
0x31f: {  	v26 =	vmul.f32 v37, v16;
	[tilespmem:s10+$0xFFFFFE30] =	vst v13  }
0x320: {  	v4 =	vmul.f32 v20, v9;
	[tilespmem:s10+$0xFFFFFEC0] =	vst v15  }
0x321: {  	v8 =	vmul.f32 v21, v60;
	[tilespmem:s10+$0xFFFFFF50] =	vst v26  }
0x322: {  	v29 =	vld [tilespmem:s14+$0xFFFFFEB0];
	v37 =	vmul.f32 v23, v10;
	[tilespmem:s21+$0xFFFFFFE0] =	vst v4  }
0x323: {  	v1 =	vmul.f32 v54, v46;
	v2 =	vld [tilespmem:s14+$0x220];
	[tilespmem:s21+$0x70] =	vst v8  }
0x324: {  	v46 =	vld [tilespmem:s24+$0xFFFFFFE0];
	[tilespmem:s21+$0x100] =	vst v37;
	v3 =	vmul.f32 v41, v45  }
0x325: {  	v54 =	vmul.f32 v52, v49;
	v36 =	vld [tilespmem:s14+$0xFFFFFF40];
	[tilespmem:s8+$0x50] =	vst v1  }
0x326: {  	v49 =	vld [tilespmem:s24+$0x100];
	v56 =	vmul.f32 v55, v47;
	[tilespmem:s8+$0xFFFFFE10] =	vst v3  }
0x327: {  	v57 =	vperm.xlane v22, v62;
	[tilespmem:s8+$0xE0] =	vst v54;
	v1 =	vmul.f32 v29, v42;
	v22 =	vld [tilespmem:s14+$0xFFFFFE20]  }
0x328: {  	v4 =	vld [tilespmem:s14+$0xFFFFFFD0];
	[tilespmem:s8+$0x170] =	vst v56;
	v42 =	vmul.f32 v38, v11  }
0x329: {  	v8 =	vld [tilespmem:s14+$0x60];
	v0 =	vmul.f32 v2, v57;
	[tilespmem:s8+$0xFFFFFEB0] =	vst v1  }
0x32a: {  	v39 =	vld [tilespmem:s14+$0xF0];
	v41 =	vmul.f32 v36, v44;
	[tilespmem:s21+$0x190] =	vst v42  }
0x32b: {  	v40 =	vld [tilespmem:s14+$0x180];
	v56 =	vmul.f32 v49, v18;
	[tilespmem:s8+$0x220] =	vst v0  }
0x32c: {  	v50 =	vld [tilespmem:s24+$0x190];
	[tilespmem:s8+$0xFFFFFF40] =	vst v41;
	v0 =	vmul.f32 v22, v43  }
0x32d: {  	v44 =	vmul.f32 v4, v32;
	[tilespmem:s10+$0x100] =	vst v56;
	v45 =	vld [tilespmem:s14+$0xFFFFFF50]  }
0x32e: {  	v1 =	vld [tilespmem:s14+$0xFFFFFEC0];
	v4 =	vmul.f32 v8, v33;
	[tilespmem:s8+$0xFFFFFE20] =	vst v0  }
0x32f: {  	v47 =	vperm.xlane v25, v62;
	v3 =	vmul.f32 v39, v34;
	[tilespmem:s8+$0xFFFFFFD0] =	vst v44;
	v43 =	vld [tilespmem:s14+$0xFFFFFE30]  }
0x330: {  	v9 =	vmul.f32 v40, v51;
	[tilespmem:s8+$0x60] =	vst v4;
	v4 =	vperm.xlane v28, v62  }
0x331: {  	v48 =	vld [tilespmem:s24+$0x70];
	v8 =	vperm.xlane v35, v62;
	[tilespmem:s8+$0xF0] =	vst v3;
	v3 =	vmul.f32 v50, v17  }
0x332: {  	v52 =	vld [tilespmem:s14+$0xFFFFFFE0];
	[tilespmem:s8+$0x180] =	vst v9;
	v51 =	vmul.f32 v45, v4;
	v4 =	vmul.f32 v46, v12  }
0x333: {  	v53 =	vld [tilespmem:s14+$0x70];
	v0 =	vmul.f32 v1, v47;
	[tilespmem:s10+$0x190] =	vst v3  }
0x334: {  	[tilespmem:s10+$0xFFFFFFE0] =	vst v4;
	v4 =	vld [tilespmem:s14+$0x190];
	v8 =	vmul.f32 v43, v8  }
0x335: {  	v55 =	vperm.xlane v24, v62;
	v54 =	vld [tilespmem:s14+$0x100];
	[tilespmem:s8+$0xFFFFFEC0] =	vst v0  }
0x336: {  	v57 =	vperm.xlane v27, v62;
	[tilespmem:s8+$0xFFFFFE30] =	vst v8;
	v8 =	vmul.f32 v48, v19  }
0x337: {  	v58 =	vperm.xlane v31, v62;
	v2 =	vmul.f32 v52, v55;
	[tilespmem:s8+$0xFFFFFF50] =	vst v51  }
0x338: {  	v0 =	vmul.f32 v53, v57;
	[tilespmem:s10+$0x70] =	vst v8;
	v8 =	vperm.xlane v30, v62  }
0x339: {  	[tilespmem:s8+$0xFFFFFFE0] =	vst v2;
	v60 =	vmul.f32 v4, v58  }
0x33a: {  	[tilespmem:s8+$0x70] =	vst v0;
	v1 =	vmul.f32 v54, v8  }
0x33b: {  	[tilespmem:s8+$0x190] =	vst v60  }
0x33c: {  	[tilespmem:s8+$0x100] =	vst v1  }
0x33d: {  	v0 =	vld [tilespmem:$0x1C0]  }
0x33e: {  	v1 =	vld [tilespmem:$0x1D0]  }
0x33f: {  	v2 =	vld [tilespmem:$0x1E0]  }
0x340: {  	s9 =	sadd.s32 $0x1, s9;
	v3 =	vld [tilespmem:$0x1F0]  }
0x341: {  	p0 =	sne.s32 s9, $0x4E  }
.Ltmp2:
0x342: {  	[tilespmem:$0x240] =	vst v0;
	(pc) =	sbr.rel @p0 .LBB2_2-.Ltmp2, $4  }
0x343: {  	[tilespmem:$0x250] =	vst v1  }
0x344: {  	[tilespmem:$0x260] =	vst v2  }
0x345: {  	[tilespmem:$0x270] =	vst v3  }
0x346: {  	v7 =	vimm.s32 $0x3;
	v6 =	vimm.s32 $0x2;
	v60 =	vimm.s32 $0x5;
	[spmem:s3] =	stream.indirect.scatter.add.f32 [tilespmem:s7], [sflag:$0x8], $0x90, s25, s19, $0xb8;
	[tilespmem:$0x1FA20] =	vst v63  }
0x347: {  	s8 =	simm.s32 $0x7  }
0x348: {  	_ =	swait.ge [sflag:s8], $0x2400  }
0x349: {  	[sflag:s8] =	ssyncset.done $0x0  }
0x34a: {  	s14 =	simm.s32 $0x8;
	[sflag:s8] =	ssyncadd.s32 $0xFFFFDC00  }
0x34b: {  	_ =	swait.ge [sflag:s14], $0x2400  }
0x34c: {  	s21 =	simm.s32 $0x100;
	[sflag:s14] =	ssyncset.done $0x0  }
0x34d: {  	s8 =	simm.s32 $0x0;
	s9 =	rddreg [dreg:$0x8];
	[sflag:s14] =	ssyncadd.s32 $0xFFFFDC00  }
0x34e: {  	[tilespmem:s21], [sflag:$0x9] =	stream.linear.gather [hbm4b:s9+s8], $0x10, $0x38;
	[tilespmem:$0x1FA20] =	vst v63  }
0x34f: {  	_ =	swait.ge [sflag:s18], $0x10  }
0x350: {  	[sflag:s18] =	ssyncset.done $0x0  }
0x351: {  	s10 =	simm.s32 $0x280;
	s15 =	rddreg [dreg:$0x9];
	[sflag:s18] =	ssyncadd.s32 $0xFFFFFFF0  }
0x352: {  	[tilespmem:s10], [sflag:$0x9] =	stream.linear.gather [hbm4b:s15+s8], $0x10, $0x38;
	[tilespmem:$0x1FA20] =	vst v63  }
0x353: {  	_ =	swait.ge [sflag:s18], $0x10  }
0x354: {  	[sflag:s18] =	ssyncset.done $0x0  }
0x355: {  	s17 =	simm.s32 $0x290;
	s16 =	simm.s32 $0x10;
	[sflag:s18] =	ssyncadd.s32 $0xFFFFFFF0  }
0x356: {  	[tilespmem:s17], [sflag:$0x9] =	stream.indirect.gather [hbm4b:s5+s16], $0x10, s10, s16, $0xb8;
	[tilespmem:$0x1FA20] =	vst v63  }
0x357: {  	_ =	swait.ge [sflag:s18], $0x100  }
0x358: {  	[sflag:s18] =	ssyncset.done $0x0  }
0x359: {  	s24 =	simm.s32 $0xA90;
	[sflag:s18] =	ssyncadd.s32 $0xFFFFFF00  }
0x35a: {  	[tilespmem:s24], [sflag:$0x9] =	stream.indirect.gather [hbm4b:s6+s16], $0x90, s21, s16, $0xb8;
	[tilespmem:$0x1FA20] =	vst v63  }
0x35b: {  	_ =	swait.ge [sflag:s18], $0x900  }
0x35c: {  	[sflag:s18] =	ssyncset.done $0x0  }
0x35d: {  	p0 =	por $0x1, $0x1;
	v21 =	vimm.s32 $0x6;
	[sflag:s18] =	ssyncadd.s32 $0xFFFFF700  }
.LBB2_8:
0x35e: {  	s13 =	smul.u32 $0x90, s8  }
0x35f: {  	s9 =	sshll.u32 s8, $0x4  }
0x360: {  	s9 =	sand.u32 $0x3FFFFFF0, s9;
	v0 =	vld [tilespmem:s13+$0xB10]  }
0x361: {  	v1 =	vld [tilespmem:s9+$0x290];
	_ =	sdelay $0x3  }
0x362: {  	s16 =	sor.u32 $0x1, s8  }
0x363: {  	s15 =	smul.u32 $0x90, s16;
	v0 =	vadd.f32 v1, v0  }
0x364: {  	s9 =	sshll.u32 s16, $0x4  }
0x365: {  	v2 =	vld [tilespmem:s15+$0xB10];
	s9 =	sand.u32 $0x3FFFFFF0, s9;
	v1 =	vmul.f32 $2.000000030e-01, v0  }
0x366: {  	s10 =	sor.u32 $0x2, s8;
	v57 =	vld [tilespmem:s9+$0x290]  }
0x367: {  	s9 =	sshll.u32 s10, $0x4;
	v0 =	vmax.f32 v0, v1  }
0x368: {  	s14 =	smul.u32 $0x90, s10;
	s10 =	sor.u32 $0x3, s8;
	s9 =	sand.u32 $0x3FFFFFF0, s9;
	v0 =	vmul.f32 $1.442695020e+00, v0  }
0x369: {  	v9 =	vld [tilespmem:s9+$0x290];
	s9 =	smul.u32 $0x90, s10  }
0x36a: {  	s10 =	sshll.u32 s10, $0x4;
	(erf) = vpow2.f32 v0  }
0x36b: {  	s10 =	sand.u32 $0x3FFFFFF0, s10;
	v20 =	vld [tilespmem:s9+$0xB10];
	v1 =	vadd.f32 v57, v2  }
0x36c: {  	v29 =	vld [tilespmem:s10+$0x290]  }
0x36d: {  	v4 =	vmul.f32 $2.000000030e-01, v1  }
0x36e: {  	v58 =	vld [tilespmem:s13+$0xA90]  }
0x36f: {  	v18 =	vld [tilespmem:s13+$0xAA0];
	v1 =	vmax.f32 v1, v4  }
0x370: {  	v3 =	vld [tilespmem:s13+$0xAB0];
	v1 =	vmul.f32 $1.442695020e+00, v1  }
0x371: {  	v38 =	vadd.f32 v29, v20;
	v4 =	vld [tilespmem:s14+$0xB10]  }
0x372: {  	v8 =	vld [tilespmem:s13+$0xAC0];
	(erf) = vpow2.f32 v1  }
0x373: {  	v10 =	vld [tilespmem:s13+$0xAD0];
	v43 =	vmul.f32 $2.000000030e-01, v38;
	v11 =	vpop (erf)  }
0x374: {  	v12 =	vld [tilespmem:s13+$0xAE0];
	v19 =	vperm.xlane v11, v63;
	v13 =	vperm.xlane v11, v59  }
0x375: {  	v14 =	vld [tilespmem:s13+$0xAF0];
	v26 =	vperm.xlane v11, v6;
	v27 =	vperm.xlane v11, v7  }
0x376: {  	v15 =	vld [tilespmem:s13+$0xB00];
	v4 =	vadd.f32 v9, v4;
	v17 =	vperm.xlane v11, v61;
	v28 =	vperm.xlane v11, v60  }
0x377: {  	v25 =	vld [tilespmem:s15+$0xA90];
	v31 =	vperm.xlane v11, v21;
	v0 =	vmul.f32 v58, v19  }
0x378: {  	v16 =	vld [tilespmem:s15+$0xAA0];
	[tilespmem:s13+$0x5310] =	vst v11;
	v24 =	vmul.f32 v18, v13;
	v19 =	vmul.f32 $2.000000030e-01, v4  }
0x379: {  	v30 =	vld [tilespmem:s15+$0xAC0];
	v11 =	vperm.xlane v11, v62;
	v3 =	vmul.f32 v3, v26;
	[tilespmem:s13+$0x5290] =	vst v0  }
0x37a: {  	s16 =	sor.u32 $0x4, s8;
	v33 =	vld [tilespmem:s15+$0xAD0];
	v8 =	vmul.f32 v8, v27;
	v10 =	vmul.f32 v10, v17;
	v4 =	vmax.f32 v4, v19;
	[tilespmem:s13+$0x52A0] =	vst v24  }
0x37b: {  	v36 =	vld [tilespmem:s15+$0xAF0];
	s10 =	smul.u32 $0x90, s16;
	v9 =	vmul.f32 v12, v28;
	v32 =	vpop (erf);
	[tilespmem:s13+$0x52B0] =	vst v3;
	v4 =	vmul.f32 $1.442695020e+00, v4  }
0x37c: {  	v37 =	vld [tilespmem:s15+$0xB00];
	s16 =	sshll.u32 s16, $0x4;
	v34 =	vperm.xlane v32, v63;
	v0 =	vmul.f32 v14, v31;
	[tilespmem:s13+$0x52C0] =	vst v8  }
0x37d: {  	s16 =	sand.u32 $0x3FFFFFF0, s16;
	v48 =	vld [tilespmem:s10+$0xB10];
	v35 =	vperm.xlane v32, v59;
	[tilespmem:s13+$0x52D0] =	vst v10;
	(erf) = vpow2.f32 v4  }
0x37e: {  	v49 =	vld [tilespmem:s16+$0x290];
	v8 =	vmul.f32 v15, v11;
	v39 =	vperm.xlane v32, v6;
	[tilespmem:s13+$0x52E0] =	vst v9  }
0x37f: {  	v41 =	vperm.xlane v32, v7;
	v45 =	vperm.xlane v32, v61;
	[tilespmem:s15+$0x5310] =	vst v32;
	v4 =	vld [tilespmem:s15+$0xAE0]  }
0x380: {  	v18 =	vld [tilespmem:s15+$0xAB0];
	v47 =	vperm.xlane v32, v60;
	v1 =	vmul.f32 v25, v34;
	[tilespmem:s13+$0x52F0] =	vst v0  }
0x381: {  	v40 =	vld [tilespmem:s14+$0xA90];
	v11 =	vmax.f32 v38, v43;
	v52 =	vperm.xlane v32, v62;
	v3 =	vmul.f32 v16, v35;
	[tilespmem:s13+$0x5300] =	vst v8  }
0x382: {  	v42 =	vld [tilespmem:s14+$0xAA0];
	v11 =	vmul.f32 $1.442695020e+00, v11;
	v8 =	vmul.f32 v30, v41;
	[tilespmem:s15+$0x5290] =	vst v1  }
0x383: {  	v46 =	vld [tilespmem:s14+$0xAB0];
	s16 =	sor.u32 $0x5, s8;
	v24 =	vadd.f32 v49, v48;
	v10 =	vmul.f32 v33, v45;
	v2 =	vmul.f32 v37, v52;
	[tilespmem:s15+$0x52A0] =	vst v3  }
0x384: {  	v51 =	vld [tilespmem:s14+$0xAC0];
	s13 =	smul.u32 $0x90, s16;
	[tilespmem:s15+$0x52C0] =	vst v8;
	v50 =	vmul.f32 v4, v47;
	v4 =	vperm.xlane v32, v21  }
0x385: {  	v54 =	vld [tilespmem:s14+$0xAD0];
	v29 =	vmul.f32 $2.000000030e-01, v24;
	s16 =	sshll.u32 s16, $0x4;
	v44 =	vmul.f32 v18, v39;
	[tilespmem:s15+$0x52D0] =	vst v10  }
0x386: {  	s16 =	sand.u32 $0x3FFFFFF0, s16;
	[tilespmem:s15+$0x5300] =	vst v2;
	v31 =	vld [tilespmem:s13+$0xB10];
	v4 =	vmul.f32 v36, v4;
	v53 =	vpop (erf);
	(erf) = vpow2.f32 v11  }
0x387: {  	[tilespmem:s15+$0x52B0] =	vst v44;
	v32 =	vld [tilespmem:s16+$0x290];
	v55 =	vperm.xlane v53, v63;
	v56 =	vperm.xlane v53, v59  }
0x388: {  	v57 =	vld [tilespmem:s14+$0xAF0];
	[tilespmem:s15+$0x52E0] =	vst v50;
	v25 =	vperm.xlane v53, v6;
	v26 =	vperm.xlane v53, v7  }
0x389: {  	v20 =	vld [tilespmem:s14+$0xAE0];
	[tilespmem:s15+$0x52F0] =	vst v4;
	v4 =	vperm.xlane v53, v61;
	v0 =	vmul.f32 v40, v55  }
0x38a: {  	v58 =	vld [tilespmem:s14+$0xB00];
	v11 =	vmax.f32 v24, v29;
	v30 =	vperm.xlane v53, v60;
	[tilespmem:s14+$0x5310] =	vst v53;
	v8 =	vmul.f32 v42, v56  }
0x38b: {  	v27 =	vld [tilespmem:s9+$0xA90];
	v11 =	vmul.f32 $1.442695020e+00, v11;
	v1 =	vmul.f32 v46, v25;
	[tilespmem:s14+$0x5290] =	vst v0  }
0x38c: {  	v28 =	vld [tilespmem:s9+$0xAA0];
	v35 =	vperm.xlane v53, v62;
	v12 =	vadd.f32 v32, v31;
	v9 =	vmul.f32 v51, v26;
	[tilespmem:s14+$0x52A0] =	vst v8  }
0x38d: {  	v34 =	vld [tilespmem:s9+$0xAB0];
	v4 =	vmul.f32 v54, v4;
	v8 =	vperm.xlane v53, v21;
	[tilespmem:s14+$0x52B0] =	vst v1  }
0x38e: {  	v37 =	vld [tilespmem:s9+$0xAC0];
	v33 =	vmul.f32 v20, v30;
	v46 =	vmul.f32 $2.000000030e-01, v12;
	[tilespmem:s14+$0x52C0] =	vst v9  }
0x38f: {  	v41 =	vld [tilespmem:s9+$0xAF0];
	[tilespmem:s14+$0x52D0] =	vst v4;
	v3 =	vmul.f32 v57, v8  }
0x390: {  	v39 =	vld [tilespmem:s9+$0xAD0];
	s15 =	sor.u32 $0x6, s8;
	[tilespmem:s14+$0x52E0] =	vst v33;
	v12 =	vmax.f32 v12, v46;
	v8 =	vmul.f32 v58, v35;
	v36 =	vpop (erf);
	(erf) = vpow2.f32 v11  }
0x391: {  	v44 =	vld [tilespmem:s9+$0xB00];
	s16 =	sshll.u32 s15, $0x4;
	v12 =	vmul.f32 $1.442695020e+00, v12;
	[tilespmem:s14+$0x52F0] =	vst v3  }
0x392: {  	s16 =	sand.u32 $0x3FFFFFF0, s16;
	v40 =	vld [tilespmem:s9+$0xAE0];
	[tilespmem:s14+$0x5300] =	vst v8;
	s14 =	smul.u32 $0x90, s15;
	v38 =	vperm.xlane v36, v63;
	v4 =	vperm.xlane v36, v59  }
0x393: {  	v52 =	vld [tilespmem:s16+$0x290];
	v42 =	vperm.xlane v36, v6;
	v43 =	vperm.xlane v36, v7  }
0x394: {  	s8 =	sor.u32 $0x7, s8;
	v48 =	vperm.xlane v36, v61;
	v49 =	vperm.xlane v36, v60;
	v54 =	vld [tilespmem:s14+$0xB10]  }
0x395: {  	s16 =	sshll.u32 s8, $0x4;
	v51 =	vperm.xlane v36, v21;
	v1 =	vmul.f32 v27, v38  }
0x396: {  	s8 =	smul.u32 $0x90, s8;
	v8 =	vld [tilespmem:s10+$0xAA0];
	s15 =	sand.u32 $0x3FFFFFF0, s16;
	[tilespmem:s9+$0x5310] =	vst v36;
	v58 =	vperm.xlane v36, v62;
	v45 =	vmul.f32 v28, v4  }
0x397: {  	v55 =	vld [tilespmem:s15+$0x290];
	v0 =	vmul.f32 v34, v42;
	v47 =	vmul.f32 v37, v43;
	[tilespmem:s9+$0x5290] =	vst v1  }
0x398: {  	v53 =	vmul.f32 v39, v48;
	v9 =	vmul.f32 v40, v49;
	v40 =	vld [tilespmem:s8+$0xB10];
	[tilespmem:s9+$0x52A0] =	vst v45  }
0x399: {  	v4 =	vld [tilespmem:s10+$0xA90];
	v56 =	vmul.f32 v41, v51;
	v2 =	vmul.f32 v44, v58;
	[tilespmem:s9+$0x52B0] =	vst v0;
	v32 =	vadd.f32 v52, v54;
	v57 =	vpop (erf)  }
0x39a: {  	v50 =	vld [tilespmem:s10+$0xAB0];
	[tilespmem:s9+$0x52C0] =	vst v47;
	(erf) = vpow2.f32 v12;
	v26 =	vperm.xlane v57, v59  }
0x39b: {  	v25 =	vld [tilespmem:s10+$0xAC0];
	[tilespmem:s9+$0x52D0] =	vst v53;
	v37 =	vmul.f32 $2.000000030e-01, v32;
	v24 =	vperm.xlane v57, v63  }
0x39c: {  	[tilespmem:s9+$0x52E0] =	vst v9;
	v27 =	vperm.xlane v57, v6;
	v30 =	vmul.f32 v8, v26;
	v8 =	vld [tilespmem:s10+$0xAF0]  }
0x39d: {  	v28 =	vld [tilespmem:s10+$0xAD0];
	[tilespmem:s9+$0x52F0] =	vst v56;
	v12 =	vadd.f32 v55, v40;
	v33 =	vperm.xlane v57, v7;
	v34 =	vperm.xlane v57, v61  }
0x39e: {  	v35 =	vld [tilespmem:s10+$0xB00];
	[tilespmem:s9+$0x5300] =	vst v2;
	v39 =	vperm.xlane v57, v21;
	v4 =	vmul.f32 v4, v24  }
0x39f: {  	v29 =	vld [tilespmem:s10+$0xAE0];
	[tilespmem:s10+$0x5310] =	vst v57;
	v44 =	vperm.xlane v57, v62;
	v13 =	vmul.f32 $2.000000030e-01, v12  }
0x3a0: {  	v41 =	vmax.f32 v32, v37;
	v31 =	vmul.f32 v50, v27;
	v38 =	vmul.f32 v25, v33;
	[tilespmem:s10+$0x5290] =	vst v4  }
0x3a1: {  	v36 =	vld [tilespmem:s13+$0xA90];
	[tilespmem:s10+$0x52A0] =	vst v30;
	v2 =	vmul.f32 v8, v39;
	v8 =	vmul.f32 $1.442695020e+00, v41  }
0x3a2: {  	v42 =	vld [tilespmem:s13+$0xAA0];
	v11 =	vmul.f32 v28, v34;
	v4 =	vperm.xlane v57, v60;
	[tilespmem:s10+$0x52B0] =	vst v31  }
0x3a3: {  	v0 =	vmul.f32 v35, v44;
	[tilespmem:s10+$0x52C0] =	vst v38;
	v43 =	vpop (erf);
	(erf) = vpow2.f32 v8;
	v8 =	vld [tilespmem:s13+$0xAC0]  }
0x3a4: {  	v46 =	vld [tilespmem:s13+$0xAB0];
	[tilespmem:s10+$0x52D0] =	vst v11;
	v4 =	vmul.f32 v29, v4;
	v45 =	vperm.xlane v43, v63  }
0x3a5: {  	v50 =	vld [tilespmem:s13+$0xAE0];
	[tilespmem:s10+$0x5300] =	vst v0;
	v47 =	vperm.xlane v43, v59;
	v49 =	vperm.xlane v43, v6  }
0x3a6: {  	[tilespmem:s10+$0x52E0] =	vst v4;
	v4 =	vld [tilespmem:s13+$0xAD0];
	v51 =	vperm.xlane v43, v7;
	v53 =	vperm.xlane v43, v61  }
0x3a7: {  	[tilespmem:s10+$0x52F0] =	vst v2;
	v55 =	vperm.xlane v43, v60;
	v1 =	vmul.f32 v36, v45  }
0x3a8: {  	v54 =	vld [tilespmem:s13+$0xAF0];
	[tilespmem:s13+$0x5310] =	vst v43;
	v48 =	vmul.f32 v42, v47;
	v0 =	vmul.f32 v8, v51;
	v8 =	vmax.f32 v12, v13  }
0x3a9: {  	v56 =	vld [tilespmem:s13+$0xB00];
	v52 =	vmul.f32 v46, v49;
	[tilespmem:s13+$0x5290] =	vst v1;
	v8 =	vmul.f32 $1.442695020e+00, v8  }
0x3aa: {  	v57 =	vmul.f32 v50, v55;
	[tilespmem:s13+$0x52A0] =	vst v48  }
0x3ab: {  	v58 =	vperm.xlane v43, v21;
	v4 =	vmul.f32 v4, v53;
	[tilespmem:s13+$0x52B0] =	vst v52;
	v13 =	vld [tilespmem:s14+$0xA90]  }
0x3ac: {  	v15 =	vld [tilespmem:s14+$0xAA0];
	v14 =	vperm.xlane v43, v62;
	[tilespmem:s13+$0x52E0] =	vst v57  }
0x3ad: {  	v2 =	vmul.f32 v54, v58;
	[tilespmem:s13+$0x52D0] =	vst v4;
	v4 =	vld [tilespmem:s14+$0xAB0];
	(erf) = vpow2.f32 v8;
	v8 =	vpop (erf)  }
0x3ae: {  	v17 =	vld [tilespmem:s14+$0xAC0];
	[tilespmem:s13+$0x52C0] =	vst v0;
	v0 =	vmul.f32 v56, v14;
	v16 =	vperm.xlane v8, v63  }
0x3af: {  	v19 =	vld [tilespmem:s14+$0xAD0];
	[tilespmem:s13+$0x52F0] =	vst v2;
	v18 =	vperm.xlane v8, v59  }
0x3b0: {  	v26 =	vld [tilespmem:s14+$0xAE0];
	[tilespmem:s13+$0x5300] =	vst v0;
	v25 =	vperm.xlane v8, v6;
	v24 =	vmul.f32 v13, v16  }
0x3b1: {  	v28 =	vld [tilespmem:s14+$0xAF0];
	[tilespmem:s14+$0x5310] =	vst v8;
	v27 =	vperm.xlane v8, v7;
	v2 =	vmul.f32 v15, v18  }
0x3b2: {  	v30 =	vperm.xlane v8, v61;
	v29 =	vmul.f32 v4, v25;
	v4 =	vld [tilespmem:s14+$0xB00];
	[tilespmem:s14+$0x5290] =	vst v24  }
0x3b3: {  	v33 =	vld [tilespmem:s8+$0xA90];
	v32 =	vperm.xlane v8, v60;
	v31 =	vmul.f32 v17, v27;
	[tilespmem:s14+$0x52A0] =	vst v2  }
0x3b4: {  	v39 =	vld [tilespmem:s8+$0xAB0];
	v35 =	vperm.xlane v8, v21;
	v34 =	vmul.f32 v19, v30;
	[tilespmem:s14+$0x52B0] =	vst v29  }
0x3b5: {  	v36 =	vld [tilespmem:s8+$0xAA0];
	v38 =	vperm.xlane v8, v62;
	v37 =	vmul.f32 v26, v32;
	[tilespmem:s14+$0x52C0] =	vst v31  }
0x3b6: {  	v42 =	vld [tilespmem:s8+$0xAC0];
	v40 =	vmul.f32 v28, v35;
	[tilespmem:s14+$0x52D0] =	vst v34;
	v8 =	vpop (erf)  }
0x3b7: {  	v49 =	vld [tilespmem:s8+$0xAE0];
	[tilespmem:s14+$0x52E0] =	vst v37;
	v41 =	vperm.xlane v8, v63;
	v43 =	vmul.f32 v4, v38  }
0x3b8: {  	v51 =	vld [tilespmem:s8+$0xAF0];
	[tilespmem:s14+$0x52F0] =	vst v40;
	v44 =	vperm.xlane v8, v59;
	v46 =	vperm.xlane v8, v6  }
0x3b9: {  	v4 =	vld [tilespmem:s8+$0xAD0];
	v48 =	vperm.xlane v8, v7;
	[tilespmem:s8+$0x5310] =	vst v8;
	v45 =	vmul.f32 v33, v41  }
0x3ba: {  	v55 =	vperm.xlane v8, v60;
	[tilespmem:s14+$0x5300] =	vst v43;
	v47 =	vmul.f32 v36, v44  }
0x3bb: {  	v54 =	vld [tilespmem:s8+$0xB00];
	v57 =	vperm.xlane v8, v21;
	v50 =	vmul.f32 v39, v46;
	[tilespmem:s8+$0x5290] =	vst v45  }
0x3bc: {  	v53 =	vperm.xlane v8, v61;
	v52 =	vmul.f32 v42, v48;
	[tilespmem:s8+$0x52A0] =	vst v47  }
0x3bd: {  	p1 =	por p0, p0;
	v0 =	vmul.f32 v49, v55;
	v1 =	vmul.f32 v51, v57;
	[tilespmem:s8+$0x52B0] =	vst v50  }
.Ltmp3:
0x3be: {  	[tilespmem:s8+$0x52C0] =	vst v52;
	v56 =	vmul.f32 v4, v53;
	v4 =	vperm.xlane v8, v62;
	(pc) =	sbr.rel @p1 .LBB2_8-.Ltmp3, $4  }
0x3bf: {  	[tilespmem:s8+$0x52E0] =	vst v0  }
0x3c0: {  	[tilespmem:s8+$0x52F0] =	vst v1;
	v58 =	vmul.f32 v54, v4  }
0x3c1: {  	[tilespmem:s8+$0x52D0] =	vst v56  }
0x3c2: {  	p0 =	por $0x0, $0x0;
	[tilespmem:s8+$0x5300] =	vst v58;
	s8 =	simm.s32 $0x8  }
0x3c3: {  	s8 =	simm.s32 $0x280;
	s9 =	simm.s32 $0x10  }
0x3c4: {  	[spmem:s3] =	stream.indirect.scatter.add.f32 [tilespmem:s4], [sflag:$0x9], $0x90, s8, s9, $0xb8;
	[tilespmem:$0x1FA20] =	vst v63  }
0x3c5: {  	_ =	swait.ge [sflag:s18], $0x900  }
0x3c6: {  	[sflag:s18] =	ssyncset.done $0x0  }
0x3c7: {  	[sflag:s18] =	ssyncadd.s32 $0xFFFFF700  }
0x3c8: {  	[bflag:$0x0] =	sbarrier.arrive $0xFFFF  }
0x3c9: {  	s10 =	rddreg [dreg:$0x5]  }
0x3ca: {  	s15 =	rddreg [dreg:$0xa]  }
0x3cb: {  	s9 =	rddreg [dreg:$0xc]  }
0x3cc: {  	[hbm:s15], [sflag:s10] =	dma.local [spmem:s9], $0x2BF2  }
0x3cd: {  	_ =	swait.ge [sflag:s18], $0x2BF2  }
0x3ce: {  	s13 =	rddreg [dreg:$0xd]  }
0x3cf: {  	s16 =	rddreg [dreg:$0xb];
	s13 =	sadd.s32 $0x1, s13  }
0x3d0: {  	p0 =	sne.s32 s13, s16  }
.Ltmp4:
0x3d1: {  	_ = 	snop;
	(pc) =	sbr.rel @p0 .LBB2_1-.Ltmp4, $3  }
0x3d2: {  	_ =	sdelay $0x1  }
0x3d3: {  	[sflag:s18] =	ssyncset.done $0x0  }
0x3d4: {  	[sflag:s18] =	ssyncadd.s32 $0xFFFFD40E  }
0x3d5: {  	_ =	sfence.sel $0x180000  }
0x3d6: {  	[bflag:$0x0] =	sbarrier.arrive $0xFFFF  }
0x3d7: {  	_ =	strace $0x90000047  }
0x3d8: {  	s0 =	stileid.u32;
	[bflag:$0x2] =	sbarrier.arrive $0xFFFF  }
0x3d9: {  	p0 =	sne.s32 s0, $0x0;
	s0 =	rddreg [dreg:$0x3]  }
0x3da: {  	s0 =	sadd.s32 @!p0 $0x100000, s0  }
0x3db: {  	[sflag:s0] =	ssyncadd.tile.s32 @!p0 $0x1;
	_ =	shalt  }
.Lfunc_end2:
_tile_overlayer_lowered:
.L_overlay_start_2:
0x3dc: {  	(tag) =	ssettag $0x2  }
0x3dd: {  	s0 =	rddreg [dreg:$0x0];
	s2 =	stileid.u32  }
0x3de: {  	s1 =	rddreg [dreg:$0x1];
	p0 =	sne.s32 s2, $0x0  }
0x3df: {  	s3 =	rddreg [dreg:$0x2];
	[bflag:$0x3] =	sbarrier.arrive $0xFFFF;
	s2 =	simm.s32 @!p0 $0x1C09  }
0x3e0: {  	[timem:s3], [sflag:s2] =	dma.local @!p0 [hbm:s0], s1  }
0x3e1: {  	s0 =	simm.s32 @!p0 $0x9  }
0x3e2: {  	_ =	swait.ge @!p0 [sflag:s0], s1  }
0x3e3: {  	s1 =	ssub.s32 @!p0 $0x0, s1;
	[sflag:s0] =	ssyncset.done @!p0 $0x0  }
0x3e4: {  	[sflag:s0] =	ssyncadd.s32 @!p0 s1  }
0x3e5: {  	[bflag:$0x3] =	sbarrier.arrive $0xFFFF  }
0x3e6: {  	_ =	shalt  }

</sc_bundles>
